<compile_context>
chip_gen: v7x
topology: tpu7x:2x2x1
jax: 0.10.2.dev20260603
libtpu: 0.0.44.dev20260713+nightly
codegen_flags: <defaults>
</compile_context>

<pallas_src>
import functools

import jax
import jax.numpy as jnp
from jax import lax
from jax.experimental import pallas as pl
from jax.experimental.pallas import tpu as pltpu
from jax.experimental.pallas import tpu_sc as plsc

B = 8
R = 1000
A = 4
T = 20
F = 32

NC = 2
NS = 16
NW = NC * NS

PAIRS = B * T
PPW = PAIRS // NW
NRCH = R // 16 + 1
L = 16


def _make_gather():
    mesh = plsc.VectorSubcoreMesh(core_axis_name="c", subcore_axis_name="s")

    @functools.partial(
        pl.kernel,
        mesh=mesh,
        compiler_params=pltpu.CompilerParams(
            use_tc_tiling_on_sc=False, needs_layout_passes=False),
        out_type=jax.ShapeDtypeStruct((B, A, T, F, R), jnp.float32),
        scratch_types=[
            pltpu.VMEM((A, R), jnp.int32),
            pltpu.VMEM((F, R), jnp.float32),
            pltpu.VMEM((F, R), jnp.float32),
            pltpu.VMEM((F, R), jnp.float32),
            pltpu.SemaphoreType.DMA,
            pltpu.SemaphoreType.DMA,
        ],
    )
    def gather_kernel(xt_hbm, armt_hbm, out_hbm, perms, in_slab,
                      out_a, out_b, sem_a, sem_b):
        out_slabs = (out_a, out_b)
        sems = (sem_a, sem_b)
        wid = lax.axis_index("s") * NC + lax.axis_index("c")
        pair0 = wid * PPW
        b = pair0 // T
        pltpu.sync_copy(armt_hbm.at[pl.ds(b * A, A)], perms)

        def slab_body(p, carry):
            t = pair0 % T + p
            pltpu.sync_copy(xt_hbm.at[b, t], in_slab)
            scat = [None, None]
            for a in range(A):
                k = a % 2
                out_slab = out_slabs[k]
                if scat[k] is not None:
                    scat[k].wait()

                @plsc.parallel_loop(0, (R // L) * L, step=L)
                def rchunk(rb, a=a, out_slab=out_slab):
                    rb = pl.multiple_of(rb, L)
                    pv = perms[a, pl.ds(rb, L)]
                    for f in range(F):
                        row = jnp.full((L,), f, jnp.int32)
                        vals = plsc.load_gather(in_slab, [row, pv])
                        out_slab[f, pl.ds(rb, L)] = vals
                pv = perms[a, pl.ds(R - L, L)]
                for f in range(F):
                    row = jnp.full((L,), f, jnp.int32)
                    vals = plsc.load_gather(in_slab, [row, pv])
                    out_slab[f, pl.ds(R - L, L)] = vals
                scat[k] = pltpu.async_copy(
                    out_slab, out_hbm.at[b, a, t], sems[k])
            scat[0].wait()
            scat[1].wait()
            return carry

        lax.fori_loop(0, PPW, slab_body, 0)

    return gather_kernel


def kernel(x, arm):
    xt = jnp.transpose(x, (0, 2, 3, 1))
    armt = jnp.transpose(arm, (0, 2, 1)).reshape(B * A, R)
    outp = _make_gather()(xt, armt)
    return jnp.transpose(outp, (0, 4, 1, 2, 3))

# --- scband reference (transcript-rebuilt; emitter-appended) ---
"""Pipeline reference for scband-lookup-60756607369567 (READ-ONLY COPY).

The authoritative reference and input builder live on the scoring server;
editing this copy changes nothing except your own understanding.
"""

import jax, jax.numpy as jnp
import numpy as np


def setup_inputs(seed: int = 0) -> dict:
    key = jax.random.key(seed)
    kx, ka = jax.random.split(key)
    x = jax.random.normal(kx, (8, 1000, 20, 32), dtype=jnp.float32)
    arm = jax.random.randint(ka, (8, 1000, 4), 0, 1000, dtype=jnp.int32)
    return {"x": x, "arm": arm}


def reference(x, arm):
    # Faithful translation of the Keras Lookup layer:
    # for each batch element b: out[b] = tf.nn.embedding_lookup(x[b], arm[b])
    # i.e. gather rows of x[b] (axis 0, size R) with index tensor arm[b] of shape [R, A],
    # yielding [R, A, T, F]; stacked over batch -> [B, R, A, T, F].
    arm = arm.astype(jnp.int32)

    def per_sample(xb, ab):
        return jnp.take(xb, ab, axis=0)

    out = jax.vmap(per_sample)(x, arm)
    return out

if __name__ == "__main__":
    import jax
    _d = setup_inputs()
    print(jax.jit(kernel)(*tuple(_d.values())))

</pallas_src>

<mosaic_0001>
#map = affine_map<(d0, d1) -> (0, 0, 0, 0)>
#map1 = affine_map<(d0, d1) -> (0, 0)>
#map2 = affine_map<(d0, d1) -> (0, 0, 0, 0, 0)>
module attributes {stable_mosaic.version = 14 : i64} {
  func.func @gather_kernel(%arg0: i32, %arg1: i32, %arg2: memref<8x20x32x1000xf32, #tpu.memory_space<hbm>>, %arg3: memref<32x1000xi32, #tpu.memory_space<hbm>>, %arg4: memref<8x4x20x32x1000xf32, #tpu.memory_space<hbm>>, %arg5: memref<4x1000xi32, #tpu.memory_space<vmem>>, %arg6: memref<32x1000xf32, #tpu.memory_space<vmem>>, %arg7: memref<32x1000xf32, #tpu.memory_space<vmem>>, %arg8: memref<32x1000xf32, #tpu.memory_space<vmem>>, %arg9: memref<!tpu.dma_semaphore, #tpu.memory_space<semaphore_mem>>, %arg10: memref<!tpu.dma_semaphore, #tpu.memory_space<semaphore_mem>>) attributes {dimension_semantics = [#tpu.dimension_semantics<core_parallel>, #tpu.dimension_semantics<subcore_parallel>], iteration_bounds = array<i64: 2, 16>, scalar_prefetch = 0 : i64, scratch_operands = 6 : i64, tpu.core_type = #tpu.core_type<sc_vector_subcore>, window_params = [{transform_indices = #map}, {transform_indices = #map1}, {transform_indices = #map2}]} {
    %mul3A = arith.constant 2 : i32
    %mul3A_0 = arith.muli %arg1, %mul3A : i32
    %add3A = arith.addi %mul3A_0, %arg0 : i32
    %mul3A_1 = arith.constant 5 : i32
    %mul3A_2 = arith.muli %add3A, %mul3A_1 : i32
    %jit3A = arith.constant 20 : i32
    %div3A = arith.divsi %mul3A_2, %jit3A : i32
    %sign3A = arith.constant 0 : i32
    %sign3A_3 = arith.cmpi sgt, %mul3A_2, %sign3A : i32
    %sign3A_4 = arith.extui %sign3A_3 : i1 to i32
    %sign3A_5 = arith.constant 0 : i32
    %sign3A_6 = arith.cmpi slt, %mul3A_2, %sign3A_5 : i32
    %sign3A_7 = arith.extui %sign3A_6 : i1 to i32
    %sign3A_8 = arith.subi %sign3A_4, %sign3A_7 : i32
    %sign3A_9 = arith.constant 0 : i32
    %sign3A_10 = arith.cmpi sgt, %jit3A, %sign3A_9 : i32
    %sign3A_11 = arith.extui %sign3A_10 : i1 to i32
    %sign3A_12 = arith.constant 0 : i32
    %sign3A_13 = arith.cmpi slt, %jit3A, %sign3A_12 : i32
    %sign3A_14 = arith.extui %sign3A_13 : i1 to i32
    %sign3A_15 = arith.subi %sign3A_11, %sign3A_14 : i32
    %ne3A = arith.cmpi ne, %sign3A_8, %sign3A_15 : i32
    %rem3A = arith.remsi %mul3A_2, %jit3A : i32
    %ne3A_16 = arith.constant 0 : i32
    %ne3A_17 = arith.cmpi ne, %rem3A, %ne3A_16 : i32
    %and3A = arith.andi %ne3A, %ne3A_17 : i1
    %sub3A = arith.constant 1 : i32
    %sub3A_18 = arith.subi %div3A, %sub3A : i32
    %select_n3A = arith.select %and3A, %sub3A_18, %div3A : i32
    %mul3A_19 = arith.constant 4 : i32
    %mul3A_20 = arith.muli %select_n3A, %mul3A_19 : i32
    "tpu.region"() ({
      %run_scoped3A = tpu.sem_alloc : memref<!tpu.dma_semaphore, #tpu.memory_space<semaphore_mem>>
      %dma_start3A = arith.constant 0 : i32
      %dma_start3A_26 = tpu.memref_slice %arg3[%mul3A_20, %dma_start3A] : memref<32x1000xi32, #tpu.memory_space<hbm>> -> memref<4x1000xi32, #tpu.memory_space<hbm>>
      %dma_start3A_27 = arith.constant 0 : i32
      %dma_start3A_28 = tpu.memref_slice %arg3[%mul3A_20, %dma_start3A_27] : memref<32x1000xi32, #tpu.memory_space<hbm>> -> memref<4x1000xi32, #tpu.memory_space<hbm>>
      tpu.enqueue_dma source(%dma_start3A_28 : memref<4x1000xi32, #tpu.memory_space<hbm>>) target(%arg5 : memref<4x1000xi32, #tpu.memory_space<vmem>>) target_semaphore(%run_scoped3A : memref<!tpu.dma_semaphore, #tpu.memory_space<semaphore_mem>>)
      %dma_wait3A = arith.constant 0 : i32
      %dma_wait3A_29 = tpu.memref_slice %arg3[%mul3A_20, %dma_wait3A] : memref<32x1000xi32, #tpu.memory_space<hbm>> -> memref<4x1000xi32, #tpu.memory_space<hbm>>
      %dma_wait3A_30 = arith.constant 0 : i32
      %dma_wait3A_31 = tpu.memref_slice %arg3[%mul3A_20, %dma_wait3A_30] : memref<32x1000xi32, #tpu.memory_space<hbm>> -> memref<4x1000xi32, #tpu.memory_space<hbm>>
      tpu.wait_dma2 semaphore(%run_scoped3A : memref<!tpu.dma_semaphore, #tpu.memory_space<semaphore_mem>>) src(%dma_wait3A_31 : memref<4x1000xi32, #tpu.memory_space<hbm>>) dst(%arg5 : memref<4x1000xi32, #tpu.memory_space<vmem>>)
      tpu.yield
    }) : () -> ()
    %scan3A = arith.constant 0 : i32
    %scan3A_21 = arith.constant 0 : i32
    %scan3A_22 = arith.constant 5 : i32
    %scan3A_23 = arith.addi %scan3A_21, %scan3A_22 : i32
    %scan3A_24 = arith.constant 1 : i32
    scf.for %scan3A_26 = %scan3A_21 to %scan3A_23 step %scan3A_24  : i32 {
      %jit3A_27 = arith.constant 20 : i32
      %eq3A = arith.constant 0 : i32
      %eq3A_28 = arith.cmpi eq, %jit3A_27, %eq3A : i32
      %jit3A_29 = arith.constant 1 : i32
      %select_n3A_30 = arith.select %eq3A_28, %jit3A_29, %jit3A_27 : i32
      %rem3A_31 = arith.remsi %mul3A_2, %select_n3A_30 : i32
      %ne3A_32 = arith.constant 0 : i32
      %ne3A_33 = arith.cmpi ne, %rem3A_31, %ne3A_32 : i32
      %lt3A = arith.constant 0 : i32
      %lt3A_34 = arith.cmpi slt, %rem3A_31, %lt3A : i32
      %lt3A_35 = arith.constant 0 : i32
      %lt3A_36 = arith.cmpi slt, %select_n3A_30, %lt3A_35 : i32
      %ne3A_37 = arith.xori %lt3A_34, %lt3A_36 : i1
      %and3A_38 = arith.andi %ne3A_37, %ne3A_33 : i1
      %add3A_39 = arith.addi %rem3A_31, %select_n3A_30 : i32
      %select_n3A_40 = arith.select %and3A_38, %add3A_39, %rem3A_31 : i32
      %add3A_41 = arith.addi %select_n3A_40, %scan3A_26 : i32
      "tpu.region"() ({
        %run_scoped3A = tpu.sem_alloc : memref<!tpu.dma_semaphore, #tpu.memory_space<semaphore_mem>>
        %dma_start3A_1031 = arith.constant 0 : i32
        %dma_start3A_1032 = arith.constant 0 : i32
        %dma_start3A_1033 = tpu.memref_slice %arg2[%select_n3A, %add3A_41, %dma_start3A_1031, %dma_start3A_1032] : memref<8x20x32x1000xf32, #tpu.memory_space<hbm>> -> memref<1x1x32x1000xf32, #tpu.memory_space<hbm>>
        %dma_start3A_1034 = tpu.memref_squeeze %dma_start3A_1033 : memref<1x1x32x1000xf32, #tpu.memory_space<hbm>> -> memref<32x1000xf32, #tpu.memory_space<hbm>>
        %dma_start3A_1035 = arith.constant 0 : i32
        %dma_start3A_1036 = arith.constant 0 : i32
        %dma_start3A_1037 = tpu.memref_slice %arg2[%select_n3A, %add3A_41, %dma_start3A_1035, %dma_start3A_1036] : memref<8x20x32x1000xf32, #tpu.memory_space<hbm>> -> memref<1x1x32x1000xf32, #tpu.memory_space<hbm>>
        %dma_start3A_1038 = tpu.memref_squeeze %dma_start3A_1037 : memref<1x1x32x1000xf32, #tpu.memory_space<hbm>> -> memref<32x1000xf32, #tpu.memory_space<hbm>>
        tpu.enqueue_dma source(%dma_start3A_1038 : memref<32x1000xf32, #tpu.memory_space<hbm>>) target(%arg6 : memref<32x1000xf32, #tpu.memory_space<vmem>>) target_semaphore(%run_scoped3A : memref<!tpu.dma_semaphore, #tpu.memory_space<semaphore_mem>>)
        %dma_wait3A_1039 = arith.constant 0 : i32
        %dma_wait3A_1040 = arith.constant 0 : i32
        %dma_wait3A_1041 = tpu.memref_slice %arg2[%select_n3A, %add3A_41, %dma_wait3A_1039, %dma_wait3A_1040] : memref<8x20x32x1000xf32, #tpu.memory_space<hbm>> -> memref<1x1x32x1000xf32, #tpu.memory_space<hbm>>
        %dma_wait3A_1042 = tpu.memref_squeeze %dma_wait3A_1041 : memref<1x1x32x1000xf32, #tpu.memory_space<hbm>> -> memref<32x1000xf32, #tpu.memory_space<hbm>>
        %dma_wait3A_1043 = arith.constant 0 : i32
        %dma_wait3A_1044 = arith.constant 0 : i32
        %dma_wait3A_1045 = tpu.memref_slice %arg2[%select_n3A, %add3A_41, %dma_wait3A_1043, %dma_wait3A_1044] : memref<8x20x32x1000xf32, #tpu.memory_space<hbm>> -> memref<1x1x32x1000xf32, #tpu.memory_space<hbm>>
        %dma_wait3A_1046 = tpu.memref_squeeze %dma_wait3A_1045 : memref<1x1x32x1000xf32, #tpu.memory_space<hbm>> -> memref<32x1000xf32, #tpu.memory_space<hbm>>
        tpu.wait_dma2 semaphore(%run_scoped3A : memref<!tpu.dma_semaphore, #tpu.memory_space<semaphore_mem>>) src(%dma_wait3A_1046 : memref<32x1000xf32, #tpu.memory_space<hbm>>) dst(%arg6 : memref<32x1000xf32, #tpu.memory_space<vmem>>)
        tpu.yield
      }) : () -> ()
      %parallel_loop3A = arith.constant 0 : i32
      %parallel_loop3A_42 = arith.constant 992 : i32
      %parallel_loop3A_43 = arith.constant 16 : i32
      scf.for %parallel_loop3A_1031 = %parallel_loop3A to %parallel_loop3A_42 step %parallel_loop3A_43  : i32 {
        %parallel_loop3A_1032 = tpu.assume_multiple %parallel_loop3A_1031, 16 : i32
        %parallel_loop3A_1033 = arith.constant 0 : i32
        %parallel_loop3A_1034 = arith.index_cast %parallel_loop3A_1033 : i32 to index
        %parallel_loop3A_1035 = arith.index_cast %parallel_loop3A_1032 : i32 to index
        %parallel_loop3A_1036 = tpu.vector_load %arg5[%parallel_loop3A_1034, %parallel_loop3A_1035] {strides = array<i32>} : memref<4x1000xi32, #tpu.memory_space<vmem>>, vector<16xi32>,
        %parallel_loop3A_1037 = arith.constant 0 : i32
        %parallel_loop3A_1038 = vector.broadcast %parallel_loop3A_1037 : i32 to vector<16xi32>
        %parallel_loop3A_1039 = tpu.vector_load_idx %arg6[%parallel_loop3A_1038, %parallel_loop3A_1036] : memref<32x1000xf32, #tpu.memory_space<vmem>>[vector<16xi32>, vector<16xi32>], vector<16xf32>,
        %parallel_loop3A_1040 = arith.constant 0 : i32
        %parallel_loop3A_1041 = arith.index_cast %parallel_loop3A_1040 : i32 to index
        %parallel_loop3A_1042 = arith.index_cast %parallel_loop3A_1032 : i32 to index
        %parallel_loop3A_1043 = tpu.vector_load %arg7[%parallel_loop3A_1041, %parallel_loop3A_1042] {strides = array<i32>} : memref<32x1000xf32, #tpu.memory_space<vmem>>, vector<16xf32>,
        tpu.vector_store %arg7[%parallel_loop3A_1041, %parallel_loop3A_1042], %parallel_loop3A_1039 {strides = array<i32>} : memref<32x1000xf32, #tpu.memory_space<vmem>>, vector<16xf32>,
        %parallel_loop3A_1044 = arith.constant 1 : i32
        %parallel_loop3A_1045 = vector.broadcast %parallel_loop3A_1044 : i32 to vector<16xi32>
        %parallel_loop3A_1046 = tpu.vector_load_idx %arg6[%parallel_loop3A_1045, %parallel_loop3A_1036] : memref<32x1000xf32, #tpu.memory_space<vmem>>[vector<16xi32>, vector<16xi32>], vector<16xf32>,
        %parallel_loop3A_1047 = arith.constant 1 : i32
        %parallel_loop3A_1048 = arith.index_cast %parallel_loop3A_1047 : i32 to index
        %parallel_loop3A_1049 = arith.index_cast %parallel_loop3A_1032 : i32 to index
        %parallel_loop3A_1050 = tpu.vector_load %arg7[%parallel_loop3A_1048, %parallel_loop3A_1049] {strides = array<i32>} : memref<32x1000xf32, #tpu.memory_space<vmem>>, vector<16xf32>,
        tpu.vector_store %arg7[%parallel_loop3A_1048, %parallel_loop3A_1049], %parallel_loop3A_1046 {strides = array<i32>} : memref<32x1000xf32, #tpu.memory_space<vmem>>, vector<16xf32>,
        %parallel_loop3A_1051 = arith.constant 2 : i32
        %parallel_loop3A_1052 = vector.broadcast %parallel_loop3A_1051 : i32 to vector<16xi32>
        %parallel_loop3A_1053 = tpu.vector_load_idx %arg6[%parallel_loop3A_1052, %parallel_loop3A_1036] : memref<32x1000xf32, #tpu.memory_space<vmem>>[vector<16xi32>, vector<16xi32>], vector<16xf32>,
        %parallel_loop3A_1054 = arith.constant 2 : i32
        %parallel_loop3A_1055 = arith.index_cast %parallel_loop3A_1054 : i32 to index
        %parallel_loop3A_1056 = arith.index_cast %parallel_loop3A_1032 : i32 to index
        %parallel_loop3A_1057 = tpu.vector_load %arg7[%parallel_loop3A_1055, %parallel_loop3A_1056] {strides = array<i32>} : memref<32x1000xf32, #tpu.memory_space<vmem>>, vector<16xf32>,
        tpu.vector_store %arg7[%parallel_loop3A_1055, %parallel_loop3A_1056], %parallel_loop3A_1053 {strides = array<i32>} : memref<32x1000xf32, #tpu.memory_space<vmem>>, vector<16xf32>,
        %parallel_loop3A_1058 = arith.constant 3 : i32
        %parallel_loop3A_1059 = vector.broadcast %parallel_loop3A_1058 : i32 to vector<16xi32>
        %parallel_loop3A_1060 = tpu.vector_load_idx %arg6[%parallel_loop3A_1059, %parallel_loop3A_1036] : memref<32x1000xf32, #tpu.memory_space<vmem>>[vector<16xi32>, vector<16xi32>], vector<16xf32>,
        %parallel_loop3A_1061 = arith.constant 3 : i32
        %parallel_loop3A_1062 = arith.index_cast %parallel_loop3A_1061 : i32 to index
        %parallel_loop3A_1063 = arith.index_cast %parallel_loop3A_1032 : i32 to index
        %parallel_loop3A_1064 = tpu.vector_load %arg7[%parallel_loop3A_1062, %parallel_loop3A_1063] {strides = array<i32>} : memref<32x1000xf32, #tpu.memory_space<vmem>>, vector<16xf32>,
        tpu.vector_store %arg7[%parallel_loop3A_1062, %parallel_loop3A_1063], %parallel_loop3A_1060 {strides = array<i32>} : memref<32x1000xf32, #tpu.memory_space<vmem>>, vector<16xf32>,
        %parallel_loop3A_1065 = arith.constant 4 : i32
        %parallel_loop3A_1066 = vector.broadcast %parallel_loop3A_1065 : i32 to vector<16xi32>
        %parallel_loop3A_1067 = tpu.vector_load_idx %arg6[%parallel_loop3A_1066, %parallel_loop3A_1036] : memref<32x1000xf32, #tpu.memory_space<vmem>>[vector<16xi32>, vector<16xi32>], vector<16xf32>,
        %parallel_loop3A_1068 = arith.constant 4 : i32
        %parallel_loop3A_1069 = arith.index_cast %parallel_loop3A_1068 : i32 to index
        %parallel_loop3A_1070 = arith.index_cast %parallel_loop3A_1032 : i32 to index
        %parallel_loop3A_1071 = tpu.vector_load %arg7[%parallel_loop3A_1069, %parallel_loop3A_1070] {strides = array<i32>} : memref<32x1000xf32, #tpu.memory_space<vmem>>, vector<16xf32>,
        tpu.vector_store %arg7[%parallel_loop3A_1069, %parallel_loop3A_1070], %parallel_loop3A_1067 {strides = array<i32>} : memref<32x1000xf32, #tpu.memory_space<vmem>>, vector<16xf32>,
        %parallel_loop3A_1072 = arith.constant 5 : i32
        %parallel_loop3A_1073 = vector.broadcast %parallel_loop3A_1072 : i32 to vector<16xi32>
        %parallel_loop3A_1074 = tpu.vector_load_idx %arg6[%parallel_loop3A_1073, %parallel_loop3A_1036] : memref<32x1000xf32, #tpu.memory_space<vmem>>[vector<16xi32>, vector<16xi32>], vector<16xf32>,
        %parallel_loop3A_1075 = arith.constant 5 : i32
        %parallel_loop3A_1076 = arith.index_cast %parallel_loop3A_1075 : i32 to index
        %parallel_loop3A_1077 = arith.index_cast %parallel_loop3A_1032 : i32 to index
        %parallel_loop3A_1078 = tpu.vector_load %arg7[%parallel_loop3A_1076, %parallel_loop3A_1077] {strides = array<i32>} : memref<32x1000xf32, #tpu.memory_space<vmem>>, vector<16xf32>,
        tpu.vector_store %arg7[%parallel_loop3A_1076, %parallel_loop3A_1077], %parallel_loop3A_1074 {strides = array<i32>} : memref<32x1000xf32, #tpu.memory_space<vmem>>, vector<16xf32>,
        %parallel_loop3A_1079 = arith.constant 6 : i32
        %parallel_loop3A_1080 = vector.broadcast %parallel_loop3A_1079 : i32 to vector<16xi32>
        %parallel_loop3A_1081 = tpu.vector_load_idx %arg6[%parallel_loop3A_1080, %parallel_loop3A_1036] : memref<32x1000xf32, #tpu.memory_space<vmem>>[vector<16xi32>, vector<16xi32>], vector<16xf32>,
        %parallel_loop3A_1082 = arith.constant 6 : i32
        %parallel_loop3A_1083 = arith.index_cast %parallel_loop3A_1082 : i32 to index
        %parallel_loop3A_1084 = arith.index_cast %parallel_loop3A_1032 : i32 to index
        %parallel_loop3A_1085 = tpu.vector_load %arg7[%parallel_loop3A_1083, %parallel_loop3A_1084] {strides = array<i32>} : memref<32x1000xf32, #tpu.memory_space<vmem>>, vector<16xf32>,
        tpu.vector_store %arg7[%parallel_loop3A_1083, %parallel_loop3A_1084], %parallel_loop3A_1081 {strides = array<i32>} : memref<32x1000xf32, #tpu.memory_space<vmem>>, vector<16xf32>,
        %parallel_loop3A_1086 = arith.constant 7 : i32
        %parallel_loop3A_1087 = vector.broadcast %parallel_loop3A_1086 : i32 to vector<16xi32>
        %parallel_loop3A_1088 = tpu.vector_load_idx %arg6[%parallel_loop3A_1087, %parallel_loop3A_1036] : memref<32x1000xf32, #tpu.memory_space<vmem>>[vector<16xi32>, vector<16xi32>], vector<16xf32>,
        %parallel_loop3A_1089 = arith.constant 7 : i32
        %parallel_loop3A_1090 = arith.index_cast %parallel_loop3A_1089 : i32 to index
        %parallel_loop3A_1091 = arith.index_cast %parallel_loop3A_1032 : i32 to index
        %parallel_loop3A_1092 = tpu.vector_load %arg7[%parallel_loop3A_1090, %parallel_loop3A_1091] {strides = array<i32>} : memref<32x1000xf32, #tpu.memory_space<vmem>>, vector<16xf32>,
        tpu.vector_store %arg7[%parallel_loop3A_1090, %parallel_loop3A_1091], %parallel_loop3A_1088 {strides = array<i32>} : memref<32x1000xf32, #tpu.memory_space<vmem>>, vector<16xf32>,
        %parallel_loop3A_1093 = arith.constant 8 : i32
        %parallel_loop3A_1094 = vector.broadcast %parallel_loop3A_1093 : i32 to vector<16xi32>
        %parallel_loop3A_1095 = tpu.vector_load_idx %arg6[%parallel_loop3A_1094, %parallel_loop3A_1036] : memref<32x1000xf32, #tpu.memory_space<vmem>>[vector<16xi32>, vector<16xi32>], vector<16xf32>,
        %parallel_loop3A_1096 = arith.constant 8 : i32
        %parallel_loop3A_1097 = arith.index_cast %parallel_loop3A_1096 : i32 to index
        %parallel_loop3A_1098 = arith.index_cast %parallel_loop3A_1032 : i32 to index
        %parallel_loop3A_1099 = tpu.vector_load %arg7[%parallel_loop3A_1097, %parallel_loop3A_1098] {strides = array<i32>} : memref<32x1000xf32, #tpu.memory_space<vmem>>, vector<16xf32>,
        tpu.vector_store %arg7[%parallel_loop3A_1097, %parallel_loop3A_1098], %parallel_loop3A_1095 {strides = array<i32>} : memref<32x1000xf32, #tpu.memory_space<vmem>>, vector<16xf32>,
        %parallel_loop3A_1100 = arith.constant 9 : i32
        %parallel_loop3A_1101 = vector.broadcast %parallel_loop3A_1100 : i32 to vector<16xi32>
        %parallel_loop3A_1102 = tpu.vector_load_idx %arg6[%parallel_loop3A_1101, %parallel_loop3A_1036] : memref<32x1000xf32, #tpu.memory_space<vmem>>[vector<16xi32>, vector<16xi32>], vector<16xf32>,
        %parallel_loop3A_1103 = arith.constant 9 : i32
        %parallel_loop3A_1104 = arith.index_cast %parallel_loop3A_1103 : i32 to index
        %parallel_loop3A_1105 = arith.index_cast %parallel_loop3A_1032 : i32 to index
        %parallel_loop3A_1106 = tpu.vector_load %arg7[%parallel_loop3A_1104, %parallel_loop3A_1105] {strides = array<i32>} : memref<32x1000xf32, #tpu.memory_space<vmem>>, vector<16xf32>,
        tpu.vector_store %arg7[%parallel_loop3A_1104, %parallel_loop3A_1105], %parallel_loop3A_1102 {strides = array<i32>} : memref<32x1000xf32, #tpu.memory_space<vmem>>, vector<16xf32>,
        %parallel_loop3A_1107 = arith.constant 10 : i32
        %parallel_loop3A_1108 = vector.broadcast %parallel_loop3A_1107 : i32 to vector<16xi32>
        %parallel_loop3A_1109 = tpu.vector_load_idx %arg6[%parallel_loop3A_1108, %parallel_loop3A_1036] : memref<32x1000xf32, #tpu.memory_space<vmem>>[vector<16xi32>, vector<16xi32>], vector<16xf32>,
        %parallel_loop3A_1110 = arith.constant 10 : i32
        %parallel_loop3A_1111 = arith.index_cast %parallel_loop3A_1110 : i32 to index
        %parallel_loop3A_1112 = arith.index_cast %parallel_loop3A_1032 : i32 to index
        %parallel_loop3A_1113 = tpu.vector_load %arg7[%parallel_loop3A_1111, %parallel_loop3A_1112] {strides = array<i32>} : memref<32x1000xf32, #tpu.memory_space<vmem>>, vector<16xf32>,
        tpu.vector_store %arg7[%parallel_loop3A_1111, %parallel_loop3A_1112], %parallel_loop3A_1109 {strides = array<i32>} : memref<32x1000xf32, #tpu.memory_space<vmem>>, vector<16xf32>,
        %parallel_loop3A_1114 = arith.constant 11 : i32
        %parallel_loop3A_1115 = vector.broadcast %parallel_loop3A_1114 : i32 to vector<16xi32>
        %parallel_loop3A_1116 = tpu.vector_load_idx %arg6[%parallel_loop3A_1115, %parallel_loop3A_1036] : memref<32x1000xf32, #tpu.memory_space<vmem>>[vector<16xi32>, vector<16xi32>], vector<16xf32>,
        %parallel_loop3A_1117 = arith.constant 11 : i32
        %parallel_loop3A_1118 = arith.index_cast %parallel_loop3A_1117 : i32 to index
        %parallel_loop3A_1119 = arith.index_cast %parallel_loop3A_1032 : i32 to index
        %parallel_loop3A_1120 = tpu.vector_load %arg7[%parallel_loop3A_1118, %parallel_loop3A_1119] {strides = array<i32>} : memref<32x1000xf32, #tpu.memory_space<vmem>>, vector<16xf32>,
        tpu.vector_store %arg7[%parallel_loop3A_1118, %parallel_loop3A_1119], %parallel_loop3A_1116 {strides = array<i32>} : memref<32x1000xf32, #tpu.memory_space<vmem>>, vector<16xf32>,
        %parallel_loop3A_1121 = arith.constant 12 : i32
        %parallel_loop3A_1122 = vector.broadcast %parallel_loop3A_1121 : i32 to vector<16xi32>
        %parallel_loop3A_1123 = tpu.vector_load_idx %arg6[%parallel_loop3A_1122, %parallel_loop3A_1036] : memref<32x1000xf32, #tpu.memory_space<vmem>>[vector<16xi32>, vector<16xi32>], vector<16xf32>,
        %parallel_loop3A_1124 = arith.constant 12 : i32
        %parallel_loop3A_1125 = arith.index_cast %parallel_loop3A_1124 : i32 to index
        %parallel_loop3A_1126 = arith.index_cast %parallel_loop3A_1032 : i32 to index
        %parallel_loop3A_1127 = tpu.vector_load %arg7[%parallel_loop3A_1125, %parallel_loop3A_1126] {strides = array<i32>} : memref<32x1000xf32, #tpu.memory_space<vmem>>, vector<16xf32>,
        tpu.vector_store %arg7[%parallel_loop3A_1125, %parallel_loop3A_1126], %parallel_loop3A_1123 {strides = array<i32>} : memref<32x1000xf32, #tpu.memory_space<vmem>>, vector<16xf32>,
        %parallel_loop3A_1128 = arith.constant 13 : i32
        %parallel_loop3A_1129 = vector.broadcast %parallel_loop3A_1128 : i32 to vector<16xi32>
        %parallel_loop3A_1130 = tpu.vector_load_idx %arg6[%parallel_loop3A_1129, %parallel_loop3A_1036] : memref<32x1000xf32, #tpu.memory_space<vmem>>[vector<16xi32>, vector<16xi32>], vector<16xf32>,
        %parallel_loop3A_1131 = arith.constant 13 : i32
        %parallel_loop3A_1132 = arith.index_cast %parallel_loop3A_1131 : i32 to index
        %parallel_loop3A_1133 = arith.index_cast %parallel_loop3A_1032 : i32 to index
        %parallel_loop3A_1134 = tpu.vector_load %arg7[%parallel_loop3A_1132, %parallel_loop3A_1133] {strides = array<i32>} : memref<32x1000xf32, #tpu.memory_space<vmem>>, vector<16xf32>,
        tpu.vector_store %arg7[%parallel_loop3A_1132, %parallel_loop3A_1133], %parallel_loop3A_1130 {strides = array<i32>} : memref<32x1000xf32, #tpu.memory_space<vmem>>, vector<16xf32>,
        %parallel_loop3A_1135 = arith.constant 14 : i32
        %parallel_loop3A_1136 = vector.broadcast %parallel_loop3A_1135 : i32 to vector<16xi32>
        %parallel_loop3A_1137 = tpu.vector_load_idx %arg6[%parallel_loop3A_1136, %parallel_loop3A_1036] : memref<32x1000xf32, #tpu.memory_space<vmem>>[vector<16xi32>, vector<16xi32>], vector<16xf32>,
        %parallel_loop3A_1138 = arith.constant 14 : i32
        %parallel_loop3A_1139 = arith.index_cast %parallel_loop3A_1138 : i32 to index
        %parallel_loop3A_1140 = arith.index_cast %parallel_loop3A_1032 : i32 to index
        %parallel_loop3A_1141 = tpu.vector_load %arg7[%parallel_loop3A_1139, %parallel_loop3A_1140] {strides = array<i32>} : memref<32x1000xf32, #tpu.memory_space<vmem>>, vector<16xf32>,
        tpu.vector_store %arg7[%parallel_loop3A_1139, %parallel_loop3A_1140], %parallel_loop3A_1137 {strides = array<i32>} : memref<32x1000xf32, #tpu.memory_space<vmem>>, vector<16xf32>,
        %parallel_loop3A_1142 = arith.constant 15 : i32
        %parallel_loop3A_1143 = vector.broadcast %parallel_loop3A_1142 : i32 to vector<16xi32>
        %parallel_loop3A_1144 = tpu.vector_load_idx %arg6[%parallel_loop3A_1143, %parallel_loop3A_1036] : memref<32x1000xf32, #tpu.memory_space<vmem>>[vector<16xi32>, vector<16xi32>], vector<16xf32>,
        %parallel_loop3A_1145 = arith.constant 15 : i32
        %parallel_loop3A_1146 = arith.index_cast %parallel_loop3A_1145 : i32 to index
        %parallel_loop3A_1147 = arith.index_cast %parallel_loop3A_1032 : i32 to index
        %parallel_loop3A_1148 = tpu.vector_load %arg7[%parallel_loop3A_1146, %parallel_loop3A_1147] {strides = array<i32>} : memref<32x1000xf32, #tpu.memory_space<vmem>>, vector<16xf32>,
        tpu.vector_store %arg7[%parallel_loop3A_1146, %parallel_loop3A_1147], %parallel_loop3A_1144 {strides = array<i32>} : memref<32x1000xf32, #tpu.memory_space<vmem>>, vector<16xf32>,
        %parallel_loop3A_1149 = arith.constant 16 : i32
        %parallel_loop3A_1150 = vector.broadcast %parallel_loop3A_1149 : i32 to vector<16xi32>
        %parallel_loop3A_1151 = tpu.vector_load_idx %arg6[%parallel_loop3A_1150, %parallel_loop3A_1036] : memref<32x1000xf32, #tpu.memory_space<vmem>>[vector<16xi32>, vector<16xi32>], vector<16xf32>,
        %parallel_loop3A_1152 = arith.constant 16 : i32
        %parallel_loop3A_1153 = arith.index_cast %parallel_loop3A_1152 : i32 to index
        %parallel_loop3A_1154 = arith.index_cast %parallel_loop3A_1032 : i32 to index
        %parallel_loop3A_1155 = tpu.vector_load %arg7[%parallel_loop3A_1153, %parallel_loop3A_1154] {strides = array<i32>} : memref<32x1000xf32, #tpu.memory_space<vmem>>, vector<16xf32>,
        tpu.vector_store %arg7[%parallel_loop3A_1153, %parallel_loop3A_1154], %parallel_loop3A_1151 {strides = array<i32>} : memref<32x1000xf32, #tpu.memory_space<vmem>>, vector<16xf32>,
        %parallel_loop3A_1156 = arith.constant 17 : i32
        %parallel_loop3A_1157 = vector.broadcast %parallel_loop3A_1156 : i32 to vector<16xi32>
        %parallel_loop3A_1158 = tpu.vector_load_idx %arg6[%parallel_loop3A_1157, %parallel_loop3A_1036] : memref<32x1000xf32, #tpu.memory_space<vmem>>[vector<16xi32>, vector<16xi32>], vector<16xf32>,
        %parallel_loop3A_1159 = arith.constant 17 : i32
        %parallel_loop3A_1160 = arith.index_cast %parallel_loop3A_1159 : i32 to index
        %parallel_loop3A_1161 = arith.index_cast %parallel_loop3A_1032 : i32 to index
        %parallel_loop3A_1162 = tpu.vector_load %arg7[%parallel_loop3A_1160, %parallel_loop3A_1161] {strides = array<i32>} : memref<32x1000xf32, #tpu.memory_space<vmem>>, vector<16xf32>,
        tpu.vector_store %arg7[%parallel_loop3A_1160, %parallel_loop3A_1161], %parallel_loop3A_1158 {strides = array<i32>} : memref<32x1000xf32, #tpu.memory_space<vmem>>, vector<16xf32>,
        %parallel_loop3A_1163 = arith.constant 18 : i32
        %parallel_loop3A_1164 = vector.broadcast %parallel_loop3A_1163 : i32 to vector<16xi32>
        %parallel_loop3A_1165 = tpu.vector_load_idx %arg6[%parallel_loop3A_1164, %parallel_loop3A_1036] : memref<32x1000xf32, #tpu.memory_space<vmem>>[vector<16xi32>, vector<16xi32>], vector<16xf32>,
        %parallel_loop3A_1166 = arith.constant 18 : i32
        %parallel_loop3A_1167 = arith.index_cast %parallel_loop3A_1166 : i32 to index
        %parallel_loop3A_1168 = arith.index_cast %parallel_loop3A_1032 : i32 to index
        %parallel_loop3A_1169 = tpu.vector_load %arg7[%parallel_loop3A_1167, %parallel_loop3A_1168] {strides = array<i32>} : memref<32x1000xf32, #tpu.memory_space<vmem>>, vector<16xf32>,
        tpu.vector_store %arg7[%parallel_loop3A_1167, %parallel_loop3A_1168], %parallel_loop3A_1165 {strides = array<i32>} : memref<32x1000xf32, #tpu.memory_space<vmem>>, vector<16xf32>,
        %parallel_loop3A_1170 = arith.constant 19 : i32
        %parallel_loop3A_1171 = vector.broadcast %parallel_loop3A_1170 : i32 to vector<16xi32>
        %parallel_loop3A_1172 = tpu.vector_load_idx %arg6[%parallel_loop3A_1171, %parallel_loop3A_1036] : memref<32x1000xf32, #tpu.memory_space<vmem>>[vector<16xi32>, vector<16xi32>], vector<16xf32>,
        %parallel_loop3A_1173 = arith.constant 19 : i32
        %parallel_loop3A_1174 = arith.index_cast %parallel_loop3A_1173 : i32 to index
        %parallel_loop3A_1175 = arith.index_cast %parallel_loop3A_1032 : i32 to index
        %parallel_loop3A_1176 = tpu.vector_load %arg7[%parallel_loop3A_1174, %parallel_loop3A_1175] {strides = array<i32>} : memref<32x1000xf32, #tpu.memory_space<vmem>>, vector<16xf32>,
        tpu.vector_store %arg7[%parallel_loop3A_1174, %parallel_loop3A_1175], %parallel_loop3A_1172 {strides = array<i32>} : memref<32x1000xf32, #tpu.memory_space<vmem>>, vector<16xf32>,
        %parallel_loop3A_1177 = arith.constant 20 : i32
        %parallel_loop3A_1178 = vector.broadcast %parallel_loop3A_1177 : i32 to vector<16xi32>
        %parallel_loop3A_1179 = tpu.vector_load_idx %arg6[%parallel_loop3A_1178, %parallel_loop3A_1036] : memref<32x1000xf32, #tpu.memory_space<vmem>>[vector<16xi32>, vector<16xi32>], vector<16xf32>,
        %parallel_loop3A_1180 = arith.constant 20 : i32
        %parallel_loop3A_1181 = arith.index_cast %parallel_loop3A_1180 : i32 to index
        %parallel_loop3A_1182 = arith.index_cast %parallel_loop3A_1032 : i32 to index
        %parallel_loop3A_1183 = tpu.vector_load %arg7[%parallel_loop3A_1181, %parallel_loop3A_1182] {strides = array<i32>} : memref<32x1000xf32, #tpu.memory_space<vmem>>, vector<16xf32>,
        tpu.vector_store %arg7[%parallel_loop3A_1181, %parallel_loop3A_1182], %parallel_loop3A_1179 {strides = array<i32>} : memref<32x1000xf32, #tpu.memory_space<vmem>>, vector<16xf32>,
        %parallel_loop3A_1184 = arith.constant 21 : i32
        %parallel_loop3A_1185 = vector.broadcast %parallel_loop3A_1184 : i32 to vector<16xi32>
        %parallel_loop3A_1186 = tpu.vector_load_idx %arg6[%parallel_loop3A_1185, %parallel_loop3A_1036] : memref<32x1000xf32, #tpu.memory_space<vmem>>[vector<16xi32>, vector<16xi32>], vector<16xf32>,
        %parallel_loop3A_1187 = arith.constant 21 : i32
        %parallel_loop3A_1188 = arith.index_cast %parallel_loop3A_1187 : i32 to index
        %parallel_loop3A_1189 = arith.index_cast %parallel_loop3A_1032 : i32 to index
        %parallel_loop3A_1190 = tpu.vector_load %arg7[%parallel_loop3A_1188, %parallel_loop3A_1189] {strides = array<i32>} : memref<32x1000xf32, #tpu.memory_space<vmem>>, vector<16xf32>,
        tpu.vector_store %arg7[%parallel_loop3A_1188, %parallel_loop3A_1189], %parallel_loop3A_1186 {strides = array<i32>} : memref<32x1000xf32, #tpu.memory_space<vmem>>, vector<16xf32>,
        %parallel_loop3A_1191 = arith.constant 22 : i32
        %parallel_loop3A_1192 = vector.broadcast %parallel_loop3A_1191 : i32 to vector<16xi32>
        %parallel_loop3A_1193 = tpu.vector_load_idx %arg6[%parallel_loop3A_1192, %parallel_loop3A_1036] : memref<32x1000xf32, #tpu.memory_space<vmem>>[vector<16xi32>, vector<16xi32>], vector<16xf32>,
        %parallel_loop3A_1194 = arith.constant 22 : i32
        %parallel_loop3A_1195 = arith.index_cast %parallel_loop3A_1194 : i32 to index
        %parallel_loop3A_1196 = arith.index_cast %parallel_loop3A_1032 : i32 to index
        %parallel_loop3A_1197 = tpu.vector_load %arg7[%parallel_loop3A_1195, %parallel_loop3A_1196] {strides = array<i32>} : memref<32x1000xf32, #tpu.memory_space<vmem>>, vector<16xf32>,
        tpu.vector_store %arg7[%parallel_loop3A_1195, %parallel_loop3A_1196], %parallel_loop3A_1193 {strides = array<i32>} : memref<32x1000xf32, #tpu.memory_space<vmem>>, vector<16xf32>,
        %parallel_loop3A_1198 = arith.constant 23 : i32
        %parallel_loop3A_1199 = vector.broadcast %parallel_loop3A_1198 : i32 to vector<16xi32>
        %parallel_loop3A_1200 = tpu.vector_load_idx %arg6[%parallel_loop3A_1199, %parallel_loop3A_1036] : memref<32x1000xf32, #tpu.memory_space<vmem>>[vector<16xi32>, vector<16xi32>], vector<16xf32>,
        %parallel_loop3A_1201 = arith.constant 23 : i32
        %parallel_loop3A_1202 = arith.index_cast %parallel_loop3A_1201 : i32 to index
        %parallel_loop3A_1203 = arith.index_cast %parallel_loop3A_1032 : i32 to index
        %parallel_loop3A_1204 = tpu.vector_load %arg7[%parallel_loop3A_1202, %parallel_loop3A_1203] {strides = array<i32>} : memref<32x1000xf32, #tpu.memory_space<vmem>>, vector<16xf32>,
        tpu.vector_store %arg7[%parallel_loop3A_1202, %parallel_loop3A_1203], %parallel_loop3A_1200 {strides = array<i32>} : memref<32x1000xf32, #tpu.memory_space<vmem>>, vector<16xf32>,
        %parallel_loop3A_1205 = arith.constant 24 : i32
        %parallel_loop3A_1206 = vector.broadcast %parallel_loop3A_1205 : i32 to vector<16xi32>
        %parallel_loop3A_1207 = tpu.vector_load_idx %arg6[%parallel_loop3A_1206, %parallel_loop3A_1036] : memref<32x1000xf32, #tpu.memory_space<vmem>>[vector<16xi32>, vector<16xi32>], vector<16xf32>,
        %parallel_loop3A_1208 = arith.constant 24 : i32
        %parallel_loop3A_1209 = arith.index_cast %parallel_loop3A_1208 : i32 to index
        %parallel_loop3A_1210 = arith.index_cast %parallel_loop3A_1032 : i32 to index
        %parallel_loop3A_1211 = tpu.vector_load %arg7[%parallel_loop3A_1209, %parallel_loop3A_1210] {strides = array<i32>} : memref<32x1000xf32, #tpu.memory_space<vmem>>, vector<16xf32>,
        tpu.vector_store %arg7[%parallel_loop3A_1209, %parallel_loop3A_1210], %parallel_loop3A_1207 {strides = array<i32>} : memref<32x1000xf32, #tpu.memory_space<vmem>>, vector<16xf32>,
        %parallel_loop3A_1212 = arith.constant 25 : i32
        %parallel_loop3A_1213 = vector.broadcast %parallel_loop3A_1212 : i32 to vector<16xi32>
        %parallel_loop3A_1214 = tpu.vector_load_idx %arg6[%parallel_loop3A_1213, %parallel_loop3A_1036] : memref<32x1000xf32, #tpu.memory_space<vmem>>[vector<16xi32>, vector<16xi32>], vector<16xf32>,
        %parallel_loop3A_1215 = arith.constant 25 : i32
        %parallel_loop3A_1216 = arith.index_cast %parallel_loop3A_1215 : i32 to index
        %parallel_loop3A_1217 = arith.index_cast %parallel_loop3A_1032 : i32 to index
        %parallel_loop3A_1218 = tpu.vector_load %arg7[%parallel_loop3A_1216, %parallel_loop3A_1217] {strides = array<i32>} : memref<32x1000xf32, #tpu.memory_space<vmem>>, vector<16xf32>,
        tpu.vector_store %arg7[%parallel_loop3A_1216, %parallel_loop3A_1217], %parallel_loop3A_1214 {strides = array<i32>} : memref<32x1000xf32, #tpu.memory_space<vmem>>, vector<16xf32>,
        %parallel_loop3A_1219 = arith.constant 26 : i32
        %parallel_loop3A_1220 = vector.broadcast %parallel_loop3A_1219 : i32 to vector<16xi32>
        %parallel_loop3A_1221 = tpu.vector_load_idx %arg6[%parallel_loop3A_1220, %parallel_loop3A_1036] : memref<32x1000xf32, #tpu.memory_space<vmem>>[vector<16xi32>, vector<16xi32>], vector<16xf32>,
        %parallel_loop3A_1222 = arith.constant 26 : i32
        %parallel_loop3A_1223 = arith.index_cast %parallel_loop3A_1222 : i32 to index
        %parallel_loop3A_1224 = arith.index_cast %parallel_loop3A_1032 : i32 to index
        %parallel_loop3A_1225 = tpu.vector_load %arg7[%parallel_loop3A_1223, %parallel_loop3A_1224] {strides = array<i32>} : memref<32x1000xf32, #tpu.memory_space<vmem>>, vector<16xf32>,
        tpu.vector_store %arg7[%parallel_loop3A_1223, %parallel_loop3A_1224], %parallel_loop3A_1221 {strides = array<i32>} : memref<32x1000xf32, #tpu.memory_space<vmem>>, vector<16xf32>,
        %parallel_loop3A_1226 = arith.constant 27 : i32
        %parallel_loop3A_1227 = vector.broadcast %parallel_loop3A_1226 : i32 to vector<16xi32>
        %parallel_loop3A_1228 = tpu.vector_load_idx %arg6[%parallel_loop3A_1227, %parallel_loop3A_1036] : memref<32x1000xf32, #tpu.memory_space<vmem>>[vector<16xi32>, vector<16xi32>], vector<16xf32>,
        %parallel_loop3A_1229 = arith.constant 27 : i32
        %parallel_loop3A_1230 = arith.index_cast %parallel_loop3A_1229 : i32 to index
        %parallel_loop3A_1231 = arith.index_cast %parallel_loop3A_1032 : i32 to index
        %parallel_loop3A_1232 = tpu.vector_load %arg7[%parallel_loop3A_1230, %parallel_loop3A_1231] {strides = array<i32>} : memref<32x1000xf32, #tpu.memory_space<vmem>>, vector<16xf32>,
        tpu.vector_store %arg7[%parallel_loop3A_1230, %parallel_loop3A_1231], %parallel_loop3A_1228 {strides = array<i32>} : memref<32x1000xf32, #tpu.memory_space<vmem>>, vector<16xf32>,
        %parallel_loop3A_1233 = arith.constant 28 : i32
        %parallel_loop3A_1234 = vector.broadcast %parallel_loop3A_1233 : i32 to vector<16xi32>
        %parallel_loop3A_1235 = tpu.vector_load_idx %arg6[%parallel_loop3A_1234, %parallel_loop3A_1036] : memref<32x1000xf32, #tpu.memory_space<vmem>>[vector<16xi32>, vector<16xi32>], vector<16xf32>,
        %parallel_loop3A_1236 = arith.constant 28 : i32
        %parallel_loop3A_1237 = arith.index_cast %parallel_loop3A_1236 : i32 to index
        %parallel_loop3A_1238 = arith.index_cast %parallel_loop3A_1032 : i32 to index
        %parallel_loop3A_1239 = tpu.vector_load %arg7[%parallel_loop3A_1237, %parallel_loop3A_1238] {strides = array<i32>} : memref<32x1000xf32, #tpu.memory_space<vmem>>, vector<16xf32>,
        tpu.vector_store %arg7[%parallel_loop3A_1237, %parallel_loop3A_1238], %parallel_loop3A_1235 {strides = array<i32>} : memref<32x1000xf32, #tpu.memory_space<vmem>>, vector<16xf32>,
        %parallel_loop3A_1240 = arith.constant 29 : i32
        %parallel_loop3A_1241 = vector.broadcast %parallel_loop3A_1240 : i32 to vector<16xi32>
        %parallel_loop3A_1242 = tpu.vector_load_idx %arg6[%parallel_loop3A_1241, %parallel_loop3A_1036] : memref<32x1000xf32, #tpu.memory_space<vmem>>[vector<16xi32>, vector<16xi32>], vector<16xf32>,
        %parallel_loop3A_1243 = arith.constant 29 : i32
        %parallel_loop3A_1244 = arith.index_cast %parallel_loop3A_1243 : i32 to index
        %parallel_loop3A_1245 = arith.index_cast %parallel_loop3A_1032 : i32 to index
        %parallel_loop3A_1246 = tpu.vector_load %arg7[%parallel_loop3A_1244, %parallel_loop3A_1245] {strides = array<i32>} : memref<32x1000xf32, #tpu.memory_space<vmem>>, vector<16xf32>,
        tpu.vector_store %arg7[%parallel_loop3A_1244, %parallel_loop3A_1245], %parallel_loop3A_1242 {strides = array<i32>} : memref<32x1000xf32, #tpu.memory_space<vmem>>, vector<16xf32>,
        %parallel_loop3A_1247 = arith.constant 30 : i32
        %parallel_loop3A_1248 = vector.broadcast %parallel_loop3A_1247 : i32 to vector<16xi32>
        %parallel_loop3A_1249 = tpu.vector_load_idx %arg6[%parallel_loop3A_1248, %parallel_loop3A_1036] : memref<32x1000xf32, #tpu.memory_space<vmem>>[vector<16xi32>, vector<16xi32>], vector<16xf32>,
        %parallel_loop3A_1250 = arith.constant 30 : i32
        %parallel_loop3A_1251 = arith.index_cast %parallel_loop3A_1250 : i32 to index
        %parallel_loop3A_1252 = arith.index_cast %parallel_loop3A_1032 : i32 to index
        %parallel_loop3A_1253 = tpu.vector_load %arg7[%parallel_loop3A_1251, %parallel_loop3A_1252] {strides = array<i32>} : memref<32x1000xf32, #tpu.memory_space<vmem>>, vector<16xf32>,
        tpu.vector_store %arg7[%parallel_loop3A_1251, %parallel_loop3A_1252], %parallel_loop3A_1249 {strides = array<i32>} : memref<32x1000xf32, #tpu.memory_space<vmem>>, vector<16xf32>,
        %parallel_loop3A_1254 = arith.constant 31 : i32
        %parallel_loop3A_1255 = vector.broadcast %parallel_loop3A_1254 : i32 to vector<16xi32>
        %parallel_loop3A_1256 = tpu.vector_load_idx %arg6[%parallel_loop3A_1255, %parallel_loop3A_1036] : memref<32x1000xf32, #tpu.memory_space<vmem>>[vector<16xi32>, vector<16xi32>], vector<16xf32>,
        %parallel_loop3A_1257 = arith.constant 31 : i32
        %parallel_loop3A_1258 = arith.index_cast %parallel_loop3A_1257 : i32 to index
        %parallel_loop3A_1259 = arith.index_cast %parallel_loop3A_1032 : i32 to index
        %parallel_loop3A_1260 = tpu.vector_load %arg7[%parallel_loop3A_1258, %parallel_loop3A_1259] {strides = array<i32>} : memref<32x1000xf32, #tpu.memory_space<vmem>>, vector<16xf32>,
        tpu.vector_store %arg7[%parallel_loop3A_1258, %parallel_loop3A_1259], %parallel_loop3A_1256 {strides = array<i32>} : memref<32x1000xf32, #tpu.memory_space<vmem>>, vector<16xf32>,
      } {sc.loop_unroll_factor = 1 : i64, sc.parallel_access}
      %get3A = arith.constant 0 : i32
      %get3A_44 = arith.index_cast %get3A : i32 to index
      %get3A_45 = arith.constant 984 : index
      %get3A_46 = tpu.vector_load %arg5[%get3A_44, %get3A_45] {strides = array<i32>} : memref<4x1000xi32, #tpu.memory_space<vmem>>, vector<16xi32>,
      %broadcast_in_dim3A = arith.constant 0 : i32
      %broadcast_in_dim3A_47 = vector.broadcast %broadcast_in_dim3A : i32 to vector<16xi32>
      %gather3A = tpu.vector_load_idx %arg6[%broadcast_in_dim3A_47, %get3A_46] : memref<32x1000xf32, #tpu.memory_space<vmem>>[vector<16xi32>, vector<16xi32>], vector<16xf32>,
      %swap3A = arith.constant 0 : i32
      %swap3A_48 = arith.index_cast %swap3A : i32 to index
      %swap3A_49 = arith.constant 984 : index
      %swap3A_50 = tpu.vector_load %arg7[%swap3A_48, %swap3A_49] {strides = array<i32>} : memref<32x1000xf32, #tpu.memory_space<vmem>>, vector<16xf32>,
      tpu.vector_store %arg7[%swap3A_48, %swap3A_49], %gather3A {strides = array<i32>} : memref<32x1000xf32, #tpu.memory_space<vmem>>, vector<16xf32>,
      %broadcast_in_dim3A_51 = arith.constant 1 : i32
      %broadcast_in_dim3A_52 = vector.broadcast %broadcast_in_dim3A_51 : i32 to vector<16xi32>
      %gather3A_53 = tpu.vector_load_idx %arg6[%broadcast_in_dim3A_52, %get3A_46] : memref<32x1000xf32, #tpu.memory_space<vmem>>[vector<16xi32>, vector<16xi32>], vector<16xf32>,
      %swap3A_54 = arith.constant 1 : i32
      %swap3A_55 = arith.index_cast %swap3A_54 : i32 to index
      %swap3A_56 = arith.constant 984 : index
      %swap3A_57 = tpu.vector_load %arg7[%swap3A_55, %swap3A_56] {strides = array<i32>} : memref<32x1000xf32, #tpu.memory_space<vmem>>, vector<16xf32>,
      tpu.vector_store %arg7[%swap3A_55, %swap3A_56], %gather3A_53 {strides = array<i32>} : memref<32x1000xf32, #tpu.memory_space<vmem>>, vector<16xf32>,
      %broadcast_in_dim3A_58 = arith.constant 2 : i32
      %broadcast_in_dim3A_59 = vector.broadcast %broadcast_in_dim3A_58 : i32 to vector<16xi32>
      %gather3A_60 = tpu.vector_load_idx %arg6[%broadcast_in_dim3A_59, %get3A_46] : memref<32x1000xf32, #tpu.memory_space<vmem>>[vector<16xi32>, vector<16xi32>], vector<16xf32>,
      %swap3A_61 = arith.constant 2 : i32
      %swap3A_62 = arith.index_cast %swap3A_61 : i32 to index
      %swap3A_63 = arith.constant 984 : index
      %swap3A_64 = tpu.vector_load %arg7[%swap3A_62, %swap3A_63] {strides = array<i32>} : memref<32x1000xf32, #tpu.memory_space<vmem>>, vector<16xf32>,
      tpu.vector_store %arg7[%swap3A_62, %swap3A_63], %gather3A_60 {strides = array<i32>} : memref<32x1000xf32, #tpu.memory_space<vmem>>, vector<16xf32>,
      %broadcast_in_dim3A_65 = arith.constant 3 : i32
      %broadcast_in_dim3A_66 = vector.broadcast %broadcast_in_dim3A_65 : i32 to vector<16xi32>
      %gather3A_67 = tpu.vector_load_idx %arg6[%broadcast_in_dim3A_66, %get3A_46] : memref<32x1000xf32, #tpu.memory_space<vmem>>[vector<16xi32>, vector<16xi32>], vector<16xf32>,
      %swap3A_68 = arith.constant 3 : i32
      %swap3A_69 = arith.index_cast %swap3A_68 : i32 to index
      %swap3A_70 = arith.constant 984 : index
      %swap3A_71 = tpu.vector_load %arg7[%swap3A_69, %swap3A_70] {strides = array<i32>} : memref<32x1000xf32, #tpu.memory_space<vmem>>, vector<16xf32>,
      tpu.vector_store %arg7[%swap3A_69, %swap3A_70], %gather3A_67 {strides = array<i32>} : memref<32x1000xf32, #tpu.memory_space<vmem>>, vector<16xf32>,
      %broadcast_in_dim3A_72 = arith.constant 4 : i32
      %broadcast_in_dim3A_73 = vector.broadcast %broadcast_in_dim3A_72 : i32 to vector<16xi32>
      %gather3A_74 = tpu.vector_load_idx %arg6[%broadcast_in_dim3A_73, %get3A_46] : memref<32x1000xf32, #tpu.memory_space<vmem>>[vector<16xi32>, vector<16xi32>], vector<16xf32>,
      %swap3A_75 = arith.constant 4 : i32
      %swap3A_76 = arith.index_cast %swap3A_75 : i32 to index
      %swap3A_77 = arith.constant 984 : index
      %swap3A_78 = tpu.vector_load %arg7[%swap3A_76, %swap3A_77] {strides = array<i32>} : memref<32x1000xf32, #tpu.memory_space<vmem>>, vector<16xf32>,
      tpu.vector_store %arg7[%swap3A_76, %swap3A_77], %gather3A_74 {strides = array<i32>} : memref<32x1000xf32, #tpu.memory_space<vmem>>, vector<16xf32>,
      %broadcast_in_dim3A_79 = arith.constant 5 : i32
      %broadcast_in_dim3A_80 = vector.broadcast %broadcast_in_dim3A_79 : i32 to vector<16xi32>
      %gather3A_81 = tpu.vector_load_idx %arg6[%broadcast_in_dim3A_80, %get3A_46] : memref<32x1000xf32, #tpu.memory_space<vmem>>[vector<16xi32>, vector<16xi32>], vector<16xf32>,
      %swap3A_82 = arith.constant 5 : i32
      %swap3A_83 = arith.index_cast %swap3A_82 : i32 to index
      %swap3A_84 = arith.constant 984 : index
      %swap3A_85 = tpu.vector_load %arg7[%swap3A_83, %swap3A_84] {strides = array<i32>} : memref<32x1000xf32, #tpu.memory_space<vmem>>, vector<16xf32>,
      tpu.vector_store %arg7[%swap3A_83, %swap3A_84], %gather3A_81 {strides = array<i32>} : memref<32x1000xf32, #tpu.memory_space<vmem>>, vector<16xf32>,
      %broadcast_in_dim3A_86 = arith.constant 6 : i32
      %broadcast_in_dim3A_87 = vector.broadcast %broadcast_in_dim3A_86 : i32 to vector<16xi32>
      %gather3A_88 = tpu.vector_load_idx %arg6[%broadcast_in_dim3A_87, %get3A_46] : memref<32x1000xf32, #tpu.memory_space<vmem>>[vector<16xi32>, vector<16xi32>], vector<16xf32>,
      %swap3A_89 = arith.constant 6 : i32
      %swap3A_90 = arith.index_cast %swap3A_89 : i32 to index
      %swap3A_91 = arith.constant 984 : index
      %swap3A_92 = tpu.vector_load %arg7[%swap3A_90, %swap3A_91] {strides = array<i32>} : memref<32x1000xf32, #tpu.memory_space<vmem>>, vector<16xf32>,
      tpu.vector_store %arg7[%swap3A_90, %swap3A_91], %gather3A_88 {strides = array<i32>} : memref<32x1000xf32, #tpu.memory_space<vmem>>, vector<16xf32>,
      %broadcast_in_dim3A_93 = arith.constant 7 : i32
      %broadcast_in_dim3A_94 = vector.broadcast %broadcast_in_dim3A_93 : i32 to vector<16xi32>
      %gather3A_95 = tpu.vector_load_idx %arg6[%broadcast_in_dim3A_94, %get3A_46] : memref<32x1000xf32, #tpu.memory_space<vmem>>[vector<16xi32>, vector<16xi32>], vector<16xf32>,
      %swap3A_96 = arith.constant 7 : i32
      %swap3A_97 = arith.index_cast %swap3A_96 : i32 to index
      %swap3A_98 = arith.constant 984 : index
      %swap3A_99 = tpu.vector_load %arg7[%swap3A_97, %swap3A_98] {strides = array<i32>} : memref<32x1000xf32, #tpu.memory_space<vmem>>, vector<16xf32>,
      tpu.vector_store %arg7[%swap3A_97, %swap3A_98], %gather3A_95 {strides = array<i32>} : memref<32x1000xf32, #tpu.memory_space<vmem>>, vector<16xf32>,
      %broadcast_in_dim3A_100 = arith.constant 8 : i32
      %broadcast_in_dim3A_101 = vector.broadcast %broadcast_in_dim3A_100 : i32 to vector<16xi32>
      %gather3A_102 = tpu.vector_load_idx %arg6[%broadcast_in_dim3A_101, %get3A_46] : memref<32x1000xf32, #tpu.memory_space<vmem>>[vector<16xi32>, vector<16xi32>], vector<16xf32>,
      %swap3A_103 = arith.constant 8 : i32
      %swap3A_104 = arith.index_cast %swap3A_103 : i32 to index
      %swap3A_105 = arith.constant 984 : index
      %swap3A_106 = tpu.vector_load %arg7[%swap3A_104, %swap3A_105] {strides = array<i32>} : memref<32x1000xf32, #tpu.memory_space<vmem>>, vector<16xf32>,
      tpu.vector_store %arg7[%swap3A_104, %swap3A_105], %gather3A_102 {strides = array<i32>} : memref<32x1000xf32, #tpu.memory_space<vmem>>, vector<16xf32>,
      %broadcast_in_dim3A_107 = arith.constant 9 : i32
      %broadcast_in_dim3A_108 = vector.broadcast %broadcast_in_dim3A_107 : i32 to vector<16xi32>
      %gather3A_109 = tpu.vector_load_idx %arg6[%broadcast_in_dim3A_108, %get3A_46] : memref<32x1000xf32, #tpu.memory_space<vmem>>[vector<16xi32>, vector<16xi32>], vector<16xf32>,
      %swap3A_110 = arith.constant 9 : i32
      %swap3A_111 = arith.index_cast %swap3A_110 : i32 to index
      %swap3A_112 = arith.constant 984 : index
      %swap3A_113 = tpu.vector_load %arg7[%swap3A_111, %swap3A_112] {strides = array<i32>} : memref<32x1000xf32, #tpu.memory_space<vmem>>, vector<16xf32>,
      tpu.vector_store %arg7[%swap3A_111, %swap3A_112], %gather3A_109 {strides = array<i32>} : memref<32x1000xf32, #tpu.memory_space<vmem>>, vector<16xf32>,
      %broadcast_in_dim3A_114 = arith.constant 10 : i32
      %broadcast_in_dim3A_115 = vector.broadcast %broadcast_in_dim3A_114 : i32 to vector<16xi32>
      %gather3A_116 = tpu.vector_load_idx %arg6[%broadcast_in_dim3A_115, %get3A_46] : memref<32x1000xf32, #tpu.memory_space<vmem>>[vector<16xi32>, vector<16xi32>], vector<16xf32>,
      %swap3A_117 = arith.constant 10 : i32
      %swap3A_118 = arith.index_cast %swap3A_117 : i32 to index
      %swap3A_119 = arith.constant 984 : index
      %swap3A_120 = tpu.vector_load %arg7[%swap3A_118, %swap3A_119] {strides = array<i32>} : memref<32x1000xf32, #tpu.memory_space<vmem>>, vector<16xf32>,
      tpu.vector_store %arg7[%swap3A_118, %swap3A_119], %gather3A_116 {strides = array<i32>} : memref<32x1000xf32, #tpu.memory_space<vmem>>, vector<16xf32>,
      %broadcast_in_dim3A_121 = arith.constant 11 : i32
      %broadcast_in_dim3A_122 = vector.broadcast %broadcast_in_dim3A_121 : i32 to vector<16xi32>
      %gather3A_123 = tpu.vector_load_idx %arg6[%broadcast_in_dim3A_122, %get3A_46] : memref<32x1000xf32, #tpu.memory_space<vmem>>[vector<16xi32>, vector<16xi32>], vector<16xf32>,
      %swap3A_124 = arith.constant 11 : i32
      %swap3A_125 = arith.index_cast %swap3A_124 : i32 to index
      %swap3A_126 = arith.constant 984 : index
      %swap3A_127 = tpu.vector_load %arg7[%swap3A_125, %swap3A_126] {strides = array<i32>} : memref<32x1000xf32, #tpu.memory_space<vmem>>, vector<16xf32>,
      tpu.vector_store %arg7[%swap3A_125, %swap3A_126], %gather3A_123 {strides = array<i32>} : memref<32x1000xf32, #tpu.memory_space<vmem>>, vector<16xf32>,
      %broadcast_in_dim3A_128 = arith.constant 12 : i32
      %broadcast_in_dim3A_129 = vector.broadcast %broadcast_in_dim3A_128 : i32 to vector<16xi32>
      %gather3A_130 = tpu.vector_load_idx %arg6[%broadcast_in_dim3A_129, %get3A_46] : memref<32x1000xf32, #tpu.memory_space<vmem>>[vector<16xi32>, vector<16xi32>], vector<16xf32>,
      %swap3A_131 = arith.constant 12 : i32
      %swap3A_132 = arith.index_cast %swap3A_131 : i32 to index
      %swap3A_133 = arith.constant 984 : index
      %swap3A_134 = tpu.vector_load %arg7[%swap3A_132, %swap3A_133] {strides = array<i32>} : memref<32x1000xf32, #tpu.memory_space<vmem>>, vector<16xf32>,
      tpu.vector_store %arg7[%swap3A_132, %swap3A_133], %gather3A_130 {strides = array<i32>} : memref<32x1000xf32, #tpu.memory_space<vmem>>, vector<16xf32>,
      %broadcast_in_dim3A_135 = arith.constant 13 : i32
      %broadcast_in_dim3A_136 = vector.broadcast %broadcast_in_dim3A_135 : i32 to vector<16xi32>
      %gather3A_137 = tpu.vector_load_idx %arg6[%broadcast_in_dim3A_136, %get3A_46] : memref<32x1000xf32, #tpu.memory_space<vmem>>[vector<16xi32>, vector<16xi32>], vector<16xf32>,
      %swap3A_138 = arith.constant 13 : i32
      %swap3A_139 = arith.index_cast %swap3A_138 : i32 to index
      %swap3A_140 = arith.constant 984 : index
      %swap3A_141 = tpu.vector_load %arg7[%swap3A_139, %swap3A_140] {strides = array<i32>} : memref<32x1000xf32, #tpu.memory_space<vmem>>, vector<16xf32>,
      tpu.vector_store %arg7[%swap3A_139, %swap3A_140], %gather3A_137 {strides = array<i32>} : memref<32x1000xf32, #tpu.memory_space<vmem>>, vector<16xf32>,
      %broadcast_in_dim3A_142 = arith.constant 14 : i32
      %broadcast_in_dim3A_143 = vector.broadcast %broadcast_in_dim3A_142 : i32 to vector<16xi32>
      %gather3A_144 = tpu.vector_load_idx %arg6[%broadcast_in_dim3A_143, %get3A_46] : memref<32x1000xf32, #tpu.memory_space<vmem>>[vector<16xi32>, vector<16xi32>], vector<16xf32>,
      %swap3A_145 = arith.constant 14 : i32
      %swap3A_146 = arith.index_cast %swap3A_145 : i32 to index
      %swap3A_147 = arith.constant 984 : index
      %swap3A_148 = tpu.vector_load %arg7[%swap3A_146, %swap3A_147] {strides = array<i32>} : memref<32x1000xf32, #tpu.memory_space<vmem>>, vector<16xf32>,
      tpu.vector_store %arg7[%swap3A_146, %swap3A_147], %gather3A_144 {strides = array<i32>} : memref<32x1000xf32, #tpu.memory_space<vmem>>, vector<16xf32>,
      %broadcast_in_dim3A_149 = arith.constant 15 : i32
      %broadcast_in_dim3A_150 = vector.broadcast %broadcast_in_dim3A_149 : i32 to vector<16xi32>
      %gather3A_151 = tpu.vector_load_idx %arg6[%broadcast_in_dim3A_150, %get3A_46] : memref<32x1000xf32, #tpu.memory_space<vmem>>[vector<16xi32>, vector<16xi32>], vector<16xf32>,
      %swap3A_152 = arith.constant 15 : i32
      %swap3A_153 = arith.index_cast %swap3A_152 : i32 to index
      %swap3A_154 = arith.constant 984 : index
      %swap3A_155 = tpu.vector_load %arg7[%swap3A_153, %swap3A_154] {strides = array<i32>} : memref<32x1000xf32, #tpu.memory_space<vmem>>, vector<16xf32>,
      tpu.vector_store %arg7[%swap3A_153, %swap3A_154], %gather3A_151 {strides = array<i32>} : memref<32x1000xf32, #tpu.memory_space<vmem>>, vector<16xf32>,
      %broadcast_in_dim3A_156 = arith.constant 16 : i32
      %broadcast_in_dim3A_157 = vector.broadcast %broadcast_in_dim3A_156 : i32 to vector<16xi32>
      %gather3A_158 = tpu.vector_load_idx %arg6[%broadcast_in_dim3A_157, %get3A_46] : memref<32x1000xf32, #tpu.memory_space<vmem>>[vector<16xi32>, vector<16xi32>], vector<16xf32>,
      %swap3A_159 = arith.constant 16 : i32
      %swap3A_160 = arith.index_cast %swap3A_159 : i32 to index
      %swap3A_161 = arith.constant 984 : index
      %swap3A_162 = tpu.vector_load %arg7[%swap3A_160, %swap3A_161] {strides = array<i32>} : memref<32x1000xf32, #tpu.memory_space<vmem>>, vector<16xf32>,
      tpu.vector_store %arg7[%swap3A_160, %swap3A_161], %gather3A_158 {strides = array<i32>} : memref<32x1000xf32, #tpu.memory_space<vmem>>, vector<16xf32>,
      %broadcast_in_dim3A_163 = arith.constant 17 : i32
      %broadcast_in_dim3A_164 = vector.broadcast %broadcast_in_dim3A_163 : i32 to vector<16xi32>
      %gather3A_165 = tpu.vector_load_idx %arg6[%broadcast_in_dim3A_164, %get3A_46] : memref<32x1000xf32, #tpu.memory_space<vmem>>[vector<16xi32>, vector<16xi32>], vector<16xf32>,
      %swap3A_166 = arith.constant 17 : i32
      %swap3A_167 = arith.index_cast %swap3A_166 : i32 to index
      %swap3A_168 = arith.constant 984 : index
      %swap3A_169 = tpu.vector_load %arg7[%swap3A_167, %swap3A_168] {strides = array<i32>} : memref<32x1000xf32, #tpu.memory_space<vmem>>, vector<16xf32>,
      tpu.vector_store %arg7[%swap3A_167, %swap3A_168], %gather3A_165 {strides = array<i32>} : memref<32x1000xf32, #tpu.memory_space<vmem>>, vector<16xf32>,
      %broadcast_in_dim3A_170 = arith.constant 18 : i32
      %broadcast_in_dim3A_171 = vector.broadcast %broadcast_in_dim3A_170 : i32 to vector<16xi32>
      %gather3A_172 = tpu.vector_load_idx %arg6[%broadcast_in_dim3A_171, %get3A_46] : memref<32x1000xf32, #tpu.memory_space<vmem>>[vector<16xi32>, vector<16xi32>], vector<16xf32>,
      %swap3A_173 = arith.constant 18 : i32
      %swap3A_174 = arith.index_cast %swap3A_173 : i32 to index
      %swap3A_175 = arith.constant 984 : index
      %swap3A_176 = tpu.vector_load %arg7[%swap3A_174, %swap3A_175] {strides = array<i32>} : memref<32x1000xf32, #tpu.memory_space<vmem>>, vector<16xf32>,
      tpu.vector_store %arg7[%swap3A_174, %swap3A_175], %gather3A_172 {strides = array<i32>} : memref<32x1000xf32, #tpu.memory_space<vmem>>, vector<16xf32>,
      %broadcast_in_dim3A_177 = arith.constant 19 : i32
      %broadcast_in_dim3A_178 = vector.broadcast %broadcast_in_dim3A_177 : i32 to vector<16xi32>
      %gather3A_179 = tpu.vector_load_idx %arg6[%broadcast_in_dim3A_178, %get3A_46] : memref<32x1000xf32, #tpu.memory_space<vmem>>[vector<16xi32>, vector<16xi32>], vector<16xf32>,
      %swap3A_180 = arith.constant 19 : i32
      %swap3A_181 = arith.index_cast %swap3A_180 : i32 to index
      %swap3A_182 = arith.constant 984 : index
      %swap3A_183 = tpu.vector_load %arg7[%swap3A_181, %swap3A_182] {strides = array<i32>} : memref<32x1000xf32, #tpu.memory_space<vmem>>, vector<16xf32>,
      tpu.vector_store %arg7[%swap3A_181, %swap3A_182], %gather3A_179 {strides = array<i32>} : memref<32x1000xf32, #tpu.memory_space<vmem>>, vector<16xf32>,
      %broadcast_in_dim3A_184 = arith.constant 20 : i32
      %broadcast_in_dim3A_185 = vector.broadcast %broadcast_in_dim3A_184 : i32 to vector<16xi32>
      %gather3A_186 = tpu.vector_load_idx %arg6[%broadcast_in_dim3A_185, %get3A_46] : memref<32x1000xf32, #tpu.memory_space<vmem>>[vector<16xi32>, vector<16xi32>], vector<16xf32>,
      %swap3A_187 = arith.constant 20 : i32
      %swap3A_188 = arith.index_cast %swap3A_187 : i32 to index
      %swap3A_189 = arith.constant 984 : index
      %swap3A_190 = tpu.vector_load %arg7[%swap3A_188, %swap3A_189] {strides = array<i32>} : memref<32x1000xf32, #tpu.memory_space<vmem>>, vector<16xf32>,
      tpu.vector_store %arg7[%swap3A_188, %swap3A_189], %gather3A_186 {strides = array<i32>} : memref<32x1000xf32, #tpu.memory_space<vmem>>, vector<16xf32>,
      %broadcast_in_dim3A_191 = arith.constant 21 : i32
      %broadcast_in_dim3A_192 = vector.broadcast %broadcast_in_dim3A_191 : i32 to vector<16xi32>
      %gather3A_193 = tpu.vector_load_idx %arg6[%broadcast_in_dim3A_192, %get3A_46] : memref<32x1000xf32, #tpu.memory_space<vmem>>[vector<16xi32>, vector<16xi32>], vector<16xf32>,
      %swap3A_194 = arith.constant 21 : i32
      %swap3A_195 = arith.index_cast %swap3A_194 : i32 to index
      %swap3A_196 = arith.constant 984 : index
      %swap3A_197 = tpu.vector_load %arg7[%swap3A_195, %swap3A_196] {strides = array<i32>} : memref<32x1000xf32, #tpu.memory_space<vmem>>, vector<16xf32>,
      tpu.vector_store %arg7[%swap3A_195, %swap3A_196], %gather3A_193 {strides = array<i32>} : memref<32x1000xf32, #tpu.memory_space<vmem>>, vector<16xf32>,
      %broadcast_in_dim3A_198 = arith.constant 22 : i32
      %broadcast_in_dim3A_199 = vector.broadcast %broadcast_in_dim3A_198 : i32 to vector<16xi32>
      %gather3A_200 = tpu.vector_load_idx %arg6[%broadcast_in_dim3A_199, %get3A_46] : memref<32x1000xf32, #tpu.memory_space<vmem>>[vector<16xi32>, vector<16xi32>], vector<16xf32>,
      %swap3A_201 = arith.constant 22 : i32
      %swap3A_202 = arith.index_cast %swap3A_201 : i32 to index
      %swap3A_203 = arith.constant 984 : index
      %swap3A_204 = tpu.vector_load %arg7[%swap3A_202, %swap3A_203] {strides = array<i32>} : memref<32x1000xf32, #tpu.memory_space<vmem>>, vector<16xf32>,
      tpu.vector_store %arg7[%swap3A_202, %swap3A_203], %gather3A_200 {strides = array<i32>} : memref<32x1000xf32, #tpu.memory_space<vmem>>, vector<16xf32>,
      %broadcast_in_dim3A_205 = arith.constant 23 : i32
      %broadcast_in_dim3A_206 = vector.broadcast %broadcast_in_dim3A_205 : i32 to vector<16xi32>
      %gather3A_207 = tpu.vector_load_idx %arg6[%broadcast_in_dim3A_206, %get3A_46] : memref<32x1000xf32, #tpu.memory_space<vmem>>[vector<16xi32>, vector<16xi32>], vector<16xf32>,
      %swap3A_208 = arith.constant 23 : i32
      %swap3A_209 = arith.index_cast %swap3A_208 : i32 to index
      %swap3A_210 = arith.constant 984 : index
      %swap3A_211 = tpu.vector_load %arg7[%swap3A_209, %swap3A_210] {strides = array<i32>} : memref<32x1000xf32, #tpu.memory_space<vmem>>, vector<16xf32>,
      tpu.vector_store %arg7[%swap3A_209, %swap3A_210], %gather3A_207 {strides = array<i32>} : memref<32x1000xf32, #tpu.memory_space<vmem>>, vector<16xf32>,
      %broadcast_in_dim3A_212 = arith.constant 24 : i32
      %broadcast_in_dim3A_213 = vector.broadcast %broadcast_in_dim3A_212 : i32 to vector<16xi32>
      %gather3A_214 = tpu.vector_load_idx %arg6[%broadcast_in_dim3A_213, %get3A_46] : memref<32x1000xf32, #tpu.memory_space<vmem>>[vector<16xi32>, vector<16xi32>], vector<16xf32>,
      %swap3A_215 = arith.constant 24 : i32
      %swap3A_216 = arith.index_cast %swap3A_215 : i32 to index
      %swap3A_217 = arith.constant 984 : index
      %swap3A_218 = tpu.vector_load %arg7[%swap3A_216, %swap3A_217] {strides = array<i32>} : memref<32x1000xf32, #tpu.memory_space<vmem>>, vector<16xf32>,
      tpu.vector_store %arg7[%swap3A_216, %swap3A_217], %gather3A_214 {strides = array<i32>} : memref<32x1000xf32, #tpu.memory_space<vmem>>, vector<16xf32>,
      %broadcast_in_dim3A_219 = arith.constant 25 : i32
      %broadcast_in_dim3A_220 = vector.broadcast %broadcast_in_dim3A_219 : i32 to vector<16xi32>
      %gather3A_221 = tpu.vector_load_idx %arg6[%broadcast_in_dim3A_220, %get3A_46] : memref<32x1000xf32, #tpu.memory_space<vmem>>[vector<16xi32>, vector<16xi32>], vector<16xf32>,
      %swap3A_222 = arith.constant 25 : i32
      %swap3A_223 = arith.index_cast %swap3A_222 : i32 to index
      %swap3A_224 = arith.constant 984 : index
      %swap3A_225 = tpu.vector_load %arg7[%swap3A_223, %swap3A_224] {strides = array<i32>} : memref<32x1000xf32, #tpu.memory_space<vmem>>, vector<16xf32>,
      tpu.vector_store %arg7[%swap3A_223, %swap3A_224], %gather3A_221 {strides = array<i32>} : memref<32x1000xf32, #tpu.memory_space<vmem>>, vector<16xf32>,
      %broadcast_in_dim3A_226 = arith.constant 26 : i32
      %broadcast_in_dim3A_227 = vector.broadcast %broadcast_in_dim3A_226 : i32 to vector<16xi32>
      %gather3A_228 = tpu.vector_load_idx %arg6[%broadcast_in_dim3A_227, %get3A_46] : memref<32x1000xf32, #tpu.memory_space<vmem>>[vector<16xi32>, vector<16xi32>], vector<16xf32>,
      %swap3A_229 = arith.constant 26 : i32
      %swap3A_230 = arith.index_cast %swap3A_229 : i32 to index
      %swap3A_231 = arith.constant 984 : index
      %swap3A_232 = tpu.vector_load %arg7[%swap3A_230, %swap3A_231] {strides = array<i32>} : memref<32x1000xf32, #tpu.memory_space<vmem>>, vector<16xf32>,
      tpu.vector_store %arg7[%swap3A_230, %swap3A_231], %gather3A_228 {strides = array<i32>} : memref<32x1000xf32, #tpu.memory_space<vmem>>, vector<16xf32>,
      %broadcast_in_dim3A_233 = arith.constant 27 : i32
      %broadcast_in_dim3A_234 = vector.broadcast %broadcast_in_dim3A_233 : i32 to vector<16xi32>
      %gather3A_235 = tpu.vector_load_idx %arg6[%broadcast_in_dim3A_234, %get3A_46] : memref<32x1000xf32, #tpu.memory_space<vmem>>[vector<16xi32>, vector<16xi32>], vector<16xf32>,
      %swap3A_236 = arith.constant 27 : i32
      %swap3A_237 = arith.index_cast %swap3A_236 : i32 to index
      %swap3A_238 = arith.constant 984 : index
      %swap3A_239 = tpu.vector_load %arg7[%swap3A_237, %swap3A_238] {strides = array<i32>} : memref<32x1000xf32, #tpu.memory_space<vmem>>, vector<16xf32>,
      tpu.vector_store %arg7[%swap3A_237, %swap3A_238], %gather3A_235 {strides = array<i32>} : memref<32x1000xf32, #tpu.memory_space<vmem>>, vector<16xf32>,
      %broadcast_in_dim3A_240 = arith.constant 28 : i32
      %broadcast_in_dim3A_241 = vector.broadcast %broadcast_in_dim3A_240 : i32 to vector<16xi32>
      %gather3A_242 = tpu.vector_load_idx %arg6[%broadcast_in_dim3A_241, %get3A_46] : memref<32x1000xf32, #tpu.memory_space<vmem>>[vector<16xi32>, vector<16xi32>], vector<16xf32>,
      %swap3A_243 = arith.constant 28 : i32
      %swap3A_244 = arith.index_cast %swap3A_243 : i32 to index
      %swap3A_245 = arith.constant 984 : index
      %swap3A_246 = tpu.vector_load %arg7[%swap3A_244, %swap3A_245] {strides = array<i32>} : memref<32x1000xf32, #tpu.memory_space<vmem>>, vector<16xf32>,
      tpu.vector_store %arg7[%swap3A_244, %swap3A_245], %gather3A_242 {strides = array<i32>} : memref<32x1000xf32, #tpu.memory_space<vmem>>, vector<16xf32>,
      %broadcast_in_dim3A_247 = arith.constant 29 : i32
      %broadcast_in_dim3A_248 = vector.broadcast %broadcast_in_dim3A_247 : i32 to vector<16xi32>
      %gather3A_249 = tpu.vector_load_idx %arg6[%broadcast_in_dim3A_248, %get3A_46] : memref<32x1000xf32, #tpu.memory_space<vmem>>[vector<16xi32>, vector<16xi32>], vector<16xf32>,
      %swap3A_250 = arith.constant 29 : i32
      %swap3A_251 = arith.index_cast %swap3A_250 : i32 to index
      %swap3A_252 = arith.constant 984 : index
      %swap3A_253 = tpu.vector_load %arg7[%swap3A_251, %swap3A_252] {strides = array<i32>} : memref<32x1000xf32, #tpu.memory_space<vmem>>, vector<16xf32>,
      tpu.vector_store %arg7[%swap3A_251, %swap3A_252], %gather3A_249 {strides = array<i32>} : memref<32x1000xf32, #tpu.memory_space<vmem>>, vector<16xf32>,
      %broadcast_in_dim3A_254 = arith.constant 30 : i32
      %broadcast_in_dim3A_255 = vector.broadcast %broadcast_in_dim3A_254 : i32 to vector<16xi32>
      %gather3A_256 = tpu.vector_load_idx %arg6[%broadcast_in_dim3A_255, %get3A_46] : memref<32x1000xf32, #tpu.memory_space<vmem>>[vector<16xi32>, vector<16xi32>], vector<16xf32>,
      %swap3A_257 = arith.constant 30 : i32
      %swap3A_258 = arith.index_cast %swap3A_257 : i32 to index
      %swap3A_259 = arith.constant 984 : index
      %swap3A_260 = tpu.vector_load %arg7[%swap3A_258, %swap3A_259] {strides = array<i32>} : memref<32x1000xf32, #tpu.memory_space<vmem>>, vector<16xf32>,
      tpu.vector_store %arg7[%swap3A_258, %swap3A_259], %gather3A_256 {strides = array<i32>} : memref<32x1000xf32, #tpu.memory_space<vmem>>, vector<16xf32>,
      %broadcast_in_dim3A_261 = arith.constant 31 : i32
      %broadcast_in_dim3A_262 = vector.broadcast %broadcast_in_dim3A_261 : i32 to vector<16xi32>
      %gather3A_263 = tpu.vector_load_idx %arg6[%broadcast_in_dim3A_262, %get3A_46] : memref<32x1000xf32, #tpu.memory_space<vmem>>[vector<16xi32>, vector<16xi32>], vector<16xf32>,
      %swap3A_264 = arith.constant 31 : i32
      %swap3A_265 = arith.index_cast %swap3A_264 : i32 to index
      %swap3A_266 = arith.constant 984 : index
      %swap3A_267 = tpu.vector_load %arg7[%swap3A_265, %swap3A_266] {strides = array<i32>} : memref<32x1000xf32, #tpu.memory_space<vmem>>, vector<16xf32>,
      tpu.vector_store %arg7[%swap3A_265, %swap3A_266], %gather3A_263 {strides = array<i32>} : memref<32x1000xf32, #tpu.memory_space<vmem>>, vector<16xf32>,
      %dma_start3A = arith.constant 0 : i32
      %dma_start3A_268 = arith.constant 0 : i32
      %dma_start3A_269 = arith.constant 0 : i32
      %dma_start3A_270 = tpu.memref_slice %arg4[%select_n3A, %dma_start3A, %add3A_41, %dma_start3A_268, %dma_start3A_269] : memref<8x4x20x32x1000xf32, #tpu.memory_space<hbm>> -> memref<1x1x1x32x1000xf32, #tpu.memory_space<hbm>>
      %dma_start3A_271 = tpu.memref_squeeze %dma_start3A_270 : memref<1x1x1x32x1000xf32, #tpu.memory_space<hbm>> -> memref<32x1000xf32, #tpu.memory_space<hbm>>
      %dma_start3A_272 = arith.constant 0 : i32
      %dma_start3A_273 = arith.constant 0 : i32
      %dma_start3A_274 = tpu.memref_slice %arg4[%select_n3A, %dma_start3A, %add3A_41, %dma_start3A_272, %dma_start3A_273] : memref<8x4x20x32x1000xf32, #tpu.memory_space<hbm>> -> memref<1x1x1x32x1000xf32, #tpu.memory_space<hbm>>
      %dma_start3A_275 = tpu.memref_squeeze %dma_start3A_274 : memref<1x1x1x32x1000xf32, #tpu.memory_space<hbm>> -> memref<32x1000xf32, #tpu.memory_space<hbm>>
      tpu.enqueue_dma source(%arg7 : memref<32x1000xf32, #tpu.memory_space<vmem>>) target(%dma_start3A_275 : memref<32x1000xf32, #tpu.memory_space<hbm>>) target_semaphore(%arg9 : memref<!tpu.dma_semaphore, #tpu.memory_space<semaphore_mem>>)
      %parallel_loop3A_276 = arith.constant 0 : i32
      %parallel_loop3A_277 = arith.constant 992 : i32
      %parallel_loop3A_278 = arith.constant 16 : i32
      scf.for %parallel_loop3A_1031 = %parallel_loop3A_276 to %parallel_loop3A_277 step %parallel_loop3A_278  : i32 {
        %parallel_loop3A_1032 = tpu.assume_multiple %parallel_loop3A_1031, 16 : i32
        %parallel_loop3A_1033 = arith.constant 1 : i32
        %parallel_loop3A_1034 = arith.index_cast %parallel_loop3A_1033 : i32 to index
        %parallel_loop3A_1035 = arith.index_cast %parallel_loop3A_1032 : i32 to index
        %parallel_loop3A_1036 = tpu.vector_load %arg5[%parallel_loop3A_1034, %parallel_loop3A_1035] {strides = array<i32>} : memref<4x1000xi32, #tpu.memory_space<vmem>>, vector<16xi32>,
        %parallel_loop3A_1037 = arith.constant 0 : i32
        %parallel_loop3A_1038 = vector.broadcast %parallel_loop3A_1037 : i32 to vector<16xi32>
        %parallel_loop3A_1039 = tpu.vector_load_idx %arg6[%parallel_loop3A_1038, %parallel_loop3A_1036] : memref<32x1000xf32, #tpu.memory_space<vmem>>[vector<16xi32>, vector<16xi32>], vector<16xf32>,
        %parallel_loop3A_1040 = arith.constant 0 : i32
        %parallel_loop3A_1041 = arith.index_cast %parallel_loop3A_1040 : i32 to index
        %parallel_loop3A_1042 = arith.index_cast %parallel_loop3A_1032 : i32 to index
        %parallel_loop3A_1043 = tpu.vector_load %arg8[%parallel_loop3A_1041, %parallel_loop3A_1042] {strides = array<i32>} : memref<32x1000xf32, #tpu.memory_space<vmem>>, vector<16xf32>,
        tpu.vector_store %arg8[%parallel_loop3A_1041, %parallel_loop3A_1042], %parallel_loop3A_1039 {strides = array<i32>} : memref<32x1000xf32, #tpu.memory_space<vmem>>, vector<16xf32>,
        %parallel_loop3A_1044 = arith.constant 1 : i32
        %parallel_loop3A_1045 = vector.broadcast %parallel_loop3A_1044 : i32 to vector<16xi32>
        %parallel_loop3A_1046 = tpu.vector_load_idx %arg6[%parallel_loop3A_1045, %parallel_loop3A_1036] : memref<32x1000xf32, #tpu.memory_space<vmem>>[vector<16xi32>, vector<16xi32>], vector<16xf32>,
        %parallel_loop3A_1047 = arith.constant 1 : i32
        %parallel_loop3A_1048 = arith.index_cast %parallel_loop3A_1047 : i32 to index
        %parallel_loop3A_1049 = arith.index_cast %parallel_loop3A_1032 : i32 to index
        %parallel_loop3A_1050 = tpu.vector_load %arg8[%parallel_loop3A_1048, %parallel_loop3A_1049] {strides = array<i32>} : memref<32x1000xf32, #tpu.memory_space<vmem>>, vector<16xf32>,
        tpu.vector_store %arg8[%parallel_loop3A_1048, %parallel_loop3A_1049], %parallel_loop3A_1046 {strides = array<i32>} : memref<32x1000xf32, #tpu.memory_space<vmem>>, vector<16xf32>,
        %parallel_loop3A_1051 = arith.constant 2 : i32
        %parallel_loop3A_1052 = vector.broadcast %parallel_loop3A_1051 : i32 to vector<16xi32>
        %parallel_loop3A_1053 = tpu.vector_load_idx %arg6[%parallel_loop3A_1052, %parallel_loop3A_1036] : memref<32x1000xf32, #tpu.memory_space<vmem>>[vector<16xi32>, vector<16xi32>], vector<16xf32>,
        %parallel_loop3A_1054 = arith.constant 2 : i32
        %parallel_loop3A_1055 = arith.index_cast %parallel_loop3A_1054 : i32 to index
        %parallel_loop3A_1056 = arith.index_cast %parallel_loop3A_1032 : i32 to index
        %parallel_loop3A_1057 = tpu.vector_load %arg8[%parallel_loop3A_1055, %parallel_loop3A_1056] {strides = array<i32>} : memref<32x1000xf32, #tpu.memory_space<vmem>>, vector<16xf32>,
        tpu.vector_store %arg8[%parallel_loop3A_1055, %parallel_loop3A_1056], %parallel_loop3A_1053 {strides = array<i32>} : memref<32x1000xf32, #tpu.memory_space<vmem>>, vector<16xf32>,
        %parallel_loop3A_1058 = arith.constant 3 : i32
        %parallel_loop3A_1059 = vector.broadcast %parallel_loop3A_1058 : i32 to vector<16xi32>
        %parallel_loop3A_1060 = tpu.vector_load_idx %arg6[%parallel_loop3A_1059, %parallel_loop3A_1036] : memref<32x1000xf32, #tpu.memory_space<vmem>>[vector<16xi32>, vector<16xi32>], vector<16xf32>,
        %parallel_loop3A_1061 = arith.constant 3 : i32
        %parallel_loop3A_1062 = arith.index_cast %parallel_loop3A_1061 : i32 to index
        %parallel_loop3A_1063 = arith.index_cast %parallel_loop3A_1032 : i32 to index
        %parallel_loop3A_1064 = tpu.vector_load %arg8[%parallel_loop3A_1062, %parallel_loop3A_1063] {strides = array<i32>} : memref<32x1000xf32, #tpu.memory_space<vmem>>, vector<16xf32>,
        tpu.vector_store %arg8[%parallel_loop3A_1062, %parallel_loop3A_1063], %parallel_loop3A_1060 {strides = array<i32>} : memref<32x1000xf32, #tpu.memory_space<vmem>>, vector<16xf32>,
        %parallel_loop3A_1065 = arith.constant 4 : i32
        %parallel_loop3A_1066 = vector.broadcast %parallel_loop3A_1065 : i32 to vector<16xi32>
        %parallel_loop3A_1067 = tpu.vector_load_idx %arg6[%parallel_loop3A_1066, %parallel_loop3A_1036] : memref<32x1000xf32, #tpu.memory_space<vmem>>[vector<16xi32>, vector<16xi32>], vector<16xf32>,
        %parallel_loop3A_1068 = arith.constant 4 : i32
        %parallel_loop3A_1069 = arith.index_cast %parallel_loop3A_1068 : i32 to index
        %parallel_loop3A_1070 = arith.index_cast %parallel_loop3A_1032 : i32 to index
        %parallel_loop3A_1071 = tpu.vector_load %arg8[%parallel_loop3A_1069, %parallel_loop3A_1070] {strides = array<i32>} : memref<32x1000xf32, #tpu.memory_space<vmem>>, vector<16xf32>,
        tpu.vector_store %arg8[%parallel_loop3A_1069, %parallel_loop3A_1070], %parallel_loop3A_1067 {strides = array<i32>} : memref<32x1000xf32, #tpu.memory_space<vmem>>, vector<16xf32>,
        %parallel_loop3A_1072 = arith.constant 5 : i32
        %parallel_loop3A_1073 = vector.broadcast %parallel_loop3A_1072 : i32 to vector<16xi32>
        %parallel_loop3A_1074 = tpu.vector_load_idx %arg6[%parallel_loop3A_1073, %parallel_loop3A_1036] : memref<32x1000xf32, #tpu.memory_space<vmem>>[vector<16xi32>, vector<16xi32>], vector<16xf32>,
        %parallel_loop3A_1075 = arith.constant 5 : i32
        %parallel_loop3A_1076 = arith.index_cast %parallel_loop3A_1075 : i32 to index
        %parallel_loop3A_1077 = arith.index_cast %parallel_loop3A_1032 : i32 to index
        %parallel_loop3A_1078 = tpu.vector_load %arg8[%parallel_loop3A_1076, %parallel_loop3A_1077] {strides = array<i32>} : memref<32x1000xf32, #tpu.memory_space<vmem>>, vector<16xf32>,
        tpu.vector_store %arg8[%parallel_loop3A_1076, %parallel_loop3A_1077], %parallel_loop3A_1074 {strides = array<i32>} : memref<32x1000xf32, #tpu.memory_space<vmem>>, vector<16xf32>,
        %parallel_loop3A_1079 = arith.constant 6 : i32
        %parallel_loop3A_1080 = vector.broadcast %parallel_loop3A_1079 : i32 to vector<16xi32>
        %parallel_loop3A_1081 = tpu.vector_load_idx %arg6[%parallel_loop3A_1080, %parallel_loop3A_1036] : memref<32x1000xf32, #tpu.memory_space<vmem>>[vector<16xi32>, vector<16xi32>], vector<16xf32>,
        %parallel_loop3A_1082 = arith.constant 6 : i32
        %parallel_loop3A_1083 = arith.index_cast %parallel_loop3A_1082 : i32 to index
        %parallel_loop3A_1084 = arith.index_cast %parallel_loop3A_1032 : i32 to index
        %parallel_loop3A_1085 = tpu.vector_load %arg8[%parallel_loop3A_1083, %parallel_loop3A_1084] {strides = array<i32>} : memref<32x1000xf32, #tpu.memory_space<vmem>>, vector<16xf32>,
        tpu.vector_store %arg8[%parallel_loop3A_1083, %parallel_loop3A_1084], %parallel_loop3A_1081 {strides = array<i32>} : memref<32x1000xf32, #tpu.memory_space<vmem>>, vector<16xf32>,
        %parallel_loop3A_1086 = arith.constant 7 : i32
        %parallel_loop3A_1087 = vector.broadcast %parallel_loop3A_1086 : i32 to vector<16xi32>
        %parallel_loop3A_1088 = tpu.vector_load_idx %arg6[%parallel_loop3A_1087, %parallel_loop3A_1036] : memref<32x1000xf32, #tpu.memory_space<vmem>>[vector<16xi32>, vector<16xi32>], vector<16xf32>,
        %parallel_loop3A_1089 = arith.constant 7 : i32
        %parallel_loop3A_1090 = arith.index_cast %parallel_loop3A_1089 : i32 to index
        %parallel_loop3A_1091 = arith.index_cast %parallel_loop3A_1032 : i32 to index
        %parallel_loop3A_1092 = tpu.vector_load %arg8[%parallel_loop3A_1090, %parallel_loop3A_1091] {strides = array<i32>} : memref<32x1000xf32, #tpu.memory_space<vmem>>, vector<16xf32>,
        tpu.vector_store %arg8[%parallel_loop3A_1090, %parallel_loop3A_1091], %parallel_loop3A_1088 {strides = array<i32>} : memref<32x1000xf32, #tpu.memory_space<vmem>>, vector<16xf32>,
        %parallel_loop3A_1093 = arith.constant 8 : i32
        %parallel_loop3A_1094 = vector.broadcast %parallel_loop3A_1093 : i32 to vector<16xi32>
        %parallel_loop3A_1095 = tpu.vector_load_idx %arg6[%parallel_loop3A_1094, %parallel_loop3A_1036] : memref<32x1000xf32, #tpu.memory_space<vmem>>[vector<16xi32>, vector<16xi32>], vector<16xf32>,
        %parallel_loop3A_1096 = arith.constant 8 : i32
        %parallel_loop3A_1097 = arith.index_cast %parallel_loop3A_1096 : i32 to index
        %parallel_loop3A_1098 = arith.index_cast %parallel_loop3A_1032 : i32 to index
        %parallel_loop3A_1099 = tpu.vector_load %arg8[%parallel_loop3A_1097, %parallel_loop3A_1098] {strides = array<i32>} : memref<32x1000xf32, #tpu.memory_space<vmem>>, vector<16xf32>,
        tpu.vector_store %arg8[%parallel_loop3A_1097, %parallel_loop3A_1098], %parallel_loop3A_1095 {strides = array<i32>} : memref<32x1000xf32, #tpu.memory_space<vmem>>, vector<16xf32>,
        %parallel_loop3A_1100 = arith.constant 9 : i32
        %parallel_loop3A_1101 = vector.broadcast %parallel_loop3A_1100 : i32 to vector<16xi32>
        %parallel_loop3A_1102 = tpu.vector_load_idx %arg6[%parallel_loop3A_1101, %parallel_loop3A_1036] : memref<32x1000xf32, #tpu.memory_space<vmem>>[vector<16xi32>, vector<16xi32>], vector<16xf32>,
        %parallel_loop3A_1103 = arith.constant 9 : i32
        %parallel_loop3A_1104 = arith.index_cast %parallel_loop3A_1103 : i32 to index
        %parallel_loop3A_1105 = arith.index_cast %parallel_loop3A_1032 : i32 to index
        %parallel_loop3A_1106 = tpu.vector_load %arg8[%parallel_loop3A_1104, %parallel_loop3A_1105] {strides = array<i32>} : memref<32x1000xf32, #tpu.memory_space<vmem>>, vector<16xf32>,
        tpu.vector_store %arg8[%parallel_loop3A_1104, %parallel_loop3A_1105], %parallel_loop3A_1102 {strides = array<i32>} : memref<32x1000xf32, #tpu.memory_space<vmem>>, vector<16xf32>,
        %parallel_loop3A_1107 = arith.constant 10 : i32
        %parallel_loop3A_1108 = vector.broadcast %parallel_loop3A_1107 : i32 to vector<16xi32>
        %parallel_loop3A_1109 = tpu.vector_load_idx %arg6[%parallel_loop3A_1108, %parallel_loop3A_1036] : memref<32x1000xf32, #tpu.memory_space<vmem>>[vector<16xi32>, vector<16xi32>], vector<16xf32>,
        %parallel_loop3A_1110 = arith.constant 10 : i32
        %parallel_loop3A_1111 = arith.index_cast %parallel_loop3A_1110 : i32 to index
        %parallel_loop3A_1112 = arith.index_cast %parallel_loop3A_1032 : i32 to index
        %parallel_loop3A_1113 = tpu.vector_load %arg8[%parallel_loop3A_1111, %parallel_loop3A_1112] {strides = array<i32>} : memref<32x1000xf32, #tpu.memory_space<vmem>>, vector<16xf32>,
        tpu.vector_store %arg8[%parallel_loop3A_1111, %parallel_loop3A_1112], %parallel_loop3A_1109 {strides = array<i32>} : memref<32x1000xf32, #tpu.memory_space<vmem>>, vector<16xf32>,
        %parallel_loop3A_1114 = arith.constant 11 : i32
        %parallel_loop3A_1115 = vector.broadcast %parallel_loop3A_1114 : i32 to vector<16xi32>
        %parallel_loop3A_1116 = tpu.vector_load_idx %arg6[%parallel_loop3A_1115, %parallel_loop3A_1036] : memref<32x1000xf32, #tpu.memory_space<vmem>>[vector<16xi32>, vector<16xi32>], vector<16xf32>,
        %parallel_loop3A_1117 = arith.constant 11 : i32
        %parallel_loop3A_1118 = arith.index_cast %parallel_loop3A_1117 : i32 to index
        %parallel_loop3A_1119 = arith.index_cast %parallel_loop3A_1032 : i32 to index
        %parallel_loop3A_1120 = tpu.vector_load %arg8[%parallel_loop3A_1118, %parallel_loop3A_1119] {strides = array<i32>} : memref<32x1000xf32, #tpu.memory_space<vmem>>, vector<16xf32>,
        tpu.vector_store %arg8[%parallel_loop3A_1118, %parallel_loop3A_1119], %parallel_loop3A_1116 {strides = array<i32>} : memref<32x1000xf32, #tpu.memory_space<vmem>>, vector<16xf32>,
        %parallel_loop3A_1121 = arith.constant 12 : i32
        %parallel_loop3A_1122 = vector.broadcast %parallel_loop3A_1121 : i32 to vector<16xi32>
        %parallel_loop3A_1123 = tpu.vector_load_idx %arg6[%parallel_loop3A_1122, %parallel_loop3A_1036] : memref<32x1000xf32, #tpu.memory_space<vmem>>[vector<16xi32>, vector<16xi32>], vector<16xf32>,
        %parallel_loop3A_1124 = arith.constant 12 : i32
        %parallel_loop3A_1125 = arith.index_cast %parallel_loop3A_1124 : i32 to index
        %parallel_loop3A_1126 = arith.index_cast %parallel_loop3A_1032 : i32 to index
        %parallel_loop3A_1127 = tpu.vector_load %arg8[%parallel_loop3A_1125, %parallel_loop3A_1126] {strides = array<i32>} : memref<32x1000xf32, #tpu.memory_space<vmem>>, vector<16xf32>,
        tpu.vector_store %arg8[%parallel_loop3A_1125, %parallel_loop3A_1126], %parallel_loop3A_1123 {strides = array<i32>} : memref<32x1000xf32, #tpu.memory_space<vmem>>, vector<16xf32>,
        %parallel_loop3A_1128 = arith.constant 13 : i32
        %parallel_loop3A_1129 = vector.broadcast %parallel_loop3A_1128 : i32 to vector<16xi32>
        %parallel_loop3A_1130 = tpu.vector_load_idx %arg6[%parallel_loop3A_1129, %parallel_loop3A_1036] : memref<32x1000xf32, #tpu.memory_space<vmem>>[vector<16xi32>, vector<16xi32>], vector<16xf32>,
        %parallel_loop3A_1131 = arith.constant 13 : i32
        %parallel_loop3A_1132 = arith.index_cast %parallel_loop3A_1131 : i32 to index
        %parallel_loop3A_1133 = arith.index_cast %parallel_loop3A_1032 : i32 to index
        %parallel_loop3A_1134 = tpu.vector_load %arg8[%parallel_loop3A_1132, %parallel_loop3A_1133] {strides = array<i32>} : memref<32x1000xf32, #tpu.memory_space<vmem>>, vector<16xf32>,
        tpu.vector_store %arg8[%parallel_loop3A_1132, %parallel_loop3A_1133], %parallel_loop3A_1130 {strides = array<i32>} : memref<32x1000xf32, #tpu.memory_space<vmem>>, vector<16xf32>,
        %parallel_loop3A_1135 = arith.constant 14 : i32
        %parallel_loop3A_1136 = vector.broadcast %parallel_loop3A_1135 : i32 to vector<16xi32>
        %parallel_loop3A_1137 = tpu.vector_load_idx %arg6[%parallel_loop3A_1136, %parallel_loop3A_1036] : memref<32x1000xf32, #tpu.memory_space<vmem>>[vector<16xi32>, vector<16xi32>], vector<16xf32>,
        %parallel_loop3A_1138 = arith.constant 14 : i32
        %parallel_loop3A_1139 = arith.index_cast %parallel_loop3A_1138 : i32 to index
        %parallel_loop3A_1140 = arith.index_cast %parallel_loop3A_1032 : i32 to index
        %parallel_loop3A_1141 = tpu.vector_load %arg8[%parallel_loop3A_1139, %parallel_loop3A_1140] {strides = array<i32>} : memref<32x1000xf32, #tpu.memory_space<vmem>>, vector<16xf32>,
        tpu.vector_store %arg8[%parallel_loop3A_1139, %parallel_loop3A_1140], %parallel_loop3A_1137 {strides = array<i32>} : memref<32x1000xf32, #tpu.memory_space<vmem>>, vector<16xf32>,
        %parallel_loop3A_1142 = arith.constant 15 : i32
        %parallel_loop3A_1143 = vector.broadcast %parallel_loop3A_1142 : i32 to vector<16xi32>
        %parallel_loop3A_1144 = tpu.vector_load_idx %arg6[%parallel_loop3A_1143, %parallel_loop3A_1036] : memref<32x1000xf32, #tpu.memory_space<vmem>>[vector<16xi32>, vector<16xi32>], vector<16xf32>,
        %parallel_loop3A_1145 = arith.constant 15 : i32
        %parallel_loop3A_1146 = arith.index_cast %parallel_loop3A_1145 : i32 to index
        %parallel_loop3A_1147 = arith.index_cast %parallel_loop3A_1032 : i32 to index
        %parallel_loop3A_1148 = tpu.vector_load %arg8[%parallel_loop3A_1146, %parallel_loop3A_1147] {strides = array<i32>} : memref<32x1000xf32, #tpu.memory_space<vmem>>, vector<16xf32>,
        tpu.vector_store %arg8[%parallel_loop3A_1146, %parallel_loop3A_1147], %parallel_loop3A_1144 {strides = array<i32>} : memref<32x1000xf32, #tpu.memory_space<vmem>>, vector<16xf32>,
        %parallel_loop3A_1149 = arith.constant 16 : i32
        %parallel_loop3A_1150 = vector.broadcast %parallel_loop3A_1149 : i32 to vector<16xi32>
        %parallel_loop3A_1151 = tpu.vector_load_idx %arg6[%parallel_loop3A_1150, %parallel_loop3A_1036] : memref<32x1000xf32, #tpu.memory_space<vmem>>[vector<16xi32>, vector<16xi32>], vector<16xf32>,
        %parallel_loop3A_1152 = arith.constant 16 : i32
        %parallel_loop3A_1153 = arith.index_cast %parallel_loop3A_1152 : i32 to index
        %parallel_loop3A_1154 = arith.index_cast %parallel_loop3A_1032 : i32 to index
        %parallel_loop3A_1155 = tpu.vector_load %arg8[%parallel_loop3A_1153, %parallel_loop3A_1154] {strides = array<i32>} : memref<32x1000xf32, #tpu.memory_space<vmem>>, vector<16xf32>,
        tpu.vector_store %arg8[%parallel_loop3A_1153, %parallel_loop3A_1154], %parallel_loop3A_1151 {strides = array<i32>} : memref<32x1000xf32, #tpu.memory_space<vmem>>, vector<16xf32>,
        %parallel_loop3A_1156 = arith.constant 17 : i32
        %parallel_loop3A_1157 = vector.broadcast %parallel_loop3A_1156 : i32 to vector<16xi32>
        %parallel_loop3A_1158 = tpu.vector_load_idx %arg6[%parallel_loop3A_1157, %parallel_loop3A_1036] : memref<32x1000xf32, #tpu.memory_space<vmem>>[vector<16xi32>, vector<16xi32>], vector<16xf32>,
        %parallel_loop3A_1159 = arith.constant 17 : i32
        %parallel_loop3A_1160 = arith.index_cast %parallel_loop3A_1159 : i32 to index
        %parallel_loop3A_1161 = arith.index_cast %parallel_loop3A_1032 : i32 to index
        %parallel_loop3A_1162 = tpu.vector_load %arg8[%parallel_loop3A_1160, %parallel_loop3A_1161] {strides = array<i32>} : memref<32x1000xf32, #tpu.memory_space<vmem>>, vector<16xf32>,
        tpu.vector_store %arg8[%parallel_loop3A_1160, %parallel_loop3A_1161], %parallel_loop3A_1158 {strides = array<i32>} : memref<32x1000xf32, #tpu.memory_space<vmem>>, vector<16xf32>,
        %parallel_loop3A_1163 = arith.constant 18 : i32
        %parallel_loop3A_1164 = vector.broadcast %parallel_loop3A_1163 : i32 to vector<16xi32>
        %parallel_loop3A_1165 = tpu.vector_load_idx %arg6[%parallel_loop3A_1164, %parallel_loop3A_1036] : memref<32x1000xf32, #tpu.memory_space<vmem>>[vector<16xi32>, vector<16xi32>], vector<16xf32>,
        %parallel_loop3A_1166 = arith.constant 18 : i32
        %parallel_loop3A_1167 = arith.index_cast %parallel_loop3A_1166 : i32 to index
        %parallel_loop3A_1168 = arith.index_cast %parallel_loop3A_1032 : i32 to index
        %parallel_loop3A_1169 = tpu.vector_load %arg8[%parallel_loop3A_1167, %parallel_loop3A_1168] {strides = array<i32>} : memref<32x1000xf32, #tpu.memory_space<vmem>>, vector<16xf32>,
        tpu.vector_store %arg8[%parallel_loop3A_1167, %parallel_loop3A_1168], %parallel_loop3A_1165 {strides = array<i32>} : memref<32x1000xf32, #tpu.memory_space<vmem>>, vector<16xf32>,
        %parallel_loop3A_1170 = arith.constant 19 : i32
        %parallel_loop3A_1171 = vector.broadcast %parallel_loop3A_1170 : i32 to vector<16xi32>
        %parallel_loop3A_1172 = tpu.vector_load_idx %arg6[%parallel_loop3A_1171, %parallel_loop3A_1036] : memref<32x1000xf32, #tpu.memory_space<vmem>>[vector<16xi32>, vector<16xi32>], vector<16xf32>,
        %parallel_loop3A_1173 = arith.constant 19 : i32
        %parallel_loop3A_1174 = arith.index_cast %parallel_loop3A_1173 : i32 to index
        %parallel_loop3A_1175 = arith.index_cast %parallel_loop3A_1032 : i32 to index
        %parallel_loop3A_1176 = tpu.vector_load %arg8[%parallel_loop3A_1174, %parallel_loop3A_1175] {strides = array<i32>} : memref<32x1000xf32, #tpu.memory_space<vmem>>, vector<16xf32>,
        tpu.vector_store %arg8[%parallel_loop3A_1174, %parallel_loop3A_1175], %parallel_loop3A_1172 {strides = array<i32>} : memref<32x1000xf32, #tpu.memory_space<vmem>>, vector<16xf32>,
        %parallel_loop3A_1177 = arith.constant 20 : i32
        %parallel_loop3A_1178 = vector.broadcast %parallel_loop3A_1177 : i32 to vector<16xi32>
        %parallel_loop3A_1179 = tpu.vector_load_idx %arg6[%parallel_loop3A_1178, %parallel_loop3A_1036] : memref<32x1000xf32, #tpu.memory_space<vmem>>[vector<16xi32>, vector<16xi32>], vector<16xf32>,
        %parallel_loop3A_1180 = arith.constant 20 : i32
        %parallel_loop3A_1181 = arith.index_cast %parallel_loop3A_1180 : i32 to index
        %parallel_loop3A_1182 = arith.index_cast %parallel_loop3A_1032 : i32 to index
        %parallel_loop3A_1183 = tpu.vector_load %arg8[%parallel_loop3A_1181, %parallel_loop3A_1182] {strides = array<i32>} : memref<32x1000xf32, #tpu.memory_space<vmem>>, vector<16xf32>,
        tpu.vector_store %arg8[%parallel_loop3A_1181, %parallel_loop3A_1182], %parallel_loop3A_1179 {strides = array<i32>} : memref<32x1000xf32, #tpu.memory_space<vmem>>, vector<16xf32>,
        %parallel_loop3A_1184 = arith.constant 21 : i32
        %parallel_loop3A_1185 = vector.broadcast %parallel_loop3A_1184 : i32 to vector<16xi32>
        %parallel_loop3A_1186 = tpu.vector_load_idx %arg6[%parallel_loop3A_1185, %parallel_loop3A_1036] : memref<32x1000xf32, #tpu.memory_space<vmem>>[vector<16xi32>, vector<16xi32>], vector<16xf32>,
        %parallel_loop3A_1187 = arith.constant 21 : i32
        %parallel_loop3A_1188 = arith.index_cast %parallel_loop3A_1187 : i32 to index
        %parallel_loop3A_1189 = arith.index_cast %parallel_loop3A_1032 : i32 to index
        %parallel_loop3A_1190 = tpu.vector_load %arg8[%parallel_loop3A_1188, %parallel_loop3A_1189] {strides = array<i32>} : memref<32x1000xf32, #tpu.memory_space<vmem>>, vector<16xf32>,
        tpu.vector_store %arg8[%parallel_loop3A_1188, %parallel_loop3A_1189], %parallel_loop3A_1186 {strides = array<i32>} : memref<32x1000xf32, #tpu.memory_space<vmem>>, vector<16xf32>,
        %parallel_loop3A_1191 = arith.constant 22 : i32
        %parallel_loop3A_1192 = vector.broadcast %parallel_loop3A_1191 : i32 to vector<16xi32>
        %parallel_loop3A_1193 = tpu.vector_load_idx %arg6[%parallel_loop3A_1192, %parallel_loop3A_1036] : memref<32x1000xf32, #tpu.memory_space<vmem>>[vector<16xi32>, vector<16xi32>], vector<16xf32>,
        %parallel_loop3A_1194 = arith.constant 22 : i32
        %parallel_loop3A_1195 = arith.index_cast %parallel_loop3A_1194 : i32 to index
        %parallel_loop3A_1196 = arith.index_cast %parallel_loop3A_1032 : i32 to index
        %parallel_loop3A_1197 = tpu.vector_load %arg8[%parallel_loop3A_1195, %parallel_loop3A_1196] {strides = array<i32>} : memref<32x1000xf32, #tpu.memory_space<vmem>>, vector<16xf32>,
        tpu.vector_store %arg8[%parallel_loop3A_1195, %parallel_loop3A_1196], %parallel_loop3A_1193 {strides = array<i32>} : memref<32x1000xf32, #tpu.memory_space<vmem>>, vector<16xf32>,
        %parallel_loop3A_1198 = arith.constant 23 : i32
        %parallel_loop3A_1199 = vector.broadcast %parallel_loop3A_1198 : i32 to vector<16xi32>
        %parallel_loop3A_1200 = tpu.vector_load_idx %arg6[%parallel_loop3A_1199, %parallel_loop3A_1036] : memref<32x1000xf32, #tpu.memory_space<vmem>>[vector<16xi32>, vector<16xi32>], vector<16xf32>,
        %parallel_loop3A_1201 = arith.constant 23 : i32
        %parallel_loop3A_1202 = arith.index_cast %parallel_loop3A_1201 : i32 to index
        %parallel_loop3A_1203 = arith.index_cast %parallel_loop3A_1032 : i32 to index
        %parallel_loop3A_1204 = tpu.vector_load %arg8[%parallel_loop3A_1202, %parallel_loop3A_1203] {strides = array<i32>} : memref<32x1000xf32, #tpu.memory_space<vmem>>, vector<16xf32>,
        tpu.vector_store %arg8[%parallel_loop3A_1202, %parallel_loop3A_1203], %parallel_loop3A_1200 {strides = array<i32>} : memref<32x1000xf32, #tpu.memory_space<vmem>>, vector<16xf32>,
        %parallel_loop3A_1205 = arith.constant 24 : i32
        %parallel_loop3A_1206 = vector.broadcast %parallel_loop3A_1205 : i32 to vector<16xi32>
        %parallel_loop3A_1207 = tpu.vector_load_idx %arg6[%parallel_loop3A_1206, %parallel_loop3A_1036] : memref<32x1000xf32, #tpu.memory_space<vmem>>[vector<16xi32>, vector<16xi32>], vector<16xf32>,
        %parallel_loop3A_1208 = arith.constant 24 : i32
        %parallel_loop3A_1209 = arith.index_cast %parallel_loop3A_1208 : i32 to index
        %parallel_loop3A_1210 = arith.index_cast %parallel_loop3A_1032 : i32 to index
        %parallel_loop3A_1211 = tpu.vector_load %arg8[%parallel_loop3A_1209, %parallel_loop3A_1210] {strides = array<i32>} : memref<32x1000xf32, #tpu.memory_space<vmem>>, vector<16xf32>,
        tpu.vector_store %arg8[%parallel_loop3A_1209, %parallel_loop3A_1210], %parallel_loop3A_1207 {strides = array<i32>} : memref<32x1000xf32, #tpu.memory_space<vmem>>, vector<16xf32>,
        %parallel_loop3A_1212 = arith.constant 25 : i32
        %parallel_loop3A_1213 = vector.broadcast %parallel_loop3A_1212 : i32 to vector<16xi32>
        %parallel_loop3A_1214 = tpu.vector_load_idx %arg6[%parallel_loop3A_1213, %parallel_loop3A_1036] : memref<32x1000xf32, #tpu.memory_space<vmem>>[vector<16xi32>, vector<16xi32>], vector<16xf32>,
        %parallel_loop3A_1215 = arith.constant 25 : i32
        %parallel_loop3A_1216 = arith.index_cast %parallel_loop3A_1215 : i32 to index
        %parallel_loop3A_1217 = arith.index_cast %parallel_loop3A_1032 : i32 to index
        %parallel_loop3A_1218 = tpu.vector_load %arg8[%parallel_loop3A_1216, %parallel_loop3A_1217] {strides = array<i32>} : memref<32x1000xf32, #tpu.memory_space<vmem>>, vector<16xf32>,
        tpu.vector_store %arg8[%parallel_loop3A_1216, %parallel_loop3A_1217], %parallel_loop3A_1214 {strides = array<i32>} : memref<32x1000xf32, #tpu.memory_space<vmem>>, vector<16xf32>,
        %parallel_loop3A_1219 = arith.constant 26 : i32
        %parallel_loop3A_1220 = vector.broadcast %parallel_loop3A_1219 : i32 to vector<16xi32>
        %parallel_loop3A_1221 = tpu.vector_load_idx %arg6[%parallel_loop3A_1220, %parallel_loop3A_1036] : memref<32x1000xf32, #tpu.memory_space<vmem>>[vector<16xi32>, vector<16xi32>], vector<16xf32>,
        %parallel_loop3A_1222 = arith.constant 26 : i32
        %parallel_loop3A_1223 = arith.index_cast %parallel_loop3A_1222 : i32 to index
        %parallel_loop3A_1224 = arith.index_cast %parallel_loop3A_1032 : i32 to index
        %parallel_loop3A_1225 = tpu.vector_load %arg8[%parallel_loop3A_1223, %parallel_loop3A_1224] {strides = array<i32>} : memref<32x1000xf32, #tpu.memory_space<vmem>>, vector<16xf32>,
        tpu.vector_store %arg8[%parallel_loop3A_1223, %parallel_loop3A_1224], %parallel_loop3A_1221 {strides = array<i32>} : memref<32x1000xf32, #tpu.memory_space<vmem>>, vector<16xf32>,
        %parallel_loop3A_1226 = arith.constant 27 : i32
        %parallel_loop3A_1227 = vector.broadcast %parallel_loop3A_1226 : i32 to vector<16xi32>
        %parallel_loop3A_1228 = tpu.vector_load_idx %arg6[%parallel_loop3A_1227, %parallel_loop3A_1036] : memref<32x1000xf32, #tpu.memory_space<vmem>>[vector<16xi32>, vector<16xi32>], vector<16xf32>,
        %parallel_loop3A_1229 = arith.constant 27 : i32
        %parallel_loop3A_1230 = arith.index_cast %parallel_loop3A_1229 : i32 to index
        %parallel_loop3A_1231 = arith.index_cast %parallel_loop3A_1032 : i32 to index
        %parallel_loop3A_1232 = tpu.vector_load %arg8[%parallel_loop3A_1230, %parallel_loop3A_1231] {strides = array<i32>} : memref<32x1000xf32, #tpu.memory_space<vmem>>, vector<16xf32>,
        tpu.vector_store %arg8[%parallel_loop3A_1230, %parallel_loop3A_1231], %parallel_loop3A_1228 {strides = array<i32>} : memref<32x1000xf32, #tpu.memory_space<vmem>>, vector<16xf32>,
        %parallel_loop3A_1233 = arith.constant 28 : i32
        %parallel_loop3A_1234 = vector.broadcast %parallel_loop3A_1233 : i32 to vector<16xi32>
        %parallel_loop3A_1235 = tpu.vector_load_idx %arg6[%parallel_loop3A_1234, %parallel_loop3A_1036] : memref<32x1000xf32, #tpu.memory_space<vmem>>[vector<16xi32>, vector<16xi32>], vector<16xf32>,
        %parallel_loop3A_1236 = arith.constant 28 : i32
        %parallel_loop3A_1237 = arith.index_cast %parallel_loop3A_1236 : i32 to index
        %parallel_loop3A_1238 = arith.index_cast %parallel_loop3A_1032 : i32 to index
        %parallel_loop3A_1239 = tpu.vector_load %arg8[%parallel_loop3A_1237, %parallel_loop3A_1238] {strides = array<i32>} : memref<32x1000xf32, #tpu.memory_space<vmem>>, vector<16xf32>,
        tpu.vector_store %arg8[%parallel_loop3A_1237, %parallel_loop3A_1238], %parallel_loop3A_1235 {strides = array<i32>} : memref<32x1000xf32, #tpu.memory_space<vmem>>, vector<16xf32>,
        %parallel_loop3A_1240 = arith.constant 29 : i32
        %parallel_loop3A_1241 = vector.broadcast %parallel_loop3A_1240 : i32 to vector<16xi32>
        %parallel_loop3A_1242 = tpu.vector_load_idx %arg6[%parallel_loop3A_1241, %parallel_loop3A_1036] : memref<32x1000xf32, #tpu.memory_space<vmem>>[vector<16xi32>, vector<16xi32>], vector<16xf32>,
        %parallel_loop3A_1243 = arith.constant 29 : i32
        %parallel_loop3A_1244 = arith.index_cast %parallel_loop3A_1243 : i32 to index
        %parallel_loop3A_1245 = arith.index_cast %parallel_loop3A_1032 : i32 to index
        %parallel_loop3A_1246 = tpu.vector_load %arg8[%parallel_loop3A_1244, %parallel_loop3A_1245] {strides = array<i32>} : memref<32x1000xf32, #tpu.memory_space<vmem>>, vector<16xf32>,
        tpu.vector_store %arg8[%parallel_loop3A_1244, %parallel_loop3A_1245], %parallel_loop3A_1242 {strides = array<i32>} : memref<32x1000xf32, #tpu.memory_space<vmem>>, vector<16xf32>,
        %parallel_loop3A_1247 = arith.constant 30 : i32
        %parallel_loop3A_1248 = vector.broadcast %parallel_loop3A_1247 : i32 to vector<16xi32>
        %parallel_loop3A_1249 = tpu.vector_load_idx %arg6[%parallel_loop3A_1248, %parallel_loop3A_1036] : memref<32x1000xf32, #tpu.memory_space<vmem>>[vector<16xi32>, vector<16xi32>], vector<16xf32>,
        %parallel_loop3A_1250 = arith.constant 30 : i32
        %parallel_loop3A_1251 = arith.index_cast %parallel_loop3A_1250 : i32 to index
        %parallel_loop3A_1252 = arith.index_cast %parallel_loop3A_1032 : i32 to index
        %parallel_loop3A_1253 = tpu.vector_load %arg8[%parallel_loop3A_1251, %parallel_loop3A_1252] {strides = array<i32>} : memref<32x1000xf32, #tpu.memory_space<vmem>>, vector<16xf32>,
        tpu.vector_store %arg8[%parallel_loop3A_1251, %parallel_loop3A_1252], %parallel_loop3A_1249 {strides = array<i32>} : memref<32x1000xf32, #tpu.memory_space<vmem>>, vector<16xf32>,
        %parallel_loop3A_1254 = arith.constant 31 : i32
        %parallel_loop3A_1255 = vector.broadcast %parallel_loop3A_1254 : i32 to vector<16xi32>
        %parallel_loop3A_1256 = tpu.vector_load_idx %arg6[%parallel_loop3A_1255, %parallel_loop3A_1036] : memref<32x1000xf32, #tpu.memory_space<vmem>>[vector<16xi32>, vector<16xi32>], vector<16xf32>,
        %parallel_loop3A_1257 = arith.constant 31 : i32
        %parallel_loop3A_1258 = arith.index_cast %parallel_loop3A_1257 : i32 to index
        %parallel_loop3A_1259 = arith.index_cast %parallel_loop3A_1032 : i32 to index
        %parallel_loop3A_1260 = tpu.vector_load %arg8[%parallel_loop3A_1258, %parallel_loop3A_1259] {strides = array<i32>} : memref<32x1000xf32, #tpu.memory_space<vmem>>, vector<16xf32>,
        tpu.vector_store %arg8[%parallel_loop3A_1258, %parallel_loop3A_1259], %parallel_loop3A_1256 {strides = array<i32>} : memref<32x1000xf32, #tpu.memory_space<vmem>>, vector<16xf32>,
      } {sc.loop_unroll_factor = 1 : i64, sc.parallel_access}
      %get3A_279 = arith.constant 1 : i32
      %get3A_280 = arith.index_cast %get3A_279 : i32 to index
      %get3A_281 = arith.constant 984 : index
      %get3A_282 = tpu.vector_load %arg5[%get3A_280, %get3A_281] {strides = array<i32>} : memref<4x1000xi32, #tpu.memory_space<vmem>>, vector<16xi32>,
      %broadcast_in_dim3A_283 = arith.constant 0 : i32
      %broadcast_in_dim3A_284 = vector.broadcast %broadcast_in_dim3A_283 : i32 to vector<16xi32>
      %gather3A_285 = tpu.vector_load_idx %arg6[%broadcast_in_dim3A_284, %get3A_282] : memref<32x1000xf32, #tpu.memory_space<vmem>>[vector<16xi32>, vector<16xi32>], vector<16xf32>,
      %swap3A_286 = arith.constant 0 : i32
      %swap3A_287 = arith.index_cast %swap3A_286 : i32 to index
      %swap3A_288 = arith.constant 984 : index
      %swap3A_289 = tpu.vector_load %arg8[%swap3A_287, %swap3A_288] {strides = array<i32>} : memref<32x1000xf32, #tpu.memory_space<vmem>>, vector<16xf32>,
      tpu.vector_store %arg8[%swap3A_287, %swap3A_288], %gather3A_285 {strides = array<i32>} : memref<32x1000xf32, #tpu.memory_space<vmem>>, vector<16xf32>,
      %broadcast_in_dim3A_290 = arith.constant 1 : i32
      %broadcast_in_dim3A_291 = vector.broadcast %broadcast_in_dim3A_290 : i32 to vector<16xi32>
      %gather3A_292 = tpu.vector_load_idx %arg6[%broadcast_in_dim3A_291, %get3A_282] : memref<32x1000xf32, #tpu.memory_space<vmem>>[vector<16xi32>, vector<16xi32>], vector<16xf32>,
      %swap3A_293 = arith.constant 1 : i32
      %swap3A_294 = arith.index_cast %swap3A_293 : i32 to index
      %swap3A_295 = arith.constant 984 : index
      %swap3A_296 = tpu.vector_load %arg8[%swap3A_294, %swap3A_295] {strides = array<i32>} : memref<32x1000xf32, #tpu.memory_space<vmem>>, vector<16xf32>,
      tpu.vector_store %arg8[%swap3A_294, %swap3A_295], %gather3A_292 {strides = array<i32>} : memref<32x1000xf32, #tpu.memory_space<vmem>>, vector<16xf32>,
      %broadcast_in_dim3A_297 = arith.constant 2 : i32
      %broadcast_in_dim3A_298 = vector.broadcast %broadcast_in_dim3A_297 : i32 to vector<16xi32>
      %gather3A_299 = tpu.vector_load_idx %arg6[%broadcast_in_dim3A_298, %get3A_282] : memref<32x1000xf32, #tpu.memory_space<vmem>>[vector<16xi32>, vector<16xi32>], vector<16xf32>,
      %swap3A_300 = arith.constant 2 : i32
      %swap3A_301 = arith.index_cast %swap3A_300 : i32 to index
      %swap3A_302 = arith.constant 984 : index
      %swap3A_303 = tpu.vector_load %arg8[%swap3A_301, %swap3A_302] {strides = array<i32>} : memref<32x1000xf32, #tpu.memory_space<vmem>>, vector<16xf32>,
      tpu.vector_store %arg8[%swap3A_301, %swap3A_302], %gather3A_299 {strides = array<i32>} : memref<32x1000xf32, #tpu.memory_space<vmem>>, vector<16xf32>,
      %broadcast_in_dim3A_304 = arith.constant 3 : i32
      %broadcast_in_dim3A_305 = vector.broadcast %broadcast_in_dim3A_304 : i32 to vector<16xi32>
      %gather3A_306 = tpu.vector_load_idx %arg6[%broadcast_in_dim3A_305, %get3A_282] : memref<32x1000xf32, #tpu.memory_space<vmem>>[vector<16xi32>, vector<16xi32>], vector<16xf32>,
      %swap3A_307 = arith.constant 3 : i32
      %swap3A_308 = arith.index_cast %swap3A_307 : i32 to index
      %swap3A_309 = arith.constant 984 : index
      %swap3A_310 = tpu.vector_load %arg8[%swap3A_308, %swap3A_309] {strides = array<i32>} : memref<32x1000xf32, #tpu.memory_space<vmem>>, vector<16xf32>,
      tpu.vector_store %arg8[%swap3A_308, %swap3A_309], %gather3A_306 {strides = array<i32>} : memref<32x1000xf32, #tpu.memory_space<vmem>>, vector<16xf32>,
      %broadcast_in_dim3A_311 = arith.constant 4 : i32
      %broadcast_in_dim3A_312 = vector.broadcast %broadcast_in_dim3A_311 : i32 to vector<16xi32>
      %gather3A_313 = tpu.vector_load_idx %arg6[%broadcast_in_dim3A_312, %get3A_282] : memref<32x1000xf32, #tpu.memory_space<vmem>>[vector<16xi32>, vector<16xi32>], vector<16xf32>,
      %swap3A_314 = arith.constant 4 : i32
      %swap3A_315 = arith.index_cast %swap3A_314 : i32 to index
      %swap3A_316 = arith.constant 984 : index
      %swap3A_317 = tpu.vector_load %arg8[%swap3A_315, %swap3A_316] {strides = array<i32>} : memref<32x1000xf32, #tpu.memory_space<vmem>>, vector<16xf32>,
      tpu.vector_store %arg8[%swap3A_315, %swap3A_316], %gather3A_313 {strides = array<i32>} : memref<32x1000xf32, #tpu.memory_space<vmem>>, vector<16xf32>,
      %broadcast_in_dim3A_318 = arith.constant 5 : i32
      %broadcast_in_dim3A_319 = vector.broadcast %broadcast_in_dim3A_318 : i32 to vector<16xi32>
      %gather3A_320 = tpu.vector_load_idx %arg6[%broadcast_in_dim3A_319, %get3A_282] : memref<32x1000xf32, #tpu.memory_space<vmem>>[vector<16xi32>, vector<16xi32>], vector<16xf32>,
      %swap3A_321 = arith.constant 5 : i32
      %swap3A_322 = arith.index_cast %swap3A_321 : i32 to index
      %swap3A_323 = arith.constant 984 : index
      %swap3A_324 = tpu.vector_load %arg8[%swap3A_322, %swap3A_323] {strides = array<i32>} : memref<32x1000xf32, #tpu.memory_space<vmem>>, vector<16xf32>,
      tpu.vector_store %arg8[%swap3A_322, %swap3A_323], %gather3A_320 {strides = array<i32>} : memref<32x1000xf32, #tpu.memory_space<vmem>>, vector<16xf32>,
      %broadcast_in_dim3A_325 = arith.constant 6 : i32
      %broadcast_in_dim3A_326 = vector.broadcast %broadcast_in_dim3A_325 : i32 to vector<16xi32>
      %gather3A_327 = tpu.vector_load_idx %arg6[%broadcast_in_dim3A_326, %get3A_282] : memref<32x1000xf32, #tpu.memory_space<vmem>>[vector<16xi32>, vector<16xi32>], vector<16xf32>,
      %swap3A_328 = arith.constant 6 : i32
      %swap3A_329 = arith.index_cast %swap3A_328 : i32 to index
      %swap3A_330 = arith.constant 984 : index
      %swap3A_331 = tpu.vector_load %arg8[%swap3A_329, %swap3A_330] {strides = array<i32>} : memref<32x1000xf32, #tpu.memory_space<vmem>>, vector<16xf32>,
      tpu.vector_store %arg8[%swap3A_329, %swap3A_330], %gather3A_327 {strides = array<i32>} : memref<32x1000xf32, #tpu.memory_space<vmem>>, vector<16xf32>,
      %broadcast_in_dim3A_332 = arith.constant 7 : i32
      %broadcast_in_dim3A_333 = vector.broadcast %broadcast_in_dim3A_332 : i32 to vector<16xi32>
      %gather3A_334 = tpu.vector_load_idx %arg6[%broadcast_in_dim3A_333, %get3A_282] : memref<32x1000xf32, #tpu.memory_space<vmem>>[vector<16xi32>, vector<16xi32>], vector<16xf32>,
      %swap3A_335 = arith.constant 7 : i32
      %swap3A_336 = arith.index_cast %swap3A_335 : i32 to index
      %swap3A_337 = arith.constant 984 : index
      %swap3A_338 = tpu.vector_load %arg8[%swap3A_336, %swap3A_337] {strides = array<i32>} : memref<32x1000xf32, #tpu.memory_space<vmem>>, vector<16xf32>,
      tpu.vector_store %arg8[%swap3A_336, %swap3A_337], %gather3A_334 {strides = array<i32>} : memref<32x1000xf32, #tpu.memory_space<vmem>>, vector<16xf32>,
      %broadcast_in_dim3A_339 = arith.constant 8 : i32
      %broadcast_in_dim3A_340 = vector.broadcast %broadcast_in_dim3A_339 : i32 to vector<16xi32>
      %gather3A_341 = tpu.vector_load_idx %arg6[%broadcast_in_dim3A_340, %get3A_282] : memref<32x1000xf32, #tpu.memory_space<vmem>>[vector<16xi32>, vector<16xi32>], vector<16xf32>,
      %swap3A_342 = arith.constant 8 : i32
      %swap3A_343 = arith.index_cast %swap3A_342 : i32 to index
      %swap3A_344 = arith.constant 984 : index
      %swap3A_345 = tpu.vector_load %arg8[%swap3A_343, %swap3A_344] {strides = array<i32>} : memref<32x1000xf32, #tpu.memory_space<vmem>>, vector<16xf32>,
      tpu.vector_store %arg8[%swap3A_343, %swap3A_344], %gather3A_341 {strides = array<i32>} : memref<32x1000xf32, #tpu.memory_space<vmem>>, vector<16xf32>,
      %broadcast_in_dim3A_346 = arith.constant 9 : i32
      %broadcast_in_dim3A_347 = vector.broadcast %broadcast_in_dim3A_346 : i32 to vector<16xi32>
      %gather3A_348 = tpu.vector_load_idx %arg6[%broadcast_in_dim3A_347, %get3A_282] : memref<32x1000xf32, #tpu.memory_space<vmem>>[vector<16xi32>, vector<16xi32>], vector<16xf32>,
      %swap3A_349 = arith.constant 9 : i32
      %swap3A_350 = arith.index_cast %swap3A_349 : i32 to index
      %swap3A_351 = arith.constant 984 : index
      %swap3A_352 = tpu.vector_load %arg8[%swap3A_350, %swap3A_351] {strides = array<i32>} : memref<32x1000xf32, #tpu.memory_space<vmem>>, vector<16xf32>,
      tpu.vector_store %arg8[%swap3A_350, %swap3A_351], %gather3A_348 {strides = array<i32>} : memref<32x1000xf32, #tpu.memory_space<vmem>>, vector<16xf32>,
      %broadcast_in_dim3A_353 = arith.constant 10 : i32
      %broadcast_in_dim3A_354 = vector.broadcast %broadcast_in_dim3A_353 : i32 to vector<16xi32>
      %gather3A_355 = tpu.vector_load_idx %arg6[%broadcast_in_dim3A_354, %get3A_282] : memref<32x1000xf32, #tpu.memory_space<vmem>>[vector<16xi32>, vector<16xi32>], vector<16xf32>,
      %swap3A_356 = arith.constant 10 : i32
      %swap3A_357 = arith.index_cast %swap3A_356 : i32 to index
      %swap3A_358 = arith.constant 984 : index
      %swap3A_359 = tpu.vector_load %arg8[%swap3A_357, %swap3A_358] {strides = array<i32>} : memref<32x1000xf32, #tpu.memory_space<vmem>>, vector<16xf32>,
      tpu.vector_store %arg8[%swap3A_357, %swap3A_358], %gather3A_355 {strides = array<i32>} : memref<32x1000xf32, #tpu.memory_space<vmem>>, vector<16xf32>,
      %broadcast_in_dim3A_360 = arith.constant 11 : i32
      %broadcast_in_dim3A_361 = vector.broadcast %broadcast_in_dim3A_360 : i32 to vector<16xi32>
      %gather3A_362 = tpu.vector_load_idx %arg6[%broadcast_in_dim3A_361, %get3A_282] : memref<32x1000xf32, #tpu.memory_space<vmem>>[vector<16xi32>, vector<16xi32>], vector<16xf32>,
      %swap3A_363 = arith.constant 11 : i32
      %swap3A_364 = arith.index_cast %swap3A_363 : i32 to index
      %swap3A_365 = arith.constant 984 : index
      %swap3A_366 = tpu.vector_load %arg8[%swap3A_364, %swap3A_365] {strides = array<i32>} : memref<32x1000xf32, #tpu.memory_space<vmem>>, vector<16xf32>,
      tpu.vector_store %arg8[%swap3A_364, %swap3A_365], %gather3A_362 {strides = array<i32>} : memref<32x1000xf32, #tpu.memory_space<vmem>>, vector<16xf32>,
      %broadcast_in_dim3A_367 = arith.constant 12 : i32
      %broadcast_in_dim3A_368 = vector.broadcast %broadcast_in_dim3A_367 : i32 to vector<16xi32>
      %gather3A_369 = tpu.vector_load_idx %arg6[%broadcast_in_dim3A_368, %get3A_282] : memref<32x1000xf32, #tpu.memory_space<vmem>>[vector<16xi32>, vector<16xi32>], vector<16xf32>,
      %swap3A_370 = arith.constant 12 : i32
      %swap3A_371 = arith.index_cast %swap3A_370 : i32 to index
      %swap3A_372 = arith.constant 984 : index
      %swap3A_373 = tpu.vector_load %arg8[%swap3A_371, %swap3A_372] {strides = array<i32>} : memref<32x1000xf32, #tpu.memory_space<vmem>>, vector<16xf32>,
      tpu.vector_store %arg8[%swap3A_371, %swap3A_372], %gather3A_369 {strides = array<i32>} : memref<32x1000xf32, #tpu.memory_space<vmem>>, vector<16xf32>,
      %broadcast_in_dim3A_374 = arith.constant 13 : i32
      %broadcast_in_dim3A_375 = vector.broadcast %broadcast_in_dim3A_374 : i32 to vector<16xi32>
      %gather3A_376 = tpu.vector_load_idx %arg6[%broadcast_in_dim3A_375, %get3A_282] : memref<32x1000xf32, #tpu.memory_space<vmem>>[vector<16xi32>, vector<16xi32>], vector<16xf32>,
      %swap3A_377 = arith.constant 13 : i32
      %swap3A_378 = arith.index_cast %swap3A_377 : i32 to index
      %swap3A_379 = arith.constant 984 : index
      %swap3A_380 = tpu.vector_load %arg8[%swap3A_378, %swap3A_379] {strides = array<i32>} : memref<32x1000xf32, #tpu.memory_space<vmem>>, vector<16xf32>,
      tpu.vector_store %arg8[%swap3A_378, %swap3A_379], %gather3A_376 {strides = array<i32>} : memref<32x1000xf32, #tpu.memory_space<vmem>>, vector<16xf32>,
      %broadcast_in_dim3A_381 = arith.constant 14 : i32
      %broadcast_in_dim3A_382 = vector.broadcast %broadcast_in_dim3A_381 : i32 to vector<16xi32>
      %gather3A_383 = tpu.vector_load_idx %arg6[%broadcast_in_dim3A_382, %get3A_282] : memref<32x1000xf32, #tpu.memory_space<vmem>>[vector<16xi32>, vector<16xi32>], vector<16xf32>,
      %swap3A_384 = arith.constant 14 : i32
      %swap3A_385 = arith.index_cast %swap3A_384 : i32 to index
      %swap3A_386 = arith.constant 984 : index
      %swap3A_387 = tpu.vector_load %arg8[%swap3A_385, %swap3A_386] {strides = array<i32>} : memref<32x1000xf32, #tpu.memory_space<vmem>>, vector<16xf32>,
      tpu.vector_store %arg8[%swap3A_385, %swap3A_386], %gather3A_383 {strides = array<i32>} : memref<32x1000xf32, #tpu.memory_space<vmem>>, vector<16xf32>,
      %broadcast_in_dim3A_388 = arith.constant 15 : i32
      %broadcast_in_dim3A_389 = vector.broadcast %broadcast_in_dim3A_388 : i32 to vector<16xi32>
      %gather3A_390 = tpu.vector_load_idx %arg6[%broadcast_in_dim3A_389, %get3A_282] : memref<32x1000xf32, #tpu.memory_space<vmem>>[vector<16xi32>, vector<16xi32>], vector<16xf32>,
      %swap3A_391 = arith.constant 15 : i32
      %swap3A_392 = arith.index_cast %swap3A_391 : i32 to index
      %swap3A_393 = arith.constant 984 : index
      %swap3A_394 = tpu.vector_load %arg8[%swap3A_392, %swap3A_393] {strides = array<i32>} : memref<32x1000xf32, #tpu.memory_space<vmem>>, vector<16xf32>,
      tpu.vector_store %arg8[%swap3A_392, %swap3A_393], %gather3A_390 {strides = array<i32>} : memref<32x1000xf32, #tpu.memory_space<vmem>>, vector<16xf32>,
      %broadcast_in_dim3A_395 = arith.constant 16 : i32
      %broadcast_in_dim3A_396 = vector.broadcast %broadcast_in_dim3A_395 : i32 to vector<16xi32>
      %gather3A_397 = tpu.vector_load_idx %arg6[%broadcast_in_dim3A_396, %get3A_282] : memref<32x1000xf32, #tpu.memory_space<vmem>>[vector<16xi32>, vector<16xi32>], vector<16xf32>,
      %swap3A_398 = arith.constant 16 : i32
      %swap3A_399 = arith.index_cast %swap3A_398 : i32 to index
      %swap3A_400 = arith.constant 984 : index
      %swap3A_401 = tpu.vector_load %arg8[%swap3A_399, %swap3A_400] {strides = array<i32>} : memref<32x1000xf32, #tpu.memory_space<vmem>>, vector<16xf32>,
      tpu.vector_store %arg8[%swap3A_399, %swap3A_400], %gather3A_397 {strides = array<i32>} : memref<32x1000xf32, #tpu.memory_space<vmem>>, vector<16xf32>,
      %broadcast_in_dim3A_402 = arith.constant 17 : i32
      %broadcast_in_dim3A_403 = vector.broadcast %broadcast_in_dim3A_402 : i32 to vector<16xi32>
      %gather3A_404 = tpu.vector_load_idx %arg6[%broadcast_in_dim3A_403, %get3A_282] : memref<32x1000xf32, #tpu.memory_space<vmem>>[vector<16xi32>, vector<16xi32>], vector<16xf32>,
      %swap3A_405 = arith.constant 17 : i32
      %swap3A_406 = arith.index_cast %swap3A_405 : i32 to index
      %swap3A_407 = arith.constant 984 : index
      %swap3A_408 = tpu.vector_load %arg8[%swap3A_406, %swap3A_407] {strides = array<i32>} : memref<32x1000xf32, #tpu.memory_space<vmem>>, vector<16xf32>,
      tpu.vector_store %arg8[%swap3A_406, %swap3A_407], %gather3A_404 {strides = array<i32>} : memref<32x1000xf32, #tpu.memory_space<vmem>>, vector<16xf32>,
      %broadcast_in_dim3A_409 = arith.constant 18 : i32
      %broadcast_in_dim3A_410 = vector.broadcast %broadcast_in_dim3A_409 : i32 to vector<16xi32>
      %gather3A_411 = tpu.vector_load_idx %arg6[%broadcast_in_dim3A_410, %get3A_282] : memref<32x1000xf32, #tpu.memory_space<vmem>>[vector<16xi32>, vector<16xi32>], vector<16xf32>,
      %swap3A_412 = arith.constant 18 : i32
      %swap3A_413 = arith.index_cast %swap3A_412 : i32 to index
      %swap3A_414 = arith.constant 984 : index
      %swap3A_415 = tpu.vector_load %arg8[%swap3A_413, %swap3A_414] {strides = array<i32>} : memref<32x1000xf32, #tpu.memory_space<vmem>>, vector<16xf32>,
      tpu.vector_store %arg8[%swap3A_413, %swap3A_414], %gather3A_411 {strides = array<i32>} : memref<32x1000xf32, #tpu.memory_space<vmem>>, vector<16xf32>,
      %broadcast_in_dim3A_416 = arith.constant 19 : i32
      %broadcast_in_dim3A_417 = vector.broadcast %broadcast_in_dim3A_416 : i32 to vector<16xi32>
      %gather3A_418 = tpu.vector_load_idx %arg6[%broadcast_in_dim3A_417, %get3A_282] : memref<32x1000xf32, #tpu.memory_space<vmem>>[vector<16xi32>, vector<16xi32>], vector<16xf32>,
      %swap3A_419 = arith.constant 19 : i32
      %swap3A_420 = arith.index_cast %swap3A_419 : i32 to index
      %swap3A_421 = arith.constant 984 : index
      %swap3A_422 = tpu.vector_load %arg8[%swap3A_420, %swap3A_421] {strides = array<i32>} : memref<32x1000xf32, #tpu.memory_space<vmem>>, vector<16xf32>,
      tpu.vector_store %arg8[%swap3A_420, %swap3A_421], %gather3A_418 {strides = array<i32>} : memref<32x1000xf32, #tpu.memory_space<vmem>>, vector<16xf32>,
      %broadcast_in_dim3A_423 = arith.constant 20 : i32
      %broadcast_in_dim3A_424 = vector.broadcast %broadcast_in_dim3A_423 : i32 to vector<16xi32>
      %gather3A_425 = tpu.vector_load_idx %arg6[%broadcast_in_dim3A_424, %get3A_282] : memref<32x1000xf32, #tpu.memory_space<vmem>>[vector<16xi32>, vector<16xi32>], vector<16xf32>,
      %swap3A_426 = arith.constant 20 : i32
      %swap3A_427 = arith.index_cast %swap3A_426 : i32 to index
      %swap3A_428 = arith.constant 984 : index
      %swap3A_429 = tpu.vector_load %arg8[%swap3A_427, %swap3A_428] {strides = array<i32>} : memref<32x1000xf32, #tpu.memory_space<vmem>>, vector<16xf32>,
      tpu.vector_store %arg8[%swap3A_427, %swap3A_428], %gather3A_425 {strides = array<i32>} : memref<32x1000xf32, #tpu.memory_space<vmem>>, vector<16xf32>,
      %broadcast_in_dim3A_430 = arith.constant 21 : i32
      %broadcast_in_dim3A_431 = vector.broadcast %broadcast_in_dim3A_430 : i32 to vector<16xi32>
      %gather3A_432 = tpu.vector_load_idx %arg6[%broadcast_in_dim3A_431, %get3A_282] : memref<32x1000xf32, #tpu.memory_space<vmem>>[vector<16xi32>, vector<16xi32>], vector<16xf32>,
      %swap3A_433 = arith.constant 21 : i32
      %swap3A_434 = arith.index_cast %swap3A_433 : i32 to index
      %swap3A_435 = arith.constant 984 : index
      %swap3A_436 = tpu.vector_load %arg8[%swap3A_434, %swap3A_435] {strides = array<i32>} : memref<32x1000xf32, #tpu.memory_space<vmem>>, vector<16xf32>,
      tpu.vector_store %arg8[%swap3A_434, %swap3A_435], %gather3A_432 {strides = array<i32>} : memref<32x1000xf32, #tpu.memory_space<vmem>>, vector<16xf32>,
      %broadcast_in_dim3A_437 = arith.constant 22 : i32
      %broadcast_in_dim3A_438 = vector.broadcast %broadcast_in_dim3A_437 : i32 to vector<16xi32>
      %gather3A_439 = tpu.vector_load_idx %arg6[%broadcast_in_dim3A_438, %get3A_282] : memref<32x1000xf32, #tpu.memory_space<vmem>>[vector<16xi32>, vector<16xi32>], vector<16xf32>,
      %swap3A_440 = arith.constant 22 : i32
      %swap3A_441 = arith.index_cast %swap3A_440 : i32 to index
      %swap3A_442 = arith.constant 984 : index
      %swap3A_443 = tpu.vector_load %arg8[%swap3A_441, %swap3A_442] {strides = array<i32>} : memref<32x1000xf32, #tpu.memory_space<vmem>>, vector<16xf32>,
      tpu.vector_store %arg8[%swap3A_441, %swap3A_442], %gather3A_439 {strides = array<i32>} : memref<32x1000xf32, #tpu.memory_space<vmem>>, vector<16xf32>,
      %broadcast_in_dim3A_444 = arith.constant 23 : i32
      %broadcast_in_dim3A_445 = vector.broadcast %broadcast_in_dim3A_444 : i32 to vector<16xi32>
      %gather3A_446 = tpu.vector_load_idx %arg6[%broadcast_in_dim3A_445, %get3A_282] : memref<32x1000xf32, #tpu.memory_space<vmem>>[vector<16xi32>, vector<16xi32>], vector<16xf32>,
      %swap3A_447 = arith.constant 23 : i32
      %swap3A_448 = arith.index_cast %swap3A_447 : i32 to index
      %swap3A_449 = arith.constant 984 : index
      %swap3A_450 = tpu.vector_load %arg8[%swap3A_448, %swap3A_449] {strides = array<i32>} : memref<32x1000xf32, #tpu.memory_space<vmem>>, vector<16xf32>,
      tpu.vector_store %arg8[%swap3A_448, %swap3A_449], %gather3A_446 {strides = array<i32>} : memref<32x1000xf32, #tpu.memory_space<vmem>>, vector<16xf32>,
      %broadcast_in_dim3A_451 = arith.constant 24 : i32
      %broadcast_in_dim3A_452 = vector.broadcast %broadcast_in_dim3A_451 : i32 to vector<16xi32>
      %gather3A_453 = tpu.vector_load_idx %arg6[%broadcast_in_dim3A_452, %get3A_282] : memref<32x1000xf32, #tpu.memory_space<vmem>>[vector<16xi32>, vector<16xi32>], vector<16xf32>,
      %swap3A_454 = arith.constant 24 : i32
      %swap3A_455 = arith.index_cast %swap3A_454 : i32 to index
      %swap3A_456 = arith.constant 984 : index
      %swap3A_457 = tpu.vector_load %arg8[%swap3A_455, %swap3A_456] {strides = array<i32>} : memref<32x1000xf32, #tpu.memory_space<vmem>>, vector<16xf32>,
      tpu.vector_store %arg8[%swap3A_455, %swap3A_456], %gather3A_453 {strides = array<i32>} : memref<32x1000xf32, #tpu.memory_space<vmem>>, vector<16xf32>,
      %broadcast_in_dim3A_458 = arith.constant 25 : i32
      %broadcast_in_dim3A_459 = vector.broadcast %broadcast_in_dim3A_458 : i32 to vector<16xi32>
      %gather3A_460 = tpu.vector_load_idx %arg6[%broadcast_in_dim3A_459, %get3A_282] : memref<32x1000xf32, #tpu.memory_space<vmem>>[vector<16xi32>, vector<16xi32>], vector<16xf32>,
      %swap3A_461 = arith.constant 25 : i32
      %swap3A_462 = arith.index_cast %swap3A_461 : i32 to index
      %swap3A_463 = arith.constant 984 : index
      %swap3A_464 = tpu.vector_load %arg8[%swap3A_462, %swap3A_463] {strides = array<i32>} : memref<32x1000xf32, #tpu.memory_space<vmem>>, vector<16xf32>,
      tpu.vector_store %arg8[%swap3A_462, %swap3A_463], %gather3A_460 {strides = array<i32>} : memref<32x1000xf32, #tpu.memory_space<vmem>>, vector<16xf32>,
      %broadcast_in_dim3A_465 = arith.constant 26 : i32
      %broadcast_in_dim3A_466 = vector.broadcast %broadcast_in_dim3A_465 : i32 to vector<16xi32>
      %gather3A_467 = tpu.vector_load_idx %arg6[%broadcast_in_dim3A_466, %get3A_282] : memref<32x1000xf32, #tpu.memory_space<vmem>>[vector<16xi32>, vector<16xi32>], vector<16xf32>,
      %swap3A_468 = arith.constant 26 : i32
      %swap3A_469 = arith.index_cast %swap3A_468 : i32 to index
      %swap3A_470 = arith.constant 984 : index
      %swap3A_471 = tpu.vector_load %arg8[%swap3A_469, %swap3A_470] {strides = array<i32>} : memref<32x1000xf32, #tpu.memory_space<vmem>>, vector<16xf32>,
      tpu.vector_store %arg8[%swap3A_469, %swap3A_470], %gather3A_467 {strides = array<i32>} : memref<32x1000xf32, #tpu.memory_space<vmem>>, vector<16xf32>,
      %broadcast_in_dim3A_472 = arith.constant 27 : i32
      %broadcast_in_dim3A_473 = vector.broadcast %broadcast_in_dim3A_472 : i32 to vector<16xi32>
      %gather3A_474 = tpu.vector_load_idx %arg6[%broadcast_in_dim3A_473, %get3A_282] : memref<32x1000xf32, #tpu.memory_space<vmem>>[vector<16xi32>, vector<16xi32>], vector<16xf32>,
      %swap3A_475 = arith.constant 27 : i32
      %swap3A_476 = arith.index_cast %swap3A_475 : i32 to index
      %swap3A_477 = arith.constant 984 : index
      %swap3A_478 = tpu.vector_load %arg8[%swap3A_476, %swap3A_477] {strides = array<i32>} : memref<32x1000xf32, #tpu.memory_space<vmem>>, vector<16xf32>,
      tpu.vector_store %arg8[%swap3A_476, %swap3A_477], %gather3A_474 {strides = array<i32>} : memref<32x1000xf32, #tpu.memory_space<vmem>>, vector<16xf32>,
      %broadcast_in_dim3A_479 = arith.constant 28 : i32
      %broadcast_in_dim3A_480 = vector.broadcast %broadcast_in_dim3A_479 : i32 to vector<16xi32>
      %gather3A_481 = tpu.vector_load_idx %arg6[%broadcast_in_dim3A_480, %get3A_282] : memref<32x1000xf32, #tpu.memory_space<vmem>>[vector<16xi32>, vector<16xi32>], vector<16xf32>,
      %swap3A_482 = arith.constant 28 : i32
      %swap3A_483 = arith.index_cast %swap3A_482 : i32 to index
      %swap3A_484 = arith.constant 984 : index
      %swap3A_485 = tpu.vector_load %arg8[%swap3A_483, %swap3A_484] {strides = array<i32>} : memref<32x1000xf32, #tpu.memory_space<vmem>>, vector<16xf32>,
      tpu.vector_store %arg8[%swap3A_483, %swap3A_484], %gather3A_481 {strides = array<i32>} : memref<32x1000xf32, #tpu.memory_space<vmem>>, vector<16xf32>,
      %broadcast_in_dim3A_486 = arith.constant 29 : i32
      %broadcast_in_dim3A_487 = vector.broadcast %broadcast_in_dim3A_486 : i32 to vector<16xi32>
      %gather3A_488 = tpu.vector_load_idx %arg6[%broadcast_in_dim3A_487, %get3A_282] : memref<32x1000xf32, #tpu.memory_space<vmem>>[vector<16xi32>, vector<16xi32>], vector<16xf32>,
      %swap3A_489 = arith.constant 29 : i32
      %swap3A_490 = arith.index_cast %swap3A_489 : i32 to index
      %swap3A_491 = arith.constant 984 : index
      %swap3A_492 = tpu.vector_load %arg8[%swap3A_490, %swap3A_491] {strides = array<i32>} : memref<32x1000xf32, #tpu.memory_space<vmem>>, vector<16xf32>,
      tpu.vector_store %arg8[%swap3A_490, %swap3A_491], %gather3A_488 {strides = array<i32>} : memref<32x1000xf32, #tpu.memory_space<vmem>>, vector<16xf32>,
      %broadcast_in_dim3A_493 = arith.constant 30 : i32
      %broadcast_in_dim3A_494 = vector.broadcast %broadcast_in_dim3A_493 : i32 to vector<16xi32>
      %gather3A_495 = tpu.vector_load_idx %arg6[%broadcast_in_dim3A_494, %get3A_282] : memref<32x1000xf32, #tpu.memory_space<vmem>>[vector<16xi32>, vector<16xi32>], vector<16xf32>,
      %swap3A_496 = arith.constant 30 : i32
      %swap3A_497 = arith.index_cast %swap3A_496 : i32 to index
      %swap3A_498 = arith.constant 984 : index
      %swap3A_499 = tpu.vector_load %arg8[%swap3A_497, %swap3A_498] {strides = array<i32>} : memref<32x1000xf32, #tpu.memory_space<vmem>>, vector<16xf32>,
      tpu.vector_store %arg8[%swap3A_497, %swap3A_498], %gather3A_495 {strides = array<i32>} : memref<32x1000xf32, #tpu.memory_space<vmem>>, vector<16xf32>,
      %broadcast_in_dim3A_500 = arith.constant 31 : i32
      %broadcast_in_dim3A_501 = vector.broadcast %broadcast_in_dim3A_500 : i32 to vector<16xi32>
      %gather3A_502 = tpu.vector_load_idx %arg6[%broadcast_in_dim3A_501, %get3A_282] : memref<32x1000xf32, #tpu.memory_space<vmem>>[vector<16xi32>, vector<16xi32>], vector<16xf32>,
      %swap3A_503 = arith.constant 31 : i32
      %swap3A_504 = arith.index_cast %swap3A_503 : i32 to index
      %swap3A_505 = arith.constant 984 : index
      %swap3A_506 = tpu.vector_load %arg8[%swap3A_504, %swap3A_505] {strides = array<i32>} : memref<32x1000xf32, #tpu.memory_space<vmem>>, vector<16xf32>,
      tpu.vector_store %arg8[%swap3A_504, %swap3A_505], %gather3A_502 {strides = array<i32>} : memref<32x1000xf32, #tpu.memory_space<vmem>>, vector<16xf32>,
      %dma_start3A_507 = arith.constant 1 : i32
      %dma_start3A_508 = arith.constant 0 : i32
      %dma_start3A_509 = arith.constant 0 : i32
      %dma_start3A_510 = tpu.memref_slice %arg4[%select_n3A, %dma_start3A_507, %add3A_41, %dma_start3A_508, %dma_start3A_509] : memref<8x4x20x32x1000xf32, #tpu.memory_space<hbm>> -> memref<1x1x1x32x1000xf32, #tpu.memory_space<hbm>>
      %dma_start3A_511 = tpu.memref_squeeze %dma_start3A_510 : memref<1x1x1x32x1000xf32, #tpu.memory_space<hbm>> -> memref<32x1000xf32, #tpu.memory_space<hbm>>
      %dma_start3A_512 = arith.constant 0 : i32
      %dma_start3A_513 = arith.constant 0 : i32
      %dma_start3A_514 = tpu.memref_slice %arg4[%select_n3A, %dma_start3A_507, %add3A_41, %dma_start3A_512, %dma_start3A_513] : memref<8x4x20x32x1000xf32, #tpu.memory_space<hbm>> -> memref<1x1x1x32x1000xf32, #tpu.memory_space<hbm>>
      %dma_start3A_515 = tpu.memref_squeeze %dma_start3A_514 : memref<1x1x1x32x1000xf32, #tpu.memory_space<hbm>> -> memref<32x1000xf32, #tpu.memory_space<hbm>>
      tpu.enqueue_dma source(%arg8 : memref<32x1000xf32, #tpu.memory_space<vmem>>) target(%dma_start3A_515 : memref<32x1000xf32, #tpu.memory_space<hbm>>) target_semaphore(%arg10 : memref<!tpu.dma_semaphore, #tpu.memory_space<semaphore_mem>>)
      %dma_wait3A = arith.constant 0 : i32
      %dma_wait3A_516 = arith.constant 0 : i32
      %dma_wait3A_517 = arith.constant 0 : i32
      %dma_wait3A_518 = tpu.memref_slice %arg4[%select_n3A, %dma_wait3A, %add3A_41, %dma_wait3A_516, %dma_wait3A_517] : memref<8x4x20x32x1000xf32, #tpu.memory_space<hbm>> -> memref<1x1x1x32x1000xf32, #tpu.memory_space<hbm>>
      %dma_wait3A_519 = tpu.memref_squeeze %dma_wait3A_518 : memref<1x1x1x32x1000xf32, #tpu.memory_space<hbm>> -> memref<32x1000xf32, #tpu.memory_space<hbm>>
      %dma_wait3A_520 = arith.constant 0 : i32
      %dma_wait3A_521 = arith.constant 0 : i32
      %dma_wait3A_522 = tpu.memref_slice %arg4[%select_n3A, %dma_wait3A, %add3A_41, %dma_wait3A_520, %dma_wait3A_521] : memref<8x4x20x32x1000xf32, #tpu.memory_space<hbm>> -> memref<1x1x1x32x1000xf32, #tpu.memory_space<hbm>>
      %dma_wait3A_523 = tpu.memref_squeeze %dma_wait3A_522 : memref<1x1x1x32x1000xf32, #tpu.memory_space<hbm>> -> memref<32x1000xf32, #tpu.memory_space<hbm>>
      tpu.wait_dma2 semaphore(%arg9 : memref<!tpu.dma_semaphore, #tpu.memory_space<semaphore_mem>>) src(%arg7 : memref<32x1000xf32, #tpu.memory_space<vmem>>) dst(%dma_wait3A_523 : memref<32x1000xf32, #tpu.memory_space<hbm>>)
      %parallel_loop3A_524 = arith.constant 0 : i32
      %parallel_loop3A_525 = arith.constant 992 : i32
      %parallel_loop3A_526 = arith.constant 16 : i32
      scf.for %parallel_loop3A_1031 = %parallel_loop3A_524 to %parallel_loop3A_525 step %parallel_loop3A_526  : i32 {
        %parallel_loop3A_1032 = tpu.assume_multiple %parallel_loop3A_1031, 16 : i32
        %parallel_loop3A_1033 = arith.constant 2 : i32
        %parallel_loop3A_1034 = arith.index_cast %parallel_loop3A_1033 : i32 to index
        %parallel_loop3A_1035 = arith.index_cast %parallel_loop3A_1032 : i32 to index
        %parallel_loop3A_1036 = tpu.vector_load %arg5[%parallel_loop3A_1034, %parallel_loop3A_1035] {strides = array<i32>} : memref<4x1000xi32, #tpu.memory_space<vmem>>, vector<16xi32>,
        %parallel_loop3A_1037 = arith.constant 0 : i32
        %parallel_loop3A_1038 = vector.broadcast %parallel_loop3A_1037 : i32 to vector<16xi32>
        %parallel_loop3A_1039 = tpu.vector_load_idx %arg6[%parallel_loop3A_1038, %parallel_loop3A_1036] : memref<32x1000xf32, #tpu.memory_space<vmem>>[vector<16xi32>, vector<16xi32>], vector<16xf32>,
        %parallel_loop3A_1040 = arith.constant 0 : i32
        %parallel_loop3A_1041 = arith.index_cast %parallel_loop3A_1040 : i32 to index
        %parallel_loop3A_1042 = arith.index_cast %parallel_loop3A_1032 : i32 to index
        %parallel_loop3A_1043 = tpu.vector_load %arg7[%parallel_loop3A_1041, %parallel_loop3A_1042] {strides = array<i32>} : memref<32x1000xf32, #tpu.memory_space<vmem>>, vector<16xf32>,
        tpu.vector_store %arg7[%parallel_loop3A_1041, %parallel_loop3A_1042], %parallel_loop3A_1039 {strides = array<i32>} : memref<32x1000xf32, #tpu.memory_space<vmem>>, vector<16xf32>,
        %parallel_loop3A_1044 = arith.constant 1 : i32
        %parallel_loop3A_1045 = vector.broadcast %parallel_loop3A_1044 : i32 to vector<16xi32>
        %parallel_loop3A_1046 = tpu.vector_load_idx %arg6[%parallel_loop3A_1045, %parallel_loop3A_1036] : memref<32x1000xf32, #tpu.memory_space<vmem>>[vector<16xi32>, vector<16xi32>], vector<16xf32>,
        %parallel_loop3A_1047 = arith.constant 1 : i32
        %parallel_loop3A_1048 = arith.index_cast %parallel_loop3A_1047 : i32 to index
        %parallel_loop3A_1049 = arith.index_cast %parallel_loop3A_1032 : i32 to index
        %parallel_loop3A_1050 = tpu.vector_load %arg7[%parallel_loop3A_1048, %parallel_loop3A_1049] {strides = array<i32>} : memref<32x1000xf32, #tpu.memory_space<vmem>>, vector<16xf32>,
        tpu.vector_store %arg7[%parallel_loop3A_1048, %parallel_loop3A_1049], %parallel_loop3A_1046 {strides = array<i32>} : memref<32x1000xf32, #tpu.memory_space<vmem>>, vector<16xf32>,
        %parallel_loop3A_1051 = arith.constant 2 : i32
        %parallel_loop3A_1052 = vector.broadcast %parallel_loop3A_1051 : i32 to vector<16xi32>
        %parallel_loop3A_1053 = tpu.vector_load_idx %arg6[%parallel_loop3A_1052, %parallel_loop3A_1036] : memref<32x1000xf32, #tpu.memory_space<vmem>>[vector<16xi32>, vector<16xi32>], vector<16xf32>,
        %parallel_loop3A_1054 = arith.constant 2 : i32
        %parallel_loop3A_1055 = arith.index_cast %parallel_loop3A_1054 : i32 to index
        %parallel_loop3A_1056 = arith.index_cast %parallel_loop3A_1032 : i32 to index
        %parallel_loop3A_1057 = tpu.vector_load %arg7[%parallel_loop3A_1055, %parallel_loop3A_1056] {strides = array<i32>} : memref<32x1000xf32, #tpu.memory_space<vmem>>, vector<16xf32>,
        tpu.vector_store %arg7[%parallel_loop3A_1055, %parallel_loop3A_1056], %parallel_loop3A_1053 {strides = array<i32>} : memref<32x1000xf32, #tpu.memory_space<vmem>>, vector<16xf32>,
        %parallel_loop3A_1058 = arith.constant 3 : i32
        %parallel_loop3A_1059 = vector.broadcast %parallel_loop3A_1058 : i32 to vector<16xi32>
        %parallel_loop3A_1060 = tpu.vector_load_idx %arg6[%parallel_loop3A_1059, %parallel_loop3A_1036] : memref<32x1000xf32, #tpu.memory_space<vmem>>[vector<16xi32>, vector<16xi32>], vector<16xf32>,
        %parallel_loop3A_1061 = arith.constant 3 : i32
        %parallel_loop3A_1062 = arith.index_cast %parallel_loop3A_1061 : i32 to index
        %parallel_loop3A_1063 = arith.index_cast %parallel_loop3A_1032 : i32 to index
        %parallel_loop3A_1064 = tpu.vector_load %arg7[%parallel_loop3A_1062, %parallel_loop3A_1063] {strides = array<i32>} : memref<32x1000xf32, #tpu.memory_space<vmem>>, vector<16xf32>,
        tpu.vector_store %arg7[%parallel_loop3A_1062, %parallel_loop3A_1063], %parallel_loop3A_1060 {strides = array<i32>} : memref<32x1000xf32, #tpu.memory_space<vmem>>, vector<16xf32>,
        %parallel_loop3A_1065 = arith.constant 4 : i32
        %parallel_loop3A_1066 = vector.broadcast %parallel_loop3A_1065 : i32 to vector<16xi32>
        %parallel_loop3A_1067 = tpu.vector_load_idx %arg6[%parallel_loop3A_1066, %parallel_loop3A_1036] : memref<32x1000xf32, #tpu.memory_space<vmem>>[vector<16xi32>, vector<16xi32>], vector<16xf32>,
        %parallel_loop3A_1068 = arith.constant 4 : i32
        %parallel_loop3A_1069 = arith.index_cast %parallel_loop3A_1068 : i32 to index
        %parallel_loop3A_1070 = arith.index_cast %parallel_loop3A_1032 : i32 to index
        %parallel_loop3A_1071 = tpu.vector_load %arg7[%parallel_loop3A_1069, %parallel_loop3A_1070] {strides = array<i32>} : memref<32x1000xf32, #tpu.memory_space<vmem>>, vector<16xf32>,
        tpu.vector_store %arg7[%parallel_loop3A_1069, %parallel_loop3A_1070], %parallel_loop3A_1067 {strides = array<i32>} : memref<32x1000xf32, #tpu.memory_space<vmem>>, vector<16xf32>,
        %parallel_loop3A_1072 = arith.constant 5 : i32
        %parallel_loop3A_1073 = vector.broadcast %parallel_loop3A_1072 : i32 to vector<16xi32>
        %parallel_loop3A_1074 = tpu.vector_load_idx %arg6[%parallel_loop3A_1073, %parallel_loop3A_1036] : memref<32x1000xf32, #tpu.memory_space<vmem>>[vector<16xi32>, vector<16xi32>], vector<16xf32>,
        %parallel_loop3A_1075 = arith.constant 5 : i32
        %parallel_loop3A_1076 = arith.index_cast %parallel_loop3A_1075 : i32 to index
        %parallel_loop3A_1077 = arith.index_cast %parallel_loop3A_1032 : i32 to index
        %parallel_loop3A_1078 = tpu.vector_load %arg7[%parallel_loop3A_1076, %parallel_loop3A_1077] {strides = array<i32>} : memref<32x1000xf32, #tpu.memory_space<vmem>>, vector<16xf32>,
        tpu.vector_store %arg7[%parallel_loop3A_1076, %parallel_loop3A_1077], %parallel_loop3A_1074 {strides = array<i32>} : memref<32x1000xf32, #tpu.memory_space<vmem>>, vector<16xf32>,
        %parallel_loop3A_1079 = arith.constant 6 : i32
        %parallel_loop3A_1080 = vector.broadcast %parallel_loop3A_1079 : i32 to vector<16xi32>
        %parallel_loop3A_1081 = tpu.vector_load_idx %arg6[%parallel_loop3A_1080, %parallel_loop3A_1036] : memref<32x1000xf32, #tpu.memory_space<vmem>>[vector<16xi32>, vector<16xi32>], vector<16xf32>,
        %parallel_loop3A_1082 = arith.constant 6 : i32
        %parallel_loop3A_1083 = arith.index_cast %parallel_loop3A_1082 : i32 to index
        %parallel_loop3A_1084 = arith.index_cast %parallel_loop3A_1032 : i32 to index
        %parallel_loop3A_1085 = tpu.vector_load %arg7[%parallel_loop3A_1083, %parallel_loop3A_1084] {strides = array<i32>} : memref<32x1000xf32, #tpu.memory_space<vmem>>, vector<16xf32>,
        tpu.vector_store %arg7[%parallel_loop3A_1083, %parallel_loop3A_1084], %parallel_loop3A_1081 {strides = array<i32>} : memref<32x1000xf32, #tpu.memory_space<vmem>>, vector<16xf32>,
        %parallel_loop3A_1086 = arith.constant 7 : i32
        %parallel_loop3A_1087 = vector.broadcast %parallel_loop3A_1086 : i32 to vector<16xi32>
        %parallel_loop3A_1088 = tpu.vector_load_idx %arg6[%parallel_loop3A_1087, %parallel_loop3A_1036] : memref<32x1000xf32, #tpu.memory_space<vmem>>[vector<16xi32>, vector<16xi32>], vector<16xf32>,
        %parallel_loop3A_1089 = arith.constant 7 : i32
        %parallel_loop3A_1090 = arith.index_cast %parallel_loop3A_1089 : i32 to index
        %parallel_loop3A_1091 = arith.index_cast %parallel_loop3A_1032 : i32 to index
        %parallel_loop3A_1092 = tpu.vector_load %arg7[%parallel_loop3A_1090, %parallel_loop3A_1091] {strides = array<i32>} : memref<32x1000xf32, #tpu.memory_space<vmem>>, vector<16xf32>,
        tpu.vector_store %arg7[%parallel_loop3A_1090, %parallel_loop3A_1091], %parallel_loop3A_1088 {strides = array<i32>} : memref<32x1000xf32, #tpu.memory_space<vmem>>, vector<16xf32>,
        %parallel_loop3A_1093 = arith.constant 8 : i32
        %parallel_loop3A_1094 = vector.broadcast %parallel_loop3A_1093 : i32 to vector<16xi32>
        %parallel_loop3A_1095 = tpu.vector_load_idx %arg6[%parallel_loop3A_1094, %parallel_loop3A_1036] : memref<32x1000xf32, #tpu.memory_space<vmem>>[vector<16xi32>, vector<16xi32>], vector<16xf32>,
        %parallel_loop3A_1096 = arith.constant 8 : i32
        %parallel_loop3A_1097 = arith.index_cast %parallel_loop3A_1096 : i32 to index
        %parallel_loop3A_1098 = arith.index_cast %parallel_loop3A_1032 : i32 to index
        %parallel_loop3A_1099 = tpu.vector_load %arg7[%parallel_loop3A_1097, %parallel_loop3A_1098] {strides = array<i32>} : memref<32x1000xf32, #tpu.memory_space<vmem>>, vector<16xf32>,
        tpu.vector_store %arg7[%parallel_loop3A_1097, %parallel_loop3A_1098], %parallel_loop3A_1095 {strides = array<i32>} : memref<32x1000xf32, #tpu.memory_space<vmem>>, vector<16xf32>,
        %parallel_loop3A_1100 = arith.constant 9 : i32
        %parallel_loop3A_1101 = vector.broadcast %parallel_loop3A_1100 : i32 to vector<16xi32>
        %parallel_loop3A_1102 = tpu.vector_load_idx %arg6[%parallel_loop3A_1101, %parallel_loop3A_1036] : memref<32x1000xf32, #tpu.memory_space<vmem>>[vector<16xi32>, vector<16xi32>], vector<16xf32>,
        %parallel_loop3A_1103 = arith.constant 9 : i32
        %parallel_loop3A_1104 = arith.index_cast %parallel_loop3A_1103 : i32 to index
        %parallel_loop3A_1105 = arith.index_cast %parallel_loop3A_1032 : i32 to index
        %parallel_loop3A_1106 = tpu.vector_load %arg7[%parallel_loop3A_1104, %parallel_loop3A_1105] {strides = array<i32>} : memref<32x1000xf32, #tpu.memory_space<vmem>>, vector<16xf32>,
        tpu.vector_store %arg7[%parallel_loop3A_1104, %parallel_loop3A_1105], %parallel_loop3A_1102 {strides = array<i32>} : memref<32x1000xf32, #tpu.memory_space<vmem>>, vector<16xf32>,
        %parallel_loop3A_1107 = arith.constant 10 : i32
        %parallel_loop3A_1108 = vector.broadcast %parallel_loop3A_1107 : i32 to vector<16xi32>
        %parallel_loop3A_1109 = tpu.vector_load_idx %arg6[%parallel_loop3A_1108, %parallel_loop3A_1036] : memref<32x1000xf32, #tpu.memory_space<vmem>>[vector<16xi32>, vector<16xi32>], vector<16xf32>,
        %parallel_loop3A_1110 = arith.constant 10 : i32
        %parallel_loop3A_1111 = arith.index_cast %parallel_loop3A_1110 : i32 to index
        %parallel_loop3A_1112 = arith.index_cast %parallel_loop3A_1032 : i32 to index
        %parallel_loop3A_1113 = tpu.vector_load %arg7[%parallel_loop3A_1111, %parallel_loop3A_1112] {strides = array<i32>} : memref<32x1000xf32, #tpu.memory_space<vmem>>, vector<16xf32>,
        tpu.vector_store %arg7[%parallel_loop3A_1111, %parallel_loop3A_1112], %parallel_loop3A_1109 {strides = array<i32>} : memref<32x1000xf32, #tpu.memory_space<vmem>>, vector<16xf32>,
        %parallel_loop3A_1114 = arith.constant 11 : i32
        %parallel_loop3A_1115 = vector.broadcast %parallel_loop3A_1114 : i32 to vector<16xi32>
        %parallel_loop3A_1116 = tpu.vector_load_idx %arg6[%parallel_loop3A_1115, %parallel_loop3A_1036] : memref<32x1000xf32, #tpu.memory_space<vmem>>[vector<16xi32>, vector<16xi32>], vector<16xf32>,
        %parallel_loop3A_1117 = arith.constant 11 : i32
        %parallel_loop3A_1118 = arith.index_cast %parallel_loop3A_1117 : i32 to index
        %parallel_loop3A_1119 = arith.index_cast %parallel_loop3A_1032 : i32 to index
        %parallel_loop3A_1120 = tpu.vector_load %arg7[%parallel_loop3A_1118, %parallel_loop3A_1119] {strides = array<i32>} : memref<32x1000xf32, #tpu.memory_space<vmem>>, vector<16xf32>,
        tpu.vector_store %arg7[%parallel_loop3A_1118, %parallel_loop3A_1119], %parallel_loop3A_1116 {strides = array<i32>} : memref<32x1000xf32, #tpu.memory_space<vmem>>, vector<16xf32>,
        %parallel_loop3A_1121 = arith.constant 12 : i32
        %parallel_loop3A_1122 = vector.broadcast %parallel_loop3A_1121 : i32 to vector<16xi32>
        %parallel_loop3A_1123 = tpu.vector_load_idx %arg6[%parallel_loop3A_1122, %parallel_loop3A_1036] : memref<32x1000xf32, #tpu.memory_space<vmem>>[vector<16xi32>, vector<16xi32>], vector<16xf32>,
        %parallel_loop3A_1124 = arith.constant 12 : i32
        %parallel_loop3A_1125 = arith.index_cast %parallel_loop3A_1124 : i32 to index
        %parallel_loop3A_1126 = arith.index_cast %parallel_loop3A_1032 : i32 to index
        %parallel_loop3A_1127 = tpu.vector_load %arg7[%parallel_loop3A_1125, %parallel_loop3A_1126] {strides = array<i32>} : memref<32x1000xf32, #tpu.memory_space<vmem>>, vector<16xf32>,
        tpu.vector_store %arg7[%parallel_loop3A_1125, %parallel_loop3A_1126], %parallel_loop3A_1123 {strides = array<i32>} : memref<32x1000xf32, #tpu.memory_space<vmem>>, vector<16xf32>,
        %parallel_loop3A_1128 = arith.constant 13 : i32
        %parallel_loop3A_1129 = vector.broadcast %parallel_loop3A_1128 : i32 to vector<16xi32>
        %parallel_loop3A_1130 = tpu.vector_load_idx %arg6[%parallel_loop3A_1129, %parallel_loop3A_1036] : memref<32x1000xf32, #tpu.memory_space<vmem>>[vector<16xi32>, vector<16xi32>], vector<16xf32>,
        %parallel_loop3A_1131 = arith.constant 13 : i32
        %parallel_loop3A_1132 = arith.index_cast %parallel_loop3A_1131 : i32 to index
        %parallel_loop3A_1133 = arith.index_cast %parallel_loop3A_1032 : i32 to index
        %parallel_loop3A_1134 = tpu.vector_load %arg7[%parallel_loop3A_1132, %parallel_loop3A_1133] {strides = array<i32>} : memref<32x1000xf32, #tpu.memory_space<vmem>>, vector<16xf32>,
        tpu.vector_store %arg7[%parallel_loop3A_1132, %parallel_loop3A_1133], %parallel_loop3A_1130 {strides = array<i32>} : memref<32x1000xf32, #tpu.memory_space<vmem>>, vector<16xf32>,
        %parallel_loop3A_1135 = arith.constant 14 : i32
        %parallel_loop3A_1136 = vector.broadcast %parallel_loop3A_1135 : i32 to vector<16xi32>
        %parallel_loop3A_1137 = tpu.vector_load_idx %arg6[%parallel_loop3A_1136, %parallel_loop3A_1036] : memref<32x1000xf32, #tpu.memory_space<vmem>>[vector<16xi32>, vector<16xi32>], vector<16xf32>,
        %parallel_loop3A_1138 = arith.constant 14 : i32
        %parallel_loop3A_1139 = arith.index_cast %parallel_loop3A_1138 : i32 to index
        %parallel_loop3A_1140 = arith.index_cast %parallel_loop3A_1032 : i32 to index
        %parallel_loop3A_1141 = tpu.vector_load %arg7[%parallel_loop3A_1139, %parallel_loop3A_1140] {strides = array<i32>} : memref<32x1000xf32, #tpu.memory_space<vmem>>, vector<16xf32>,
        tpu.vector_store %arg7[%parallel_loop3A_1139, %parallel_loop3A_1140], %parallel_loop3A_1137 {strides = array<i32>} : memref<32x1000xf32, #tpu.memory_space<vmem>>, vector<16xf32>,
        %parallel_loop3A_1142 = arith.constant 15 : i32
        %parallel_loop3A_1143 = vector.broadcast %parallel_loop3A_1142 : i32 to vector<16xi32>
        %parallel_loop3A_1144 = tpu.vector_load_idx %arg6[%parallel_loop3A_1143, %parallel_loop3A_1036] : memref<32x1000xf32, #tpu.memory_space<vmem>>[vector<16xi32>, vector<16xi32>], vector<16xf32>,
        %parallel_loop3A_1145 = arith.constant 15 : i32
        %parallel_loop3A_1146 = arith.index_cast %parallel_loop3A_1145 : i32 to index
        %parallel_loop3A_1147 = arith.index_cast %parallel_loop3A_1032 : i32 to index
        %parallel_loop3A_1148 = tpu.vector_load %arg7[%parallel_loop3A_1146, %parallel_loop3A_1147] {strides = array<i32>} : memref<32x1000xf32, #tpu.memory_space<vmem>>, vector<16xf32>,
        tpu.vector_store %arg7[%parallel_loop3A_1146, %parallel_loop3A_1147], %parallel_loop3A_1144 {strides = array<i32>} : memref<32x1000xf32, #tpu.memory_space<vmem>>, vector<16xf32>,
        %parallel_loop3A_1149 = arith.constant 16 : i32
        %parallel_loop3A_1150 = vector.broadcast %parallel_loop3A_1149 : i32 to vector<16xi32>
        %parallel_loop3A_1151 = tpu.vector_load_idx %arg6[%parallel_loop3A_1150, %parallel_loop3A_1036] : memref<32x1000xf32, #tpu.memory_space<vmem>>[vector<16xi32>, vector<16xi32>], vector<16xf32>,
        %parallel_loop3A_1152 = arith.constant 16 : i32
        %parallel_loop3A_1153 = arith.index_cast %parallel_loop3A_1152 : i32 to index
        %parallel_loop3A_1154 = arith.index_cast %parallel_loop3A_1032 : i32 to index
        %parallel_loop3A_1155 = tpu.vector_load %arg7[%parallel_loop3A_1153, %parallel_loop3A_1154] {strides = array<i32>} : memref<32x1000xf32, #tpu.memory_space<vmem>>, vector<16xf32>,
        tpu.vector_store %arg7[%parallel_loop3A_1153, %parallel_loop3A_1154], %parallel_loop3A_1151 {strides = array<i32>} : memref<32x1000xf32, #tpu.memory_space<vmem>>, vector<16xf32>,
        %parallel_loop3A_1156 = arith.constant 17 : i32
        %parallel_loop3A_1157 = vector.broadcast %parallel_loop3A_1156 : i32 to vector<16xi32>
        %parallel_loop3A_1158 = tpu.vector_load_idx %arg6[%parallel_loop3A_1157, %parallel_loop3A_1036] : memref<32x1000xf32, #tpu.memory_space<vmem>>[vector<16xi32>, vector<16xi32>], vector<16xf32>,
        %parallel_loop3A_1159 = arith.constant 17 : i32
        %parallel_loop3A_1160 = arith.index_cast %parallel_loop3A_1159 : i32 to index
        %parallel_loop3A_1161 = arith.index_cast %parallel_loop3A_1032 : i32 to index
        %parallel_loop3A_1162 = tpu.vector_load %arg7[%parallel_loop3A_1160, %parallel_loop3A_1161] {strides = array<i32>} : memref<32x1000xf32, #tpu.memory_space<vmem>>, vector<16xf32>,
        tpu.vector_store %arg7[%parallel_loop3A_1160, %parallel_loop3A_1161], %parallel_loop3A_1158 {strides = array<i32>} : memref<32x1000xf32, #tpu.memory_space<vmem>>, vector<16xf32>,
        %parallel_loop3A_1163 = arith.constant 18 : i32
        %parallel_loop3A_1164 = vector.broadcast %parallel_loop3A_1163 : i32 to vector<16xi32>
        %parallel_loop3A_1165 = tpu.vector_load_idx %arg6[%parallel_loop3A_1164, %parallel_loop3A_1036] : memref<32x1000xf32, #tpu.memory_space<vmem>>[vector<16xi32>, vector<16xi32>], vector<16xf32>,
        %parallel_loop3A_1166 = arith.constant 18 : i32
        %parallel_loop3A_1167 = arith.index_cast %parallel_loop3A_1166 : i32 to index
        %parallel_loop3A_1168 = arith.index_cast %parallel_loop3A_1032 : i32 to index
        %parallel_loop3A_1169 = tpu.vector_load %arg7[%parallel_loop3A_1167, %parallel_loop3A_1168] {strides = array<i32>} : memref<32x1000xf32, #tpu.memory_space<vmem>>, vector<16xf32>,
        tpu.vector_store %arg7[%parallel_loop3A_1167, %parallel_loop3A_1168], %parallel_loop3A_1165 {strides = array<i32>} : memref<32x1000xf32, #tpu.memory_space<vmem>>, vector<16xf32>,
        %parallel_loop3A_1170 = arith.constant 19 : i32
        %parallel_loop3A_1171 = vector.broadcast %parallel_loop3A_1170 : i32 to vector<16xi32>
        %parallel_loop3A_1172 = tpu.vector_load_idx %arg6[%parallel_loop3A_1171, %parallel_loop3A_1036] : memref<32x1000xf32, #tpu.memory_space<vmem>>[vector<16xi32>, vector<16xi32>], vector<16xf32>,
        %parallel_loop3A_1173 = arith.constant 19 : i32
        %parallel_loop3A_1174 = arith.index_cast %parallel_loop3A_1173 : i32 to index
        %parallel_loop3A_1175 = arith.index_cast %parallel_loop3A_1032 : i32 to index
        %parallel_loop3A_1176 = tpu.vector_load %arg7[%parallel_loop3A_1174, %parallel_loop3A_1175] {strides = array<i32>} : memref<32x1000xf32, #tpu.memory_space<vmem>>, vector<16xf32>,
        tpu.vector_store %arg7[%parallel_loop3A_1174, %parallel_loop3A_1175], %parallel_loop3A_1172 {strides = array<i32>} : memref<32x1000xf32, #tpu.memory_space<vmem>>, vector<16xf32>,
        %parallel_loop3A_1177 = arith.constant 20 : i32
        %parallel_loop3A_1178 = vector.broadcast %parallel_loop3A_1177 : i32 to vector<16xi32>
        %parallel_loop3A_1179 = tpu.vector_load_idx %arg6[%parallel_loop3A_1178, %parallel_loop3A_1036] : memref<32x1000xf32, #tpu.memory_space<vmem>>[vector<16xi32>, vector<16xi32>], vector<16xf32>,
        %parallel_loop3A_1180 = arith.constant 20 : i32
        %parallel_loop3A_1181 = arith.index_cast %parallel_loop3A_1180 : i32 to index
        %parallel_loop3A_1182 = arith.index_cast %parallel_loop3A_1032 : i32 to index
        %parallel_loop3A_1183 = tpu.vector_load %arg7[%parallel_loop3A_1181, %parallel_loop3A_1182] {strides = array<i32>} : memref<32x1000xf32, #tpu.memory_space<vmem>>, vector<16xf32>,
        tpu.vector_store %arg7[%parallel_loop3A_1181, %parallel_loop3A_1182], %parallel_loop3A_1179 {strides = array<i32>} : memref<32x1000xf32, #tpu.memory_space<vmem>>, vector<16xf32>,
        %parallel_loop3A_1184 = arith.constant 21 : i32
        %parallel_loop3A_1185 = vector.broadcast %parallel_loop3A_1184 : i32 to vector<16xi32>
        %parallel_loop3A_1186 = tpu.vector_load_idx %arg6[%parallel_loop3A_1185, %parallel_loop3A_1036] : memref<32x1000xf32, #tpu.memory_space<vmem>>[vector<16xi32>, vector<16xi32>], vector<16xf32>,
        %parallel_loop3A_1187 = arith.constant 21 : i32
        %parallel_loop3A_1188 = arith.index_cast %parallel_loop3A_1187 : i32 to index
        %parallel_loop3A_1189 = arith.index_cast %parallel_loop3A_1032 : i32 to index
        %parallel_loop3A_1190 = tpu.vector_load %arg7[%parallel_loop3A_1188, %parallel_loop3A_1189] {strides = array<i32>} : memref<32x1000xf32, #tpu.memory_space<vmem>>, vector<16xf32>,
        tpu.vector_store %arg7[%parallel_loop3A_1188, %parallel_loop3A_1189], %parallel_loop3A_1186 {strides = array<i32>} : memref<32x1000xf32, #tpu.memory_space<vmem>>, vector<16xf32>,
        %parallel_loop3A_1191 = arith.constant 22 : i32
        %parallel_loop3A_1192 = vector.broadcast %parallel_loop3A_1191 : i32 to vector<16xi32>
        %parallel_loop3A_1193 = tpu.vector_load_idx %arg6[%parallel_loop3A_1192, %parallel_loop3A_1036] : memref<32x1000xf32, #tpu.memory_space<vmem>>[vector<16xi32>, vector<16xi32>], vector<16xf32>,
        %parallel_loop3A_1194 = arith.constant 22 : i32
        %parallel_loop3A_1195 = arith.index_cast %parallel_loop3A_1194 : i32 to index
        %parallel_loop3A_1196 = arith.index_cast %parallel_loop3A_1032 : i32 to index
        %parallel_loop3A_1197 = tpu.vector_load %arg7[%parallel_loop3A_1195, %parallel_loop3A_1196] {strides = array<i32>} : memref<32x1000xf32, #tpu.memory_space<vmem>>, vector<16xf32>,
        tpu.vector_store %arg7[%parallel_loop3A_1195, %parallel_loop3A_1196], %parallel_loop3A_1193 {strides = array<i32>} : memref<32x1000xf32, #tpu.memory_space<vmem>>, vector<16xf32>,
        %parallel_loop3A_1198 = arith.constant 23 : i32
        %parallel_loop3A_1199 = vector.broadcast %parallel_loop3A_1198 : i32 to vector<16xi32>
        %parallel_loop3A_1200 = tpu.vector_load_idx %arg6[%parallel_loop3A_1199, %parallel_loop3A_1036] : memref<32x1000xf32, #tpu.memory_space<vmem>>[vector<16xi32>, vector<16xi32>], vector<16xf32>,
        %parallel_loop3A_1201 = arith.constant 23 : i32
        %parallel_loop3A_1202 = arith.index_cast %parallel_loop3A_1201 : i32 to index
        %parallel_loop3A_1203 = arith.index_cast %parallel_loop3A_1032 : i32 to index
        %parallel_loop3A_1204 = tpu.vector_load %arg7[%parallel_loop3A_1202, %parallel_loop3A_1203] {strides = array<i32>} : memref<32x1000xf32, #tpu.memory_space<vmem>>, vector<16xf32>,
        tpu.vector_store %arg7[%parallel_loop3A_1202, %parallel_loop3A_1203], %parallel_loop3A_1200 {strides = array<i32>} : memref<32x1000xf32, #tpu.memory_space<vmem>>, vector<16xf32>,
        %parallel_loop3A_1205 = arith.constant 24 : i32
        %parallel_loop3A_1206 = vector.broadcast %parallel_loop3A_1205 : i32 to vector<16xi32>
        %parallel_loop3A_1207 = tpu.vector_load_idx %arg6[%parallel_loop3A_1206, %parallel_loop3A_1036] : memref<32x1000xf32, #tpu.memory_space<vmem>>[vector<16xi32>, vector<16xi32>], vector<16xf32>,
        %parallel_loop3A_1208 = arith.constant 24 : i32
        %parallel_loop3A_1209 = arith.index_cast %parallel_loop3A_1208 : i32 to index
        %parallel_loop3A_1210 = arith.index_cast %parallel_loop3A_1032 : i32 to index
        %parallel_loop3A_1211 = tpu.vector_load %arg7[%parallel_loop3A_1209, %parallel_loop3A_1210] {strides = array<i32>} : memref<32x1000xf32, #tpu.memory_space<vmem>>, vector<16xf32>,
        tpu.vector_store %arg7[%parallel_loop3A_1209, %parallel_loop3A_1210], %parallel_loop3A_1207 {strides = array<i32>} : memref<32x1000xf32, #tpu.memory_space<vmem>>, vector<16xf32>,
        %parallel_loop3A_1212 = arith.constant 25 : i32
        %parallel_loop3A_1213 = vector.broadcast %parallel_loop3A_1212 : i32 to vector<16xi32>
        %parallel_loop3A_1214 = tpu.vector_load_idx %arg6[%parallel_loop3A_1213, %parallel_loop3A_1036] : memref<32x1000xf32, #tpu.memory_space<vmem>>[vector<16xi32>, vector<16xi32>], vector<16xf32>,
        %parallel_loop3A_1215 = arith.constant 25 : i32
        %parallel_loop3A_1216 = arith.index_cast %parallel_loop3A_1215 : i32 to index
        %parallel_loop3A_1217 = arith.index_cast %parallel_loop3A_1032 : i32 to index
        %parallel_loop3A_1218 = tpu.vector_load %arg7[%parallel_loop3A_1216, %parallel_loop3A_1217] {strides = array<i32>} : memref<32x1000xf32, #tpu.memory_space<vmem>>, vector<16xf32>,
        tpu.vector_store %arg7[%parallel_loop3A_1216, %parallel_loop3A_1217], %parallel_loop3A_1214 {strides = array<i32>} : memref<32x1000xf32, #tpu.memory_space<vmem>>, vector<16xf32>,
        %parallel_loop3A_1219 = arith.constant 26 : i32
        %parallel_loop3A_1220 = vector.broadcast %parallel_loop3A_1219 : i32 to vector<16xi32>
        %parallel_loop3A_1221 = tpu.vector_load_idx %arg6[%parallel_loop3A_1220, %parallel_loop3A_1036] : memref<32x1000xf32, #tpu.memory_space<vmem>>[vector<16xi32>, vector<16xi32>], vector<16xf32>,
        %parallel_loop3A_1222 = arith.constant 26 : i32
        %parallel_loop3A_1223 = arith.index_cast %parallel_loop3A_1222 : i32 to index
        %parallel_loop3A_1224 = arith.index_cast %parallel_loop3A_1032 : i32 to index
        %parallel_loop3A_1225 = tpu.vector_load %arg7[%parallel_loop3A_1223, %parallel_loop3A_1224] {strides = array<i32>} : memref<32x1000xf32, #tpu.memory_space<vmem>>, vector<16xf32>,
        tpu.vector_store %arg7[%parallel_loop3A_1223, %parallel_loop3A_1224], %parallel_loop3A_1221 {strides = array<i32>} : memref<32x1000xf32, #tpu.memory_space<vmem>>, vector<16xf32>,
        %parallel_loop3A_1226 = arith.constant 27 : i32
        %parallel_loop3A_1227 = vector.broadcast %parallel_loop3A_1226 : i32 to vector<16xi32>
        %parallel_loop3A_1228 = tpu.vector_load_idx %arg6[%parallel_loop3A_1227, %parallel_loop3A_1036] : memref<32x1000xf32, #tpu.memory_space<vmem>>[vector<16xi32>, vector<16xi32>], vector<16xf32>,
        %parallel_loop3A_1229 = arith.constant 27 : i32
        %parallel_loop3A_1230 = arith.index_cast %parallel_loop3A_1229 : i32 to index
        %parallel_loop3A_1231 = arith.index_cast %parallel_loop3A_1032 : i32 to index
        %parallel_loop3A_1232 = tpu.vector_load %arg7[%parallel_loop3A_1230, %parallel_loop3A_1231] {strides = array<i32>} : memref<32x1000xf32, #tpu.memory_space<vmem>>, vector<16xf32>,
        tpu.vector_store %arg7[%parallel_loop3A_1230, %parallel_loop3A_1231], %parallel_loop3A_1228 {strides = array<i32>} : memref<32x1000xf32, #tpu.memory_space<vmem>>, vector<16xf32>,
        %parallel_loop3A_1233 = arith.constant 28 : i32
        %parallel_loop3A_1234 = vector.broadcast %parallel_loop3A_1233 : i32 to vector<16xi32>
        %parallel_loop3A_1235 = tpu.vector_load_idx %arg6[%parallel_loop3A_1234, %parallel_loop3A_1036] : memref<32x1000xf32, #tpu.memory_space<vmem>>[vector<16xi32>, vector<16xi32>], vector<16xf32>,
        %parallel_loop3A_1236 = arith.constant 28 : i32
        %parallel_loop3A_1237 = arith.index_cast %parallel_loop3A_1236 : i32 to index
        %parallel_loop3A_1238 = arith.index_cast %parallel_loop3A_1032 : i32 to index
        %parallel_loop3A_1239 = tpu.vector_load %arg7[%parallel_loop3A_1237, %parallel_loop3A_1238] {strides = array<i32>} : memref<32x1000xf32, #tpu.memory_space<vmem>>, vector<16xf32>,
        tpu.vector_store %arg7[%parallel_loop3A_1237, %parallel_loop3A_1238], %parallel_loop3A_1235 {strides = array<i32>} : memref<32x1000xf32, #tpu.memory_space<vmem>>, vector<16xf32>,
        %parallel_loop3A_1240 = arith.constant 29 : i32
        %parallel_loop3A_1241 = vector.broadcast %parallel_loop3A_1240 : i32 to vector<16xi32>
        %parallel_loop3A_1242 = tpu.vector_load_idx %arg6[%parallel_loop3A_1241, %parallel_loop3A_1036] : memref<32x1000xf32, #tpu.memory_space<vmem>>[vector<16xi32>, vector<16xi32>], vector<16xf32>,
        %parallel_loop3A_1243 = arith.constant 29 : i32
        %parallel_loop3A_1244 = arith.index_cast %parallel_loop3A_1243 : i32 to index
        %parallel_loop3A_1245 = arith.index_cast %parallel_loop3A_1032 : i32 to index
        %parallel_loop3A_1246 = tpu.vector_load %arg7[%parallel_loop3A_1244, %parallel_loop3A_1245] {strides = array<i32>} : memref<32x1000xf32, #tpu.memory_space<vmem>>, vector<16xf32>,
        tpu.vector_store %arg7[%parallel_loop3A_1244, %parallel_loop3A_1245], %parallel_loop3A_1242 {strides = array<i32>} : memref<32x1000xf32, #tpu.memory_space<vmem>>, vector<16xf32>,
        %parallel_loop3A_1247 = arith.constant 30 : i32
        %parallel_loop3A_1248 = vector.broadcast %parallel_loop3A_1247 : i32 to vector<16xi32>
        %parallel_loop3A_1249 = tpu.vector_load_idx %arg6[%parallel_loop3A_1248, %parallel_loop3A_1036] : memref<32x1000xf32, #tpu.memory_space<vmem>>[vector<16xi32>, vector<16xi32>], vector<16xf32>,
        %parallel_loop3A_1250 = arith.constant 30 : i32
        %parallel_loop3A_1251 = arith.index_cast %parallel_loop3A_1250 : i32 to index
        %parallel_loop3A_1252 = arith.index_cast %parallel_loop3A_1032 : i32 to index
        %parallel_loop3A_1253 = tpu.vector_load %arg7[%parallel_loop3A_1251, %parallel_loop3A_1252] {strides = array<i32>} : memref<32x1000xf32, #tpu.memory_space<vmem>>, vector<16xf32>,
        tpu.vector_store %arg7[%parallel_loop3A_1251, %parallel_loop3A_1252], %parallel_loop3A_1249 {strides = array<i32>} : memref<32x1000xf32, #tpu.memory_space<vmem>>, vector<16xf32>,
        %parallel_loop3A_1254 = arith.constant 31 : i32
        %parallel_loop3A_1255 = vector.broadcast %parallel_loop3A_1254 : i32 to vector<16xi32>
        %parallel_loop3A_1256 = tpu.vector_load_idx %arg6[%parallel_loop3A_1255, %parallel_loop3A_1036] : memref<32x1000xf32, #tpu.memory_space<vmem>>[vector<16xi32>, vector<16xi32>], vector<16xf32>,
        %parallel_loop3A_1257 = arith.constant 31 : i32
        %parallel_loop3A_1258 = arith.index_cast %parallel_loop3A_1257 : i32 to index
        %parallel_loop3A_1259 = arith.index_cast %parallel_loop3A_1032 : i32 to index
        %parallel_loop3A_1260 = tpu.vector_load %arg7[%parallel_loop3A_1258, %parallel_loop3A_1259] {strides = array<i32>} : memref<32x1000xf32, #tpu.memory_space<vmem>>, vector<16xf32>,
        tpu.vector_store %arg7[%parallel_loop3A_1258, %parallel_loop3A_1259], %parallel_loop3A_1256 {strides = array<i32>} : memref<32x1000xf32, #tpu.memory_space<vmem>>, vector<16xf32>,
      } {sc.loop_unroll_factor = 1 : i64, sc.parallel_access}
      %get3A_527 = arith.constant 2 : i32
      %get3A_528 = arith.index_cast %get3A_527 : i32 to index
      %get3A_529 = arith.constant 984 : index
      %get3A_530 = tpu.vector_load %arg5[%get3A_528, %get3A_529] {strides = array<i32>} : memref<4x1000xi32, #tpu.memory_space<vmem>>, vector<16xi32>,
      %broadcast_in_dim3A_531 = arith.constant 0 : i32
      %broadcast_in_dim3A_532 = vector.broadcast %broadcast_in_dim3A_531 : i32 to vector<16xi32>
      %gather3A_533 = tpu.vector_load_idx %arg6[%broadcast_in_dim3A_532, %get3A_530] : memref<32x1000xf32, #tpu.memory_space<vmem>>[vector<16xi32>, vector<16xi32>], vector<16xf32>,
      %swap3A_534 = arith.constant 0 : i32
      %swap3A_535 = arith.index_cast %swap3A_534 : i32 to index
      %swap3A_536 = arith.constant 984 : index
      %swap3A_537 = tpu.vector_load %arg7[%swap3A_535, %swap3A_536] {strides = array<i32>} : memref<32x1000xf32, #tpu.memory_space<vmem>>, vector<16xf32>,
      tpu.vector_store %arg7[%swap3A_535, %swap3A_536], %gather3A_533 {strides = array<i32>} : memref<32x1000xf32, #tpu.memory_space<vmem>>, vector<16xf32>,
      %broadcast_in_dim3A_538 = arith.constant 1 : i32
      %broadcast_in_dim3A_539 = vector.broadcast %broadcast_in_dim3A_538 : i32 to vector<16xi32>
      %gather3A_540 = tpu.vector_load_idx %arg6[%broadcast_in_dim3A_539, %get3A_530] : memref<32x1000xf32, #tpu.memory_space<vmem>>[vector<16xi32>, vector<16xi32>], vector<16xf32>,
      %swap3A_541 = arith.constant 1 : i32
      %swap3A_542 = arith.index_cast %swap3A_541 : i32 to index
      %swap3A_543 = arith.constant 984 : index
      %swap3A_544 = tpu.vector_load %arg7[%swap3A_542, %swap3A_543] {strides = array<i32>} : memref<32x1000xf32, #tpu.memory_space<vmem>>, vector<16xf32>,
      tpu.vector_store %arg7[%swap3A_542, %swap3A_543], %gather3A_540 {strides = array<i32>} : memref<32x1000xf32, #tpu.memory_space<vmem>>, vector<16xf32>,
      %broadcast_in_dim3A_545 = arith.constant 2 : i32
      %broadcast_in_dim3A_546 = vector.broadcast %broadcast_in_dim3A_545 : i32 to vector<16xi32>
      %gather3A_547 = tpu.vector_load_idx %arg6[%broadcast_in_dim3A_546, %get3A_530] : memref<32x1000xf32, #tpu.memory_space<vmem>>[vector<16xi32>, vector<16xi32>], vector<16xf32>,
      %swap3A_548 = arith.constant 2 : i32
      %swap3A_549 = arith.index_cast %swap3A_548 : i32 to index
      %swap3A_550 = arith.constant 984 : index
      %swap3A_551 = tpu.vector_load %arg7[%swap3A_549, %swap3A_550] {strides = array<i32>} : memref<32x1000xf32, #tpu.memory_space<vmem>>, vector<16xf32>,
      tpu.vector_store %arg7[%swap3A_549, %swap3A_550], %gather3A_547 {strides = array<i32>} : memref<32x1000xf32, #tpu.memory_space<vmem>>, vector<16xf32>,
      %broadcast_in_dim3A_552 = arith.constant 3 : i32
      %broadcast_in_dim3A_553 = vector.broadcast %broadcast_in_dim3A_552 : i32 to vector<16xi32>
      %gather3A_554 = tpu.vector_load_idx %arg6[%broadcast_in_dim3A_553, %get3A_530] : memref<32x1000xf32, #tpu.memory_space<vmem>>[vector<16xi32>, vector<16xi32>], vector<16xf32>,
      %swap3A_555 = arith.constant 3 : i32
      %swap3A_556 = arith.index_cast %swap3A_555 : i32 to index
      %swap3A_557 = arith.constant 984 : index
      %swap3A_558 = tpu.vector_load %arg7[%swap3A_556, %swap3A_557] {strides = array<i32>} : memref<32x1000xf32, #tpu.memory_space<vmem>>, vector<16xf32>,
      tpu.vector_store %arg7[%swap3A_556, %swap3A_557], %gather3A_554 {strides = array<i32>} : memref<32x1000xf32, #tpu.memory_space<vmem>>, vector<16xf32>,
      %broadcast_in_dim3A_559 = arith.constant 4 : i32
      %broadcast_in_dim3A_560 = vector.broadcast %broadcast_in_dim3A_559 : i32 to vector<16xi32>
      %gather3A_561 = tpu.vector_load_idx %arg6[%broadcast_in_dim3A_560, %get3A_530] : memref<32x1000xf32, #tpu.memory_space<vmem>>[vector<16xi32>, vector<16xi32>], vector<16xf32>,
      %swap3A_562 = arith.constant 4 : i32
      %swap3A_563 = arith.index_cast %swap3A_562 : i32 to index
      %swap3A_564 = arith.constant 984 : index
      %swap3A_565 = tpu.vector_load %arg7[%swap3A_563, %swap3A_564] {strides = array<i32>} : memref<32x1000xf32, #tpu.memory_space<vmem>>, vector<16xf32>,
      tpu.vector_store %arg7[%swap3A_563, %swap3A_564], %gather3A_561 {strides = array<i32>} : memref<32x1000xf32, #tpu.memory_space<vmem>>, vector<16xf32>,
      %broadcast_in_dim3A_566 = arith.constant 5 : i32
      %broadcast_in_dim3A_567 = vector.broadcast %broadcast_in_dim3A_566 : i32 to vector<16xi32>
      %gather3A_568 = tpu.vector_load_idx %arg6[%broadcast_in_dim3A_567, %get3A_530] : memref<32x1000xf32, #tpu.memory_space<vmem>>[vector<16xi32>, vector<16xi32>], vector<16xf32>,
      %swap3A_569 = arith.constant 5 : i32
      %swap3A_570 = arith.index_cast %swap3A_569 : i32 to index
      %swap3A_571 = arith.constant 984 : index
      %swap3A_572 = tpu.vector_load %arg7[%swap3A_570, %swap3A_571] {strides = array<i32>} : memref<32x1000xf32, #tpu.memory_space<vmem>>, vector<16xf32>,
      tpu.vector_store %arg7[%swap3A_570, %swap3A_571], %gather3A_568 {strides = array<i32>} : memref<32x1000xf32, #tpu.memory_space<vmem>>, vector<16xf32>,
      %broadcast_in_dim3A_573 = arith.constant 6 : i32
      %broadcast_in_dim3A_574 = vector.broadcast %broadcast_in_dim3A_573 : i32 to vector<16xi32>
      %gather3A_575 = tpu.vector_load_idx %arg6[%broadcast_in_dim3A_574, %get3A_530] : memref<32x1000xf32, #tpu.memory_space<vmem>>[vector<16xi32>, vector<16xi32>], vector<16xf32>,
      %swap3A_576 = arith.constant 6 : i32
      %swap3A_577 = arith.index_cast %swap3A_576 : i32 to index
      %swap3A_578 = arith.constant 984 : index
      %swap3A_579 = tpu.vector_load %arg7[%swap3A_577, %swap3A_578] {strides = array<i32>} : memref<32x1000xf32, #tpu.memory_space<vmem>>, vector<16xf32>,
      tpu.vector_store %arg7[%swap3A_577, %swap3A_578], %gather3A_575 {strides = array<i32>} : memref<32x1000xf32, #tpu.memory_space<vmem>>, vector<16xf32>,
      %broadcast_in_dim3A_580 = arith.constant 7 : i32
      %broadcast_in_dim3A_581 = vector.broadcast %broadcast_in_dim3A_580 : i32 to vector<16xi32>
      %gather3A_582 = tpu.vector_load_idx %arg6[%broadcast_in_dim3A_581, %get3A_530] : memref<32x1000xf32, #tpu.memory_space<vmem>>[vector<16xi32>, vector<16xi32>], vector<16xf32>,
      %swap3A_583 = arith.constant 7 : i32
      %swap3A_584 = arith.index_cast %swap3A_583 : i32 to index
      %swap3A_585 = arith.constant 984 : index
      %swap3A_586 = tpu.vector_load %arg7[%swap3A_584, %swap3A_585] {strides = array<i32>} : memref<32x1000xf32, #tpu.memory_space<vmem>>, vector<16xf32>,
      tpu.vector_store %arg7[%swap3A_584, %swap3A_585], %gather3A_582 {strides = array<i32>} : memref<32x1000xf32, #tpu.memory_space<vmem>>, vector<16xf32>,
      %broadcast_in_dim3A_587 = arith.constant 8 : i32
      %broadcast_in_dim3A_588 = vector.broadcast %broadcast_in_dim3A_587 : i32 to vector<16xi32>
      %gather3A_589 = tpu.vector_load_idx %arg6[%broadcast_in_dim3A_588, %get3A_530] : memref<32x1000xf32, #tpu.memory_space<vmem>>[vector<16xi32>, vector<16xi32>], vector<16xf32>,
      %swap3A_590 = arith.constant 8 : i32
      %swap3A_591 = arith.index_cast %swap3A_590 : i32 to index
      %swap3A_592 = arith.constant 984 : index
      %swap3A_593 = tpu.vector_load %arg7[%swap3A_591, %swap3A_592] {strides = array<i32>} : memref<32x1000xf32, #tpu.memory_space<vmem>>, vector<16xf32>,
      tpu.vector_store %arg7[%swap3A_591, %swap3A_592], %gather3A_589 {strides = array<i32>} : memref<32x1000xf32, #tpu.memory_space<vmem>>, vector<16xf32>,
      %broadcast_in_dim3A_594 = arith.constant 9 : i32
      %broadcast_in_dim3A_595 = vector.broadcast %broadcast_in_dim3A_594 : i32 to vector<16xi32>
      %gather3A_596 = tpu.vector_load_idx %arg6[%broadcast_in_dim3A_595, %get3A_530] : memref<32x1000xf32, #tpu.memory_space<vmem>>[vector<16xi32>, vector<16xi32>], vector<16xf32>,
      %swap3A_597 = arith.constant 9 : i32
      %swap3A_598 = arith.index_cast %swap3A_597 : i32 to index
      %swap3A_599 = arith.constant 984 : index
      %swap3A_600 = tpu.vector_load %arg7[%swap3A_598, %swap3A_599] {strides = array<i32>} : memref<32x1000xf32, #tpu.memory_space<vmem>>, vector<16xf32>,
      tpu.vector_store %arg7[%swap3A_598, %swap3A_599], %gather3A_596 {strides = array<i32>} : memref<32x1000xf32, #tpu.memory_space<vmem>>, vector<16xf32>,
      %broadcast_in_dim3A_601 = arith.constant 10 : i32
      %broadcast_in_dim3A_602 = vector.broadcast %broadcast_in_dim3A_601 : i32 to vector<16xi32>
      %gather3A_603 = tpu.vector_load_idx %arg6[%broadcast_in_dim3A_602, %get3A_530] : memref<32x1000xf32, #tpu.memory_space<vmem>>[vector<16xi32>, vector<16xi32>], vector<16xf32>,
      %swap3A_604 = arith.constant 10 : i32
      %swap3A_605 = arith.index_cast %swap3A_604 : i32 to index
      %swap3A_606 = arith.constant 984 : index
      %swap3A_607 = tpu.vector_load %arg7[%swap3A_605, %swap3A_606] {strides = array<i32>} : memref<32x1000xf32, #tpu.memory_space<vmem>>, vector<16xf32>,
      tpu.vector_store %arg7[%swap3A_605, %swap3A_606], %gather3A_603 {strides = array<i32>} : memref<32x1000xf32, #tpu.memory_space<vmem>>, vector<16xf32>,
      %broadcast_in_dim3A_608 = arith.constant 11 : i32
      %broadcast_in_dim3A_609 = vector.broadcast %broadcast_in_dim3A_608 : i32 to vector<16xi32>
      %gather3A_610 = tpu.vector_load_idx %arg6[%broadcast_in_dim3A_609, %get3A_530] : memref<32x1000xf32, #tpu.memory_space<vmem>>[vector<16xi32>, vector<16xi32>], vector<16xf32>,
      %swap3A_611 = arith.constant 11 : i32
      %swap3A_612 = arith.index_cast %swap3A_611 : i32 to index
      %swap3A_613 = arith.constant 984 : index
      %swap3A_614 = tpu.vector_load %arg7[%swap3A_612, %swap3A_613] {strides = array<i32>} : memref<32x1000xf32, #tpu.memory_space<vmem>>, vector<16xf32>,
      tpu.vector_store %arg7[%swap3A_612, %swap3A_613], %gather3A_610 {strides = array<i32>} : memref<32x1000xf32, #tpu.memory_space<vmem>>, vector<16xf32>,
      %broadcast_in_dim3A_615 = arith.constant 12 : i32
      %broadcast_in_dim3A_616 = vector.broadcast %broadcast_in_dim3A_615 : i32 to vector<16xi32>
      %gather3A_617 = tpu.vector_load_idx %arg6[%broadcast_in_dim3A_616, %get3A_530] : memref<32x1000xf32, #tpu.memory_space<vmem>>[vector<16xi32>, vector<16xi32>], vector<16xf32>,
      %swap3A_618 = arith.constant 12 : i32
      %swap3A_619 = arith.index_cast %swap3A_618 : i32 to index
      %swap3A_620 = arith.constant 984 : index
      %swap3A_621 = tpu.vector_load %arg7[%swap3A_619, %swap3A_620] {strides = array<i32>} : memref<32x1000xf32, #tpu.memory_space<vmem>>, vector<16xf32>,
      tpu.vector_store %arg7[%swap3A_619, %swap3A_620], %gather3A_617 {strides = array<i32>} : memref<32x1000xf32, #tpu.memory_space<vmem>>, vector<16xf32>,
      %broadcast_in_dim3A_622 = arith.constant 13 : i32
      %broadcast_in_dim3A_623 = vector.broadcast %broadcast_in_dim3A_622 : i32 to vector<16xi32>
      %gather3A_624 = tpu.vector_load_idx %arg6[%broadcast_in_dim3A_623, %get3A_530] : memref<32x1000xf32, #tpu.memory_space<vmem>>[vector<16xi32>, vector<16xi32>], vector<16xf32>,
      %swap3A_625 = arith.constant 13 : i32
      %swap3A_626 = arith.index_cast %swap3A_625 : i32 to index
      %swap3A_627 = arith.constant 984 : index
      %swap3A_628 = tpu.vector_load %arg7[%swap3A_626, %swap3A_627] {strides = array<i32>} : memref<32x1000xf32, #tpu.memory_space<vmem>>, vector<16xf32>,
      tpu.vector_store %arg7[%swap3A_626, %swap3A_627], %gather3A_624 {strides = array<i32>} : memref<32x1000xf32, #tpu.memory_space<vmem>>, vector<16xf32>,
      %broadcast_in_dim3A_629 = arith.constant 14 : i32
      %broadcast_in_dim3A_630 = vector.broadcast %broadcast_in_dim3A_629 : i32 to vector<16xi32>
      %gather3A_631 = tpu.vector_load_idx %arg6[%broadcast_in_dim3A_630, %get3A_530] : memref<32x1000xf32, #tpu.memory_space<vmem>>[vector<16xi32>, vector<16xi32>], vector<16xf32>,
      %swap3A_632 = arith.constant 14 : i32
      %swap3A_633 = arith.index_cast %swap3A_632 : i32 to index
      %swap3A_634 = arith.constant 984 : index
      %swap3A_635 = tpu.vector_load %arg7[%swap3A_633, %swap3A_634] {strides = array<i32>} : memref<32x1000xf32, #tpu.memory_space<vmem>>, vector<16xf32>,
      tpu.vector_store %arg7[%swap3A_633, %swap3A_634], %gather3A_631 {strides = array<i32>} : memref<32x1000xf32, #tpu.memory_space<vmem>>, vector<16xf32>,
      %broadcast_in_dim3A_636 = arith.constant 15 : i32
      %broadcast_in_dim3A_637 = vector.broadcast %broadcast_in_dim3A_636 : i32 to vector<16xi32>
      %gather3A_638 = tpu.vector_load_idx %arg6[%broadcast_in_dim3A_637, %get3A_530] : memref<32x1000xf32, #tpu.memory_space<vmem>>[vector<16xi32>, vector<16xi32>], vector<16xf32>,
      %swap3A_639 = arith.constant 15 : i32
      %swap3A_640 = arith.index_cast %swap3A_639 : i32 to index
      %swap3A_641 = arith.constant 984 : index
      %swap3A_642 = tpu.vector_load %arg7[%swap3A_640, %swap3A_641] {strides = array<i32>} : memref<32x1000xf32, #tpu.memory_space<vmem>>, vector<16xf32>,
      tpu.vector_store %arg7[%swap3A_640, %swap3A_641], %gather3A_638 {strides = array<i32>} : memref<32x1000xf32, #tpu.memory_space<vmem>>, vector<16xf32>,
      %broadcast_in_dim3A_643 = arith.constant 16 : i32
      %broadcast_in_dim3A_644 = vector.broadcast %broadcast_in_dim3A_643 : i32 to vector<16xi32>
      %gather3A_645 = tpu.vector_load_idx %arg6[%broadcast_in_dim3A_644, %get3A_530] : memref<32x1000xf32, #tpu.memory_space<vmem>>[vector<16xi32>, vector<16xi32>], vector<16xf32>,
      %swap3A_646 = arith.constant 16 : i32
      %swap3A_647 = arith.index_cast %swap3A_646 : i32 to index
      %swap3A_648 = arith.constant 984 : index
      %swap3A_649 = tpu.vector_load %arg7[%swap3A_647, %swap3A_648] {strides = array<i32>} : memref<32x1000xf32, #tpu.memory_space<vmem>>, vector<16xf32>,
      tpu.vector_store %arg7[%swap3A_647, %swap3A_648], %gather3A_645 {strides = array<i32>} : memref<32x1000xf32, #tpu.memory_space<vmem>>, vector<16xf32>,
      %broadcast_in_dim3A_650 = arith.constant 17 : i32
      %broadcast_in_dim3A_651 = vector.broadcast %broadcast_in_dim3A_650 : i32 to vector<16xi32>
      %gather3A_652 = tpu.vector_load_idx %arg6[%broadcast_in_dim3A_651, %get3A_530] : memref<32x1000xf32, #tpu.memory_space<vmem>>[vector<16xi32>, vector<16xi32>], vector<16xf32>,
      %swap3A_653 = arith.constant 17 : i32
      %swap3A_654 = arith.index_cast %swap3A_653 : i32 to index
      %swap3A_655 = arith.constant 984 : index
      %swap3A_656 = tpu.vector_load %arg7[%swap3A_654, %swap3A_655] {strides = array<i32>} : memref<32x1000xf32, #tpu.memory_space<vmem>>, vector<16xf32>,
      tpu.vector_store %arg7[%swap3A_654, %swap3A_655], %gather3A_652 {strides = array<i32>} : memref<32x1000xf32, #tpu.memory_space<vmem>>, vector<16xf32>,
      %broadcast_in_dim3A_657 = arith.constant 18 : i32
      %broadcast_in_dim3A_658 = vector.broadcast %broadcast_in_dim3A_657 : i32 to vector<16xi32>
      %gather3A_659 = tpu.vector_load_idx %arg6[%broadcast_in_dim3A_658, %get3A_530] : memref<32x1000xf32, #tpu.memory_space<vmem>>[vector<16xi32>, vector<16xi32>], vector<16xf32>,
      %swap3A_660 = arith.constant 18 : i32
      %swap3A_661 = arith.index_cast %swap3A_660 : i32 to index
      %swap3A_662 = arith.constant 984 : index
      %swap3A_663 = tpu.vector_load %arg7[%swap3A_661, %swap3A_662] {strides = array<i32>} : memref<32x1000xf32, #tpu.memory_space<vmem>>, vector<16xf32>,
      tpu.vector_store %arg7[%swap3A_661, %swap3A_662], %gather3A_659 {strides = array<i32>} : memref<32x1000xf32, #tpu.memory_space<vmem>>, vector<16xf32>,
      %broadcast_in_dim3A_664 = arith.constant 19 : i32
      %broadcast_in_dim3A_665 = vector.broadcast %broadcast_in_dim3A_664 : i32 to vector<16xi32>
      %gather3A_666 = tpu.vector_load_idx %arg6[%broadcast_in_dim3A_665, %get3A_530] : memref<32x1000xf32, #tpu.memory_space<vmem>>[vector<16xi32>, vector<16xi32>], vector<16xf32>,
      %swap3A_667 = arith.constant 19 : i32
      %swap3A_668 = arith.index_cast %swap3A_667 : i32 to index
      %swap3A_669 = arith.constant 984 : index
      %swap3A_670 = tpu.vector_load %arg7[%swap3A_668, %swap3A_669] {strides = array<i32>} : memref<32x1000xf32, #tpu.memory_space<vmem>>, vector<16xf32>,
      tpu.vector_store %arg7[%swap3A_668, %swap3A_669], %gather3A_666 {strides = array<i32>} : memref<32x1000xf32, #tpu.memory_space<vmem>>, vector<16xf32>,
      %broadcast_in_dim3A_671 = arith.constant 20 : i32
      %broadcast_in_dim3A_672 = vector.broadcast %broadcast_in_dim3A_671 : i32 to vector<16xi32>
      %gather3A_673 = tpu.vector_load_idx %arg6[%broadcast_in_dim3A_672, %get3A_530] : memref<32x1000xf32, #tpu.memory_space<vmem>>[vector<16xi32>, vector<16xi32>], vector<16xf32>,
      %swap3A_674 = arith.constant 20 : i32
      %swap3A_675 = arith.index_cast %swap3A_674 : i32 to index
      %swap3A_676 = arith.constant 984 : index
      %swap3A_677 = tpu.vector_load %arg7[%swap3A_675, %swap3A_676] {strides = array<i32>} : memref<32x1000xf32, #tpu.memory_space<vmem>>, vector<16xf32>,
      tpu.vector_store %arg7[%swap3A_675, %swap3A_676], %gather3A_673 {strides = array<i32>} : memref<32x1000xf32, #tpu.memory_space<vmem>>, vector<16xf32>,
      %broadcast_in_dim3A_678 = arith.constant 21 : i32
      %broadcast_in_dim3A_679 = vector.broadcast %broadcast_in_dim3A_678 : i32 to vector<16xi32>
      %gather3A_680 = tpu.vector_load_idx %arg6[%broadcast_in_dim3A_679, %get3A_530] : memref<32x1000xf32, #tpu.memory_space<vmem>>[vector<16xi32>, vector<16xi32>], vector<16xf32>,
      %swap3A_681 = arith.constant 21 : i32
      %swap3A_682 = arith.index_cast %swap3A_681 : i32 to index
      %swap3A_683 = arith.constant 984 : index
      %swap3A_684 = tpu.vector_load %arg7[%swap3A_682, %swap3A_683] {strides = array<i32>} : memref<32x1000xf32, #tpu.memory_space<vmem>>, vector<16xf32>,
      tpu.vector_store %arg7[%swap3A_682, %swap3A_683], %gather3A_680 {strides = array<i32>} : memref<32x1000xf32, #tpu.memory_space<vmem>>, vector<16xf32>,
      %broadcast_in_dim3A_685 = arith.constant 22 : i32
      %broadcast_in_dim3A_686 = vector.broadcast %broadcast_in_dim3A_685 : i32 to vector<16xi32>
      %gather3A_687 = tpu.vector_load_idx %arg6[%broadcast_in_dim3A_686, %get3A_530] : memref<32x1000xf32, #tpu.memory_space<vmem>>[vector<16xi32>, vector<16xi32>], vector<16xf32>,
      %swap3A_688 = arith.constant 22 : i32
      %swap3A_689 = arith.index_cast %swap3A_688 : i32 to index
      %swap3A_690 = arith.constant 984 : index
      %swap3A_691 = tpu.vector_load %arg7[%swap3A_689, %swap3A_690] {strides = array<i32>} : memref<32x1000xf32, #tpu.memory_space<vmem>>, vector<16xf32>,
      tpu.vector_store %arg7[%swap3A_689, %swap3A_690], %gather3A_687 {strides = array<i32>} : memref<32x1000xf32, #tpu.memory_space<vmem>>, vector<16xf32>,
      %broadcast_in_dim3A_692 = arith.constant 23 : i32
      %broadcast_in_dim3A_693 = vector.broadcast %broadcast_in_dim3A_692 : i32 to vector<16xi32>
      %gather3A_694 = tpu.vector_load_idx %arg6[%broadcast_in_dim3A_693, %get3A_530] : memref<32x1000xf32, #tpu.memory_space<vmem>>[vector<16xi32>, vector<16xi32>], vector<16xf32>,
      %swap3A_695 = arith.constant 23 : i32
      %swap3A_696 = arith.index_cast %swap3A_695 : i32 to index
      %swap3A_697 = arith.constant 984 : index
      %swap3A_698 = tpu.vector_load %arg7[%swap3A_696, %swap3A_697] {strides = array<i32>} : memref<32x1000xf32, #tpu.memory_space<vmem>>, vector<16xf32>,
      tpu.vector_store %arg7[%swap3A_696, %swap3A_697], %gather3A_694 {strides = array<i32>} : memref<32x1000xf32, #tpu.memory_space<vmem>>, vector<16xf32>,
      %broadcast_in_dim3A_699 = arith.constant 24 : i32
      %broadcast_in_dim3A_700 = vector.broadcast %broadcast_in_dim3A_699 : i32 to vector<16xi32>
      %gather3A_701 = tpu.vector_load_idx %arg6[%broadcast_in_dim3A_700, %get3A_530] : memref<32x1000xf32, #tpu.memory_space<vmem>>[vector<16xi32>, vector<16xi32>], vector<16xf32>,
      %swap3A_702 = arith.constant 24 : i32
      %swap3A_703 = arith.index_cast %swap3A_702 : i32 to index
      %swap3A_704 = arith.constant 984 : index
      %swap3A_705 = tpu.vector_load %arg7[%swap3A_703, %swap3A_704] {strides = array<i32>} : memref<32x1000xf32, #tpu.memory_space<vmem>>, vector<16xf32>,
      tpu.vector_store %arg7[%swap3A_703, %swap3A_704], %gather3A_701 {strides = array<i32>} : memref<32x1000xf32, #tpu.memory_space<vmem>>, vector<16xf32>,
      %broadcast_in_dim3A_706 = arith.constant 25 : i32
      %broadcast_in_dim3A_707 = vector.broadcast %broadcast_in_dim3A_706 : i32 to vector<16xi32>
      %gather3A_708 = tpu.vector_load_idx %arg6[%broadcast_in_dim3A_707, %get3A_530] : memref<32x1000xf32, #tpu.memory_space<vmem>>[vector<16xi32>, vector<16xi32>], vector<16xf32>,
      %swap3A_709 = arith.constant 25 : i32
      %swap3A_710 = arith.index_cast %swap3A_709 : i32 to index
      %swap3A_711 = arith.constant 984 : index
      %swap3A_712 = tpu.vector_load %arg7[%swap3A_710, %swap3A_711] {strides = array<i32>} : memref<32x1000xf32, #tpu.memory_space<vmem>>, vector<16xf32>,
      tpu.vector_store %arg7[%swap3A_710, %swap3A_711], %gather3A_708 {strides = array<i32>} : memref<32x1000xf32, #tpu.memory_space<vmem>>, vector<16xf32>,
      %broadcast_in_dim3A_713 = arith.constant 26 : i32
      %broadcast_in_dim3A_714 = vector.broadcast %broadcast_in_dim3A_713 : i32 to vector<16xi32>
      %gather3A_715 = tpu.vector_load_idx %arg6[%broadcast_in_dim3A_714, %get3A_530] : memref<32x1000xf32, #tpu.memory_space<vmem>>[vector<16xi32>, vector<16xi32>], vector<16xf32>,
      %swap3A_716 = arith.constant 26 : i32
      %swap3A_717 = arith.index_cast %swap3A_716 : i32 to index
      %swap3A_718 = arith.constant 984 : index
      %swap3A_719 = tpu.vector_load %arg7[%swap3A_717, %swap3A_718] {strides = array<i32>} : memref<32x1000xf32, #tpu.memory_space<vmem>>, vector<16xf32>,
      tpu.vector_store %arg7[%swap3A_717, %swap3A_718], %gather3A_715 {strides = array<i32>} : memref<32x1000xf32, #tpu.memory_space<vmem>>, vector<16xf32>,
      %broadcast_in_dim3A_720 = arith.constant 27 : i32
      %broadcast_in_dim3A_721 = vector.broadcast %broadcast_in_dim3A_720 : i32 to vector<16xi32>
      %gather3A_722 = tpu.vector_load_idx %arg6[%broadcast_in_dim3A_721, %get3A_530] : memref<32x1000xf32, #tpu.memory_space<vmem>>[vector<16xi32>, vector<16xi32>], vector<16xf32>,
      %swap3A_723 = arith.constant 27 : i32
      %swap3A_724 = arith.index_cast %swap3A_723 : i32 to index
      %swap3A_725 = arith.constant 984 : index
      %swap3A_726 = tpu.vector_load %arg7[%swap3A_724, %swap3A_725] {strides = array<i32>} : memref<32x1000xf32, #tpu.memory_space<vmem>>, vector<16xf32>,
      tpu.vector_store %arg7[%swap3A_724, %swap3A_725], %gather3A_722 {strides = array<i32>} : memref<32x1000xf32, #tpu.memory_space<vmem>>, vector<16xf32>,
      %broadcast_in_dim3A_727 = arith.constant 28 : i32
      %broadcast_in_dim3A_728 = vector.broadcast %broadcast_in_dim3A_727 : i32 to vector<16xi32>
      %gather3A_729 = tpu.vector_load_idx %arg6[%broadcast_in_dim3A_728, %get3A_530] : memref<32x1000xf32, #tpu.memory_space<vmem>>[vector<16xi32>, vector<16xi32>], vector<16xf32>,
      %swap3A_730 = arith.constant 28 : i32
      %swap3A_731 = arith.index_cast %swap3A_730 : i32 to index
      %swap3A_732 = arith.constant 984 : index
      %swap3A_733 = tpu.vector_load %arg7[%swap3A_731, %swap3A_732] {strides = array<i32>} : memref<32x1000xf32, #tpu.memory_space<vmem>>, vector<16xf32>,
      tpu.vector_store %arg7[%swap3A_731, %swap3A_732], %gather3A_729 {strides = array<i32>} : memref<32x1000xf32, #tpu.memory_space<vmem>>, vector<16xf32>,
      %broadcast_in_dim3A_734 = arith.constant 29 : i32
      %broadcast_in_dim3A_735 = vector.broadcast %broadcast_in_dim3A_734 : i32 to vector<16xi32>
      %gather3A_736 = tpu.vector_load_idx %arg6[%broadcast_in_dim3A_735, %get3A_530] : memref<32x1000xf32, #tpu.memory_space<vmem>>[vector<16xi32>, vector<16xi32>], vector<16xf32>,
      %swap3A_737 = arith.constant 29 : i32
      %swap3A_738 = arith.index_cast %swap3A_737 : i32 to index
      %swap3A_739 = arith.constant 984 : index
      %swap3A_740 = tpu.vector_load %arg7[%swap3A_738, %swap3A_739] {strides = array<i32>} : memref<32x1000xf32, #tpu.memory_space<vmem>>, vector<16xf32>,
      tpu.vector_store %arg7[%swap3A_738, %swap3A_739], %gather3A_736 {strides = array<i32>} : memref<32x1000xf32, #tpu.memory_space<vmem>>, vector<16xf32>,
      %broadcast_in_dim3A_741 = arith.constant 30 : i32
      %broadcast_in_dim3A_742 = vector.broadcast %broadcast_in_dim3A_741 : i32 to vector<16xi32>
      %gather3A_743 = tpu.vector_load_idx %arg6[%broadcast_in_dim3A_742, %get3A_530] : memref<32x1000xf32, #tpu.memory_space<vmem>>[vector<16xi32>, vector<16xi32>], vector<16xf32>,
      %swap3A_744 = arith.constant 30 : i32
      %swap3A_745 = arith.index_cast %swap3A_744 : i32 to index
      %swap3A_746 = arith.constant 984 : index
      %swap3A_747 = tpu.vector_load %arg7[%swap3A_745, %swap3A_746] {strides = array<i32>} : memref<32x1000xf32, #tpu.memory_space<vmem>>, vector<16xf32>,
      tpu.vector_store %arg7[%swap3A_745, %swap3A_746], %gather3A_743 {strides = array<i32>} : memref<32x1000xf32, #tpu.memory_space<vmem>>, vector<16xf32>,
      %broadcast_in_dim3A_748 = arith.constant 31 : i32
      %broadcast_in_dim3A_749 = vector.broadcast %broadcast_in_dim3A_748 : i32 to vector<16xi32>
      %gather3A_750 = tpu.vector_load_idx %arg6[%broadcast_in_dim3A_749, %get3A_530] : memref<32x1000xf32, #tpu.memory_space<vmem>>[vector<16xi32>, vector<16xi32>], vector<16xf32>,
      %swap3A_751 = arith.constant 31 : i32
      %swap3A_752 = arith.index_cast %swap3A_751 : i32 to index
      %swap3A_753 = arith.constant 984 : index
      %swap3A_754 = tpu.vector_load %arg7[%swap3A_752, %swap3A_753] {strides = array<i32>} : memref<32x1000xf32, #tpu.memory_space<vmem>>, vector<16xf32>,
      tpu.vector_store %arg7[%swap3A_752, %swap3A_753], %gather3A_750 {strides = array<i32>} : memref<32x1000xf32, #tpu.memory_space<vmem>>, vector<16xf32>,
      %dma_start3A_755 = arith.constant 2 : i32
      %dma_start3A_756 = arith.constant 0 : i32
      %dma_start3A_757 = arith.constant 0 : i32
      %dma_start3A_758 = tpu.memref_slice %arg4[%select_n3A, %dma_start3A_755, %add3A_41, %dma_start3A_756, %dma_start3A_757] : memref<8x4x20x32x1000xf32, #tpu.memory_space<hbm>> -> memref<1x1x1x32x1000xf32, #tpu.memory_space<hbm>>
      %dma_start3A_759 = tpu.memref_squeeze %dma_start3A_758 : memref<1x1x1x32x1000xf32, #tpu.memory_space<hbm>> -> memref<32x1000xf32, #tpu.memory_space<hbm>>
      %dma_start3A_760 = arith.constant 0 : i32
      %dma_start3A_761 = arith.constant 0 : i32
      %dma_start3A_762 = tpu.memref_slice %arg4[%select_n3A, %dma_start3A_755, %add3A_41, %dma_start3A_760, %dma_start3A_761] : memref<8x4x20x32x1000xf32, #tpu.memory_space<hbm>> -> memref<1x1x1x32x1000xf32, #tpu.memory_space<hbm>>
      %dma_start3A_763 = tpu.memref_squeeze %dma_start3A_762 : memref<1x1x1x32x1000xf32, #tpu.memory_space<hbm>> -> memref<32x1000xf32, #tpu.memory_space<hbm>>
      tpu.enqueue_dma source(%arg7 : memref<32x1000xf32, #tpu.memory_space<vmem>>) target(%dma_start3A_763 : memref<32x1000xf32, #tpu.memory_space<hbm>>) target_semaphore(%arg9 : memref<!tpu.dma_semaphore, #tpu.memory_space<semaphore_mem>>)
      %dma_wait3A_764 = arith.constant 1 : i32
      %dma_wait3A_765 = arith.constant 0 : i32
      %dma_wait3A_766 = arith.constant 0 : i32
      %dma_wait3A_767 = tpu.memref_slice %arg4[%select_n3A, %dma_wait3A_764, %add3A_41, %dma_wait3A_765, %dma_wait3A_766] : memref<8x4x20x32x1000xf32, #tpu.memory_space<hbm>> -> memref<1x1x1x32x1000xf32, #tpu.memory_space<hbm>>
      %dma_wait3A_768 = tpu.memref_squeeze %dma_wait3A_767 : memref<1x1x1x32x1000xf32, #tpu.memory_space<hbm>> -> memref<32x1000xf32, #tpu.memory_space<hbm>>
      %dma_wait3A_769 = arith.constant 0 : i32
      %dma_wait3A_770 = arith.constant 0 : i32
      %dma_wait3A_771 = tpu.memref_slice %arg4[%select_n3A, %dma_wait3A_764, %add3A_41, %dma_wait3A_769, %dma_wait3A_770] : memref<8x4x20x32x1000xf32, #tpu.memory_space<hbm>> -> memref<1x1x1x32x1000xf32, #tpu.memory_space<hbm>>
      %dma_wait3A_772 = tpu.memref_squeeze %dma_wait3A_771 : memref<1x1x1x32x1000xf32, #tpu.memory_space<hbm>> -> memref<32x1000xf32, #tpu.memory_space<hbm>>
      tpu.wait_dma2 semaphore(%arg10 : memref<!tpu.dma_semaphore, #tpu.memory_space<semaphore_mem>>) src(%arg8 : memref<32x1000xf32, #tpu.memory_space<vmem>>) dst(%dma_wait3A_772 : memref<32x1000xf32, #tpu.memory_space<hbm>>)
      %parallel_loop3A_773 = arith.constant 0 : i32
      %parallel_loop3A_774 = arith.constant 992 : i32
      %parallel_loop3A_775 = arith.constant 16 : i32
      scf.for %parallel_loop3A_1031 = %parallel_loop3A_773 to %parallel_loop3A_774 step %parallel_loop3A_775  : i32 {
        %parallel_loop3A_1032 = tpu.assume_multiple %parallel_loop3A_1031, 16 : i32
        %parallel_loop3A_1033 = arith.constant 3 : i32
        %parallel_loop3A_1034 = arith.index_cast %parallel_loop3A_1033 : i32 to index
        %parallel_loop3A_1035 = arith.index_cast %parallel_loop3A_1032 : i32 to index
        %parallel_loop3A_1036 = tpu.vector_load %arg5[%parallel_loop3A_1034, %parallel_loop3A_1035] {strides = array<i32>} : memref<4x1000xi32, #tpu.memory_space<vmem>>, vector<16xi32>,
        %parallel_loop3A_1037 = arith.constant 0 : i32
        %parallel_loop3A_1038 = vector.broadcast %parallel_loop3A_1037 : i32 to vector<16xi32>
        %parallel_loop3A_1039 = tpu.vector_load_idx %arg6[%parallel_loop3A_1038, %parallel_loop3A_1036] : memref<32x1000xf32, #tpu.memory_space<vmem>>[vector<16xi32>, vector<16xi32>], vector<16xf32>,
        %parallel_loop3A_1040 = arith.constant 0 : i32
        %parallel_loop3A_1041 = arith.index_cast %parallel_loop3A_1040 : i32 to index
        %parallel_loop3A_1042 = arith.index_cast %parallel_loop3A_1032 : i32 to index
        %parallel_loop3A_1043 = tpu.vector_load %arg8[%parallel_loop3A_1041, %parallel_loop3A_1042] {strides = array<i32>} : memref<32x1000xf32, #tpu.memory_space<vmem>>, vector<16xf32>,
        tpu.vector_store %arg8[%parallel_loop3A_1041, %parallel_loop3A_1042], %parallel_loop3A_1039 {strides = array<i32>} : memref<32x1000xf32, #tpu.memory_space<vmem>>, vector<16xf32>,
        %parallel_loop3A_1044 = arith.constant 1 : i32
        %parallel_loop3A_1045 = vector.broadcast %parallel_loop3A_1044 : i32 to vector<16xi32>
        %parallel_loop3A_1046 = tpu.vector_load_idx %arg6[%parallel_loop3A_1045, %parallel_loop3A_1036] : memref<32x1000xf32, #tpu.memory_space<vmem>>[vector<16xi32>, vector<16xi32>], vector<16xf32>,
        %parallel_loop3A_1047 = arith.constant 1 : i32
        %parallel_loop3A_1048 = arith.index_cast %parallel_loop3A_1047 : i32 to index
        %parallel_loop3A_1049 = arith.index_cast %parallel_loop3A_1032 : i32 to index
        %parallel_loop3A_1050 = tpu.vector_load %arg8[%parallel_loop3A_1048, %parallel_loop3A_1049] {strides = array<i32>} : memref<32x1000xf32, #tpu.memory_space<vmem>>, vector<16xf32>,
        tpu.vector_store %arg8[%parallel_loop3A_1048, %parallel_loop3A_1049], %parallel_loop3A_1046 {strides = array<i32>} : memref<32x1000xf32, #tpu.memory_space<vmem>>, vector<16xf32>,
        %parallel_loop3A_1051 = arith.constant 2 : i32
        %parallel_loop3A_1052 = vector.broadcast %parallel_loop3A_1051 : i32 to vector<16xi32>
        %parallel_loop3A_1053 = tpu.vector_load_idx %arg6[%parallel_loop3A_1052, %parallel_loop3A_1036] : memref<32x1000xf32, #tpu.memory_space<vmem>>[vector<16xi32>, vector<16xi32>], vector<16xf32>,
        %parallel_loop3A_1054 = arith.constant 2 : i32
        %parallel_loop3A_1055 = arith.index_cast %parallel_loop3A_1054 : i32 to index
        %parallel_loop3A_1056 = arith.index_cast %parallel_loop3A_1032 : i32 to index
        %parallel_loop3A_1057 = tpu.vector_load %arg8[%parallel_loop3A_1055, %parallel_loop3A_1056] {strides = array<i32>} : memref<32x1000xf32, #tpu.memory_space<vmem>>, vector<16xf32>,
        tpu.vector_store %arg8[%parallel_loop3A_1055, %parallel_loop3A_1056], %parallel_loop3A_1053 {strides = array<i32>} : memref<32x1000xf32, #tpu.memory_space<vmem>>, vector<16xf32>,
        %parallel_loop3A_1058 = arith.constant 3 : i32
        %parallel_loop3A_1059 = vector.broadcast %parallel_loop3A_1058 : i32 to vector<16xi32>
        %parallel_loop3A_1060 = tpu.vector_load_idx %arg6[%parallel_loop3A_1059, %parallel_loop3A_1036] : memref<32x1000xf32, #tpu.memory_space<vmem>>[vector<16xi32>, vector<16xi32>], vector<16xf32>,
        %parallel_loop3A_1061 = arith.constant 3 : i32
        %parallel_loop3A_1062 = arith.index_cast %parallel_loop3A_1061 : i32 to index
        %parallel_loop3A_1063 = arith.index_cast %parallel_loop3A_1032 : i32 to index
        %parallel_loop3A_1064 = tpu.vector_load %arg8[%parallel_loop3A_1062, %parallel_loop3A_1063] {strides = array<i32>} : memref<32x1000xf32, #tpu.memory_space<vmem>>, vector<16xf32>,
        tpu.vector_store %arg8[%parallel_loop3A_1062, %parallel_loop3A_1063], %parallel_loop3A_1060 {strides = array<i32>} : memref<32x1000xf32, #tpu.memory_space<vmem>>, vector<16xf32>,
        %parallel_loop3A_1065 = arith.constant 4 : i32
        %parallel_loop3A_1066 = vector.broadcast %parallel_loop3A_1065 : i32 to vector<16xi32>
        %parallel_loop3A_1067 = tpu.vector_load_idx %arg6[%parallel_loop3A_1066, %parallel_loop3A_1036] : memref<32x1000xf32, #tpu.memory_space<vmem>>[vector<16xi32>, vector<16xi32>], vector<16xf32>,
        %parallel_loop3A_1068 = arith.constant 4 : i32
        %parallel_loop3A_1069 = arith.index_cast %parallel_loop3A_1068 : i32 to index
        %parallel_loop3A_1070 = arith.index_cast %parallel_loop3A_1032 : i32 to index
        %parallel_loop3A_1071 = tpu.vector_load %arg8[%parallel_loop3A_1069, %parallel_loop3A_1070] {strides = array<i32>} : memref<32x1000xf32, #tpu.memory_space<vmem>>, vector<16xf32>,
        tpu.vector_store %arg8[%parallel_loop3A_1069, %parallel_loop3A_1070], %parallel_loop3A_1067 {strides = array<i32>} : memref<32x1000xf32, #tpu.memory_space<vmem>>, vector<16xf32>,
        %parallel_loop3A_1072 = arith.constant 5 : i32
        %parallel_loop3A_1073 = vector.broadcast %parallel_loop3A_1072 : i32 to vector<16xi32>
        %parallel_loop3A_1074 = tpu.vector_load_idx %arg6[%parallel_loop3A_1073, %parallel_loop3A_1036] : memref<32x1000xf32, #tpu.memory_space<vmem>>[vector<16xi32>, vector<16xi32>], vector<16xf32>,
        %parallel_loop3A_1075 = arith.constant 5 : i32
        %parallel_loop3A_1076 = arith.index_cast %parallel_loop3A_1075 : i32 to index
        %parallel_loop3A_1077 = arith.index_cast %parallel_loop3A_1032 : i32 to index
        %parallel_loop3A_1078 = tpu.vector_load %arg8[%parallel_loop3A_1076, %parallel_loop3A_1077] {strides = array<i32>} : memref<32x1000xf32, #tpu.memory_space<vmem>>, vector<16xf32>,
        tpu.vector_store %arg8[%parallel_loop3A_1076, %parallel_loop3A_1077], %parallel_loop3A_1074 {strides = array<i32>} : memref<32x1000xf32, #tpu.memory_space<vmem>>, vector<16xf32>,
        %parallel_loop3A_1079 = arith.constant 6 : i32
        %parallel_loop3A_1080 = vector.broadcast %parallel_loop3A_1079 : i32 to vector<16xi32>
        %parallel_loop3A_1081 = tpu.vector_load_idx %arg6[%parallel_loop3A_1080, %parallel_loop3A_1036] : memref<32x1000xf32, #tpu.memory_space<vmem>>[vector<16xi32>, vector<16xi32>], vector<16xf32>,
        %parallel_loop3A_1082 = arith.constant 6 : i32
        %parallel_loop3A_1083 = arith.index_cast %parallel_loop3A_1082 : i32 to index
        %parallel_loop3A_1084 = arith.index_cast %parallel_loop3A_1032 : i32 to index
        %parallel_loop3A_1085 = tpu.vector_load %arg8[%parallel_loop3A_1083, %parallel_loop3A_1084] {strides = array<i32>} : memref<32x1000xf32, #tpu.memory_space<vmem>>, vector<16xf32>,
        tpu.vector_store %arg8[%parallel_loop3A_1083, %parallel_loop3A_1084], %parallel_loop3A_1081 {strides = array<i32>} : memref<32x1000xf32, #tpu.memory_space<vmem>>, vector<16xf32>,
        %parallel_loop3A_1086 = arith.constant 7 : i32
        %parallel_loop3A_1087 = vector.broadcast %parallel_loop3A_1086 : i32 to vector<16xi32>
        %parallel_loop3A_1088 = tpu.vector_load_idx %arg6[%parallel_loop3A_1087, %parallel_loop3A_1036] : memref<32x1000xf32, #tpu.memory_space<vmem>>[vector<16xi32>, vector<16xi32>], vector<16xf32>,
        %parallel_loop3A_1089 = arith.constant 7 : i32
        %parallel_loop3A_1090 = arith.index_cast %parallel_loop3A_1089 : i32 to index
        %parallel_loop3A_1091 = arith.index_cast %parallel_loop3A_1032 : i32 to index
        %parallel_loop3A_1092 = tpu.vector_load %arg8[%parallel_loop3A_1090, %parallel_loop3A_1091] {strides = array<i32>} : memref<32x1000xf32, #tpu.memory_space<vmem>>, vector<16xf32>,
        tpu.vector_store %arg8[%parallel_loop3A_1090, %parallel_loop3A_1091], %parallel_loop3A_1088 {strides = array<i32>} : memref<32x1000xf32, #tpu.memory_space<vmem>>, vector<16xf32>,
        %parallel_loop3A_1093 = arith.constant 8 : i32
        %parallel_loop3A_1094 = vector.broadcast %parallel_loop3A_1093 : i32 to vector<16xi32>
        %parallel_loop3A_1095 = tpu.vector_load_idx %arg6[%parallel_loop3A_1094, %parallel_loop3A_1036] : memref<32x1000xf32, #tpu.memory_space<vmem>>[vector<16xi32>, vector<16xi32>], vector<16xf32>,
        %parallel_loop3A_1096 = arith.constant 8 : i32
        %parallel_loop3A_1097 = arith.index_cast %parallel_loop3A_1096 : i32 to index
        %parallel_loop3A_1098 = arith.index_cast %parallel_loop3A_1032 : i32 to index
        %parallel_loop3A_1099 = tpu.vector_load %arg8[%parallel_loop3A_1097, %parallel_loop3A_1098] {strides = array<i32>} : memref<32x1000xf32, #tpu.memory_space<vmem>>, vector<16xf32>,
        tpu.vector_store %arg8[%parallel_loop3A_1097, %parallel_loop3A_1098], %parallel_loop3A_1095 {strides = array<i32>} : memref<32x1000xf32, #tpu.memory_space<vmem>>, vector<16xf32>,
        %parallel_loop3A_1100 = arith.constant 9 : i32
        %parallel_loop3A_1101 = vector.broadcast %parallel_loop3A_1100 : i32 to vector<16xi32>
        %parallel_loop3A_1102 = tpu.vector_load_idx %arg6[%parallel_loop3A_1101, %parallel_loop3A_1036] : memref<32x1000xf32, #tpu.memory_space<vmem>>[vector<16xi32>, vector<16xi32>], vector<16xf32>,
        %parallel_loop3A_1103 = arith.constant 9 : i32
        %parallel_loop3A_1104 = arith.index_cast %parallel_loop3A_1103 : i32 to index
        %parallel_loop3A_1105 = arith.index_cast %parallel_loop3A_1032 : i32 to index
        %parallel_loop3A_1106 = tpu.vector_load %arg8[%parallel_loop3A_1104, %parallel_loop3A_1105] {strides = array<i32>} : memref<32x1000xf32, #tpu.memory_space<vmem>>, vector<16xf32>,
        tpu.vector_store %arg8[%parallel_loop3A_1104, %parallel_loop3A_1105], %parallel_loop3A_1102 {strides = array<i32>} : memref<32x1000xf32, #tpu.memory_space<vmem>>, vector<16xf32>,
        %parallel_loop3A_1107 = arith.constant 10 : i32
        %parallel_loop3A_1108 = vector.broadcast %parallel_loop3A_1107 : i32 to vector<16xi32>
        %parallel_loop3A_1109 = tpu.vector_load_idx %arg6[%parallel_loop3A_1108, %parallel_loop3A_1036] : memref<32x1000xf32, #tpu.memory_space<vmem>>[vector<16xi32>, vector<16xi32>], vector<16xf32>,
        %parallel_loop3A_1110 = arith.constant 10 : i32
        %parallel_loop3A_1111 = arith.index_cast %parallel_loop3A_1110 : i32 to index
        %parallel_loop3A_1112 = arith.index_cast %parallel_loop3A_1032 : i32 to index
        %parallel_loop3A_1113 = tpu.vector_load %arg8[%parallel_loop3A_1111, %parallel_loop3A_1112] {strides = array<i32>} : memref<32x1000xf32, #tpu.memory_space<vmem>>, vector<16xf32>,
        tpu.vector_store %arg8[%parallel_loop3A_1111, %parallel_loop3A_1112], %parallel_loop3A_1109 {strides = array<i32>} : memref<32x1000xf32, #tpu.memory_space<vmem>>, vector<16xf32>,
        %parallel_loop3A_1114 = arith.constant 11 : i32
        %parallel_loop3A_1115 = vector.broadcast %parallel_loop3A_1114 : i32 to vector<16xi32>
        %parallel_loop3A_1116 = tpu.vector_load_idx %arg6[%parallel_loop3A_1115, %parallel_loop3A_1036] : memref<32x1000xf32, #tpu.memory_space<vmem>>[vector<16xi32>, vector<16xi32>], vector<16xf32>,
        %parallel_loop3A_1117 = arith.constant 11 : i32
        %parallel_loop3A_1118 = arith.index_cast %parallel_loop3A_1117 : i32 to index
        %parallel_loop3A_1119 = arith.index_cast %parallel_loop3A_1032 : i32 to index
        %parallel_loop3A_1120 = tpu.vector_load %arg8[%parallel_loop3A_1118, %parallel_loop3A_1119] {strides = array<i32>} : memref<32x1000xf32, #tpu.memory_space<vmem>>, vector<16xf32>,
        tpu.vector_store %arg8[%parallel_loop3A_1118, %parallel_loop3A_1119], %parallel_loop3A_1116 {strides = array<i32>} : memref<32x1000xf32, #tpu.memory_space<vmem>>, vector<16xf32>,
        %parallel_loop3A_1121 = arith.constant 12 : i32
        %parallel_loop3A_1122 = vector.broadcast %parallel_loop3A_1121 : i32 to vector<16xi32>
        %parallel_loop3A_1123 = tpu.vector_load_idx %arg6[%parallel_loop3A_1122, %parallel_loop3A_1036] : memref<32x1000xf32, #tpu.memory_space<vmem>>[vector<16xi32>, vector<16xi32>], vector<16xf32>,
        %parallel_loop3A_1124 = arith.constant 12 : i32
        %parallel_loop3A_1125 = arith.index_cast %parallel_loop3A_1124 : i32 to index
        %parallel_loop3A_1126 = arith.index_cast %parallel_loop3A_1032 : i32 to index
        %parallel_loop3A_1127 = tpu.vector_load %arg8[%parallel_loop3A_1125, %parallel_loop3A_1126] {strides = array<i32>} : memref<32x1000xf32, #tpu.memory_space<vmem>>, vector<16xf32>,
        tpu.vector_store %arg8[%parallel_loop3A_1125, %parallel_loop3A_1126], %parallel_loop3A_1123 {strides = array<i32>} : memref<32x1000xf32, #tpu.memory_space<vmem>>, vector<16xf32>,
        %parallel_loop3A_1128 = arith.constant 13 : i32
        %parallel_loop3A_1129 = vector.broadcast %parallel_loop3A_1128 : i32 to vector<16xi32>
        %parallel_loop3A_1130 = tpu.vector_load_idx %arg6[%parallel_loop3A_1129, %parallel_loop3A_1036] : memref<32x1000xf32, #tpu.memory_space<vmem>>[vector<16xi32>, vector<16xi32>], vector<16xf32>,
        %parallel_loop3A_1131 = arith.constant 13 : i32
        %parallel_loop3A_1132 = arith.index_cast %parallel_loop3A_1131 : i32 to index
        %parallel_loop3A_1133 = arith.index_cast %parallel_loop3A_1032 : i32 to index
        %parallel_loop3A_1134 = tpu.vector_load %arg8[%parallel_loop3A_1132, %parallel_loop3A_1133] {strides = array<i32>} : memref<32x1000xf32, #tpu.memory_space<vmem>>, vector<16xf32>,
        tpu.vector_store %arg8[%parallel_loop3A_1132, %parallel_loop3A_1133], %parallel_loop3A_1130 {strides = array<i32>} : memref<32x1000xf32, #tpu.memory_space<vmem>>, vector<16xf32>,
        %parallel_loop3A_1135 = arith.constant 14 : i32
        %parallel_loop3A_1136 = vector.broadcast %parallel_loop3A_1135 : i32 to vector<16xi32>
        %parallel_loop3A_1137 = tpu.vector_load_idx %arg6[%parallel_loop3A_1136, %parallel_loop3A_1036] : memref<32x1000xf32, #tpu.memory_space<vmem>>[vector<16xi32>, vector<16xi32>], vector<16xf32>,
        %parallel_loop3A_1138 = arith.constant 14 : i32
        %parallel_loop3A_1139 = arith.index_cast %parallel_loop3A_1138 : i32 to index
        %parallel_loop3A_1140 = arith.index_cast %parallel_loop3A_1032 : i32 to index
        %parallel_loop3A_1141 = tpu.vector_load %arg8[%parallel_loop3A_1139, %parallel_loop3A_1140] {strides = array<i32>} : memref<32x1000xf32, #tpu.memory_space<vmem>>, vector<16xf32>,
        tpu.vector_store %arg8[%parallel_loop3A_1139, %parallel_loop3A_1140], %parallel_loop3A_1137 {strides = array<i32>} : memref<32x1000xf32, #tpu.memory_space<vmem>>, vector<16xf32>,
        %parallel_loop3A_1142 = arith.constant 15 : i32
        %parallel_loop3A_1143 = vector.broadcast %parallel_loop3A_1142 : i32 to vector<16xi32>
        %parallel_loop3A_1144 = tpu.vector_load_idx %arg6[%parallel_loop3A_1143, %parallel_loop3A_1036] : memref<32x1000xf32, #tpu.memory_space<vmem>>[vector<16xi32>, vector<16xi32>], vector<16xf32>,
        %parallel_loop3A_1145 = arith.constant 15 : i32
        %parallel_loop3A_1146 = arith.index_cast %parallel_loop3A_1145 : i32 to index
        %parallel_loop3A_1147 = arith.index_cast %parallel_loop3A_1032 : i32 to index
        %parallel_loop3A_1148 = tpu.vector_load %arg8[%parallel_loop3A_1146, %parallel_loop3A_1147] {strides = array<i32>} : memref<32x1000xf32, #tpu.memory_space<vmem>>, vector<16xf32>,
        tpu.vector_store %arg8[%parallel_loop3A_1146, %parallel_loop3A_1147], %parallel_loop3A_1144 {strides = array<i32>} : memref<32x1000xf32, #tpu.memory_space<vmem>>, vector<16xf32>,
        %parallel_loop3A_1149 = arith.constant 16 : i32
        %parallel_loop3A_1150 = vector.broadcast %parallel_loop3A_1149 : i32 to vector<16xi32>
        %parallel_loop3A_1151 = tpu.vector_load_idx %arg6[%parallel_loop3A_1150, %parallel_loop3A_1036] : memref<32x1000xf32, #tpu.memory_space<vmem>>[vector<16xi32>, vector<16xi32>], vector<16xf32>,
        %parallel_loop3A_1152 = arith.constant 16 : i32
        %parallel_loop3A_1153 = arith.index_cast %parallel_loop3A_1152 : i32 to index
        %parallel_loop3A_1154 = arith.index_cast %parallel_loop3A_1032 : i32 to index
        %parallel_loop3A_1155 = tpu.vector_load %arg8[%parallel_loop3A_1153, %parallel_loop3A_1154] {strides = array<i32>} : memref<32x1000xf32, #tpu.memory_space<vmem>>, vector<16xf32>,
        tpu.vector_store %arg8[%parallel_loop3A_1153, %parallel_loop3A_1154], %parallel_loop3A_1151 {strides = array<i32>} : memref<32x1000xf32, #tpu.memory_space<vmem>>, vector<16xf32>,
        %parallel_loop3A_1156 = arith.constant 17 : i32
        %parallel_loop3A_1157 = vector.broadcast %parallel_loop3A_1156 : i32 to vector<16xi32>
        %parallel_loop3A_1158 = tpu.vector_load_idx %arg6[%parallel_loop3A_1157, %parallel_loop3A_1036] : memref<32x1000xf32, #tpu.memory_space<vmem>>[vector<16xi32>, vector<16xi32>], vector<16xf32>,
        %parallel_loop3A_1159 = arith.constant 17 : i32
        %parallel_loop3A_1160 = arith.index_cast %parallel_loop3A_1159 : i32 to index
        %parallel_loop3A_1161 = arith.index_cast %parallel_loop3A_1032 : i32 to index
        %parallel_loop3A_1162 = tpu.vector_load %arg8[%parallel_loop3A_1160, %parallel_loop3A_1161] {strides = array<i32>} : memref<32x1000xf32, #tpu.memory_space<vmem>>, vector<16xf32>,
        tpu.vector_store %arg8[%parallel_loop3A_1160, %parallel_loop3A_1161], %parallel_loop3A_1158 {strides = array<i32>} : memref<32x1000xf32, #tpu.memory_space<vmem>>, vector<16xf32>,
        %parallel_loop3A_1163 = arith.constant 18 : i32
        %parallel_loop3A_1164 = vector.broadcast %parallel_loop3A_1163 : i32 to vector<16xi32>
        %parallel_loop3A_1165 = tpu.vector_load_idx %arg6[%parallel_loop3A_1164, %parallel_loop3A_1036] : memref<32x1000xf32, #tpu.memory_space<vmem>>[vector<16xi32>, vector<16xi32>], vector<16xf32>,
        %parallel_loop3A_1166 = arith.constant 18 : i32
        %parallel_loop3A_1167 = arith.index_cast %parallel_loop3A_1166 : i32 to index
        %parallel_loop3A_1168 = arith.index_cast %parallel_loop3A_1032 : i32 to index
        %parallel_loop3A_1169 = tpu.vector_load %arg8[%parallel_loop3A_1167, %parallel_loop3A_1168] {strides = array<i32>} : memref<32x1000xf32, #tpu.memory_space<vmem>>, vector<16xf32>,
        tpu.vector_store %arg8[%parallel_loop3A_1167, %parallel_loop3A_1168], %parallel_loop3A_1165 {strides = array<i32>} : memref<32x1000xf32, #tpu.memory_space<vmem>>, vector<16xf32>,
        %parallel_loop3A_1170 = arith.constant 19 : i32
        %parallel_loop3A_1171 = vector.broadcast %parallel_loop3A_1170 : i32 to vector<16xi32>
        %parallel_loop3A_1172 = tpu.vector_load_idx %arg6[%parallel_loop3A_1171, %parallel_loop3A_1036] : memref<32x1000xf32, #tpu.memory_space<vmem>>[vector<16xi32>, vector<16xi32>], vector<16xf32>,
        %parallel_loop3A_1173 = arith.constant 19 : i32
        %parallel_loop3A_1174 = arith.index_cast %parallel_loop3A_1173 : i32 to index
        %parallel_loop3A_1175 = arith.index_cast %parallel_loop3A_1032 : i32 to index
        %parallel_loop3A_1176 = tpu.vector_load %arg8[%parallel_loop3A_1174, %parallel_loop3A_1175] {strides = array<i32>} : memref<32x1000xf32, #tpu.memory_space<vmem>>, vector<16xf32>,
        tpu.vector_store %arg8[%parallel_loop3A_1174, %parallel_loop3A_1175], %parallel_loop3A_1172 {strides = array<i32>} : memref<32x1000xf32, #tpu.memory_space<vmem>>, vector<16xf32>,
        %parallel_loop3A_1177 = arith.constant 20 : i32
        %parallel_loop3A_1178 = vector.broadcast %parallel_loop3A_1177 : i32 to vector<16xi32>
        %parallel_loop3A_1179 = tpu.vector_load_idx %arg6[%parallel_loop3A_1178, %parallel_loop3A_1036] : memref<32x1000xf32, #tpu.memory_space<vmem>>[vector<16xi32>, vector<16xi32>], vector<16xf32>,
        %parallel_loop3A_1180 = arith.constant 20 : i32
        %parallel_loop3A_1181 = arith.index_cast %parallel_loop3A_1180 : i32 to index
        %parallel_loop3A_1182 = arith.index_cast %parallel_loop3A_1032 : i32 to index
        %parallel_loop3A_1183 = tpu.vector_load %arg8[%parallel_loop3A_1181, %parallel_loop3A_1182] {strides = array<i32>} : memref<32x1000xf32, #tpu.memory_space<vmem>>, vector<16xf32>,
        tpu.vector_store %arg8[%parallel_loop3A_1181, %parallel_loop3A_1182], %parallel_loop3A_1179 {strides = array<i32>} : memref<32x1000xf32, #tpu.memory_space<vmem>>, vector<16xf32>,
        %parallel_loop3A_1184 = arith.constant 21 : i32
        %parallel_loop3A_1185 = vector.broadcast %parallel_loop3A_1184 : i32 to vector<16xi32>
        %parallel_loop3A_1186 = tpu.vector_load_idx %arg6[%parallel_loop3A_1185, %parallel_loop3A_1036] : memref<32x1000xf32, #tpu.memory_space<vmem>>[vector<16xi32>, vector<16xi32>], vector<16xf32>,
        %parallel_loop3A_1187 = arith.constant 21 : i32
        %parallel_loop3A_1188 = arith.index_cast %parallel_loop3A_1187 : i32 to index
        %parallel_loop3A_1189 = arith.index_cast %parallel_loop3A_1032 : i32 to index
        %parallel_loop3A_1190 = tpu.vector_load %arg8[%parallel_loop3A_1188, %parallel_loop3A_1189] {strides = array<i32>} : memref<32x1000xf32, #tpu.memory_space<vmem>>, vector<16xf32>,
        tpu.vector_store %arg8[%parallel_loop3A_1188, %parallel_loop3A_1189], %parallel_loop3A_1186 {strides = array<i32>} : memref<32x1000xf32, #tpu.memory_space<vmem>>, vector<16xf32>,
        %parallel_loop3A_1191 = arith.constant 22 : i32
        %parallel_loop3A_1192 = vector.broadcast %parallel_loop3A_1191 : i32 to vector<16xi32>
        %parallel_loop3A_1193 = tpu.vector_load_idx %arg6[%parallel_loop3A_1192, %parallel_loop3A_1036] : memref<32x1000xf32, #tpu.memory_space<vmem>>[vector<16xi32>, vector<16xi32>], vector<16xf32>,
        %parallel_loop3A_1194 = arith.constant 22 : i32
        %parallel_loop3A_1195 = arith.index_cast %parallel_loop3A_1194 : i32 to index
        %parallel_loop3A_1196 = arith.index_cast %parallel_loop3A_1032 : i32 to index
        %parallel_loop3A_1197 = tpu.vector_load %arg8[%parallel_loop3A_1195, %parallel_loop3A_1196] {strides = array<i32>} : memref<32x1000xf32, #tpu.memory_space<vmem>>, vector<16xf32>,
        tpu.vector_store %arg8[%parallel_loop3A_1195, %parallel_loop3A_1196], %parallel_loop3A_1193 {strides = array<i32>} : memref<32x1000xf32, #tpu.memory_space<vmem>>, vector<16xf32>,
        %parallel_loop3A_1198 = arith.constant 23 : i32
        %parallel_loop3A_1199 = vector.broadcast %parallel_loop3A_1198 : i32 to vector<16xi32>
        %parallel_loop3A_1200 = tpu.vector_load_idx %arg6[%parallel_loop3A_1199, %parallel_loop3A_1036] : memref<32x1000xf32, #tpu.memory_space<vmem>>[vector<16xi32>, vector<16xi32>], vector<16xf32>,
        %parallel_loop3A_1201 = arith.constant 23 : i32
        %parallel_loop3A_1202 = arith.index_cast %parallel_loop3A_1201 : i32 to index
        %parallel_loop3A_1203 = arith.index_cast %parallel_loop3A_1032 : i32 to index
        %parallel_loop3A_1204 = tpu.vector_load %arg8[%parallel_loop3A_1202, %parallel_loop3A_1203] {strides = array<i32>} : memref<32x1000xf32, #tpu.memory_space<vmem>>, vector<16xf32>,
        tpu.vector_store %arg8[%parallel_loop3A_1202, %parallel_loop3A_1203], %parallel_loop3A_1200 {strides = array<i32>} : memref<32x1000xf32, #tpu.memory_space<vmem>>, vector<16xf32>,
        %parallel_loop3A_1205 = arith.constant 24 : i32
        %parallel_loop3A_1206 = vector.broadcast %parallel_loop3A_1205 : i32 to vector<16xi32>
        %parallel_loop3A_1207 = tpu.vector_load_idx %arg6[%parallel_loop3A_1206, %parallel_loop3A_1036] : memref<32x1000xf32, #tpu.memory_space<vmem>>[vector<16xi32>, vector<16xi32>], vector<16xf32>,
        %parallel_loop3A_1208 = arith.constant 24 : i32
        %parallel_loop3A_1209 = arith.index_cast %parallel_loop3A_1208 : i32 to index
        %parallel_loop3A_1210 = arith.index_cast %parallel_loop3A_1032 : i32 to index
        %parallel_loop3A_1211 = tpu.vector_load %arg8[%parallel_loop3A_1209, %parallel_loop3A_1210] {strides = array<i32>} : memref<32x1000xf32, #tpu.memory_space<vmem>>, vector<16xf32>,
        tpu.vector_store %arg8[%parallel_loop3A_1209, %parallel_loop3A_1210], %parallel_loop3A_1207 {strides = array<i32>} : memref<32x1000xf32, #tpu.memory_space<vmem>>, vector<16xf32>,
        %parallel_loop3A_1212 = arith.constant 25 : i32
        %parallel_loop3A_1213 = vector.broadcast %parallel_loop3A_1212 : i32 to vector<16xi32>
        %parallel_loop3A_1214 = tpu.vector_load_idx %arg6[%parallel_loop3A_1213, %parallel_loop3A_1036] : memref<32x1000xf32, #tpu.memory_space<vmem>>[vector<16xi32>, vector<16xi32>], vector<16xf32>,
        %parallel_loop3A_1215 = arith.constant 25 : i32
        %parallel_loop3A_1216 = arith.index_cast %parallel_loop3A_1215 : i32 to index
        %parallel_loop3A_1217 = arith.index_cast %parallel_loop3A_1032 : i32 to index
        %parallel_loop3A_1218 = tpu.vector_load %arg8[%parallel_loop3A_1216, %parallel_loop3A_1217] {strides = array<i32>} : memref<32x1000xf32, #tpu.memory_space<vmem>>, vector<16xf32>,
        tpu.vector_store %arg8[%parallel_loop3A_1216, %parallel_loop3A_1217], %parallel_loop3A_1214 {strides = array<i32>} : memref<32x1000xf32, #tpu.memory_space<vmem>>, vector<16xf32>,
        %parallel_loop3A_1219 = arith.constant 26 : i32
        %parallel_loop3A_1220 = vector.broadcast %parallel_loop3A_1219 : i32 to vector<16xi32>
        %parallel_loop3A_1221 = tpu.vector_load_idx %arg6[%parallel_loop3A_1220, %parallel_loop3A_1036] : memref<32x1000xf32, #tpu.memory_space<vmem>>[vector<16xi32>, vector<16xi32>], vector<16xf32>,
        %parallel_loop3A_1222 = arith.constant 26 : i32
        %parallel_loop3A_1223 = arith.index_cast %parallel_loop3A_1222 : i32 to index
        %parallel_loop3A_1224 = arith.index_cast %parallel_loop3A_1032 : i32 to index
        %parallel_loop3A_1225 = tpu.vector_load %arg8[%parallel_loop3A_1223, %parallel_loop3A_1224] {strides = array<i32>} : memref<32x1000xf32, #tpu.memory_space<vmem>>, vector<16xf32>,
        tpu.vector_store %arg8[%parallel_loop3A_1223, %parallel_loop3A_1224], %parallel_loop3A_1221 {strides = array<i32>} : memref<32x1000xf32, #tpu.memory_space<vmem>>, vector<16xf32>,
        %parallel_loop3A_1226 = arith.constant 27 : i32
        %parallel_loop3A_1227 = vector.broadcast %parallel_loop3A_1226 : i32 to vector<16xi32>
        %parallel_loop3A_1228 = tpu.vector_load_idx %arg6[%parallel_loop3A_1227, %parallel_loop3A_1036] : memref<32x1000xf32, #tpu.memory_space<vmem>>[vector<16xi32>, vector<16xi32>], vector<16xf32>,
        %parallel_loop3A_1229 = arith.constant 27 : i32
        %parallel_loop3A_1230 = arith.index_cast %parallel_loop3A_1229 : i32 to index
        %parallel_loop3A_1231 = arith.index_cast %parallel_loop3A_1032 : i32 to index
        %parallel_loop3A_1232 = tpu.vector_load %arg8[%parallel_loop3A_1230, %parallel_loop3A_1231] {strides = array<i32>} : memref<32x1000xf32, #tpu.memory_space<vmem>>, vector<16xf32>,
        tpu.vector_store %arg8[%parallel_loop3A_1230, %parallel_loop3A_1231], %parallel_loop3A_1228 {strides = array<i32>} : memref<32x1000xf32, #tpu.memory_space<vmem>>, vector<16xf32>,
        %parallel_loop3A_1233 = arith.constant 28 : i32
        %parallel_loop3A_1234 = vector.broadcast %parallel_loop3A_1233 : i32 to vector<16xi32>
        %parallel_loop3A_1235 = tpu.vector_load_idx %arg6[%parallel_loop3A_1234, %parallel_loop3A_1036] : memref<32x1000xf32, #tpu.memory_space<vmem>>[vector<16xi32>, vector<16xi32>], vector<16xf32>,
        %parallel_loop3A_1236 = arith.constant 28 : i32
        %parallel_loop3A_1237 = arith.index_cast %parallel_loop3A_1236 : i32 to index
        %parallel_loop3A_1238 = arith.index_cast %parallel_loop3A_1032 : i32 to index
        %parallel_loop3A_1239 = tpu.vector_load %arg8[%parallel_loop3A_1237, %parallel_loop3A_1238] {strides = array<i32>} : memref<32x1000xf32, #tpu.memory_space<vmem>>, vector<16xf32>,
        tpu.vector_store %arg8[%parallel_loop3A_1237, %parallel_loop3A_1238], %parallel_loop3A_1235 {strides = array<i32>} : memref<32x1000xf32, #tpu.memory_space<vmem>>, vector<16xf32>,
        %parallel_loop3A_1240 = arith.constant 29 : i32
        %parallel_loop3A_1241 = vector.broadcast %parallel_loop3A_1240 : i32 to vector<16xi32>
        %parallel_loop3A_1242 = tpu.vector_load_idx %arg6[%parallel_loop3A_1241, %parallel_loop3A_1036] : memref<32x1000xf32, #tpu.memory_space<vmem>>[vector<16xi32>, vector<16xi32>], vector<16xf32>,
        %parallel_loop3A_1243 = arith.constant 29 : i32
        %parallel_loop3A_1244 = arith.index_cast %parallel_loop3A_1243 : i32 to index
        %parallel_loop3A_1245 = arith.index_cast %parallel_loop3A_1032 : i32 to index
        %parallel_loop3A_1246 = tpu.vector_load %arg8[%parallel_loop3A_1244, %parallel_loop3A_1245] {strides = array<i32>} : memref<32x1000xf32, #tpu.memory_space<vmem>>, vector<16xf32>,
        tpu.vector_store %arg8[%parallel_loop3A_1244, %parallel_loop3A_1245], %parallel_loop3A_1242 {strides = array<i32>} : memref<32x1000xf32, #tpu.memory_space<vmem>>, vector<16xf32>,
        %parallel_loop3A_1247 = arith.constant 30 : i32
        %parallel_loop3A_1248 = vector.broadcast %parallel_loop3A_1247 : i32 to vector<16xi32>
        %parallel_loop3A_1249 = tpu.vector_load_idx %arg6[%parallel_loop3A_1248, %parallel_loop3A_1036] : memref<32x1000xf32, #tpu.memory_space<vmem>>[vector<16xi32>, vector<16xi32>], vector<16xf32>,
        %parallel_loop3A_1250 = arith.constant 30 : i32
        %parallel_loop3A_1251 = arith.index_cast %parallel_loop3A_1250 : i32 to index
        %parallel_loop3A_1252 = arith.index_cast %parallel_loop3A_1032 : i32 to index
        %parallel_loop3A_1253 = tpu.vector_load %arg8[%parallel_loop3A_1251, %parallel_loop3A_1252] {strides = array<i32>} : memref<32x1000xf32, #tpu.memory_space<vmem>>, vector<16xf32>,
        tpu.vector_store %arg8[%parallel_loop3A_1251, %parallel_loop3A_1252], %parallel_loop3A_1249 {strides = array<i32>} : memref<32x1000xf32, #tpu.memory_space<vmem>>, vector<16xf32>,
        %parallel_loop3A_1254 = arith.constant 31 : i32
        %parallel_loop3A_1255 = vector.broadcast %parallel_loop3A_1254 : i32 to vector<16xi32>
        %parallel_loop3A_1256 = tpu.vector_load_idx %arg6[%parallel_loop3A_1255, %parallel_loop3A_1036] : memref<32x1000xf32, #tpu.memory_space<vmem>>[vector<16xi32>, vector<16xi32>], vector<16xf32>,
        %parallel_loop3A_1257 = arith.constant 31 : i32
        %parallel_loop3A_1258 = arith.index_cast %parallel_loop3A_1257 : i32 to index
        %parallel_loop3A_1259 = arith.index_cast %parallel_loop3A_1032 : i32 to index
        %parallel_loop3A_1260 = tpu.vector_load %arg8[%parallel_loop3A_1258, %parallel_loop3A_1259] {strides = array<i32>} : memref<32x1000xf32, #tpu.memory_space<vmem>>, vector<16xf32>,
        tpu.vector_store %arg8[%parallel_loop3A_1258, %parallel_loop3A_1259], %parallel_loop3A_1256 {strides = array<i32>} : memref<32x1000xf32, #tpu.memory_space<vmem>>, vector<16xf32>,
      } {sc.loop_unroll_factor = 1 : i64, sc.parallel_access}
      %get3A_776 = arith.constant 3 : i32
      %get3A_777 = arith.index_cast %get3A_776 : i32 to index
      %get3A_778 = arith.constant 984 : index
      %get3A_779 = tpu.vector_load %arg5[%get3A_777, %get3A_778] {strides = array<i32>} : memref<4x1000xi32, #tpu.memory_space<vmem>>, vector<16xi32>,
      %broadcast_in_dim3A_780 = arith.constant 0 : i32
      %broadcast_in_dim3A_781 = vector.broadcast %broadcast_in_dim3A_780 : i32 to vector<16xi32>
      %gather3A_782 = tpu.vector_load_idx %arg6[%broadcast_in_dim3A_781, %get3A_779] : memref<32x1000xf32, #tpu.memory_space<vmem>>[vector<16xi32>, vector<16xi32>], vector<16xf32>,
      %swap3A_783 = arith.constant 0 : i32
      %swap3A_784 = arith.index_cast %swap3A_783 : i32 to index
      %swap3A_785 = arith.constant 984 : index
      %swap3A_786 = tpu.vector_load %arg8[%swap3A_784, %swap3A_785] {strides = array<i32>} : memref<32x1000xf32, #tpu.memory_space<vmem>>, vector<16xf32>,
      tpu.vector_store %arg8[%swap3A_784, %swap3A_785], %gather3A_782 {strides = array<i32>} : memref<32x1000xf32, #tpu.memory_space<vmem>>, vector<16xf32>,
      %broadcast_in_dim3A_787 = arith.constant 1 : i32
      %broadcast_in_dim3A_788 = vector.broadcast %broadcast_in_dim3A_787 : i32 to vector<16xi32>
      %gather3A_789 = tpu.vector_load_idx %arg6[%broadcast_in_dim3A_788, %get3A_779] : memref<32x1000xf32, #tpu.memory_space<vmem>>[vector<16xi32>, vector<16xi32>], vector<16xf32>,
      %swap3A_790 = arith.constant 1 : i32
      %swap3A_791 = arith.index_cast %swap3A_790 : i32 to index
      %swap3A_792 = arith.constant 984 : index
      %swap3A_793 = tpu.vector_load %arg8[%swap3A_791, %swap3A_792] {strides = array<i32>} : memref<32x1000xf32, #tpu.memory_space<vmem>>, vector<16xf32>,
      tpu.vector_store %arg8[%swap3A_791, %swap3A_792], %gather3A_789 {strides = array<i32>} : memref<32x1000xf32, #tpu.memory_space<vmem>>, vector<16xf32>,
      %broadcast_in_dim3A_794 = arith.constant 2 : i32
      %broadcast_in_dim3A_795 = vector.broadcast %broadcast_in_dim3A_794 : i32 to vector<16xi32>
      %gather3A_796 = tpu.vector_load_idx %arg6[%broadcast_in_dim3A_795, %get3A_779] : memref<32x1000xf32, #tpu.memory_space<vmem>>[vector<16xi32>, vector<16xi32>], vector<16xf32>,
      %swap3A_797 = arith.constant 2 : i32
      %swap3A_798 = arith.index_cast %swap3A_797 : i32 to index
      %swap3A_799 = arith.constant 984 : index
      %swap3A_800 = tpu.vector_load %arg8[%swap3A_798, %swap3A_799] {strides = array<i32>} : memref<32x1000xf32, #tpu.memory_space<vmem>>, vector<16xf32>,
      tpu.vector_store %arg8[%swap3A_798, %swap3A_799], %gather3A_796 {strides = array<i32>} : memref<32x1000xf32, #tpu.memory_space<vmem>>, vector<16xf32>,
      %broadcast_in_dim3A_801 = arith.constant 3 : i32
      %broadcast_in_dim3A_802 = vector.broadcast %broadcast_in_dim3A_801 : i32 to vector<16xi32>
      %gather3A_803 = tpu.vector_load_idx %arg6[%broadcast_in_dim3A_802, %get3A_779] : memref<32x1000xf32, #tpu.memory_space<vmem>>[vector<16xi32>, vector<16xi32>], vector<16xf32>,
      %swap3A_804 = arith.constant 3 : i32
      %swap3A_805 = arith.index_cast %swap3A_804 : i32 to index
      %swap3A_806 = arith.constant 984 : index
      %swap3A_807 = tpu.vector_load %arg8[%swap3A_805, %swap3A_806] {strides = array<i32>} : memref<32x1000xf32, #tpu.memory_space<vmem>>, vector<16xf32>,
      tpu.vector_store %arg8[%swap3A_805, %swap3A_806], %gather3A_803 {strides = array<i32>} : memref<32x1000xf32, #tpu.memory_space<vmem>>, vector<16xf32>,
      %broadcast_in_dim3A_808 = arith.constant 4 : i32
      %broadcast_in_dim3A_809 = vector.broadcast %broadcast_in_dim3A_808 : i32 to vector<16xi32>
      %gather3A_810 = tpu.vector_load_idx %arg6[%broadcast_in_dim3A_809, %get3A_779] : memref<32x1000xf32, #tpu.memory_space<vmem>>[vector<16xi32>, vector<16xi32>], vector<16xf32>,
      %swap3A_811 = arith.constant 4 : i32
      %swap3A_812 = arith.index_cast %swap3A_811 : i32 to index
      %swap3A_813 = arith.constant 984 : index
      %swap3A_814 = tpu.vector_load %arg8[%swap3A_812, %swap3A_813] {strides = array<i32>} : memref<32x1000xf32, #tpu.memory_space<vmem>>, vector<16xf32>,
      tpu.vector_store %arg8[%swap3A_812, %swap3A_813], %gather3A_810 {strides = array<i32>} : memref<32x1000xf32, #tpu.memory_space<vmem>>, vector<16xf32>,
      %broadcast_in_dim3A_815 = arith.constant 5 : i32
      %broadcast_in_dim3A_816 = vector.broadcast %broadcast_in_dim3A_815 : i32 to vector<16xi32>
      %gather3A_817 = tpu.vector_load_idx %arg6[%broadcast_in_dim3A_816, %get3A_779] : memref<32x1000xf32, #tpu.memory_space<vmem>>[vector<16xi32>, vector<16xi32>], vector<16xf32>,
      %swap3A_818 = arith.constant 5 : i32
      %swap3A_819 = arith.index_cast %swap3A_818 : i32 to index
      %swap3A_820 = arith.constant 984 : index
      %swap3A_821 = tpu.vector_load %arg8[%swap3A_819, %swap3A_820] {strides = array<i32>} : memref<32x1000xf32, #tpu.memory_space<vmem>>, vector<16xf32>,
      tpu.vector_store %arg8[%swap3A_819, %swap3A_820], %gather3A_817 {strides = array<i32>} : memref<32x1000xf32, #tpu.memory_space<vmem>>, vector<16xf32>,
      %broadcast_in_dim3A_822 = arith.constant 6 : i32
      %broadcast_in_dim3A_823 = vector.broadcast %broadcast_in_dim3A_822 : i32 to vector<16xi32>
      %gather3A_824 = tpu.vector_load_idx %arg6[%broadcast_in_dim3A_823, %get3A_779] : memref<32x1000xf32, #tpu.memory_space<vmem>>[vector<16xi32>, vector<16xi32>], vector<16xf32>,
      %swap3A_825 = arith.constant 6 : i32
      %swap3A_826 = arith.index_cast %swap3A_825 : i32 to index
      %swap3A_827 = arith.constant 984 : index
      %swap3A_828 = tpu.vector_load %arg8[%swap3A_826, %swap3A_827] {strides = array<i32>} : memref<32x1000xf32, #tpu.memory_space<vmem>>, vector<16xf32>,
      tpu.vector_store %arg8[%swap3A_826, %swap3A_827], %gather3A_824 {strides = array<i32>} : memref<32x1000xf32, #tpu.memory_space<vmem>>, vector<16xf32>,
      %broadcast_in_dim3A_829 = arith.constant 7 : i32
      %broadcast_in_dim3A_830 = vector.broadcast %broadcast_in_dim3A_829 : i32 to vector<16xi32>
      %gather3A_831 = tpu.vector_load_idx %arg6[%broadcast_in_dim3A_830, %get3A_779] : memref<32x1000xf32, #tpu.memory_space<vmem>>[vector<16xi32>, vector<16xi32>], vector<16xf32>,
      %swap3A_832 = arith.constant 7 : i32
      %swap3A_833 = arith.index_cast %swap3A_832 : i32 to index
      %swap3A_834 = arith.constant 984 : index
      %swap3A_835 = tpu.vector_load %arg8[%swap3A_833, %swap3A_834] {strides = array<i32>} : memref<32x1000xf32, #tpu.memory_space<vmem>>, vector<16xf32>,
      tpu.vector_store %arg8[%swap3A_833, %swap3A_834], %gather3A_831 {strides = array<i32>} : memref<32x1000xf32, #tpu.memory_space<vmem>>, vector<16xf32>,
      %broadcast_in_dim3A_836 = arith.constant 8 : i32
      %broadcast_in_dim3A_837 = vector.broadcast %broadcast_in_dim3A_836 : i32 to vector<16xi32>
      %gather3A_838 = tpu.vector_load_idx %arg6[%broadcast_in_dim3A_837, %get3A_779] : memref<32x1000xf32, #tpu.memory_space<vmem>>[vector<16xi32>, vector<16xi32>], vector<16xf32>,
      %swap3A_839 = arith.constant 8 : i32
      %swap3A_840 = arith.index_cast %swap3A_839 : i32 to index
      %swap3A_841 = arith.constant 984 : index
      %swap3A_842 = tpu.vector_load %arg8[%swap3A_840, %swap3A_841] {strides = array<i32>} : memref<32x1000xf32, #tpu.memory_space<vmem>>, vector<16xf32>,
      tpu.vector_store %arg8[%swap3A_840, %swap3A_841], %gather3A_838 {strides = array<i32>} : memref<32x1000xf32, #tpu.memory_space<vmem>>, vector<16xf32>,
      %broadcast_in_dim3A_843 = arith.constant 9 : i32
      %broadcast_in_dim3A_844 = vector.broadcast %broadcast_in_dim3A_843 : i32 to vector<16xi32>
      %gather3A_845 = tpu.vector_load_idx %arg6[%broadcast_in_dim3A_844, %get3A_779] : memref<32x1000xf32, #tpu.memory_space<vmem>>[vector<16xi32>, vector<16xi32>], vector<16xf32>,
      %swap3A_846 = arith.constant 9 : i32
      %swap3A_847 = arith.index_cast %swap3A_846 : i32 to index
      %swap3A_848 = arith.constant 984 : index
      %swap3A_849 = tpu.vector_load %arg8[%swap3A_847, %swap3A_848] {strides = array<i32>} : memref<32x1000xf32, #tpu.memory_space<vmem>>, vector<16xf32>,
      tpu.vector_store %arg8[%swap3A_847, %swap3A_848], %gather3A_845 {strides = array<i32>} : memref<32x1000xf32, #tpu.memory_space<vmem>>, vector<16xf32>,
      %broadcast_in_dim3A_850 = arith.constant 10 : i32
      %broadcast_in_dim3A_851 = vector.broadcast %broadcast_in_dim3A_850 : i32 to vector<16xi32>
      %gather3A_852 = tpu.vector_load_idx %arg6[%broadcast_in_dim3A_851, %get3A_779] : memref<32x1000xf32, #tpu.memory_space<vmem>>[vector<16xi32>, vector<16xi32>], vector<16xf32>,
      %swap3A_853 = arith.constant 10 : i32
      %swap3A_854 = arith.index_cast %swap3A_853 : i32 to index
      %swap3A_855 = arith.constant 984 : index
      %swap3A_856 = tpu.vector_load %arg8[%swap3A_854, %swap3A_855] {strides = array<i32>} : memref<32x1000xf32, #tpu.memory_space<vmem>>, vector<16xf32>,
      tpu.vector_store %arg8[%swap3A_854, %swap3A_855], %gather3A_852 {strides = array<i32>} : memref<32x1000xf32, #tpu.memory_space<vmem>>, vector<16xf32>,
      %broadcast_in_dim3A_857 = arith.constant 11 : i32
      %broadcast_in_dim3A_858 = vector.broadcast %broadcast_in_dim3A_857 : i32 to vector<16xi32>
      %gather3A_859 = tpu.vector_load_idx %arg6[%broadcast_in_dim3A_858, %get3A_779] : memref<32x1000xf32, #tpu.memory_space<vmem>>[vector<16xi32>, vector<16xi32>], vector<16xf32>,
      %swap3A_860 = arith.constant 11 : i32
      %swap3A_861 = arith.index_cast %swap3A_860 : i32 to index
      %swap3A_862 = arith.constant 984 : index
      %swap3A_863 = tpu.vector_load %arg8[%swap3A_861, %swap3A_862] {strides = array<i32>} : memref<32x1000xf32, #tpu.memory_space<vmem>>, vector<16xf32>,
      tpu.vector_store %arg8[%swap3A_861, %swap3A_862], %gather3A_859 {strides = array<i32>} : memref<32x1000xf32, #tpu.memory_space<vmem>>, vector<16xf32>,
      %broadcast_in_dim3A_864 = arith.constant 12 : i32
      %broadcast_in_dim3A_865 = vector.broadcast %broadcast_in_dim3A_864 : i32 to vector<16xi32>
      %gather3A_866 = tpu.vector_load_idx %arg6[%broadcast_in_dim3A_865, %get3A_779] : memref<32x1000xf32, #tpu.memory_space<vmem>>[vector<16xi32>, vector<16xi32>], vector<16xf32>,
      %swap3A_867 = arith.constant 12 : i32
      %swap3A_868 = arith.index_cast %swap3A_867 : i32 to index
      %swap3A_869 = arith.constant 984 : index
      %swap3A_870 = tpu.vector_load %arg8[%swap3A_868, %swap3A_869] {strides = array<i32>} : memref<32x1000xf32, #tpu.memory_space<vmem>>, vector<16xf32>,
      tpu.vector_store %arg8[%swap3A_868, %swap3A_869], %gather3A_866 {strides = array<i32>} : memref<32x1000xf32, #tpu.memory_space<vmem>>, vector<16xf32>,
      %broadcast_in_dim3A_871 = arith.constant 13 : i32
      %broadcast_in_dim3A_872 = vector.broadcast %broadcast_in_dim3A_871 : i32 to vector<16xi32>
      %gather3A_873 = tpu.vector_load_idx %arg6[%broadcast_in_dim3A_872, %get3A_779] : memref<32x1000xf32, #tpu.memory_space<vmem>>[vector<16xi32>, vector<16xi32>], vector<16xf32>,
      %swap3A_874 = arith.constant 13 : i32
      %swap3A_875 = arith.index_cast %swap3A_874 : i32 to index
      %swap3A_876 = arith.constant 984 : index
      %swap3A_877 = tpu.vector_load %arg8[%swap3A_875, %swap3A_876] {strides = array<i32>} : memref<32x1000xf32, #tpu.memory_space<vmem>>, vector<16xf32>,
      tpu.vector_store %arg8[%swap3A_875, %swap3A_876], %gather3A_873 {strides = array<i32>} : memref<32x1000xf32, #tpu.memory_space<vmem>>, vector<16xf32>,
      %broadcast_in_dim3A_878 = arith.constant 14 : i32
      %broadcast_in_dim3A_879 = vector.broadcast %broadcast_in_dim3A_878 : i32 to vector<16xi32>
      %gather3A_880 = tpu.vector_load_idx %arg6[%broadcast_in_dim3A_879, %get3A_779] : memref<32x1000xf32, #tpu.memory_space<vmem>>[vector<16xi32>, vector<16xi32>], vector<16xf32>,
      %swap3A_881 = arith.constant 14 : i32
      %swap3A_882 = arith.index_cast %swap3A_881 : i32 to index
      %swap3A_883 = arith.constant 984 : index
      %swap3A_884 = tpu.vector_load %arg8[%swap3A_882, %swap3A_883] {strides = array<i32>} : memref<32x1000xf32, #tpu.memory_space<vmem>>, vector<16xf32>,
      tpu.vector_store %arg8[%swap3A_882, %swap3A_883], %gather3A_880 {strides = array<i32>} : memref<32x1000xf32, #tpu.memory_space<vmem>>, vector<16xf32>,
      %broadcast_in_dim3A_885 = arith.constant 15 : i32
      %broadcast_in_dim3A_886 = vector.broadcast %broadcast_in_dim3A_885 : i32 to vector<16xi32>
      %gather3A_887 = tpu.vector_load_idx %arg6[%broadcast_in_dim3A_886, %get3A_779] : memref<32x1000xf32, #tpu.memory_space<vmem>>[vector<16xi32>, vector<16xi32>], vector<16xf32>,
      %swap3A_888 = arith.constant 15 : i32
      %swap3A_889 = arith.index_cast %swap3A_888 : i32 to index
      %swap3A_890 = arith.constant 984 : index
      %swap3A_891 = tpu.vector_load %arg8[%swap3A_889, %swap3A_890] {strides = array<i32>} : memref<32x1000xf32, #tpu.memory_space<vmem>>, vector<16xf32>,
      tpu.vector_store %arg8[%swap3A_889, %swap3A_890], %gather3A_887 {strides = array<i32>} : memref<32x1000xf32, #tpu.memory_space<vmem>>, vector<16xf32>,
      %broadcast_in_dim3A_892 = arith.constant 16 : i32
      %broadcast_in_dim3A_893 = vector.broadcast %broadcast_in_dim3A_892 : i32 to vector<16xi32>
      %gather3A_894 = tpu.vector_load_idx %arg6[%broadcast_in_dim3A_893, %get3A_779] : memref<32x1000xf32, #tpu.memory_space<vmem>>[vector<16xi32>, vector<16xi32>], vector<16xf32>,
      %swap3A_895 = arith.constant 16 : i32
      %swap3A_896 = arith.index_cast %swap3A_895 : i32 to index
      %swap3A_897 = arith.constant 984 : index
      %swap3A_898 = tpu.vector_load %arg8[%swap3A_896, %swap3A_897] {strides = array<i32>} : memref<32x1000xf32, #tpu.memory_space<vmem>>, vector<16xf32>,
      tpu.vector_store %arg8[%swap3A_896, %swap3A_897], %gather3A_894 {strides = array<i32>} : memref<32x1000xf32, #tpu.memory_space<vmem>>, vector<16xf32>,
      %broadcast_in_dim3A_899 = arith.constant 17 : i32
      %broadcast_in_dim3A_900 = vector.broadcast %broadcast_in_dim3A_899 : i32 to vector<16xi32>
      %gather3A_901 = tpu.vector_load_idx %arg6[%broadcast_in_dim3A_900, %get3A_779] : memref<32x1000xf32, #tpu.memory_space<vmem>>[vector<16xi32>, vector<16xi32>], vector<16xf32>,
      %swap3A_902 = arith.constant 17 : i32
      %swap3A_903 = arith.index_cast %swap3A_902 : i32 to index
      %swap3A_904 = arith.constant 984 : index
      %swap3A_905 = tpu.vector_load %arg8[%swap3A_903, %swap3A_904] {strides = array<i32>} : memref<32x1000xf32, #tpu.memory_space<vmem>>, vector<16xf32>,
      tpu.vector_store %arg8[%swap3A_903, %swap3A_904], %gather3A_901 {strides = array<i32>} : memref<32x1000xf32, #tpu.memory_space<vmem>>, vector<16xf32>,
      %broadcast_in_dim3A_906 = arith.constant 18 : i32
      %broadcast_in_dim3A_907 = vector.broadcast %broadcast_in_dim3A_906 : i32 to vector<16xi32>
      %gather3A_908 = tpu.vector_load_idx %arg6[%broadcast_in_dim3A_907, %get3A_779] : memref<32x1000xf32, #tpu.memory_space<vmem>>[vector<16xi32>, vector<16xi32>], vector<16xf32>,
      %swap3A_909 = arith.constant 18 : i32
      %swap3A_910 = arith.index_cast %swap3A_909 : i32 to index
      %swap3A_911 = arith.constant 984 : index
      %swap3A_912 = tpu.vector_load %arg8[%swap3A_910, %swap3A_911] {strides = array<i32>} : memref<32x1000xf32, #tpu.memory_space<vmem>>, vector<16xf32>,
      tpu.vector_store %arg8[%swap3A_910, %swap3A_911], %gather3A_908 {strides = array<i32>} : memref<32x1000xf32, #tpu.memory_space<vmem>>, vector<16xf32>,
      %broadcast_in_dim3A_913 = arith.constant 19 : i32
      %broadcast_in_dim3A_914 = vector.broadcast %broadcast_in_dim3A_913 : i32 to vector<16xi32>
      %gather3A_915 = tpu.vector_load_idx %arg6[%broadcast_in_dim3A_914, %get3A_779] : memref<32x1000xf32, #tpu.memory_space<vmem>>[vector<16xi32>, vector<16xi32>], vector<16xf32>,
      %swap3A_916 = arith.constant 19 : i32
      %swap3A_917 = arith.index_cast %swap3A_916 : i32 to index
      %swap3A_918 = arith.constant 984 : index
      %swap3A_919 = tpu.vector_load %arg8[%swap3A_917, %swap3A_918] {strides = array<i32>} : memref<32x1000xf32, #tpu.memory_space<vmem>>, vector<16xf32>,
      tpu.vector_store %arg8[%swap3A_917, %swap3A_918], %gather3A_915 {strides = array<i32>} : memref<32x1000xf32, #tpu.memory_space<vmem>>, vector<16xf32>,
      %broadcast_in_dim3A_920 = arith.constant 20 : i32
      %broadcast_in_dim3A_921 = vector.broadcast %broadcast_in_dim3A_920 : i32 to vector<16xi32>
      %gather3A_922 = tpu.vector_load_idx %arg6[%broadcast_in_dim3A_921, %get3A_779] : memref<32x1000xf32, #tpu.memory_space<vmem>>[vector<16xi32>, vector<16xi32>], vector<16xf32>,
      %swap3A_923 = arith.constant 20 : i32
      %swap3A_924 = arith.index_cast %swap3A_923 : i32 to index
      %swap3A_925 = arith.constant 984 : index
      %swap3A_926 = tpu.vector_load %arg8[%swap3A_924, %swap3A_925] {strides = array<i32>} : memref<32x1000xf32, #tpu.memory_space<vmem>>, vector<16xf32>,
      tpu.vector_store %arg8[%swap3A_924, %swap3A_925], %gather3A_922 {strides = array<i32>} : memref<32x1000xf32, #tpu.memory_space<vmem>>, vector<16xf32>,
      %broadcast_in_dim3A_927 = arith.constant 21 : i32
      %broadcast_in_dim3A_928 = vector.broadcast %broadcast_in_dim3A_927 : i32 to vector<16xi32>
      %gather3A_929 = tpu.vector_load_idx %arg6[%broadcast_in_dim3A_928, %get3A_779] : memref<32x1000xf32, #tpu.memory_space<vmem>>[vector<16xi32>, vector<16xi32>], vector<16xf32>,
      %swap3A_930 = arith.constant 21 : i32
      %swap3A_931 = arith.index_cast %swap3A_930 : i32 to index
      %swap3A_932 = arith.constant 984 : index
      %swap3A_933 = tpu.vector_load %arg8[%swap3A_931, %swap3A_932] {strides = array<i32>} : memref<32x1000xf32, #tpu.memory_space<vmem>>, vector<16xf32>,
      tpu.vector_store %arg8[%swap3A_931, %swap3A_932], %gather3A_929 {strides = array<i32>} : memref<32x1000xf32, #tpu.memory_space<vmem>>, vector<16xf32>,
      %broadcast_in_dim3A_934 = arith.constant 22 : i32
      %broadcast_in_dim3A_935 = vector.broadcast %broadcast_in_dim3A_934 : i32 to vector<16xi32>
      %gather3A_936 = tpu.vector_load_idx %arg6[%broadcast_in_dim3A_935, %get3A_779] : memref<32x1000xf32, #tpu.memory_space<vmem>>[vector<16xi32>, vector<16xi32>], vector<16xf32>,
      %swap3A_937 = arith.constant 22 : i32
      %swap3A_938 = arith.index_cast %swap3A_937 : i32 to index
      %swap3A_939 = arith.constant 984 : index
      %swap3A_940 = tpu.vector_load %arg8[%swap3A_938, %swap3A_939] {strides = array<i32>} : memref<32x1000xf32, #tpu.memory_space<vmem>>, vector<16xf32>,
      tpu.vector_store %arg8[%swap3A_938, %swap3A_939], %gather3A_936 {strides = array<i32>} : memref<32x1000xf32, #tpu.memory_space<vmem>>, vector<16xf32>,
      %broadcast_in_dim3A_941 = arith.constant 23 : i32
      %broadcast_in_dim3A_942 = vector.broadcast %broadcast_in_dim3A_941 : i32 to vector<16xi32>
      %gather3A_943 = tpu.vector_load_idx %arg6[%broadcast_in_dim3A_942, %get3A_779] : memref<32x1000xf32, #tpu.memory_space<vmem>>[vector<16xi32>, vector<16xi32>], vector<16xf32>,
      %swap3A_944 = arith.constant 23 : i32
      %swap3A_945 = arith.index_cast %swap3A_944 : i32 to index
      %swap3A_946 = arith.constant 984 : index
      %swap3A_947 = tpu.vector_load %arg8[%swap3A_945, %swap3A_946] {strides = array<i32>} : memref<32x1000xf32, #tpu.memory_space<vmem>>, vector<16xf32>,
      tpu.vector_store %arg8[%swap3A_945, %swap3A_946], %gather3A_943 {strides = array<i32>} : memref<32x1000xf32, #tpu.memory_space<vmem>>, vector<16xf32>,
      %broadcast_in_dim3A_948 = arith.constant 24 : i32
      %broadcast_in_dim3A_949 = vector.broadcast %broadcast_in_dim3A_948 : i32 to vector<16xi32>
      %gather3A_950 = tpu.vector_load_idx %arg6[%broadcast_in_dim3A_949, %get3A_779] : memref<32x1000xf32, #tpu.memory_space<vmem>>[vector<16xi32>, vector<16xi32>], vector<16xf32>,
      %swap3A_951 = arith.constant 24 : i32
      %swap3A_952 = arith.index_cast %swap3A_951 : i32 to index
      %swap3A_953 = arith.constant 984 : index
      %swap3A_954 = tpu.vector_load %arg8[%swap3A_952, %swap3A_953] {strides = array<i32>} : memref<32x1000xf32, #tpu.memory_space<vmem>>, vector<16xf32>,
      tpu.vector_store %arg8[%swap3A_952, %swap3A_953], %gather3A_950 {strides = array<i32>} : memref<32x1000xf32, #tpu.memory_space<vmem>>, vector<16xf32>,
      %broadcast_in_dim3A_955 = arith.constant 25 : i32
      %broadcast_in_dim3A_956 = vector.broadcast %broadcast_in_dim3A_955 : i32 to vector<16xi32>
      %gather3A_957 = tpu.vector_load_idx %arg6[%broadcast_in_dim3A_956, %get3A_779] : memref<32x1000xf32, #tpu.memory_space<vmem>>[vector<16xi32>, vector<16xi32>], vector<16xf32>,
      %swap3A_958 = arith.constant 25 : i32
      %swap3A_959 = arith.index_cast %swap3A_958 : i32 to index
      %swap3A_960 = arith.constant 984 : index
      %swap3A_961 = tpu.vector_load %arg8[%swap3A_959, %swap3A_960] {strides = array<i32>} : memref<32x1000xf32, #tpu.memory_space<vmem>>, vector<16xf32>,
      tpu.vector_store %arg8[%swap3A_959, %swap3A_960], %gather3A_957 {strides = array<i32>} : memref<32x1000xf32, #tpu.memory_space<vmem>>, vector<16xf32>,
      %broadcast_in_dim3A_962 = arith.constant 26 : i32
      %broadcast_in_dim3A_963 = vector.broadcast %broadcast_in_dim3A_962 : i32 to vector<16xi32>
      %gather3A_964 = tpu.vector_load_idx %arg6[%broadcast_in_dim3A_963, %get3A_779] : memref<32x1000xf32, #tpu.memory_space<vmem>>[vector<16xi32>, vector<16xi32>], vector<16xf32>,
      %swap3A_965 = arith.constant 26 : i32
      %swap3A_966 = arith.index_cast %swap3A_965 : i32 to index
      %swap3A_967 = arith.constant 984 : index
      %swap3A_968 = tpu.vector_load %arg8[%swap3A_966, %swap3A_967] {strides = array<i32>} : memref<32x1000xf32, #tpu.memory_space<vmem>>, vector<16xf32>,
      tpu.vector_store %arg8[%swap3A_966, %swap3A_967], %gather3A_964 {strides = array<i32>} : memref<32x1000xf32, #tpu.memory_space<vmem>>, vector<16xf32>,
      %broadcast_in_dim3A_969 = arith.constant 27 : i32
      %broadcast_in_dim3A_970 = vector.broadcast %broadcast_in_dim3A_969 : i32 to vector<16xi32>
      %gather3A_971 = tpu.vector_load_idx %arg6[%broadcast_in_dim3A_970, %get3A_779] : memref<32x1000xf32, #tpu.memory_space<vmem>>[vector<16xi32>, vector<16xi32>], vector<16xf32>,
      %swap3A_972 = arith.constant 27 : i32
      %swap3A_973 = arith.index_cast %swap3A_972 : i32 to index
      %swap3A_974 = arith.constant 984 : index
      %swap3A_975 = tpu.vector_load %arg8[%swap3A_973, %swap3A_974] {strides = array<i32>} : memref<32x1000xf32, #tpu.memory_space<vmem>>, vector<16xf32>,
      tpu.vector_store %arg8[%swap3A_973, %swap3A_974], %gather3A_971 {strides = array<i32>} : memref<32x1000xf32, #tpu.memory_space<vmem>>, vector<16xf32>,
      %broadcast_in_dim3A_976 = arith.constant 28 : i32
      %broadcast_in_dim3A_977 = vector.broadcast %broadcast_in_dim3A_976 : i32 to vector<16xi32>
      %gather3A_978 = tpu.vector_load_idx %arg6[%broadcast_in_dim3A_977, %get3A_779] : memref<32x1000xf32, #tpu.memory_space<vmem>>[vector<16xi32>, vector<16xi32>], vector<16xf32>,
      %swap3A_979 = arith.constant 28 : i32
      %swap3A_980 = arith.index_cast %swap3A_979 : i32 to index
      %swap3A_981 = arith.constant 984 : index
      %swap3A_982 = tpu.vector_load %arg8[%swap3A_980, %swap3A_981] {strides = array<i32>} : memref<32x1000xf32, #tpu.memory_space<vmem>>, vector<16xf32>,
      tpu.vector_store %arg8[%swap3A_980, %swap3A_981], %gather3A_978 {strides = array<i32>} : memref<32x1000xf32, #tpu.memory_space<vmem>>, vector<16xf32>,
      %broadcast_in_dim3A_983 = arith.constant 29 : i32
      %broadcast_in_dim3A_984 = vector.broadcast %broadcast_in_dim3A_983 : i32 to vector<16xi32>
      %gather3A_985 = tpu.vector_load_idx %arg6[%broadcast_in_dim3A_984, %get3A_779] : memref<32x1000xf32, #tpu.memory_space<vmem>>[vector<16xi32>, vector<16xi32>], vector<16xf32>,
      %swap3A_986 = arith.constant 29 : i32
      %swap3A_987 = arith.index_cast %swap3A_986 : i32 to index
      %swap3A_988 = arith.constant 984 : index
      %swap3A_989 = tpu.vector_load %arg8[%swap3A_987, %swap3A_988] {strides = array<i32>} : memref<32x1000xf32, #tpu.memory_space<vmem>>, vector<16xf32>,
      tpu.vector_store %arg8[%swap3A_987, %swap3A_988], %gather3A_985 {strides = array<i32>} : memref<32x1000xf32, #tpu.memory_space<vmem>>, vector<16xf32>,
      %broadcast_in_dim3A_990 = arith.constant 30 : i32
      %broadcast_in_dim3A_991 = vector.broadcast %broadcast_in_dim3A_990 : i32 to vector<16xi32>
      %gather3A_992 = tpu.vector_load_idx %arg6[%broadcast_in_dim3A_991, %get3A_779] : memref<32x1000xf32, #tpu.memory_space<vmem>>[vector<16xi32>, vector<16xi32>], vector<16xf32>,
      %swap3A_993 = arith.constant 30 : i32
      %swap3A_994 = arith.index_cast %swap3A_993 : i32 to index
      %swap3A_995 = arith.constant 984 : index
      %swap3A_996 = tpu.vector_load %arg8[%swap3A_994, %swap3A_995] {strides = array<i32>} : memref<32x1000xf32, #tpu.memory_space<vmem>>, vector<16xf32>,
      tpu.vector_store %arg8[%swap3A_994, %swap3A_995], %gather3A_992 {strides = array<i32>} : memref<32x1000xf32, #tpu.memory_space<vmem>>, vector<16xf32>,
      %broadcast_in_dim3A_997 = arith.constant 31 : i32
      %broadcast_in_dim3A_998 = vector.broadcast %broadcast_in_dim3A_997 : i32 to vector<16xi32>
      %gather3A_999 = tpu.vector_load_idx %arg6[%broadcast_in_dim3A_998, %get3A_779] : memref<32x1000xf32, #tpu.memory_space<vmem>>[vector<16xi32>, vector<16xi32>], vector<16xf32>,
      %swap3A_1000 = arith.constant 31 : i32
      %swap3A_1001 = arith.index_cast %swap3A_1000 : i32 to index
      %swap3A_1002 = arith.constant 984 : index
      %swap3A_1003 = tpu.vector_load %arg8[%swap3A_1001, %swap3A_1002] {strides = array<i32>} : memref<32x1000xf32, #tpu.memory_space<vmem>>, vector<16xf32>,
      tpu.vector_store %arg8[%swap3A_1001, %swap3A_1002], %gather3A_999 {strides = array<i32>} : memref<32x1000xf32, #tpu.memory_space<vmem>>, vector<16xf32>,
      %dma_start3A_1004 = arith.constant 3 : i32
      %dma_start3A_1005 = arith.constant 0 : i32
      %dma_start3A_1006 = arith.constant 0 : i32
      %dma_start3A_1007 = tpu.memref_slice %arg4[%select_n3A, %dma_start3A_1004, %add3A_41, %dma_start3A_1005, %dma_start3A_1006] : memref<8x4x20x32x1000xf32, #tpu.memory_space<hbm>> -> memref<1x1x1x32x1000xf32, #tpu.memory_space<hbm>>
      %dma_start3A_1008 = tpu.memref_squeeze %dma_start3A_1007 : memref<1x1x1x32x1000xf32, #tpu.memory_space<hbm>> -> memref<32x1000xf32, #tpu.memory_space<hbm>>
      %dma_start3A_1009 = arith.constant 0 : i32
      %dma_start3A_1010 = arith.constant 0 : i32
      %dma_start3A_1011 = tpu.memref_slice %arg4[%select_n3A, %dma_start3A_1004, %add3A_41, %dma_start3A_1009, %dma_start3A_1010] : memref<8x4x20x32x1000xf32, #tpu.memory_space<hbm>> -> memref<1x1x1x32x1000xf32, #tpu.memory_space<hbm>>
      %dma_start3A_1012 = tpu.memref_squeeze %dma_start3A_1011 : memref<1x1x1x32x1000xf32, #tpu.memory_space<hbm>> -> memref<32x1000xf32, #tpu.memory_space<hbm>>
      tpu.enqueue_dma source(%arg8 : memref<32x1000xf32, #tpu.memory_space<vmem>>) target(%dma_start3A_1012 : memref<32x1000xf32, #tpu.memory_space<hbm>>) target_semaphore(%arg10 : memref<!tpu.dma_semaphore, #tpu.memory_space<semaphore_mem>>)
      %dma_wait3A_1013 = arith.constant 2 : i32
      %dma_wait3A_1014 = arith.constant 0 : i32
      %dma_wait3A_1015 = arith.constant 0 : i32
      %dma_wait3A_1016 = tpu.memref_slice %arg4[%select_n3A, %dma_wait3A_1013, %add3A_41, %dma_wait3A_1014, %dma_wait3A_1015] : memref<8x4x20x32x1000xf32, #tpu.memory_space<hbm>> -> memref<1x1x1x32x1000xf32, #tpu.memory_space<hbm>>
      %dma_wait3A_1017 = tpu.memref_squeeze %dma_wait3A_1016 : memref<1x1x1x32x1000xf32, #tpu.memory_space<hbm>> -> memref<32x1000xf32, #tpu.memory_space<hbm>>
      %dma_wait3A_1018 = arith.constant 0 : i32
      %dma_wait3A_1019 = arith.constant 0 : i32
      %dma_wait3A_1020 = tpu.memref_slice %arg4[%select_n3A, %dma_wait3A_1013, %add3A_41, %dma_wait3A_1018, %dma_wait3A_1019] : memref<8x4x20x32x1000xf32, #tpu.memory_space<hbm>> -> memref<1x1x1x32x1000xf32, #tpu.memory_space<hbm>>
      %dma_wait3A_1021 = tpu.memref_squeeze %dma_wait3A_1020 : memref<1x1x1x32x1000xf32, #tpu.memory_space<hbm>> -> memref<32x1000xf32, #tpu.memory_space<hbm>>
      tpu.wait_dma2 semaphore(%arg9 : memref<!tpu.dma_semaphore, #tpu.memory_space<semaphore_mem>>) src(%arg7 : memref<32x1000xf32, #tpu.memory_space<vmem>>) dst(%dma_wait3A_1021 : memref<32x1000xf32, #tpu.memory_space<hbm>>)
      %dma_wait3A_1022 = arith.constant 3 : i32
      %dma_wait3A_1023 = arith.constant 0 : i32
      %dma_wait3A_1024 = arith.constant 0 : i32
      %dma_wait3A_1025 = tpu.memref_slice %arg4[%select_n3A, %dma_wait3A_1022, %add3A_41, %dma_wait3A_1023, %dma_wait3A_1024] : memref<8x4x20x32x1000xf32, #tpu.memory_space<hbm>> -> memref<1x1x1x32x1000xf32, #tpu.memory_space<hbm>>
      %dma_wait3A_1026 = tpu.memref_squeeze %dma_wait3A_1025 : memref<1x1x1x32x1000xf32, #tpu.memory_space<hbm>> -> memref<32x1000xf32, #tpu.memory_space<hbm>>
      %dma_wait3A_1027 = arith.constant 0 : i32
      %dma_wait3A_1028 = arith.constant 0 : i32
      %dma_wait3A_1029 = tpu.memref_slice %arg4[%select_n3A, %dma_wait3A_1022, %add3A_41, %dma_wait3A_1027, %dma_wait3A_1028] : memref<8x4x20x32x1000xf32, #tpu.memory_space<hbm>> -> memref<1x1x1x32x1000xf32, #tpu.memory_space<hbm>>
      %dma_wait3A_1030 = tpu.memref_squeeze %dma_wait3A_1029 : memref<1x1x1x32x1000xf32, #tpu.memory_space<hbm>> -> memref<32x1000xf32, #tpu.memory_space<hbm>>
      tpu.wait_dma2 semaphore(%arg10 : memref<!tpu.dma_semaphore, #tpu.memory_space<semaphore_mem>>) src(%arg8 : memref<32x1000xf32, #tpu.memory_space<vmem>>) dst(%dma_wait3A_1030 : memref<32x1000xf32, #tpu.memory_space<hbm>>)
    }
    %scan3A_25 = arith.constant 5 : i32
    return
  }
}

</mosaic_0001>

<sc_bundles>
// kernel: kernel.3.cloned.1.call-start
scs
__scs_entry_jumppad:
0x0: {  	(pc) =	sbr.rel $0x88, $3  }
0x1: {  	(tag) =	ssettag $0x0;
	lr =	simm.s32 $0x1  }
0x2: {  	[smem:$0x3F9F] =	sst lr;
	_ =	strace $0xD0000000  }
0x3: {  	_ = 	snop  }
0x4: {  	_ = 	snop  }
0x5: {  	_ = 	snop  }
0x6: {  	_ = 	snop  }
0x7: {  	_ = 	snop  }
__scs_overlays_trampoline_lowered:
0x8: {  	[smem:$0x3FAE] =	sst s0  }
0x9: {  	[smem:$0x3FAF] =	sst s1  }
0xa: {  	[smem:$0x3FB0] =	sst s2  }
0xb: {  	[smem:$0x3FB1] =	sst s3  }
0xc: {  	[smem:$0x3FB2] =	sst s4  }
0xd: {  	[smem:$0x3FB3] =	sst s5  }
0xe: {  	[smem:$0x3FB4] =	sst s6  }
0xf: {  	[smem:$0x3FB5] =	sst s7  }
0x10: {  	[smem:$0x3FB6] =	sst s8  }
0x11: {  	[smem:$0x3FB7] =	sst s9;
	s0 =	simm.s32 @!p0 $0x0  }
0x12: {  	s1 =	sld [smem:$0x3F9D];
	s0 =	simm.s32 @p0 $0x1  }
0x13: {  	[smem:$0x3FB8] =	sst s0;
	s0 =	simm.s32 @!p1 $0x0  }
0x14: {  	s2 =	sld [smem:$0x3F9C];
	s0 =	simm.s32 @p1 $0x1  }
0x15: {  	[smem:$0x3FB9] =	sst s0;
	s0 =	simm.s32 @!p2 $0x0  }
0x16: {  	s3 =	sld [smem:$0x3FDB];
	s0 =	simm.s32 @p2 $0x1  }
0x17: {  	s4 =	simm.s32 $0x1BF5;
	[smem:$0x3FBB] =	sst s0  }
0x18: {  	s0 =	sld [smem:$0x3F9E];
	_ =	swait.ge [sflag:s4], $0x0  }
0x19: {  	s7 =	sld [smem:$0x3F9F]  }
0x1a: {  	s8 =	sadd.s32 $0xFFFFE003, lr  }
0x1b: {  	s9 =	sadd.s32 $0xFFFFFEF7, lr;
	s5 =	simm.s32 $0xFFFFFFFF;
	p2 =	slt.u32 s8, $0xFFFFF086  }
0x1c: {  	p1 =	slt.u32 s9, $0xF7A;
	s5 =	simm.s32 @!p2 $0x0  }
0x1d: {  	s5 =	simm.s32 @p1 $0x1;
	p0 =	seq.s32 s7, s2  }
0x1e: {  	s7 =	smul.u32 @!p0 $0xF7A, s2;
	p2 =	seq.s32 @!p0 s5, $0x0  }
0x1f: {  	s9 =	smul.u32 $0xF7A, s1;
	s8 =	simm.s32 @!p0 $0x1BF5;
	p2 =	por !p2, p0  }
0x20: {  	[sflag:s8] =	ssyncset.s32 @!p0 $0xFFFFF086;
	s6 =	sadd.s32 @!p0 s3, s7;
	s7 =	simm.s32 @!p0 $0x108  }
0x21: {  	s3 =	sadd.s32 s3, s9;
	s6 =	sadd.s32 @!p0 $0x88, s6;
	s7 =	simm.s32 @p2 $0x1082  }
0x22: {  	[simem:s7], [sflag:s8] =	dma.local @!p0 [hbm:s6], $0xF7A  }
0x23: {  	s9 =	sor.u32 $0xD0000000, s2;
	s6 =	simm.s32 $0x108;
	_ =	swait.ge @!p0 [sflag:s8], $0x0  }
0x24: {  	s3 =	sadd.s32 $0x88, s3;
	s6 =	simm.s32 @!p1 $0x1082;
	[sflag:s4] =	ssyncset.s32 $0xFFFFF086  }
0x25: {  	[simem:s6], [sflag:s4] =	dma.local [hbm:s3], $0xF7A  }
0x26: {  	[smem:$0x3F9F] =	sst s1;
	(tag) =	ssettag s2;
	_ =	strace s9  }
0x27: {  	s1 =	sld [smem:$0x3FAF]  }
0x28: {  	s2 =	sld [smem:$0x3FB0]  }
0x29: {  	s4 =	sld [smem:$0x3FB2]  }
0x2a: {  	p0 =	seq.s32 s5, $0x0;
	s5 =	sld [smem:$0x3FB3]  }
0x2b: {  	s6 =	sld [smem:$0x3FB4]  }
0x2c: {  	s7 =	sld [smem:$0x3FB5]  }
0x2d: {  	s3 =	simm.s32 $0x108;
	s8 =	sld [smem:$0x3FB6]  }
0x2e: {  	s3 =	simm.s32 @!p0 $0x1082;
	s9 =	sld [smem:$0x3FB7]  }
0x2f: {  	lr =	sadd.s32 s0, s3;
	s0 =	sld [smem:$0x3FAE]  }
0x30: {  	s3 =	sld [smem:$0x3FB1]  }
0x31: {  	[smem:$0x3FBA] =	sst s10  }
0x32: {  	s10 =	sld [smem:$0x3FB8];
	_ =	sdelay $0x3  }
0x33: {  	p0 =	seq.s32 s10, $0x1;
	s10 =	sld [smem:$0x3FBA];
	_ =	sdelay $0x3  }
0x34: {  	[smem:$0x3FBA] =	sst s10  }
0x35: {  	s10 =	sld [smem:$0x3FB9];
	_ =	sdelay $0x3  }
0x36: {  	p1 =	seq.s32 s10, $0x1;
	s10 =	sld [smem:$0x3FBA];
	_ =	sdelay $0x3  }
0x37: {  	[smem:$0x3FBA] =	sst s10  }
0x38: {  	s10 =	sld [smem:$0x3FBB]  }
0x39: {  	_ = 	snop;
	(pc) =	sbr.ind lr, $3  }
0x3a: {  	_ = 	snop  }
0x3b: {  	_ = 	snop  }
0x3c: {  	p2 =	seq.s32 s10, $0x1;
	s10 =	sld [smem:$0x3FBA]  }
0x3d: {  	_ =	shalt  }
0x3e: {  	_ =	shalt  }
0x3f: {  	_ =	shalt  }
0x40: {  	_ =	shalt  }
0x41: {  	_ =	shalt  }
0x42: {  	_ =	shalt  }
0x43: {  	_ =	shalt  }
0x44: {  	_ =	shalt  }
0x45: {  	_ =	shalt  }
0x46: {  	_ =	shalt  }
0x47: {  	_ =	shalt  }
0x48: {  	_ =	shalt  }
0x49: {  	_ =	shalt  }
0x4a: {  	_ =	shalt  }
0x4b: {  	_ =	shalt  }
0x4c: {  	_ =	shalt  }
0x4d: {  	_ =	shalt  }
0x4e: {  	_ =	shalt  }
0x4f: {  	_ =	shalt  }
0x50: {  	_ =	shalt  }
0x51: {  	_ =	shalt  }
0x52: {  	_ =	shalt  }
0x53: {  	_ =	shalt  }
0x54: {  	_ =	shalt  }
0x55: {  	_ =	shalt  }
0x56: {  	_ =	shalt  }
0x57: {  	_ =	shalt  }
0x58: {  	_ =	shalt  }
0x59: {  	_ =	shalt  }
0x5a: {  	_ =	shalt  }
0x5b: {  	_ =	shalt  }
0x5c: {  	_ =	shalt  }
0x5d: {  	_ =	shalt  }
0x5e: {  	_ =	shalt  }
0x5f: {  	_ =	shalt  }
0x60: {  	_ =	shalt  }
0x61: {  	_ =	shalt  }
0x62: {  	_ =	shalt  }
0x63: {  	_ =	shalt  }
0x64: {  	_ =	shalt  }
0x65: {  	_ =	shalt  }
0x66: {  	_ =	shalt  }
0x67: {  	_ =	shalt  }
0x68: {  	_ =	shalt  }
0x69: {  	_ =	shalt  }
0x6a: {  	_ =	shalt  }
0x6b: {  	_ =	shalt  }
0x6c: {  	_ =	shalt  }
0x6d: {  	_ =	shalt  }
0x6e: {  	_ =	shalt  }
0x6f: {  	_ =	shalt  }
0x70: {  	_ =	shalt  }
0x71: {  	_ =	shalt  }
0x72: {  	_ =	shalt  }
0x73: {  	_ =	shalt  }
0x74: {  	_ =	shalt  }
0x75: {  	_ =	shalt  }
0x76: {  	_ =	shalt  }
0x77: {  	_ =	shalt  }
0x78: {  	_ =	shalt  }
0x79: {  	_ =	shalt  }
0x7a: {  	_ =	shalt  }
0x7b: {  	_ =	shalt  }
0x7c: {  	_ =	shalt  }
0x7d: {  	_ =	shalt  }
0x7e: {  	_ =	shalt  }
0x7f: {  	_ =	shalt  }
0x80: {  	_ =	shalt  }
0x81: {  	_ =	shalt  }
0x82: {  	_ =	shalt  }
0x83: {  	_ =	shalt  }
0x84: {  	_ =	shalt  }
0x85: {  	_ =	shalt  }
0x86: {  	_ =	shalt  }
0x87: {  	_ =	shalt  }
.Lfunc_end0:
.L_simem_size_0:
called_computation_lowered:
.L_overlay_start_0:
0x88: {  	s2 =	sld [smem:$0x3FD9]  }
0x89: {  	s3 =	sld [smem:$0x3FFE];
	_ =	sdelay $0x1  }
0x8a: {  	s1 =	srdreg.scid  }
0x8b: {  	s0 =	sand.u32 $0x1, s1  }
0x8c: {  	s17 =	sshll.u32 s0, $0xA;
	s2 =	sadd.s32 s3, s2  }
0x8d: {  	s2 =	sadd.s32 s2, s17  }
0x8e: {  	[smem:$0x3FC6] =	sst s2  }
0x8f: {  	_ = 	snop  }
0x90: {  	s2 =	sld [smem:$0x3FD0];
	(tm) =	ssettm $0x1  }
0x91: {  	s18 =	sld [smem:$0x3FFB];
	_ =	sdelay $0x3  }
0x92: {  	_ =	strace s18  }
0x93: {  	s3 =	sld [smem:$0x3FFC];
	_ =	sdelay $0x3  }
0x94: {  	_ =	strace s3  }
0x95: {  	s3 =	sld [smem:$0x3FFD];
	_ =	sdelay $0x3  }
0x96: {  	_ =	strace s3  }
0x97: {  	_ =	strace $0x8FFFFFFF  }
0x98: {  	s19 =	sld [smem:$0x3FDB];
	_ =	sdelay $0x1  }
0x99: {  	s4 =	simm.s32 $_scs_section_size  }
0x9a: {  	s5 =	simm.s32 $_size__tile_overlayer_lowered;
	s6 =	simm.s32 $_tile_overlayer_lowered  }
0x9b: {  	s22 =	simm.s32 $0x1BFF;
	s21 =	sshll.u32 s6, $0x1;
	s3 =	sadd.s32 s4, s19  }
0x9c: {  	s7 =	simm.s32 $0x0;
	s20 =	sshll.u32 s5, $0x1;
	s5 =	sadd.s32 s21, s3  }
0x9d: {  	[timem:s7], [sflag:s22] =	dma.local [hbm:s5], s20  }
0x9e: {  	_ =	swait.ge [sflag:s22], s20  }
0x9f: {  	s4 =	ssub.s32 $0x0, s20;
	[sflag:s22] =	ssyncset.done $0x0  }
0xa0: {  	[sflag:s22] =	ssyncadd.s32 s4;
	_ =	sdelay $0x1  }
0xa1: {  	s23 =	simm.s32 $0x1B8B  }
0xa2: {  	_ =	swait.ge [sflag:s23], $0x1  }
0xa3: {  	[sflag:s23] =	ssyncset.done $0x0  }
0xa4: {  	s25 =	simm.s32 $0x1B8E;
	s24 =	sld [smem:$0x3FFE];
	[sflag:s23] =	ssyncadd.s32 $0xFFFFFFFF  }
0xa5: {  	s26 =	simm.s32 $execute0_lowered;
	[smem:$0x3FD2] =	sst s25  }
0xa6: {  	s5 =	sshll.u32 s26, $0x1;
	_ =	strace $0x80000046;
	[dreg:$0x1] =	wrdreg $0xFFFFFFFF  }
0xa7: {  	s28 =	simm.s32 $_size_execute0_lowered;
	s3 =	sadd.s32 s3, s5;
	[dreg:$0x0] =	wrdreg $0x0  }
0xa8: {  	s5 =	sshll.u32 s28, $0x1;
	[dreg:$0x2] =	wrdreg s3  }
0xa9: {  	[dreg:$0x3] =	wrdreg s5  }
0xaa: {  	[dreg:$0x4] =	wrdreg $0xC0  }
0xab: {  	_ =	task [dreg:s7], $0x5FFFF  }
0xac: {  	[dreg:$0x1] =	wrdreg $0xFFFFFFFF  }
0xad: {  	[dreg:$0x0] =	wrdreg $0x60  }
0xae: {  	[dreg:$0x2] =	wrdreg s2  }
0xaf: {  	[dreg:$0x3] =	wrdreg s24  }
0xb0: {  	[dreg:$0x4] =	wrdreg $0x9  }
0xb1: {  	_ =	task.clear_ibuf [dreg:s7], $0x5FFFF;
	_ =	strace $0x90000046  }
0xb2: {  	s29 =	simm.s32 $0x9;
	_ =	strace $0x80000048  }
0xb3: {  	_ =	swait.ge [sflag:s29], $0x1  }
0xb4: {  	[sflag:s29] =	ssyncadd.s32 $0xFFFFFFFF  }
0xb5: {  	_ =	strace $0x90000048  }
0xb6: {  	_ =	sfence  }
0xb7: {  	s30 =	sld [smem:$0x0];
	_ =	sdelay $0x2  }
0xb8: {  	s31 =	sshll.u32 s1, $0xD;
	s1 =	sshrl.u32 s1, $0x2  }
0xb9: {  	s3 =	sand.u32 $0x4000, s31;
	s1 =	sadd.s32 s1, s30  }
0xba: {  	s0 =	sor.u32 s3, s0;
	s1 =	sshll.u32 s1, $0x11  }
0xbb: {  	s0 =	sor.u32 s1, s0  }
0xbc: {  	s0 =	sadd.s32 $0x8F2B, s0  }
0xbd: {  	[sflag:s0] =	ssyncadd.remote.s32 $0x1  }
0xbe: {  	_ =	sfence.sel $0xFFFF  }
0xbf: {  	[dreg:$0x0] =	wrdreg $0xFFFFFFFF;
	(pc) =	sbr.abs _section_cstart, $3  }
0xc0: {  	[dreg:$0x1] =	wrdreg $0xFFFFFFFF  }
0xc1: {  	_ =	task.clear_ibuf [dreg:s7], $0x2FFFF;
	_ =	strace $0x9FFFFFFF  }
0xc2: {  	(tm) =	ssettm $0x7FFFFFFF  }
0xc3: {  	_ =	shalt  }
tec
execute0_lowered:
.L_overlay_start_1:
0x0: {  	(tag) =	ssettag $0x1  }
0x1: {  	s0 =	stileid.u32;
	s2 =	rddreg [dreg:$0x0]  }
0x2: {  	s1 =	srdreg.scid;
	s6 =	rddreg [dreg:$0x1];
	s3 =	simm.s32 $0x0  }
0x3: {  	s12 =	simm.s32 $0x8CA0;
	s13 =	simm.s32 $0x109A0;
	s14 =	simm.s32 $0x1  }
0x4: {  	s15 =	simm.s32 $0x2;
	s4 =	sand.u32 $0x1, s1;
	s31 =	sshll.u32 s0, $0x1  }
0x5: {  	s16 =	simm.s32 $0x0;
	s1 =	rddreg [dreg:$0x2];
	s5 =	sor.u32 s4, s31  }
0x6: {  	s8 =	sshrl.u32 s0, $0x1;
	[smem:$0x7FF] =	sst s3;
	s7 =	smul.u32 $0x401, s5  }
0x7: {  	s9 =	smul.u32 $0x1F4, s8;
	s10 =	ssub.s32 $0x2, s4;
	_ =	strace $0x80000047  }
0x8: {  	s4 =	sadd.s32 $0x1400, s6;
	s5 =	smul.u32 $0x5, s5;
	s7 =	sshrl.u32 s7, $0xC  }
0x9: {  	s11 =	sshrl.u32 s10, $0x1;
	s9 =	sadd.s32 s9, s6;
	s7 =	smul.u32 $0x14, s7  }
0xa: {  	s10 =	ssub.s32 s10, s11;
	s11 =	simm.s32 $0xFA0;
	s6 =	sadd.s32 $0x400, s9  }
0xb: {  	s9 =	smax.u32 s10, $0x1;
	s5 =	ssub.s32 s5, s7;
	s7 =	smul.u32 $0x9C400, s8  }
0xc: {  	s10 =	simm.s32 $0x3;
	s8 =	smul.u32 $0x271000, s8;
	s5 =	sand.u32 $0xFF, s5  }
.LBB2_1:
0xd: {  	[tilespmem:s3], [sflag:$0x3] =	stream.linear.gather [hbm4b:s6+s3], $0xFA0, $0x38;
	[tilespmem:$0x186A0] =	vst v63  }
0xe: {  	_ =	swait.ge [sflag:s10], $0xFA0  }
0xf: {  	[sflag:s10] =	ssyncset.done $0x0  }
0x10: {  	s17 =	simm.s32 $0x0;
	[sflag:s10] =	ssyncadd.s32 $0xFFFFF060  }
.LBB2_2:
0x11: {  	s18 =	sadd.s32 s5, s17  }
0x12: {  	s18 =	smul.u32 $0x7D00, s18;
	_ =	sdelay $0x1  }
0x13: {  	s19 =	sadd.s32 s7, s18  }
0x14: {  	s19 =	sshrl.u32 s19, $0x3  }
0x15: {  	s20 =	simm.s32 $0x0;
	s19 =	sadd.s32 s2, s19  }
0x16: {  	[tilespmem:s11], [sflag:$0x3] =	stream.linear.gather [hbm4b:s19+s20], $0x7D00, $0x38;
	[tilespmem:$0x186A0] =	vst v63  }
0x17: {  	_ =	swait.ge [sflag:s10], $0x7D00  }
0x18: {  	[sflag:s10] =	ssyncset.done $0x0  }
0x19: {  	s26 =	simm.s32 $0x0;
	[sflag:s10] =	ssyncadd.s32 $0xFFFF8300  }
0x1a: {  	v7 =	vld [tilespmem:s26+$0x0];
	_ =	sdelay $0x7  }
0x1b: {  	v0 =	vld.idx.msk [tilespmem:v7+s11+$0x0], $0xffff  }
0x1c: {  	v1 =	vadd.s32 $0x3E8, v7;
	_ =	sdelay $0x3  }
0x1d: {  	[tilespmem:s26+$0x8CA0] =	vst v0  }
0x1e: {  	v0 =	vld.idx.msk [tilespmem:v1+s11+$0x0], $0xffff  }
0x1f: {  	v1 =	vadd.s32 $0x7D0, v7;
	_ =	sdelay $0x3  }
0x20: {  	[tilespmem:s26+$0x9088] =	vst v0  }
0x21: {  	v0 =	vld.idx.msk [tilespmem:v1+s11+$0x0], $0xffff  }
0x22: {  	v1 =	vadd.s32 $0xBB8, v7;
	_ =	sdelay $0x3  }
0x23: {  	[tilespmem:s26+$0x9470] =	vst v0  }
0x24: {  	v0 =	vld.idx.msk [tilespmem:v1+s11+$0x0], $0xffff  }
0x25: {  	s24 =	simm.s32 $0x10;
	v1 =	vadd.s32 $0xFA0, v7  }
0x26: {  	v6 =	vld [tilespmem:s24+$0x0];
	_ =	sdelay $0x2  }
0x27: {  	[tilespmem:s26+$0x9858] =	vst v0  }
0x28: {  	v0 =	vld.idx.msk [tilespmem:v1+s11+$0x0], $0xffff  }
0x29: {  	v1 =	vadd.s32 $0x1388, v7;
	_ =	sdelay $0x2  }
0x2a: {  	v2 =	vld.idx.msk [tilespmem:v6+s11+$0x0], $0xffff  }
0x2b: {  	v3 =	vadd.s32 $0x3E8, v6;
	[tilespmem:s26+$0x9C40] =	vst v0  }
0x2c: {  	v0 =	vld.idx.msk [tilespmem:v1+s11+$0x0], $0xffff  }
0x2d: {  	v1 =	vadd.s32 $0x1770, v7;
	_ =	sdelay $0x1  }
0x2e: {  	[tilespmem:s24+$0x8CA0] =	vst v2  }
0x2f: {  	v2 =	vld.idx.msk [tilespmem:v3+s11+$0x0], $0xffff  }
0x30: {  	v3 =	vadd.s32 $0x7D0, v6;
	[tilespmem:s26+$0xA028] =	vst v0  }
0x31: {  	v0 =	vld.idx.msk [tilespmem:v1+s11+$0x0], $0xffff  }
0x32: {  	v1 =	vadd.s32 $0x1B58, v7;
	_ =	sdelay $0x1  }
0x33: {  	[tilespmem:s24+$0x9088] =	vst v2  }
0x34: {  	v2 =	vld.idx.msk [tilespmem:v3+s11+$0x0], $0xffff  }
0x35: {  	[tilespmem:s26+$0xA410] =	vst v0;
	v0 =	vadd.s32 $0xBB8, v6  }
0x36: {  	v1 =	vld.idx.msk [tilespmem:v1+s11+$0x0], $0xffff  }
0x37: {  	v3 =	vadd.s32 $0x1F40, v7;
	_ =	sdelay $0x1  }
0x38: {  	[tilespmem:s24+$0x9470] =	vst v2  }
0x39: {  	s19 =	simm.s32 $0x20;
	v2 =	vld.idx.msk [tilespmem:v0+s11+$0x0], $0xffff  }
0x3a: {  	v0 =	vld [tilespmem:s19+$0x0];
	[tilespmem:s26+$0xA7F8] =	vst v1;
	v1 =	vadd.s32 $0xFA0, v6  }
0x3b: {  	v3 =	vld.idx.msk [tilespmem:v3+s11+$0x0], $0xffff  }
0x3c: {  	v4 =	vadd.s32 $0x2328, v7;
	_ =	sdelay $0x1  }
0x3d: {  	[tilespmem:s24+$0x9858] =	vst v2  }
0x3e: {  	v1 =	vld.idx.msk [tilespmem:v1+s11+$0x0], $0xffff  }
0x3f: {  	v2 =	vadd.s32 $0x1388, v6;
	[tilespmem:s26+$0xABE0] =	vst v3  }
0x40: {  	v3 =	vld.idx.msk [tilespmem:v4+s11+$0x0], $0xffff  }
0x41: {  	v4 =	vadd.s32 $0x2710, v7  }
0x42: {  	v5 =	vld.idx.msk [tilespmem:v0+s11+$0x0], $0xffff  }
0x43: {  	v8 =	vadd.s32 $0x3E8, v0;
	[tilespmem:s24+$0x9C40] =	vst v1  }
0x44: {  	v1 =	vld.idx.msk [tilespmem:v2+s11+$0x0], $0xffff  }
0x45: {  	v2 =	vadd.s32 $0x1770, v6;
	[tilespmem:s26+$0xAFC8] =	vst v3  }
0x46: {  	v3 =	vld.idx.msk [tilespmem:v4+s11+$0x0], $0xffff  }
0x47: {  	[tilespmem:s19+$0x8CA0] =	vst v5;
	v4 =	vadd.s32 $0x2AF8, v7  }
0x48: {  	v5 =	vld.idx.msk [tilespmem:v8+s11+$0x0], $0xffff  }
0x49: {  	v8 =	vadd.s32 $0x7D0, v0;
	[tilespmem:s24+$0xA028] =	vst v1  }
0x4a: {  	v1 =	vld.idx.msk [tilespmem:v2+s11+$0x0], $0xffff  }
0x4b: {  	v2 =	vadd.s32 $0x1B58, v6;
	[tilespmem:s26+$0xB3B0] =	vst v3  }
0x4c: {  	v3 =	vld.idx.msk [tilespmem:v4+s11+$0x0], $0xffff  }
0x4d: {  	[tilespmem:s19+$0x9088] =	vst v5;
	v4 =	vadd.s32 $0x2EE0, v7  }
0x4e: {  	v5 =	vld.idx.msk [tilespmem:v8+s11+$0x0], $0xffff  }
0x4f: {  	[tilespmem:s24+$0xA410] =	vst v1;
	v1 =	vadd.s32 $0xBB8, v0  }
0x50: {  	v2 =	vld.idx.msk [tilespmem:v2+s11+$0x0], $0xffff  }
0x51: {  	[tilespmem:s26+$0xB798] =	vst v3;
	v3 =	vadd.s32 $0x1F40, v6  }
0x52: {  	v4 =	vld.idx.msk [tilespmem:v4+s11+$0x0], $0xffff  }
0x53: {  	[tilespmem:s19+$0x9470] =	vst v5;
	v5 =	vadd.s32 $0x32C8, v7  }
0x54: {  	s20 =	simm.s32 $0x30;
	v8 =	vld.idx.msk [tilespmem:v1+s11+$0x0], $0xffff  }
0x55: {  	v1 =	vld [tilespmem:s20+$0x0];
	[tilespmem:s24+$0xA7F8] =	vst v2;
	v2 =	vadd.s32 $0xFA0, v0  }
0x56: {  	v3 =	vld.idx.msk [tilespmem:v3+s11+$0x0], $0xffff  }
0x57: {  	[tilespmem:s26+$0xBB80] =	vst v4;
	v4 =	vadd.s32 $0x2328, v6  }
0x58: {  	v5 =	vld.idx.msk [tilespmem:v5+s11+$0x0], $0xffff  }
0x59: {  	[tilespmem:s19+$0x9858] =	vst v8;
	v8 =	vadd.s32 $0x36B0, v7  }
0x5a: {  	v2 =	vld.idx.msk [tilespmem:v2+s11+$0x0], $0xffff  }
0x5b: {  	[tilespmem:s24+$0xABE0] =	vst v3;
	v3 =	vadd.s32 $0x1388, v0  }
0x5c: {  	v4 =	vld.idx.msk [tilespmem:v4+s11+$0x0], $0xffff  }
0x5d: {  	v9 =	vld.idx.msk [tilespmem:v1+s11+$0x0], $0xffff;
	[tilespmem:s26+$0xBF68] =	vst v5;
	v5 =	vadd.s32 $0x2710, v6  }
0x5e: {  	v10 =	vadd.s32 $0x3E8, v1;
	v8 =	vld.idx.msk [tilespmem:v8+s11+$0x0], $0xffff  }
0x5f: {  	[tilespmem:s19+$0x9C40] =	vst v2;
	v2 =	vadd.s32 $0x3A98, v7  }
0x60: {  	v3 =	vld.idx.msk [tilespmem:v3+s11+$0x0], $0xffff  }
0x61: {  	[tilespmem:s24+$0xAFC8] =	vst v4;
	v4 =	vadd.s32 $0x1770, v0  }
0x62: {  	[tilespmem:s20+$0x8CA0] =	vst v9;
	v5 =	vld.idx.msk [tilespmem:v5+s11+$0x0], $0xffff  }
0x63: {  	v9 =	vld.idx.msk [tilespmem:v10+s11+$0x0], $0xffff;
	[tilespmem:s26+$0xC350] =	vst v8;
	v8 =	vadd.s32 $0x2AF8, v6  }
0x64: {  	v10 =	vadd.s32 $0x7D0, v1;
	v2 =	vld.idx.msk [tilespmem:v2+s11+$0x0], $0xffff  }
0x65: {  	[tilespmem:s19+$0xA028] =	vst v3;
	v3 =	vadd.s32 $0x3E80, v7  }
0x66: {  	v4 =	vld.idx.msk [tilespmem:v4+s11+$0x0], $0xffff  }
0x67: {  	[tilespmem:s24+$0xB3B0] =	vst v5;
	v5 =	vadd.s32 $0x1B58, v0  }
0x68: {  	[tilespmem:s20+$0x9088] =	vst v9;
	v8 =	vld.idx.msk [tilespmem:v8+s11+$0x0], $0xffff  }
0x69: {  	v9 =	vld.idx.msk [tilespmem:v10+s11+$0x0], $0xffff;
	[tilespmem:s26+$0xC738] =	vst v2;
	v2 =	vadd.s32 $0x2EE0, v6  }
0x6a: {  	v10 =	vadd.s32 $0xBB8, v1;
	v3 =	vld.idx.msk [tilespmem:v3+s11+$0x0], $0xffff  }
0x6b: {  	[tilespmem:s19+$0xA410] =	vst v4;
	v4 =	vadd.s32 $0x4268, v7  }
0x6c: {  	v5 =	vld.idx.msk [tilespmem:v5+s11+$0x0], $0xffff  }
0x6d: {  	[tilespmem:s24+$0xB798] =	vst v8;
	v8 =	vadd.s32 $0x1F40, v0  }
0x6e: {  	[tilespmem:s20+$0x9470] =	vst v9;
	v11 =	vld.idx.msk [tilespmem:v2+s11+$0x0], $0xffff  }
0x6f: {  	v9 =	vld.idx.msk [tilespmem:v10+s11+$0x0], $0xffff;
	[tilespmem:s26+$0xCB20] =	vst v3;
	v3 =	vadd.s32 $0x32C8, v6  }
0x70: {  	s21 =	simm.s32 $0x40;
	v4 =	vld.idx.msk [tilespmem:v4+s11+$0x0], $0xffff  }
0x71: {  	v2 =	vld [tilespmem:s21+$0x0];
	[tilespmem:s19+$0xA7F8] =	vst v5;
	v5 =	vadd.s32 $0x4650, v7  }
0x72: {  	v10 =	vadd.s32 $0xFA0, v1;
	v8 =	vld.idx.msk [tilespmem:v8+s11+$0x0], $0xffff  }
0x73: {  	[tilespmem:s24+$0xBB80] =	vst v11;
	v11 =	vadd.s32 $0x2328, v0  }
0x74: {  	v3 =	vld.idx.msk [tilespmem:v3+s11+$0x0], $0xffff  }
0x75: {  	[tilespmem:s26+$0xCF08] =	vst v4  }
0x76: {  	[tilespmem:s20+$0x9858] =	vst v9;
	v4 =	vadd.s32 $0x36B0, v6;
	v5 =	vld.idx.msk [tilespmem:v5+s11+$0x0], $0xffff  }
0x77: {  	v9 =	vld.idx.msk [tilespmem:v10+s11+$0x0], $0xffff;
	[tilespmem:s19+$0xABE0] =	vst v8;
	v8 =	vadd.s32 $0x4A38, v7  }
0x78: {  	v10 =	vadd.s32 $0x1388, v1;
	v11 =	vld.idx.msk [tilespmem:v11+s11+$0x0], $0xffff  }
0x79: {  	v12 =	vld.idx.msk [tilespmem:v2+s11+$0x0], $0xffff;
	[tilespmem:s24+$0xBF68] =	vst v3;
	v3 =	vadd.s32 $0x2710, v0  }
0x7a: {  	v13 =	vadd.s32 $0x3E8, v2  }
0x7b: {  	v4 =	vld.idx.msk [tilespmem:v4+s11+$0x0], $0xffff;
	[tilespmem:s26+$0xD2F0] =	vst v5  }
0x7c: {  	[tilespmem:s20+$0x9C40] =	vst v9;
	v5 =	vadd.s32 $0x3A98, v6;
	v8 =	vld.idx.msk [tilespmem:v8+s11+$0x0], $0xffff  }
0x7d: {  	v9 =	vld.idx.msk [tilespmem:v10+s11+$0x0], $0xffff;
	v10 =	vadd.s32 $0x4E20, v7;
	[tilespmem:s19+$0xAFC8] =	vst v11  }
0x7e: {  	[tilespmem:s21+$0x8CA0] =	vst v12;
	v11 =	vadd.s32 $0x1770, v1;
	v3 =	vld.idx.msk [tilespmem:v3+s11+$0x0], $0xffff  }
0x7f: {  	v12 =	vld.idx.msk [tilespmem:v13+s11+$0x0], $0xffff  }
0x80: {  	v13 =	vadd.s32 $0x7D0, v2;
	[tilespmem:s24+$0xC350] =	vst v4  }
0x81: {  	v4 =	vadd.s32 $0x2AF8, v0;
	v5 =	vld.idx.msk [tilespmem:v5+s11+$0x0], $0xffff;
	[tilespmem:s26+$0xD6D8] =	vst v8  }
0x82: {  	[tilespmem:s20+$0xA028] =	vst v9;
	v8 =	vadd.s32 $0x3E80, v6;
	v9 =	vld.idx.msk [tilespmem:v10+s11+$0x0], $0xffff  }
0x83: {  	v10 =	vld.idx.msk [tilespmem:v11+s11+$0x0], $0xffff;
	[tilespmem:s19+$0xB3B0] =	vst v3;
	v3 =	vadd.s32 $0x5208, v7  }
0x84: {  	[tilespmem:s21+$0x9088] =	vst v12;
	v11 =	vadd.s32 $0x1B58, v1  }
0x85: {  	v12 =	vld.idx.msk [tilespmem:v13+s11+$0x0], $0xffff  }
0x86: {  	v13 =	vadd.s32 $0xBB8, v2;
	v4 =	vld.idx.msk [tilespmem:v4+s11+$0x0], $0xffff;
	[tilespmem:s24+$0xC738] =	vst v5  }
0x87: {  	v5 =	vadd.s32 $0x2EE0, v0;
	v8 =	vld.idx.msk [tilespmem:v8+s11+$0x0], $0xffff;
	[tilespmem:s26+$0xDAC0] =	vst v9  }
0x88: {  	[tilespmem:s20+$0xA410] =	vst v10;
	v10 =	vld.idx.msk [tilespmem:v3+s11+$0x0], $0xffff  }
0x89: {  	s22 =	simm.s32 $0x50;
	v11 =	vld.idx.msk [tilespmem:v11+s11+$0x0], $0xffff  }
0x8a: {  	v9 =	vadd.s32 $0x4268, v6;
	[tilespmem:s21+$0x9470] =	vst v12;
	v3 =	vld [tilespmem:s22+$0x0]  }
0x8b: {  	v12 =	vld.idx.msk [tilespmem:v13+s11+$0x0], $0xffff;
	[tilespmem:s19+$0xB798] =	vst v4;
	v4 =	vadd.s32 $0x55F0, v7  }
0x8c: {  	v14 =	vadd.s32 $0x1F40, v1;
	v5 =	vld.idx.msk [tilespmem:v5+s11+$0x0], $0xffff  }
0x8d: {  	v13 =	vadd.s32 $0xFA0, v2;
	[tilespmem:s24+$0xCB20] =	vst v8  }
0x8e: {  	v8 =	vadd.s32 $0x32C8, v0;
	[tilespmem:s26+$0xDEA8] =	vst v10  }
0x8f: {  	v9 =	vld.idx.msk [tilespmem:v9+s11+$0x0], $0xffff;
	[tilespmem:s20+$0xA7F8] =	vst v11  }
0x90: {  	v10 =	vadd.s32 $0x4650, v6;
	[tilespmem:s21+$0x9858] =	vst v12;
	v11 =	vld.idx.msk [tilespmem:v4+s11+$0x0], $0xffff  }
0x91: {  	v14 =	vld.idx.msk [tilespmem:v14+s11+$0x0], $0xffff;
	[tilespmem:s19+$0xBB80] =	vst v5;
	v5 =	vadd.s32 $0x59D8, v7  }
0x92: {  	v15 =	vadd.s32 $0x2328, v1;
	v12 =	vld.idx.msk [tilespmem:v13+s11+$0x0], $0xffff  }
0x93: {  	v13 =	vadd.s32 $0x1388, v2;
	v8 =	vld.idx.msk [tilespmem:v8+s11+$0x0], $0xffff  }
0x94: {  	v16 =	vld.idx.msk [tilespmem:v3+s11+$0x0], $0xffff;
	[tilespmem:s24+$0xCF08] =	vst v9;
	v9 =	vadd.s32 $0x36B0, v0  }
0x95: {  	v10 =	vld.idx.msk [tilespmem:v10+s11+$0x0], $0xffff;
	[tilespmem:s26+$0xE290] =	vst v11  }
0x96: {  	v11 =	vadd.s32 $0x4A38, v6;
	[tilespmem:s20+$0xABE0] =	vst v14;
	v5 =	vld.idx.msk [tilespmem:v5+s11+$0x0], $0xffff  }
0x97: {  	v17 =	vadd.s32 $0x3E8, v3;
	[tilespmem:s21+$0x9C40] =	vst v12;
	v14 =	vld.idx.msk [tilespmem:v15+s11+$0x0], $0xffff  }
0x98: {  	v12 =	vld.idx.msk [tilespmem:v13+s11+$0x0], $0xffff;
	[tilespmem:s19+$0xBF68] =	vst v8;
	v8 =	vadd.s32 $0x5DC0, v7  }
0x99: {  	v15 =	vadd.s32 $0x2710, v1;
	[tilespmem:s22+$0x8CA0] =	vst v16;
	v9 =	vld.idx.msk [tilespmem:v9+s11+$0x0], $0xffff  }
0x9a: {  	v13 =	vadd.s32 $0x1770, v2;
	[tilespmem:s24+$0xD2F0] =	vst v10  }
0x9b: {  	v10 =	vadd.s32 $0x3A98, v0;
	v11 =	vld.idx.msk [tilespmem:v11+s11+$0x0], $0xffff;
	[tilespmem:s26+$0xE678] =	vst v5  }
0x9c: {  	v16 =	vld.idx.msk [tilespmem:v17+s11+$0x0], $0xffff;
	v5 =	vadd.s32 $0x4E20, v6;
	[tilespmem:s20+$0xAFC8] =	vst v14  }
0x9d: {  	v17 =	vadd.s32 $0x7D0, v3;
	[tilespmem:s21+$0xA028] =	vst v12;
	v8 =	vld.idx.msk [tilespmem:v8+s11+$0x0], $0xffff  }
0x9e: {  	v14 =	vld.idx.msk [tilespmem:v15+s11+$0x0], $0xffff;
	[tilespmem:s19+$0xC350] =	vst v9;
	v9 =	vadd.s32 $0x61A8, v7  }
0x9f: {  	v15 =	vadd.s32 $0x2AF8, v1;
	v12 =	vld.idx.msk [tilespmem:v13+s11+$0x0], $0xffff  }
0xa0: {  	v13 =	vadd.s32 $0x1B58, v2;
	v10 =	vld.idx.msk [tilespmem:v10+s11+$0x0], $0xffff;
	[tilespmem:s24+$0xD6D8] =	vst v11  }
0xa1: {  	[tilespmem:s22+$0x9088] =	vst v16;
	v11 =	vadd.s32 $0x3E80, v0;
	v5 =	vld.idx.msk [tilespmem:v5+s11+$0x0], $0xffff  }
0xa2: {  	v16 =	vld.idx.msk [tilespmem:v17+s11+$0x0], $0xffff;
	[tilespmem:s26+$0xEA60] =	vst v8;
	v8 =	vadd.s32 $0x5208, v6  }
0xa3: {  	[tilespmem:s20+$0xB3B0] =	vst v14;
	v9 =	vld.idx.msk [tilespmem:v9+s11+$0x0], $0xffff  }
0xa4: {  	[tilespmem:s21+$0xA410] =	vst v12;
	v12 =	vadd.s32 $0xBB8, v3;
	v14 =	vld.idx.msk [tilespmem:v15+s11+$0x0], $0xffff  }
0xa5: {  	v13 =	vld.idx.msk [tilespmem:v13+s11+$0x0], $0xffff;
	[tilespmem:s19+$0xC738] =	vst v10;
	v10 =	vadd.s32 $0x6590, v7  }
0xa6: {  	v15 =	vadd.s32 $0x2EE0, v1;
	v11 =	vld.idx.msk [tilespmem:v11+s11+$0x0], $0xffff;
	[tilespmem:s24+$0xDAC0] =	vst v5  }
0xa7: {  	s23 =	simm.s32 $0x60;
	[tilespmem:s22+$0x9470] =	vst v16;
	v5 =	vadd.s32 $0x4268, v0;
	v8 =	vld.idx.msk [tilespmem:v8+s11+$0x0], $0xffff  }
0xa8: {  	v4 =	vld [tilespmem:s23+$0x0];
	[tilespmem:s26+$0xEE48] =	vst v9;
	v9 =	vadd.s32 $0x55F0, v6  }
0xa9: {  	v12 =	vld.idx.msk [tilespmem:v12+s11+$0x0], $0xffff;
	[tilespmem:s20+$0xB798] =	vst v14;
	v14 =	vadd.s32 $0x1F40, v2  }
0xaa: {  	[tilespmem:s21+$0xA7F8] =	vst v13;
	v13 =	vadd.s32 $0xFA0, v3;
	v10 =	vld.idx.msk [tilespmem:v10+s11+$0x0], $0xffff  }
0xab: {  	v15 =	vld.idx.msk [tilespmem:v15+s11+$0x0], $0xffff;
	[tilespmem:s19+$0xCB20] =	vst v11;
	v11 =	vadd.s32 $0x6978, v7  }
0xac: {  	v16 =	vadd.s32 $0x32C8, v1;
	v17 =	vld.idx.msk [tilespmem:v5+s11+$0x0], $0xffff;
	[tilespmem:s24+$0xDEA8] =	vst v8  }
0xad: {  	v8 =	vadd.s32 $0x4650, v0;
	v9 =	vld.idx.msk [tilespmem:v9+s11+$0x0], $0xffff  }
0xae: {  	[tilespmem:s22+$0x9858] =	vst v12;
	v14 =	vld.idx.msk [tilespmem:v14+s11+$0x0], $0xffff  }
0xaf: {  	v13 =	vld.idx.msk [tilespmem:v13+s11+$0x0], $0xffff;
	[tilespmem:s26+$0xF230] =	vst v10;
	v10 =	vadd.s32 $0x59D8, v6  }
0xb0: {  	[tilespmem:s20+$0xBB80] =	vst v15;
	v15 =	vadd.s32 $0x2328, v2;
	v11 =	vld.idx.msk [tilespmem:v11+s11+$0x0], $0xffff  }
0xb1: {  	v16 =	vld.idx.msk [tilespmem:v16+s11+$0x0], $0xffff;
	[tilespmem:s19+$0xCF08] =	vst v17;
	v17 =	vadd.s32 $0x6D60, v7  }
0xb2: {  	v12 =	vadd.s32 $0x36B0, v1;
	v8 =	vld.idx.msk [tilespmem:v8+s11+$0x0], $0xffff;
	[tilespmem:s24+$0xE290] =	vst v9  }
0xb3: {  	v19 =	vld.idx.msk [tilespmem:v4+s11+$0x0], $0xffff;
	[tilespmem:s21+$0xABE0] =	vst v14;
	v9 =	vadd.s32 $0x4A38, v0  }
0xb4: {  	v14 =	vadd.s32 $0x1388, v3;
	[tilespmem:s22+$0x9C40] =	vst v13;
	v10 =	vld.idx.msk [tilespmem:v10+s11+$0x0], $0xffff  }
0xb5: {  	v13 =	vadd.s32 $0x3E8, v4;
	v15 =	vld.idx.msk [tilespmem:v15+s11+$0x0], $0xffff;
	[tilespmem:s26+$0xF618] =	vst v11  }
0xb6: {  	[tilespmem:s20+$0xBF68] =	vst v16;
	v11 =	vadd.s32 $0x5DC0, v6;
	v16 =	vld.idx.msk [tilespmem:v17+s11+$0x0], $0xffff  }
0xb7: {  	v17 =	vadd.s32 $0x2710, v2;
	v12 =	vld.idx.msk [tilespmem:v12+s11+$0x0], $0xffff;
	[tilespmem:s19+$0xD2F0] =	vst v8  }
0xb8: {  	v18 =	vadd.s32 $0x7148, v7;
	[tilespmem:s23+$0x8CA0] =	vst v19;
	v9 =	vld.idx.msk [tilespmem:v9+s11+$0x0], $0xffff  }
0xb9: {  	v8 =	vadd.s32 $0x3A98, v1;
	v14 =	vld.idx.msk [tilespmem:v14+s11+$0x0], $0xffff;
	[tilespmem:s24+$0xE678] =	vst v10  }
0xba: {  	v13 =	vld.idx.msk [tilespmem:v13+s11+$0x0], $0xffff;
	[tilespmem:s21+$0xAFC8] =	vst v15;
	v10 =	vadd.s32 $0x4E20, v0  }
0xbb: {  	v15 =	vadd.s32 $0x1770, v3;
	v11 =	vld.idx.msk [tilespmem:v11+s11+$0x0], $0xffff;
	[tilespmem:s26+$0xFA00] =	vst v16  }
0xbc: {  	v17 =	vld.idx.msk [tilespmem:v17+s11+$0x0], $0xffff;
	[tilespmem:s20+$0xC350] =	vst v12;
	v12 =	vadd.s32 $0x61A8, v6  }
0xbd: {  	v16 =	vld.idx.msk [tilespmem:v18+s11+$0x0], $0xffff;
	v18 =	vadd.s32 $0x2AF8, v2  }
0xbe: {  	v19 =	vadd.s32 $0x7530, v7;
	v8 =	vld.idx.msk [tilespmem:v8+s11+$0x0], $0xffff;
	[tilespmem:s19+$0xD6D8] =	vst v9  }
0xbf: {  	[tilespmem:s22+$0xA028] =	vst v14;
	v10 =	vld.idx.msk [tilespmem:v10+s11+$0x0], $0xffff  }
0xc0: {  	v9 =	vadd.s32 $0x3E80, v1;
	v15 =	vld.idx.msk [tilespmem:v15+s11+$0x0], $0xffff;
	[tilespmem:s24+$0xEA60] =	vst v11  }
0xc1: {  	v14 =	vadd.s32 $0x7D0, v4;
	[tilespmem:s21+$0xB3B0] =	vst v17;
	v17 =	vld.idx.msk [tilespmem:v12+s11+$0x0], $0xffff  }
0xc2: {  	v11 =	vadd.s32 $0x5208, v0;
	v18 =	vld.idx.msk [tilespmem:v18+s11+$0x0], $0xffff;
	[tilespmem:s26+$0xFDE8] =	vst v16  }
0xc3: {  	s25 =	simm.s32 $0x70;
	[tilespmem:s23+$0x9088] =	vst v13;
	v16 =	vld.idx.msk [tilespmem:v19+s11+$0x0], $0xffff;
	v19 =	vadd.s32 $0x2EE0, v2  }
0xc4: {  	v5 =	vld [tilespmem:s25+$0x0];
	v12 =	vadd.s32 $0x1B58, v3;
	[tilespmem:s20+$0xC738] =	vst v8  }
0xc5: {  	v8 =	vadd.s32 $0x6590, v6;
	v9 =	vld.idx.msk [tilespmem:v9+s11+$0x0], $0xffff;
	[tilespmem:s19+$0xDAC0] =	vst v10  }
0xc6: {  	v20 =	vadd.s32 $0x7918, v7;
	v14 =	vld.idx.msk [tilespmem:v14+s11+$0x0], $0xffff;
	[tilespmem:s22+$0xA410] =	vst v15  }
0xc7: {  	v21 =	vadd.s32 $0x4268, v1;
	v13 =	vld.idx.msk [tilespmem:v11+s11+$0x0], $0xffff;
	[tilespmem:s21+$0xB798] =	vst v18  }
0xc8: {  	[tilespmem:s24+$0xEE48] =	vst v17;
	v11 =	vld.idx.msk [tilespmem:v19+s11+$0x0], $0xffff;
	v19 =	vadd.s32 $0xBB8, v4  }
0xc9: {  	v12 =	vld.idx.msk [tilespmem:v12+s11+$0x0], $0xffff;
	[tilespmem:s26+$0x101D0] =	vst v16;
	v16 =	vadd.s32 $0x55F0, v0  }
0xca: {  	v17 =	vadd.s32 $0x1F40, v3;
	v10 =	vld.idx.msk [tilespmem:v8+s11+$0x0], $0xffff  }
0xcb: {  	v15 =	vadd.s32 $0x6978, v6;
	[tilespmem:s20+$0xCB20] =	vst v9;
	v9 =	vld.idx.msk [tilespmem:v20+s11+$0x0], $0xffff  }
0xcc: {  	s28 =	simm.s32 $0x70;
	s29 =	simm.s32 $0x200;
	v7 =	vadd.s32 $0x7D0, v5;
	v8 =	vadd.s32 $0x3E8, v5;
	v18 =	vadd.s32 $0x32C8, v2;
	[tilespmem:s23+$0x9470] =	vst v14;
	v14 =	vld.idx.msk [tilespmem:v21+s11+$0x0], $0xffff  }
.LBB2_3:
0xcd: {  	s30 =	sshra.s32 s29, $0x2;
	s28 =	sadd.s32 $0x10, s28;
	v19 =	vld.idx.msk [tilespmem:v19+s11+$0x0], $0xffff;
	[tilespmem:s19+$0xDEA8] =	vst v13  }
0xce: {  	p0 =	slt.u32 s28, $0x3D0;
	[tilespmem:s22+$0xA7F8] =	vst v12;
	v12 =	vadd.s32 $0x4650, v1;
	v13 =	vld.idx.msk [tilespmem:v16+s11+$0x0], $0xffff  }
0xcf: {  	v16 =	vadd.s32 $0xFA0, v4;
	v17 =	vld.idx.msk [tilespmem:v17+s11+$0x0], $0xffff;
	[tilespmem:s24+$0xF230] =	vst v10  }
0xd0: {  	v10 =	vadd.s32 $0x59D8, v0;
	[tilespmem:s21+$0xBB80] =	vst v11;
	v11 =	vld.idx.msk [tilespmem:v15+s11+$0x0], $0xffff  }
0xd1: {  	v15 =	vadd.s32 $0x2328, v3;
	v18 =	vld.idx.msk [tilespmem:v18+s11+$0x0], $0xffff;
	[tilespmem:s26+$0x105B8] =	vst v9;
	s26 =	smov.u32 s24;
	s24 =	smov.u32 s19;
	s19 =	smov.u32 s20  }
0xd2: {  	s20 =	smov.u32 s21;
	s21 =	smov.u32 s22;
	s22 =	smov.u32 s23;
	v9 =	vld [tilespmem:s30+$0x0];
	[tilespmem:s19+$0xCF08] =	vst v14;
	v14 =	vadd.s32 $0x6D60, v6  }
0xd3: {  	s23 =	smov.u32 s25;
	s25 =	smov.u32 s30;
	[tilespmem:s22+$0x9858] =	vst v19;
	v19 =	vadd.s32 $0x36B0, v2;
	v12 =	vld.idx.msk [tilespmem:v12+s11+$0x0], $0xffff  }
0xd4: {  	v16 =	vld.idx.msk [tilespmem:v16+s11+$0x0], $0xffff;
	[tilespmem:s24+$0xE290] =	vst v13  }
0xd5: {  	v13 =	vadd.s32 $0x4A38, v1;
	[tilespmem:s21+$0xABE0] =	vst v17;
	v10 =	vld.idx.msk [tilespmem:v10+s11+$0x0], $0xffff  }
0xd6: {  	v17 =	vadd.s32 $0x1388, v4;
	v15 =	vld.idx.msk [tilespmem:v15+s11+$0x0], $0xffff;
	[tilespmem:s26+$0xF618] =	vst v11;
	v11 =	vadd.s32 $0x7148, v6  }
0xd7: {  	[tilespmem:s20+$0xBF68] =	vst v18;
	v18 =	vadd.s32 $0x5DC0, v0;
	v14 =	vld.idx.msk [tilespmem:v14+s11+$0x0], $0xffff  }
0xd8: {  	v21 =	vadd.s32 $0x2710, v3;
	v20 =	vadd.s32 $0x3E8, v9;
	v19 =	vld.idx.msk [tilespmem:v19+s11+$0x0], $0xffff  }
0xd9: {  	v22 =	vld.idx.msk [tilespmem:v5+s11+$0x0], $0xffff;
	[tilespmem:s19+$0xD2F0] =	vst v12  }
0xda: {  	v12 =	vadd.s32 $0x3A98, v2;
	[tilespmem:s22+$0x9C40] =	vst v16;
	v13 =	vld.idx.msk [tilespmem:v13+s11+$0x0], $0xffff  }
0xdb: {  	v16 =	vld.idx.msk [tilespmem:v17+s11+$0x0], $0xffff;
	[tilespmem:s24+$0xE678] =	vst v10  }
0xdc: {  	v10 =	vadd.s32 $0x4E20, v1;
	[tilespmem:s21+$0xAFC8] =	vst v15;
	v15 =	vld.idx.msk [tilespmem:v18+s11+$0x0], $0xffff  }
0xdd: {  	v17 =	vadd.s32 $0x1770, v4;
	v18 =	vld.idx.msk [tilespmem:v21+s11+$0x0], $0xffff;
	[tilespmem:s26+$0xFA00] =	vst v14;
	v14 =	vadd.s32 $0x7530, v6  }
0xde: {  	[tilespmem:s20+$0xC350] =	vst v19;
	v19 =	vadd.s32 $0x61A8, v0;
	v11 =	vld.idx.msk [tilespmem:v11+s11+$0x0], $0xffff  }
0xdf: {  	v21 =	vadd.s32 $0x7D0, v9;
	[tilespmem:s23+$0x8CA0] =	vst v22;
	v22 =	vadd.s32 $0x2AF8, v3;
	v12 =	vld.idx.msk [tilespmem:v12+s11+$0x0], $0xffff  }
0xe0: {  	v23 =	vld.idx.msk [tilespmem:v8+s11+$0x0], $0xffff;
	[tilespmem:s19+$0xD6D8] =	vst v13;
	v8 =	vmov v20  }
0xe1: {  	v13 =	vadd.s32 $0x3E80, v2;
	[tilespmem:s22+$0xA028] =	vst v16;
	v10 =	vld.idx.msk [tilespmem:v10+s11+$0x0], $0xffff  }
0xe2: {  	v16 =	vld.idx.msk [tilespmem:v17+s11+$0x0], $0xffff;
	[tilespmem:s24+$0xEA60] =	vst v15  }
0xe3: {  	v15 =	vadd.s32 $0x5208, v1;
	[tilespmem:s21+$0xB3B0] =	vst v18;
	v17 =	vld.idx.msk [tilespmem:v19+s11+$0x0], $0xffff  }
0xe4: {  	v18 =	vadd.s32 $0x1B58, v4;
	v20 =	vld.idx.msk [tilespmem:v22+s11+$0x0], $0xffff;
	[tilespmem:s26+$0xFDE8] =	vst v11;
	v22 =	vadd.s32 $0x7918, v6;
	v6 =	vmovc v0;
	v0 =	vmovc v1;
	v1 =	vmov v2  }
0xe5: {  	v2 =	vmovc v3;
	v3 =	vmovc v4;
	v4 =	vmov v5;
	v5 =	vmov v9;
	[tilespmem:s20+$0xC738] =	vst v12;
	v11 =	vadd.s32 $0x6590, v6;
	v14 =	vld.idx.msk [tilespmem:v14+s11+$0x0], $0xffff  }
0xe6: {  	v9 =	vadd.s32 $0x2EE0, v2;
	[tilespmem:s23+$0x9088] =	vst v23;
	v23 =	vld.idx.msk [tilespmem:v13+s11+$0x0], $0xffff  }
0xe7: {  	v24 =	vld.idx.msk [tilespmem:v7+s11+$0x0], $0xffff;
	[tilespmem:s19+$0xDAC0] =	vst v10;
	v7 =	vmov v21  }
0xe8: {  	v21 =	vadd.s32 $0x4268, v1;
	[tilespmem:s22+$0xA410] =	vst v16;
	v13 =	vld.idx.msk [tilespmem:v15+s11+$0x0], $0xffff  }
.Ltmp0:
0xe9: {  	v19 =	vadd.s32 $0xBB8, v4;
	v12 =	vld.idx.msk [tilespmem:v18+s11+$0x0], $0xffff;
	[tilespmem:s24+$0xEE48] =	vst v17;
	(pc) =	sbr.rel @p0 .LBB2_3-.Ltmp0, $4  }
0xea: {  	v16 =	vadd.s32 $0x55F0, v0;
	[tilespmem:s21+$0xB798] =	vst v20;
	v10 =	vld.idx.msk [tilespmem:v11+s11+$0x0], $0xffff  }
0xeb: {  	v17 =	vadd.s32 $0x1F40, v3;
	v11 =	vld.idx.msk [tilespmem:v9+s11+$0x0], $0xffff;
	[tilespmem:s26+$0x101D0] =	vst v14  }
0xec: {  	v15 =	vadd.s32 $0x6978, v6;
	[tilespmem:s20+$0xCB20] =	vst v23;
	v9 =	vld.idx.msk [tilespmem:v22+s11+$0x0], $0xffff  }
0xed: {  	s29 =	sadd.s32 $0x40, s29;
	v18 =	vadd.s32 $0x32C8, v2;
	[tilespmem:s23+$0x9470] =	vst v24;
	v14 =	vld.idx.msk [tilespmem:v21+s11+$0x0], $0xffff  }
0xee: {  	_ =	sdelay $0x2  }
0xef: {  	[tilespmem:s19+$0xDEA8] =	vst v13  }
0xf0: {  	v19 =	vld.idx.msk [tilespmem:v19+s11+$0x0], $0xffff;
	[tilespmem:s22+$0xA7F8] =	vst v12  }
0xf1: {  	v13 =	vadd.s32 $0x4650, v1;
	v20 =	vld.idx.msk [tilespmem:v5+s11+$0x0], $0xffff;
	[tilespmem:s24+$0xF230] =	vst v10  }
0xf2: {  	v12 =	vld.idx.msk [tilespmem:v16+s11+$0x0], $0xffff;
	v16 =	vadd.s32 $0xFA0, v4;
	[tilespmem:s21+$0xBB80] =	vst v11  }
0xf3: {  	v17 =	vld.idx.msk [tilespmem:v17+s11+$0x0], $0xffff;
	[tilespmem:s26+$0x105B8] =	vst v9  }
0xf4: {  	v10 =	vadd.s32 $0x59D8, v0;
	v11 =	vld.idx.msk [tilespmem:v15+s11+$0x0], $0xffff;
	[tilespmem:s20+$0xCF08] =	vst v14  }
0xf5: {  	v15 =	vadd.s32 $0x2328, v3;
	v18 =	vld.idx.msk [tilespmem:v18+s11+$0x0], $0xffff;
	[tilespmem:s23+$0x9858] =	vst v19  }
0xf6: {  	v14 =	vadd.s32 $0x6D60, v6;
	v13 =	vld.idx.msk [tilespmem:v13+s11+$0x0], $0xffff;
	[tilespmem:s25+$0x8CA0] =	vst v20  }
0xf7: {  	v19 =	vadd.s32 $0x36B0, v2;
	v16 =	vld.idx.msk [tilespmem:v16+s11+$0x0], $0xffff;
	[tilespmem:s19+$0xE290] =	vst v12  }
0xf8: {  	[tilespmem:s22+$0xABE0] =	vst v17;
	v12 =	vadd.s32 $0x4A38, v1;
	v8 =	vld.idx.msk [tilespmem:v8+s11+$0x0], $0xffff  }
0xf9: {  	v17 =	vadd.s32 $0x1388, v4;
	v10 =	vld.idx.msk [tilespmem:v10+s11+$0x0], $0xffff;
	[tilespmem:s24+$0xF618] =	vst v11  }
0xfa: {  	v15 =	vld.idx.msk [tilespmem:v15+s11+$0x0], $0xffff;
	v11 =	vadd.s32 $0x5DC0, v0;
	[tilespmem:s21+$0xBF68] =	vst v18  }
0xfb: {  	v9 =	vadd.s32 $0x2710, v3;
	v14 =	vld.idx.msk [tilespmem:v14+s11+$0x0], $0xffff;
	[tilespmem:s20+$0xD2F0] =	vst v13  }
0xfc: {  	v18 =	vld.idx.msk [tilespmem:v19+s11+$0x0], $0xffff;
	v19 =	vadd.s32 $0x7148, v6;
	[tilespmem:s23+$0x9C40] =	vst v16  }
0xfd: {  	v13 =	vadd.s32 $0x3A98, v2;
	v12 =	vld.idx.msk [tilespmem:v12+s11+$0x0], $0xffff;
	[tilespmem:s25+$0x9088] =	vst v8  }
0xfe: {  	v16 =	vld.idx.msk [tilespmem:v17+s11+$0x0], $0xffff;
	[tilespmem:s19+$0xE678] =	vst v10  }
0xff: {  	[tilespmem:s22+$0xAFC8] =	vst v15;
	v10 =	vadd.s32 $0x4E20, v1;
	v11 =	vld.idx.msk [tilespmem:v11+s11+$0x0], $0xffff  }
0x100: {  	v15 =	vadd.s32 $0x1770, v4;
	v9 =	vld.idx.msk [tilespmem:v9+s11+$0x0], $0xffff;
	[tilespmem:s24+$0xFA00] =	vst v14  }
0x101: {  	v14 =	vadd.s32 $0x61A8, v0;
	[tilespmem:s21+$0xC350] =	vst v18;
	v17 =	vld.idx.msk [tilespmem:v19+s11+$0x0], $0xffff  }
0x102: {  	v18 =	vadd.s32 $0x2AF8, v3;
	v13 =	vld.idx.msk [tilespmem:v13+s11+$0x0], $0xffff;
	[tilespmem:s20+$0xD6D8] =	vst v12  }
0x103: {  	v7 =	vld.idx.msk [tilespmem:v7+s11+$0x0], $0xffff;
	v19 =	vadd.s32 $0x7530, v6;
	[tilespmem:s23+$0xA028] =	vst v16  }
0x104: {  	v12 =	vadd.s32 $0x3E80, v2;
	v10 =	vld.idx.msk [tilespmem:v10+s11+$0x0], $0xffff;
	[tilespmem:s19+$0xEA60] =	vst v11  }
0x105: {  	v15 =	vld.idx.msk [tilespmem:v15+s11+$0x0], $0xffff;
	[tilespmem:s22+$0xB3B0] =	vst v9;
	v9 =	vadd.s32 $0x5208, v1  }
0x106: {  	v11 =	vld.idx.msk [tilespmem:v14+s11+$0x0], $0xffff;
	v14 =	vadd.s32 $0x1B58, v4;
	[tilespmem:s24+$0xFDE8] =	vst v17  }
0x107: {  	v16 =	vld.idx.msk [tilespmem:v18+s11+$0x0], $0xffff;
	[tilespmem:s21+$0xC738] =	vst v13;
	v13 =	vadd.s32 $0x6590, v0  }
0x108: {  	v8 =	vadd.s32 $0x2EE0, v3;
	[tilespmem:s25+$0x9470] =	vst v7;
	v17 =	vld.idx.msk [tilespmem:v19+s11+$0x0], $0xffff  }
0x109: {  	v6 =	vadd.s32 $0x7918, v6;
	v12 =	vld.idx.msk [tilespmem:v12+s11+$0x0], $0xffff;
	[tilespmem:s20+$0xDAC0] =	vst v10  }
0x10a: {  	v10 =	vadd.s32 $0x4268, v2;
	[tilespmem:s23+$0xA410] =	vst v15;
	v9 =	vld.idx.msk [tilespmem:v9+s11+$0x0], $0xffff  }
0x10b: {  	v15 =	vadd.s32 $0xBB8, v5;
	v14 =	vld.idx.msk [tilespmem:v14+s11+$0x0], $0xffff;
	[tilespmem:s19+$0xEE48] =	vst v11  }
0x10c: {  	v11 =	vadd.s32 $0x55F0, v1;
	[tilespmem:s22+$0xB798] =	vst v16;
	v13 =	vld.idx.msk [tilespmem:v13+s11+$0x0], $0xffff  }
0x10d: {  	v16 =	vadd.s32 $0x1F40, v4;
	v8 =	vld.idx.msk [tilespmem:v8+s11+$0x0], $0xffff;
	[tilespmem:s24+$0x101D0] =	vst v17  }
0x10e: {  	[tilespmem:s21+$0xCB20] =	vst v12;
	v12 =	vadd.s32 $0x6978, v0;
	v17 =	vld.idx.msk [tilespmem:v6+s11+$0x0], $0xffff  }
0x10f: {  	v6 =	vadd.s32 $0x32C8, v3;
	v7 =	vld.idx.msk [tilespmem:v10+s11+$0x0], $0xffff;
	[tilespmem:s20+$0xDEA8] =	vst v9  }
0x110: {  	v10 =	vld.idx.msk [tilespmem:v15+s11+$0x0], $0xffff;
	v9 =	vadd.s32 $0x4650, v2;
	[tilespmem:s23+$0xA7F8] =	vst v14  }
0x111: {  	v11 =	vld.idx.msk [tilespmem:v11+s11+$0x0], $0xffff;
	v14 =	vadd.s32 $0xFA0, v5;
	[tilespmem:s19+$0xF230] =	vst v13  }
0x112: {  	v15 =	vld.idx.msk [tilespmem:v16+s11+$0x0], $0xffff;
	v13 =	vadd.s32 $0x59D8, v1;
	[tilespmem:s22+$0xBB80] =	vst v8  }
0x113: {  	v8 =	vld.idx.msk [tilespmem:v12+s11+$0x0], $0xffff;
	v12 =	vadd.s32 $0x2328, v4;
	[tilespmem:s24+$0x105B8] =	vst v17  }
0x114: {  	v16 =	vadd.s32 $0x6D60, v0;
	v6 =	vld.idx.msk [tilespmem:v6+s11+$0x0], $0xffff;
	[tilespmem:s21+$0xCF08] =	vst v7  }
0x115: {  	[tilespmem:s25+$0x9858] =	vst v10;
	v10 =	vadd.s32 $0x36B0, v3;
	v9 =	vld.idx.msk [tilespmem:v9+s11+$0x0], $0xffff  }
0x116: {  	v14 =	vld.idx.msk [tilespmem:v14+s11+$0x0], $0xffff;
	[tilespmem:s20+$0xE290] =	vst v11  }
0x117: {  	v11 =	vadd.s32 $0x1388, v5;
	[tilespmem:s23+$0xABE0] =	vst v15;
	v7 =	vld.idx.msk [tilespmem:v13+s11+$0x0], $0xffff  }
0x118: {  	v12 =	vld.idx.msk [tilespmem:v12+s11+$0x0], $0xffff;
	[tilespmem:s19+$0xF618] =	vst v8  }
0x119: {  	[tilespmem:s22+$0xBF68] =	vst v6;
	v6 =	vld.idx.msk [tilespmem:v16+s11+$0x0], $0xffff  }
0x11a: {  	v8 =	vld.idx.msk [tilespmem:v10+s11+$0x0], $0xffff;
	[tilespmem:s21+$0xD2F0] =	vst v9  }
0x11b: {  	[tilespmem:s25+$0x9C40] =	vst v14  }
0x11c: {  	v9 =	vld.idx.msk [tilespmem:v11+s11+$0x0], $0xffff  }
0x11d: {  	v10 =	vadd.s32 $0x1770, v5;
	_ =	sdelay $0x3  }
0x11e: {  	[tilespmem:s25+$0xA028] =	vst v9  }
0x11f: {  	v9 =	vld.idx.msk [tilespmem:v10+s11+$0x0], $0xffff  }
0x120: {  	v10 =	vadd.s32 $0x1B58, v5;
	_ =	sdelay $0x3  }
0x121: {  	[tilespmem:s25+$0xA410] =	vst v9  }
0x122: {  	v9 =	vld.idx.msk [tilespmem:v10+s11+$0x0], $0xffff  }
0x123: {  	v10 =	vadd.s32 $0x1F40, v5;
	_ =	sdelay $0x3  }
0x124: {  	[tilespmem:s25+$0xA7F8] =	vst v9  }
0x125: {  	v9 =	vld.idx.msk [tilespmem:v10+s11+$0x0], $0xffff  }
0x126: {  	v10 =	vadd.s32 $0x2328, v5;
	_ =	sdelay $0x3  }
0x127: {  	[tilespmem:s25+$0xABE0] =	vst v9  }
0x128: {  	v9 =	vadd.s32 $0x2710, v4;
	v10 =	vld.idx.msk [tilespmem:v10+s11+$0x0], $0xffff  }
0x129: {  	v11 =	vadd.s32 $0x2710, v5;
	_ =	sdelay $0x2  }
0x12a: {  	[tilespmem:s23+$0xAFC8] =	vst v12  }
0x12b: {  	v9 =	vld.idx.msk [tilespmem:v9+s11+$0x0], $0xffff;
	[tilespmem:s25+$0xAFC8] =	vst v10  }
0x12c: {  	v10 =	vadd.s32 $0x2AF8, v4;
	v11 =	vld.idx.msk [tilespmem:v11+s11+$0x0], $0xffff  }
0x12d: {  	v12 =	vadd.s32 $0x2AF8, v5;
	_ =	sdelay $0x2  }
0x12e: {  	[tilespmem:s23+$0xB3B0] =	vst v9  }
0x12f: {  	v9 =	vld.idx.msk [tilespmem:v10+s11+$0x0], $0xffff;
	[tilespmem:s25+$0xB3B0] =	vst v11  }
0x130: {  	v10 =	vadd.s32 $0x2EE0, v4;
	v11 =	vld.idx.msk [tilespmem:v12+s11+$0x0], $0xffff  }
0x131: {  	v12 =	vadd.s32 $0x2EE0, v5;
	_ =	sdelay $0x2  }
0x132: {  	[tilespmem:s23+$0xB798] =	vst v9  }
0x133: {  	v9 =	vld.idx.msk [tilespmem:v10+s11+$0x0], $0xffff;
	[tilespmem:s25+$0xB798] =	vst v11  }
0x134: {  	v10 =	vadd.s32 $0x32C8, v4;
	v11 =	vld.idx.msk [tilespmem:v12+s11+$0x0], $0xffff  }
0x135: {  	v12 =	vadd.s32 $0x32C8, v5;
	_ =	sdelay $0x2  }
0x136: {  	[tilespmem:s23+$0xBB80] =	vst v9  }
0x137: {  	v9 =	vld.idx.msk [tilespmem:v10+s11+$0x0], $0xffff;
	[tilespmem:s25+$0xBB80] =	vst v11  }
0x138: {  	v10 =	vadd.s32 $0x36B0, v4;
	v11 =	vld.idx.msk [tilespmem:v12+s11+$0x0], $0xffff  }
0x139: {  	v12 =	vadd.s32 $0x36B0, v5;
	_ =	sdelay $0x2  }
0x13a: {  	[tilespmem:s23+$0xBF68] =	vst v9  }
0x13b: {  	v9 =	vadd.s32 $0x3A98, v3;
	v10 =	vld.idx.msk [tilespmem:v10+s11+$0x0], $0xffff;
	[tilespmem:s25+$0xBF68] =	vst v11  }
0x13c: {  	v11 =	vadd.s32 $0x3A98, v4;
	v12 =	vld.idx.msk [tilespmem:v12+s11+$0x0], $0xffff  }
0x13d: {  	v13 =	vadd.s32 $0x3A98, v5;
	_ =	sdelay $0x1  }
0x13e: {  	[tilespmem:s22+$0xC350] =	vst v8  }
0x13f: {  	v8 =	vld.idx.msk [tilespmem:v9+s11+$0x0], $0xffff;
	[tilespmem:s23+$0xC350] =	vst v10  }
0x140: {  	v9 =	vadd.s32 $0x3E80, v3;
	v10 =	vld.idx.msk [tilespmem:v11+s11+$0x0], $0xffff;
	[tilespmem:s25+$0xC350] =	vst v12  }
0x141: {  	v11 =	vadd.s32 $0x3E80, v4;
	v12 =	vld.idx.msk [tilespmem:v13+s11+$0x0], $0xffff  }
0x142: {  	v13 =	vadd.s32 $0x3E80, v5;
	_ =	sdelay $0x1  }
0x143: {  	[tilespmem:s22+$0xC738] =	vst v8  }
0x144: {  	v8 =	vld.idx.msk [tilespmem:v9+s11+$0x0], $0xffff;
	[tilespmem:s23+$0xC738] =	vst v10  }
0x145: {  	v9 =	vadd.s32 $0x4268, v3;
	v10 =	vld.idx.msk [tilespmem:v11+s11+$0x0], $0xffff;
	[tilespmem:s25+$0xC738] =	vst v12  }
0x146: {  	v11 =	vadd.s32 $0x4268, v4;
	v12 =	vld.idx.msk [tilespmem:v13+s11+$0x0], $0xffff  }
0x147: {  	v13 =	vadd.s32 $0x4268, v5;
	_ =	sdelay $0x1  }
0x148: {  	[tilespmem:s22+$0xCB20] =	vst v8  }
0x149: {  	v8 =	vld.idx.msk [tilespmem:v9+s11+$0x0], $0xffff;
	[tilespmem:s23+$0xCB20] =	vst v10  }
0x14a: {  	v9 =	vadd.s32 $0x4650, v3;
	v10 =	vld.idx.msk [tilespmem:v11+s11+$0x0], $0xffff;
	[tilespmem:s25+$0xCB20] =	vst v12  }
0x14b: {  	v11 =	vadd.s32 $0x4650, v4;
	v12 =	vld.idx.msk [tilespmem:v13+s11+$0x0], $0xffff  }
0x14c: {  	v13 =	vadd.s32 $0x4650, v5;
	_ =	sdelay $0x1  }
0x14d: {  	[tilespmem:s22+$0xCF08] =	vst v8  }
0x14e: {  	v8 =	vadd.s32 $0x4A38, v2;
	v9 =	vld.idx.msk [tilespmem:v9+s11+$0x0], $0xffff;
	[tilespmem:s23+$0xCF08] =	vst v10  }
0x14f: {  	v10 =	vadd.s32 $0x4A38, v3;
	v11 =	vld.idx.msk [tilespmem:v11+s11+$0x0], $0xffff;
	[tilespmem:s25+$0xCF08] =	vst v12  }
0x150: {  	v12 =	vadd.s32 $0x4A38, v4;
	v13 =	vld.idx.msk [tilespmem:v13+s11+$0x0], $0xffff  }
0x151: {  	v14 =	vadd.s32 $0x4A38, v5;
	_ =	sdelay $0x1  }
0x152: {  	v8 =	vld.idx.msk [tilespmem:v8+s11+$0x0], $0xffff;
	[tilespmem:s22+$0xD2F0] =	vst v9  }
0x153: {  	v9 =	vadd.s32 $0x4E20, v2;
	v10 =	vld.idx.msk [tilespmem:v10+s11+$0x0], $0xffff;
	[tilespmem:s23+$0xD2F0] =	vst v11  }
0x154: {  	v11 =	vadd.s32 $0x4E20, v3;
	v12 =	vld.idx.msk [tilespmem:v12+s11+$0x0], $0xffff;
	[tilespmem:s25+$0xD2F0] =	vst v13  }
0x155: {  	v13 =	vadd.s32 $0x4E20, v4;
	v14 =	vld.idx.msk [tilespmem:v14+s11+$0x0], $0xffff  }
0x156: {  	v15 =	vadd.s32 $0x4E20, v5  }
0x157: {  	[tilespmem:s21+$0xD6D8] =	vst v8  }
0x158: {  	v8 =	vld.idx.msk [tilespmem:v9+s11+$0x0], $0xffff;
	[tilespmem:s22+$0xD6D8] =	vst v10  }
0x159: {  	v9 =	vadd.s32 $0x5208, v2;
	v10 =	vld.idx.msk [tilespmem:v11+s11+$0x0], $0xffff;
	[tilespmem:s23+$0xD6D8] =	vst v12  }
0x15a: {  	v11 =	vadd.s32 $0x5208, v3;
	v12 =	vld.idx.msk [tilespmem:v13+s11+$0x0], $0xffff;
	[tilespmem:s25+$0xD6D8] =	vst v14  }
0x15b: {  	v13 =	vadd.s32 $0x5208, v4;
	v14 =	vld.idx.msk [tilespmem:v15+s11+$0x0], $0xffff  }
0x15c: {  	v15 =	vadd.s32 $0x5208, v5  }
0x15d: {  	[tilespmem:s21+$0xDAC0] =	vst v8  }
0x15e: {  	v8 =	vld.idx.msk [tilespmem:v9+s11+$0x0], $0xffff;
	[tilespmem:s22+$0xDAC0] =	vst v10  }
0x15f: {  	v9 =	vadd.s32 $0x55F0, v2;
	v10 =	vld.idx.msk [tilespmem:v11+s11+$0x0], $0xffff;
	[tilespmem:s23+$0xDAC0] =	vst v12  }
0x160: {  	v11 =	vadd.s32 $0x55F0, v3;
	v12 =	vld.idx.msk [tilespmem:v13+s11+$0x0], $0xffff;
	[tilespmem:s25+$0xDAC0] =	vst v14  }
0x161: {  	v13 =	vadd.s32 $0x55F0, v4;
	v14 =	vld.idx.msk [tilespmem:v15+s11+$0x0], $0xffff  }
0x162: {  	v15 =	vadd.s32 $0x55F0, v5  }
0x163: {  	[tilespmem:s21+$0xDEA8] =	vst v8  }
0x164: {  	v8 =	vld.idx.msk [tilespmem:v9+s11+$0x0], $0xffff;
	[tilespmem:s22+$0xDEA8] =	vst v10  }
0x165: {  	v9 =	vadd.s32 $0x59D8, v2;
	v10 =	vld.idx.msk [tilespmem:v11+s11+$0x0], $0xffff;
	[tilespmem:s23+$0xDEA8] =	vst v12  }
0x166: {  	v11 =	vadd.s32 $0x59D8, v3;
	v12 =	vld.idx.msk [tilespmem:v13+s11+$0x0], $0xffff;
	[tilespmem:s25+$0xDEA8] =	vst v14  }
0x167: {  	v13 =	vadd.s32 $0x59D8, v4;
	v14 =	vld.idx.msk [tilespmem:v15+s11+$0x0], $0xffff  }
0x168: {  	v15 =	vadd.s32 $0x59D8, v5  }
0x169: {  	[tilespmem:s21+$0xE290] =	vst v8  }
0x16a: {  	v8 =	vadd.s32 $0x5DC0, v1;
	v9 =	vld.idx.msk [tilespmem:v9+s11+$0x0], $0xffff;
	[tilespmem:s22+$0xE290] =	vst v10  }
0x16b: {  	v10 =	vadd.s32 $0x5DC0, v2;
	v11 =	vld.idx.msk [tilespmem:v11+s11+$0x0], $0xffff;
	[tilespmem:s23+$0xE290] =	vst v12  }
0x16c: {  	v12 =	vadd.s32 $0x5DC0, v3;
	v13 =	vld.idx.msk [tilespmem:v13+s11+$0x0], $0xffff;
	[tilespmem:s25+$0xE290] =	vst v14  }
0x16d: {  	v14 =	vadd.s32 $0x5DC0, v4;
	v15 =	vld.idx.msk [tilespmem:v15+s11+$0x0], $0xffff  }
0x16e: {  	[tilespmem:s20+$0xE678] =	vst v7;
	v7 =	vadd.s32 $0x5DC0, v5  }
0x16f: {  	v8 =	vld.idx.msk [tilespmem:v8+s11+$0x0], $0xffff;
	[tilespmem:s21+$0xE678] =	vst v9  }
0x170: {  	v9 =	vadd.s32 $0x61A8, v1;
	v10 =	vld.idx.msk [tilespmem:v10+s11+$0x0], $0xffff;
	[tilespmem:s22+$0xE678] =	vst v11  }
0x171: {  	v11 =	vadd.s32 $0x61A8, v2;
	v12 =	vld.idx.msk [tilespmem:v12+s11+$0x0], $0xffff;
	[tilespmem:s23+$0xE678] =	vst v13  }
0x172: {  	v13 =	vadd.s32 $0x61A8, v3;
	v14 =	vld.idx.msk [tilespmem:v14+s11+$0x0], $0xffff;
	[tilespmem:s25+$0xE678] =	vst v15  }
0x173: {  	v15 =	vadd.s32 $0x61A8, v4;
	v7 =	vld.idx.msk [tilespmem:v7+s11+$0x0], $0xffff  }
0x174: {  	[tilespmem:s20+$0xEA60] =	vst v8;
	v8 =	vadd.s32 $0x61A8, v5  }
0x175: {  	v9 =	vld.idx.msk [tilespmem:v9+s11+$0x0], $0xffff;
	[tilespmem:s21+$0xEA60] =	vst v10  }
0x176: {  	v10 =	vadd.s32 $0x6590, v1;
	v11 =	vld.idx.msk [tilespmem:v11+s11+$0x0], $0xffff;
	[tilespmem:s22+$0xEA60] =	vst v12  }
0x177: {  	v12 =	vadd.s32 $0x6590, v2;
	v13 =	vld.idx.msk [tilespmem:v13+s11+$0x0], $0xffff;
	[tilespmem:s23+$0xEA60] =	vst v14  }
0x178: {  	v14 =	vadd.s32 $0x6590, v3;
	v15 =	vld.idx.msk [tilespmem:v15+s11+$0x0], $0xffff;
	[tilespmem:s25+$0xEA60] =	vst v7  }
0x179: {  	v7 =	vadd.s32 $0x6590, v4;
	v8 =	vld.idx.msk [tilespmem:v8+s11+$0x0], $0xffff  }
0x17a: {  	[tilespmem:s20+$0xEE48] =	vst v9;
	v9 =	vadd.s32 $0x6590, v5  }
0x17b: {  	v10 =	vld.idx.msk [tilespmem:v10+s11+$0x0], $0xffff;
	[tilespmem:s21+$0xEE48] =	vst v11  }
0x17c: {  	v11 =	vadd.s32 $0x6978, v1;
	v12 =	vld.idx.msk [tilespmem:v12+s11+$0x0], $0xffff;
	[tilespmem:s22+$0xEE48] =	vst v13  }
0x17d: {  	v13 =	vadd.s32 $0x6978, v2;
	v14 =	vld.idx.msk [tilespmem:v14+s11+$0x0], $0xffff;
	[tilespmem:s23+$0xEE48] =	vst v15  }
0x17e: {  	v15 =	vadd.s32 $0x6978, v3;
	v7 =	vld.idx.msk [tilespmem:v7+s11+$0x0], $0xffff;
	[tilespmem:s25+$0xEE48] =	vst v8  }
0x17f: {  	v8 =	vadd.s32 $0x6978, v4;
	v9 =	vld.idx.msk [tilespmem:v9+s11+$0x0], $0xffff  }
0x180: {  	[tilespmem:s20+$0xF230] =	vst v10;
	v10 =	vadd.s32 $0x6978, v5  }
0x181: {  	v11 =	vld.idx.msk [tilespmem:v11+s11+$0x0], $0xffff;
	[tilespmem:s21+$0xF230] =	vst v12  }
0x182: {  	v12 =	vadd.s32 $0x6D60, v1;
	v13 =	vld.idx.msk [tilespmem:v13+s11+$0x0], $0xffff;
	[tilespmem:s22+$0xF230] =	vst v14  }
0x183: {  	v14 =	vadd.s32 $0x6D60, v2;
	v15 =	vld.idx.msk [tilespmem:v15+s11+$0x0], $0xffff;
	[tilespmem:s23+$0xF230] =	vst v7  }
0x184: {  	v7 =	vadd.s32 $0x6D60, v3;
	v8 =	vld.idx.msk [tilespmem:v8+s11+$0x0], $0xffff;
	[tilespmem:s25+$0xF230] =	vst v9  }
0x185: {  	v9 =	vadd.s32 $0x6D60, v4;
	v10 =	vld.idx.msk [tilespmem:v10+s11+$0x0], $0xffff  }
0x186: {  	[tilespmem:s20+$0xF618] =	vst v11;
	v11 =	vadd.s32 $0x6D60, v5  }
0x187: {  	v16 =	vadd.s32 $0x7148, v0;
	v12 =	vld.idx.msk [tilespmem:v12+s11+$0x0], $0xffff;
	[tilespmem:s21+$0xF618] =	vst v13  }
0x188: {  	v13 =	vadd.s32 $0x7148, v1;
	v14 =	vld.idx.msk [tilespmem:v14+s11+$0x0], $0xffff;
	[tilespmem:s22+$0xF618] =	vst v15  }
0x189: {  	v15 =	vadd.s32 $0x7148, v2;
	v7 =	vld.idx.msk [tilespmem:v7+s11+$0x0], $0xffff;
	[tilespmem:s23+$0xF618] =	vst v8  }
0x18a: {  	v8 =	vadd.s32 $0x7148, v3;
	v9 =	vld.idx.msk [tilespmem:v9+s11+$0x0], $0xffff;
	[tilespmem:s25+$0xF618] =	vst v10  }
0x18b: {  	[tilespmem:s19+$0xFA00] =	vst v6;
	v6 =	vadd.s32 $0x7148, v4;
	v10 =	vld.idx.msk [tilespmem:v11+s11+$0x0], $0xffff  }
0x18c: {  	[tilespmem:s20+$0xFA00] =	vst v12;
	v12 =	vadd.s32 $0x7148, v5;
	v11 =	vld.idx.msk [tilespmem:v16+s11+$0x0], $0xffff  }
0x18d: {  	v13 =	vld.idx.msk [tilespmem:v13+s11+$0x0], $0xffff;
	[tilespmem:s21+$0xFA00] =	vst v14;
	v16 =	vadd.s32 $0x7530, v0  }
0x18e: {  	v14 =	vadd.s32 $0x7530, v1;
	v15 =	vld.idx.msk [tilespmem:v15+s11+$0x0], $0xffff;
	[tilespmem:s22+$0xFA00] =	vst v7  }
0x18f: {  	v7 =	vadd.s32 $0x7530, v2;
	v8 =	vld.idx.msk [tilespmem:v8+s11+$0x0], $0xffff;
	[tilespmem:s23+$0xFA00] =	vst v9  }
0x190: {  	v9 =	vadd.s32 $0x7530, v3;
	v6 =	vld.idx.msk [tilespmem:v6+s11+$0x0], $0xffff;
	[tilespmem:s25+$0xFA00] =	vst v10  }
0x191: {  	[tilespmem:s19+$0xFDE8] =	vst v11;
	v10 =	vadd.s32 $0x7530, v4;
	v11 =	vld.idx.msk [tilespmem:v12+s11+$0x0], $0xffff  }
0x192: {  	[tilespmem:s20+$0xFDE8] =	vst v13;
	v13 =	vadd.s32 $0x7530, v5;
	v12 =	vld.idx.msk [tilespmem:v16+s11+$0x0], $0xffff  }
0x193: {  	v0 =	vadd.s32 $0x7918, v0;
	v14 =	vld.idx.msk [tilespmem:v14+s11+$0x0], $0xffff;
	[tilespmem:s21+$0xFDE8] =	vst v15  }
0x194: {  	v1 =	vadd.s32 $0x7918, v1;
	v7 =	vld.idx.msk [tilespmem:v7+s11+$0x0], $0xffff;
	[tilespmem:s22+$0xFDE8] =	vst v8  }
0x195: {  	v2 =	vadd.s32 $0x7918, v2;
	v8 =	vld.idx.msk [tilespmem:v9+s11+$0x0], $0xffff;
	[tilespmem:s23+$0xFDE8] =	vst v6  }
0x196: {  	v3 =	vadd.s32 $0x7918, v3;
	v6 =	vld.idx.msk [tilespmem:v10+s11+$0x0], $0xffff;
	[tilespmem:s25+$0xFDE8] =	vst v11  }
0x197: {  	v4 =	vadd.s32 $0x7918, v4;
	[tilespmem:s19+$0x101D0] =	vst v12;
	v9 =	vld.idx.msk [tilespmem:v13+s11+$0x0], $0xffff  }
0x198: {  	v5 =	vadd.s32 $0x7918, v5;
	[tilespmem:s20+$0x101D0] =	vst v14;
	v0 =	vld.idx.msk [tilespmem:v0+s11+$0x0], $0xffff  }
0x199: {  	v1 =	vld.idx.msk [tilespmem:v1+s11+$0x0], $0xffff;
	[tilespmem:s21+$0x101D0] =	vst v7  }
0x19a: {  	v2 =	vld.idx.msk [tilespmem:v2+s11+$0x0], $0xffff;
	[tilespmem:s22+$0x101D0] =	vst v8  }
0x19b: {  	v3 =	vld.idx.msk [tilespmem:v3+s11+$0x0], $0xffff;
	[tilespmem:s23+$0x101D0] =	vst v6  }
0x19c: {  	v4 =	vld.idx.msk [tilespmem:v4+s11+$0x0], $0xffff;
	[tilespmem:s25+$0x101D0] =	vst v9  }
0x19d: {  	[tilespmem:s19+$0x105B8] =	vst v0;
	v0 =	vld.idx.msk [tilespmem:v5+s11+$0x0], $0xffff  }
0x19e: {  	[tilespmem:s20+$0x105B8] =	vst v1  }
0x19f: {  	[tilespmem:s21+$0x105B8] =	vst v2  }
0x1a0: {  	[tilespmem:s22+$0x105B8] =	vst v3  }
0x1a1: {  	[tilespmem:s23+$0x105B8] =	vst v4  }
0x1a2: {  	[tilespmem:s25+$0x105B8] =	vst v0  }
0x1a3: {  	v0 =	vld [tilespmem:$0x3D8];
	_ =	sdelay $0x7  }
0x1a4: {  	v1 =	vld.idx.msk [tilespmem:v0+s11+$0x0], $0xffff  }
0x1a5: {  	v2 =	vadd.s32 $0x3E8, v0;
	_ =	sdelay $0x3  }
0x1a6: {  	[tilespmem:$0x9078] =	vst v1  }
0x1a7: {  	v1 =	vld.idx.msk [tilespmem:v2+s11+$0x0], $0xffff  }
0x1a8: {  	v2 =	vadd.s32 $0x7D0, v0;
	_ =	sdelay $0x3  }
0x1a9: {  	[tilespmem:$0x9460] =	vst v1  }
0x1aa: {  	v1 =	vld.idx.msk [tilespmem:v2+s11+$0x0], $0xffff  }
0x1ab: {  	v2 =	vadd.s32 $0xBB8, v0;
	_ =	sdelay $0x3  }
0x1ac: {  	[tilespmem:$0x9848] =	vst v1  }
0x1ad: {  	v1 =	vld.idx.msk [tilespmem:v2+s11+$0x0], $0xffff  }
0x1ae: {  	v2 =	vadd.s32 $0xFA0, v0;
	_ =	sdelay $0x3  }
0x1af: {  	[tilespmem:$0x9C30] =	vst v1  }
0x1b0: {  	v1 =	vld.idx.msk [tilespmem:v2+s11+$0x0], $0xffff  }
0x1b1: {  	v2 =	vadd.s32 $0x1388, v0;
	_ =	sdelay $0x3  }
0x1b2: {  	[tilespmem:$0xA018] =	vst v1  }
0x1b3: {  	v1 =	vld.idx.msk [tilespmem:v2+s11+$0x0], $0xffff  }
0x1b4: {  	v2 =	vadd.s32 $0x1770, v0;
	_ =	sdelay $0x3  }
0x1b5: {  	[tilespmem:$0xA400] =	vst v1  }
0x1b6: {  	v1 =	vld.idx.msk [tilespmem:v2+s11+$0x0], $0xffff  }
0x1b7: {  	v2 =	vadd.s32 $0x1B58, v0;
	_ =	sdelay $0x3  }
0x1b8: {  	[tilespmem:$0xA7E8] =	vst v1  }
0x1b9: {  	v1 =	vld.idx.msk [tilespmem:v2+s11+$0x0], $0xffff  }
0x1ba: {  	v2 =	vadd.s32 $0x1F40, v0;
	_ =	sdelay $0x3  }
0x1bb: {  	[tilespmem:$0xABD0] =	vst v1  }
0x1bc: {  	v1 =	vld.idx.msk [tilespmem:v2+s11+$0x0], $0xffff  }
0x1bd: {  	v2 =	vadd.s32 $0x2328, v0;
	_ =	sdelay $0x3  }
0x1be: {  	[tilespmem:$0xAFB8] =	vst v1  }
0x1bf: {  	v1 =	vld.idx.msk [tilespmem:v2+s11+$0x0], $0xffff  }
0x1c0: {  	v2 =	vadd.s32 $0x2710, v0;
	_ =	sdelay $0x3  }
0x1c1: {  	[tilespmem:$0xB3A0] =	vst v1  }
0x1c2: {  	v1 =	vld.idx.msk [tilespmem:v2+s11+$0x0], $0xffff  }
0x1c3: {  	v2 =	vadd.s32 $0x2AF8, v0;
	_ =	sdelay $0x3  }
0x1c4: {  	[tilespmem:$0xB788] =	vst v1  }
0x1c5: {  	v1 =	vld.idx.msk [tilespmem:v2+s11+$0x0], $0xffff  }
0x1c6: {  	v2 =	vadd.s32 $0x2EE0, v0;
	_ =	sdelay $0x3  }
0x1c7: {  	[tilespmem:$0xBB70] =	vst v1  }
0x1c8: {  	v1 =	vld.idx.msk [tilespmem:v2+s11+$0x0], $0xffff  }
0x1c9: {  	v2 =	vadd.s32 $0x32C8, v0;
	_ =	sdelay $0x3  }
0x1ca: {  	[tilespmem:$0xBF58] =	vst v1  }
0x1cb: {  	v1 =	vld.idx.msk [tilespmem:v2+s11+$0x0], $0xffff  }
0x1cc: {  	v2 =	vadd.s32 $0x36B0, v0;
	_ =	sdelay $0x3  }
0x1cd: {  	[tilespmem:$0xC340] =	vst v1  }
0x1ce: {  	v1 =	vld.idx.msk [tilespmem:v2+s11+$0x0], $0xffff  }
0x1cf: {  	v2 =	vadd.s32 $0x3A98, v0;
	_ =	sdelay $0x3  }
0x1d0: {  	[tilespmem:$0xC728] =	vst v1  }
0x1d1: {  	v1 =	vld.idx.msk [tilespmem:v2+s11+$0x0], $0xffff  }
0x1d2: {  	v2 =	vadd.s32 $0x3E80, v0;
	_ =	sdelay $0x3  }
0x1d3: {  	[tilespmem:$0xCB10] =	vst v1  }
0x1d4: {  	v1 =	vld.idx.msk [tilespmem:v2+s11+$0x0], $0xffff  }
0x1d5: {  	v2 =	vadd.s32 $0x4268, v0;
	_ =	sdelay $0x3  }
0x1d6: {  	[tilespmem:$0xCEF8] =	vst v1  }
0x1d7: {  	v1 =	vld.idx.msk [tilespmem:v2+s11+$0x0], $0xffff  }
0x1d8: {  	v2 =	vadd.s32 $0x4650, v0;
	_ =	sdelay $0x3  }
0x1d9: {  	[tilespmem:$0xD2E0] =	vst v1  }
0x1da: {  	v1 =	vld.idx.msk [tilespmem:v2+s11+$0x0], $0xffff  }
0x1db: {  	v2 =	vadd.s32 $0x4A38, v0;
	_ =	sdelay $0x3  }
0x1dc: {  	[tilespmem:$0xD6C8] =	vst v1  }
0x1dd: {  	v1 =	vld.idx.msk [tilespmem:v2+s11+$0x0], $0xffff  }
0x1de: {  	v2 =	vadd.s32 $0x4E20, v0;
	_ =	sdelay $0x3  }
0x1df: {  	[tilespmem:$0xDAB0] =	vst v1  }
0x1e0: {  	v1 =	vld.idx.msk [tilespmem:v2+s11+$0x0], $0xffff  }
0x1e1: {  	v2 =	vadd.s32 $0x5208, v0;
	_ =	sdelay $0x3  }
0x1e2: {  	[tilespmem:$0xDE98] =	vst v1  }
0x1e3: {  	v1 =	vld.idx.msk [tilespmem:v2+s11+$0x0], $0xffff  }
0x1e4: {  	v2 =	vadd.s32 $0x55F0, v0;
	_ =	sdelay $0x3  }
0x1e5: {  	[tilespmem:$0xE280] =	vst v1  }
0x1e6: {  	v1 =	vld.idx.msk [tilespmem:v2+s11+$0x0], $0xffff  }
0x1e7: {  	v2 =	vadd.s32 $0x59D8, v0;
	_ =	sdelay $0x3  }
0x1e8: {  	[tilespmem:$0xE668] =	vst v1  }
0x1e9: {  	v1 =	vld.idx.msk [tilespmem:v2+s11+$0x0], $0xffff  }
0x1ea: {  	v2 =	vadd.s32 $0x5DC0, v0;
	_ =	sdelay $0x3  }
0x1eb: {  	[tilespmem:$0xEA50] =	vst v1  }
0x1ec: {  	v1 =	vld.idx.msk [tilespmem:v2+s11+$0x0], $0xffff  }
0x1ed: {  	v2 =	vadd.s32 $0x61A8, v0;
	_ =	sdelay $0x3  }
0x1ee: {  	[tilespmem:$0xEE38] =	vst v1  }
0x1ef: {  	v1 =	vld.idx.msk [tilespmem:v2+s11+$0x0], $0xffff  }
0x1f0: {  	v2 =	vadd.s32 $0x6590, v0;
	_ =	sdelay $0x3  }
0x1f1: {  	[tilespmem:$0xF220] =	vst v1  }
0x1f2: {  	v1 =	vld.idx.msk [tilespmem:v2+s11+$0x0], $0xffff  }
0x1f3: {  	v2 =	vadd.s32 $0x6978, v0;
	_ =	sdelay $0x3  }
0x1f4: {  	[tilespmem:$0xF608] =	vst v1  }
0x1f5: {  	v1 =	vld.idx.msk [tilespmem:v2+s11+$0x0], $0xffff  }
0x1f6: {  	v2 =	vadd.s32 $0x6D60, v0;
	_ =	sdelay $0x3  }
0x1f7: {  	[tilespmem:$0xF9F0] =	vst v1  }
0x1f8: {  	v1 =	vld.idx.msk [tilespmem:v2+s11+$0x0], $0xffff  }
0x1f9: {  	v2 =	vadd.s32 $0x7148, v0;
	_ =	sdelay $0x3  }
0x1fa: {  	[tilespmem:$0xFDD8] =	vst v1  }
0x1fb: {  	v1 =	vld.idx.msk [tilespmem:v2+s11+$0x0], $0xffff  }
0x1fc: {  	v2 =	vadd.s32 $0x7530, v0;
	_ =	sdelay $0x3  }
0x1fd: {  	[tilespmem:$0x101C0] =	vst v1  }
0x1fe: {  	v1 =	vld.idx.msk [tilespmem:v2+s11+$0x0], $0xffff  }
0x1ff: {  	v0 =	vadd.s32 $0x7918, v0;
	_ =	sdelay $0x3  }
0x200: {  	[tilespmem:$0x105A8] =	vst v1  }
0x201: {  	v0 =	vld.idx.msk [tilespmem:v0+s11+$0x0], $0xffff;
	_ =	sdelay $0x2  }
0x202: {  	s18 =	sadd.s32 s8, s18  }
0x203: {  	s18 =	sshrl.u32 s18, $0x3  }
0x204: {  	s31 =	simm.s32 $0x0;
	s18 =	sadd.s32 s4, s18;
	s26 =	simm.s32 $0x0;
	[tilespmem:$0x10990] =	vst v0  }
0x205: {  	[hbm4b:s18+s31] =	stream.linear.scatter [tilespmem:s12], [sflag:$0x1], $0x7D00, $0x38;
	[tilespmem:$0x186A0] =	vst v63  }
0x206: {  	v7 =	vld [tilespmem:s26+$0x3E8];
	_ =	sdelay $0x7  }
0x207: {  	v0 =	vld.idx.msk [tilespmem:v7+s11+$0x0], $0xffff  }
0x208: {  	v1 =	vadd.s32 $0x3E8, v7;
	_ =	sdelay $0x3  }
0x209: {  	[tilespmem:s26+$0x109A0] =	vst v0  }
0x20a: {  	v0 =	vld.idx.msk [tilespmem:v1+s11+$0x0], $0xffff  }
0x20b: {  	v1 =	vadd.s32 $0x7D0, v7;
	_ =	sdelay $0x3  }
0x20c: {  	[tilespmem:s26+$0x10D88] =	vst v0  }
0x20d: {  	v0 =	vld.idx.msk [tilespmem:v1+s11+$0x0], $0xffff  }
0x20e: {  	v1 =	vadd.s32 $0xBB8, v7;
	_ =	sdelay $0x3  }
0x20f: {  	[tilespmem:s26+$0x11170] =	vst v0  }
0x210: {  	v0 =	vld.idx.msk [tilespmem:v1+s11+$0x0], $0xffff  }
0x211: {  	s25 =	simm.s32 $0x10;
	v1 =	vadd.s32 $0xFA0, v7  }
0x212: {  	v6 =	vld [tilespmem:s25+$0x3E8];
	_ =	sdelay $0x2  }
0x213: {  	[tilespmem:s26+$0x11558] =	vst v0  }
0x214: {  	v0 =	vld.idx.msk [tilespmem:v1+s11+$0x0], $0xffff  }
0x215: {  	v1 =	vadd.s32 $0x1388, v7;
	_ =	sdelay $0x2  }
0x216: {  	v2 =	vld.idx.msk [tilespmem:v6+s11+$0x0], $0xffff  }
0x217: {  	v3 =	vadd.s32 $0x3E8, v6;
	[tilespmem:s26+$0x11940] =	vst v0  }
0x218: {  	v0 =	vld.idx.msk [tilespmem:v1+s11+$0x0], $0xffff  }
0x219: {  	v1 =	vadd.s32 $0x1770, v7;
	_ =	sdelay $0x1  }
0x21a: {  	[tilespmem:s25+$0x109A0] =	vst v2  }
0x21b: {  	v2 =	vld.idx.msk [tilespmem:v3+s11+$0x0], $0xffff  }
0x21c: {  	v3 =	vadd.s32 $0x7D0, v6;
	[tilespmem:s26+$0x11D28] =	vst v0  }
0x21d: {  	v0 =	vld.idx.msk [tilespmem:v1+s11+$0x0], $0xffff  }
0x21e: {  	v1 =	vadd.s32 $0x1B58, v7;
	_ =	sdelay $0x1  }
0x21f: {  	[tilespmem:s25+$0x10D88] =	vst v2  }
0x220: {  	v2 =	vld.idx.msk [tilespmem:v3+s11+$0x0], $0xffff  }
0x221: {  	[tilespmem:s26+$0x12110] =	vst v0;
	v0 =	vadd.s32 $0xBB8, v6  }
0x222: {  	v1 =	vld.idx.msk [tilespmem:v1+s11+$0x0], $0xffff  }
0x223: {  	v3 =	vadd.s32 $0x1F40, v7;
	_ =	sdelay $0x1  }
0x224: {  	[tilespmem:s25+$0x11170] =	vst v2  }
0x225: {  	s19 =	simm.s32 $0x20;
	v2 =	vld.idx.msk [tilespmem:v0+s11+$0x0], $0xffff  }
0x226: {  	v0 =	vld [tilespmem:s19+$0x3E8];
	[tilespmem:s26+$0x124F8] =	vst v1;
	v1 =	vadd.s32 $0xFA0, v6  }
0x227: {  	v3 =	vld.idx.msk [tilespmem:v3+s11+$0x0], $0xffff  }
0x228: {  	v4 =	vadd.s32 $0x2328, v7;
	_ =	sdelay $0x1  }
0x229: {  	[tilespmem:s25+$0x11558] =	vst v2  }
0x22a: {  	v1 =	vld.idx.msk [tilespmem:v1+s11+$0x0], $0xffff  }
0x22b: {  	v2 =	vadd.s32 $0x1388, v6;
	[tilespmem:s26+$0x128E0] =	vst v3  }
0x22c: {  	v3 =	vld.idx.msk [tilespmem:v4+s11+$0x0], $0xffff  }
0x22d: {  	v4 =	vadd.s32 $0x2710, v7  }
0x22e: {  	v5 =	vld.idx.msk [tilespmem:v0+s11+$0x0], $0xffff  }
0x22f: {  	v8 =	vadd.s32 $0x3E8, v0;
	[tilespmem:s25+$0x11940] =	vst v1  }
0x230: {  	v1 =	vld.idx.msk [tilespmem:v2+s11+$0x0], $0xffff  }
0x231: {  	v2 =	vadd.s32 $0x1770, v6;
	[tilespmem:s26+$0x12CC8] =	vst v3  }
0x232: {  	v3 =	vld.idx.msk [tilespmem:v4+s11+$0x0], $0xffff  }
0x233: {  	[tilespmem:s19+$0x109A0] =	vst v5;
	v4 =	vadd.s32 $0x2AF8, v7  }
0x234: {  	v5 =	vld.idx.msk [tilespmem:v8+s11+$0x0], $0xffff  }
0x235: {  	v8 =	vadd.s32 $0x7D0, v0;
	[tilespmem:s25+$0x11D28] =	vst v1  }
0x236: {  	v1 =	vld.idx.msk [tilespmem:v2+s11+$0x0], $0xffff  }
0x237: {  	v2 =	vadd.s32 $0x1B58, v6;
	[tilespmem:s26+$0x130B0] =	vst v3  }
0x238: {  	v3 =	vld.idx.msk [tilespmem:v4+s11+$0x0], $0xffff  }
0x239: {  	[tilespmem:s19+$0x10D88] =	vst v5;
	v4 =	vadd.s32 $0x2EE0, v7  }
0x23a: {  	v5 =	vld.idx.msk [tilespmem:v8+s11+$0x0], $0xffff  }
0x23b: {  	[tilespmem:s25+$0x12110] =	vst v1;
	v1 =	vadd.s32 $0xBB8, v0  }
0x23c: {  	v2 =	vld.idx.msk [tilespmem:v2+s11+$0x0], $0xffff  }
0x23d: {  	[tilespmem:s26+$0x13498] =	vst v3;
	v3 =	vadd.s32 $0x1F40, v6  }
0x23e: {  	v4 =	vld.idx.msk [tilespmem:v4+s11+$0x0], $0xffff  }
0x23f: {  	[tilespmem:s19+$0x11170] =	vst v5;
	v5 =	vadd.s32 $0x32C8, v7  }
0x240: {  	s20 =	simm.s32 $0x30;
	v8 =	vld.idx.msk [tilespmem:v1+s11+$0x0], $0xffff  }
0x241: {  	v1 =	vld [tilespmem:s20+$0x3E8];
	[tilespmem:s25+$0x124F8] =	vst v2;
	v2 =	vadd.s32 $0xFA0, v0  }
0x242: {  	v3 =	vld.idx.msk [tilespmem:v3+s11+$0x0], $0xffff  }
0x243: {  	[tilespmem:s26+$0x13880] =	vst v4;
	v4 =	vadd.s32 $0x2328, v6  }
0x244: {  	v5 =	vld.idx.msk [tilespmem:v5+s11+$0x0], $0xffff  }
0x245: {  	[tilespmem:s19+$0x11558] =	vst v8;
	v8 =	vadd.s32 $0x36B0, v7  }
0x246: {  	v2 =	vld.idx.msk [tilespmem:v2+s11+$0x0], $0xffff  }
0x247: {  	[tilespmem:s25+$0x128E0] =	vst v3;
	v3 =	vadd.s32 $0x1388, v0  }
0x248: {  	v4 =	vld.idx.msk [tilespmem:v4+s11+$0x0], $0xffff  }
0x249: {  	v9 =	vld.idx.msk [tilespmem:v1+s11+$0x0], $0xffff;
	[tilespmem:s26+$0x13C68] =	vst v5;
	v5 =	vadd.s32 $0x2710, v6  }
0x24a: {  	v10 =	vadd.s32 $0x3E8, v1;
	v8 =	vld.idx.msk [tilespmem:v8+s11+$0x0], $0xffff  }
0x24b: {  	[tilespmem:s19+$0x11940] =	vst v2;
	v2 =	vadd.s32 $0x3A98, v7  }
0x24c: {  	v3 =	vld.idx.msk [tilespmem:v3+s11+$0x0], $0xffff  }
0x24d: {  	[tilespmem:s25+$0x12CC8] =	vst v4;
	v4 =	vadd.s32 $0x1770, v0  }
0x24e: {  	[tilespmem:s20+$0x109A0] =	vst v9;
	v5 =	vld.idx.msk [tilespmem:v5+s11+$0x0], $0xffff  }
0x24f: {  	v9 =	vld.idx.msk [tilespmem:v10+s11+$0x0], $0xffff;
	[tilespmem:s26+$0x14050] =	vst v8;
	v8 =	vadd.s32 $0x2AF8, v6  }
0x250: {  	v10 =	vadd.s32 $0x7D0, v1;
	v2 =	vld.idx.msk [tilespmem:v2+s11+$0x0], $0xffff  }
0x251: {  	[tilespmem:s19+$0x11D28] =	vst v3;
	v3 =	vadd.s32 $0x3E80, v7  }
0x252: {  	v4 =	vld.idx.msk [tilespmem:v4+s11+$0x0], $0xffff  }
0x253: {  	[tilespmem:s25+$0x130B0] =	vst v5;
	v5 =	vadd.s32 $0x1B58, v0  }
0x254: {  	[tilespmem:s20+$0x10D88] =	vst v9;
	v8 =	vld.idx.msk [tilespmem:v8+s11+$0x0], $0xffff  }
0x255: {  	v9 =	vld.idx.msk [tilespmem:v10+s11+$0x0], $0xffff;
	[tilespmem:s26+$0x14438] =	vst v2;
	v2 =	vadd.s32 $0x2EE0, v6  }
0x256: {  	v10 =	vadd.s32 $0xBB8, v1;
	v3 =	vld.idx.msk [tilespmem:v3+s11+$0x0], $0xffff  }
0x257: {  	[tilespmem:s19+$0x12110] =	vst v4;
	v4 =	vadd.s32 $0x4268, v7  }
0x258: {  	v5 =	vld.idx.msk [tilespmem:v5+s11+$0x0], $0xffff  }
0x259: {  	[tilespmem:s25+$0x13498] =	vst v8;
	v8 =	vadd.s32 $0x1F40, v0  }
0x25a: {  	[tilespmem:s20+$0x11170] =	vst v9;
	v11 =	vld.idx.msk [tilespmem:v2+s11+$0x0], $0xffff  }
0x25b: {  	v9 =	vld.idx.msk [tilespmem:v10+s11+$0x0], $0xffff;
	[tilespmem:s26+$0x14820] =	vst v3;
	v3 =	vadd.s32 $0x32C8, v6  }
0x25c: {  	s21 =	simm.s32 $0x40;
	v4 =	vld.idx.msk [tilespmem:v4+s11+$0x0], $0xffff  }
0x25d: {  	v2 =	vld [tilespmem:s21+$0x3E8];
	[tilespmem:s19+$0x124F8] =	vst v5;
	v5 =	vadd.s32 $0x4650, v7  }
0x25e: {  	v10 =	vadd.s32 $0xFA0, v1;
	v8 =	vld.idx.msk [tilespmem:v8+s11+$0x0], $0xffff  }
0x25f: {  	[tilespmem:s25+$0x13880] =	vst v11;
	v11 =	vadd.s32 $0x2328, v0  }
0x260: {  	v3 =	vld.idx.msk [tilespmem:v3+s11+$0x0], $0xffff  }
0x261: {  	[tilespmem:s26+$0x14C08] =	vst v4  }
0x262: {  	[tilespmem:s20+$0x11558] =	vst v9;
	v4 =	vadd.s32 $0x36B0, v6;
	v5 =	vld.idx.msk [tilespmem:v5+s11+$0x0], $0xffff  }
0x263: {  	v9 =	vld.idx.msk [tilespmem:v10+s11+$0x0], $0xffff;
	[tilespmem:s19+$0x128E0] =	vst v8;
	v8 =	vadd.s32 $0x4A38, v7  }
0x264: {  	v10 =	vadd.s32 $0x1388, v1;
	v11 =	vld.idx.msk [tilespmem:v11+s11+$0x0], $0xffff  }
0x265: {  	v12 =	vld.idx.msk [tilespmem:v2+s11+$0x0], $0xffff;
	[tilespmem:s25+$0x13C68] =	vst v3;
	v3 =	vadd.s32 $0x2710, v0  }
0x266: {  	v13 =	vadd.s32 $0x3E8, v2  }
0x267: {  	v4 =	vld.idx.msk [tilespmem:v4+s11+$0x0], $0xffff;
	[tilespmem:s26+$0x14FF0] =	vst v5  }
0x268: {  	[tilespmem:s20+$0x11940] =	vst v9;
	v5 =	vadd.s32 $0x3A98, v6;
	v8 =	vld.idx.msk [tilespmem:v8+s11+$0x0], $0xffff  }
0x269: {  	v9 =	vld.idx.msk [tilespmem:v10+s11+$0x0], $0xffff;
	v10 =	vadd.s32 $0x4E20, v7;
	[tilespmem:s19+$0x12CC8] =	vst v11  }
0x26a: {  	[tilespmem:s21+$0x109A0] =	vst v12;
	v11 =	vadd.s32 $0x1770, v1;
	v3 =	vld.idx.msk [tilespmem:v3+s11+$0x0], $0xffff  }
0x26b: {  	v12 =	vld.idx.msk [tilespmem:v13+s11+$0x0], $0xffff  }
0x26c: {  	v13 =	vadd.s32 $0x7D0, v2;
	[tilespmem:s25+$0x14050] =	vst v4  }
0x26d: {  	v4 =	vadd.s32 $0x2AF8, v0;
	v5 =	vld.idx.msk [tilespmem:v5+s11+$0x0], $0xffff;
	[tilespmem:s26+$0x153D8] =	vst v8  }
0x26e: {  	[tilespmem:s20+$0x11D28] =	vst v9;
	v8 =	vadd.s32 $0x3E80, v6;
	v9 =	vld.idx.msk [tilespmem:v10+s11+$0x0], $0xffff  }
0x26f: {  	v10 =	vld.idx.msk [tilespmem:v11+s11+$0x0], $0xffff;
	[tilespmem:s19+$0x130B0] =	vst v3;
	v3 =	vadd.s32 $0x5208, v7  }
0x270: {  	[tilespmem:s21+$0x10D88] =	vst v12;
	v11 =	vadd.s32 $0x1B58, v1  }
0x271: {  	v12 =	vld.idx.msk [tilespmem:v13+s11+$0x0], $0xffff  }
0x272: {  	v13 =	vadd.s32 $0xBB8, v2;
	v4 =	vld.idx.msk [tilespmem:v4+s11+$0x0], $0xffff;
	[tilespmem:s25+$0x14438] =	vst v5  }
0x273: {  	v5 =	vadd.s32 $0x2EE0, v0;
	v8 =	vld.idx.msk [tilespmem:v8+s11+$0x0], $0xffff;
	[tilespmem:s26+$0x157C0] =	vst v9  }
0x274: {  	[tilespmem:s20+$0x12110] =	vst v10;
	v10 =	vld.idx.msk [tilespmem:v3+s11+$0x0], $0xffff  }
0x275: {  	s22 =	simm.s32 $0x50;
	v11 =	vld.idx.msk [tilespmem:v11+s11+$0x0], $0xffff  }
0x276: {  	v9 =	vadd.s32 $0x4268, v6;
	[tilespmem:s21+$0x11170] =	vst v12;
	v3 =	vld [tilespmem:s22+$0x3E8]  }
0x277: {  	v12 =	vld.idx.msk [tilespmem:v13+s11+$0x0], $0xffff;
	[tilespmem:s19+$0x13498] =	vst v4;
	v4 =	vadd.s32 $0x55F0, v7  }
0x278: {  	v14 =	vadd.s32 $0x1F40, v1;
	v5 =	vld.idx.msk [tilespmem:v5+s11+$0x0], $0xffff  }
0x279: {  	v13 =	vadd.s32 $0xFA0, v2;
	[tilespmem:s25+$0x14820] =	vst v8  }
0x27a: {  	v8 =	vadd.s32 $0x32C8, v0;
	[tilespmem:s26+$0x15BA8] =	vst v10  }
0x27b: {  	v9 =	vld.idx.msk [tilespmem:v9+s11+$0x0], $0xffff;
	[tilespmem:s20+$0x124F8] =	vst v11  }
0x27c: {  	v10 =	vadd.s32 $0x4650, v6;
	[tilespmem:s21+$0x11558] =	vst v12;
	v11 =	vld.idx.msk [tilespmem:v4+s11+$0x0], $0xffff  }
0x27d: {  	v14 =	vld.idx.msk [tilespmem:v14+s11+$0x0], $0xffff;
	[tilespmem:s19+$0x13880] =	vst v5;
	v5 =	vadd.s32 $0x59D8, v7  }
0x27e: {  	v15 =	vadd.s32 $0x2328, v1;
	v12 =	vld.idx.msk [tilespmem:v13+s11+$0x0], $0xffff  }
0x27f: {  	v13 =	vadd.s32 $0x1388, v2;
	v8 =	vld.idx.msk [tilespmem:v8+s11+$0x0], $0xffff  }
0x280: {  	v16 =	vld.idx.msk [tilespmem:v3+s11+$0x0], $0xffff;
	[tilespmem:s25+$0x14C08] =	vst v9;
	v9 =	vadd.s32 $0x36B0, v0  }
0x281: {  	v10 =	vld.idx.msk [tilespmem:v10+s11+$0x0], $0xffff;
	[tilespmem:s26+$0x15F90] =	vst v11  }
0x282: {  	v11 =	vadd.s32 $0x4A38, v6;
	[tilespmem:s20+$0x128E0] =	vst v14;
	v5 =	vld.idx.msk [tilespmem:v5+s11+$0x0], $0xffff  }
0x283: {  	v17 =	vadd.s32 $0x3E8, v3;
	[tilespmem:s21+$0x11940] =	vst v12;
	v14 =	vld.idx.msk [tilespmem:v15+s11+$0x0], $0xffff  }
0x284: {  	v12 =	vld.idx.msk [tilespmem:v13+s11+$0x0], $0xffff;
	[tilespmem:s19+$0x13C68] =	vst v8;
	v8 =	vadd.s32 $0x5DC0, v7  }
0x285: {  	v15 =	vadd.s32 $0x2710, v1;
	[tilespmem:s22+$0x109A0] =	vst v16;
	v9 =	vld.idx.msk [tilespmem:v9+s11+$0x0], $0xffff  }
0x286: {  	v13 =	vadd.s32 $0x1770, v2;
	[tilespmem:s25+$0x14FF0] =	vst v10  }
0x287: {  	v10 =	vadd.s32 $0x3A98, v0;
	v11 =	vld.idx.msk [tilespmem:v11+s11+$0x0], $0xffff;
	[tilespmem:s26+$0x16378] =	vst v5  }
0x288: {  	v16 =	vld.idx.msk [tilespmem:v17+s11+$0x0], $0xffff;
	v5 =	vadd.s32 $0x4E20, v6;
	[tilespmem:s20+$0x12CC8] =	vst v14  }
0x289: {  	v17 =	vadd.s32 $0x7D0, v3;
	[tilespmem:s21+$0x11D28] =	vst v12;
	v8 =	vld.idx.msk [tilespmem:v8+s11+$0x0], $0xffff  }
0x28a: {  	v14 =	vld.idx.msk [tilespmem:v15+s11+$0x0], $0xffff;
	[tilespmem:s19+$0x14050] =	vst v9;
	v9 =	vadd.s32 $0x61A8, v7  }
0x28b: {  	v15 =	vadd.s32 $0x2AF8, v1;
	v12 =	vld.idx.msk [tilespmem:v13+s11+$0x0], $0xffff  }
0x28c: {  	v13 =	vadd.s32 $0x1B58, v2;
	v10 =	vld.idx.msk [tilespmem:v10+s11+$0x0], $0xffff;
	[tilespmem:s25+$0x153D8] =	vst v11  }
0x28d: {  	[tilespmem:s22+$0x10D88] =	vst v16;
	v11 =	vadd.s32 $0x3E80, v0;
	v5 =	vld.idx.msk [tilespmem:v5+s11+$0x0], $0xffff  }
0x28e: {  	v16 =	vld.idx.msk [tilespmem:v17+s11+$0x0], $0xffff;
	[tilespmem:s26+$0x16760] =	vst v8;
	v8 =	vadd.s32 $0x5208, v6  }
0x28f: {  	[tilespmem:s20+$0x130B0] =	vst v14;
	v9 =	vld.idx.msk [tilespmem:v9+s11+$0x0], $0xffff  }
0x290: {  	[tilespmem:s21+$0x12110] =	vst v12;
	v12 =	vadd.s32 $0xBB8, v3;
	v14 =	vld.idx.msk [tilespmem:v15+s11+$0x0], $0xffff  }
0x291: {  	v13 =	vld.idx.msk [tilespmem:v13+s11+$0x0], $0xffff;
	[tilespmem:s19+$0x14438] =	vst v10;
	v10 =	vadd.s32 $0x6590, v7  }
0x292: {  	v15 =	vadd.s32 $0x2EE0, v1;
	v11 =	vld.idx.msk [tilespmem:v11+s11+$0x0], $0xffff;
	[tilespmem:s25+$0x157C0] =	vst v5  }
0x293: {  	s23 =	simm.s32 $0x60;
	[tilespmem:s22+$0x11170] =	vst v16;
	v5 =	vadd.s32 $0x4268, v0;
	v8 =	vld.idx.msk [tilespmem:v8+s11+$0x0], $0xffff  }
0x294: {  	v4 =	vld [tilespmem:s23+$0x3E8];
	[tilespmem:s26+$0x16B48] =	vst v9;
	v9 =	vadd.s32 $0x55F0, v6  }
0x295: {  	v12 =	vld.idx.msk [tilespmem:v12+s11+$0x0], $0xffff;
	[tilespmem:s20+$0x13498] =	vst v14;
	v14 =	vadd.s32 $0x1F40, v2  }
0x296: {  	[tilespmem:s21+$0x124F8] =	vst v13;
	v13 =	vadd.s32 $0xFA0, v3;
	v10 =	vld.idx.msk [tilespmem:v10+s11+$0x0], $0xffff  }
0x297: {  	v15 =	vld.idx.msk [tilespmem:v15+s11+$0x0], $0xffff;
	[tilespmem:s19+$0x14820] =	vst v11;
	v11 =	vadd.s32 $0x6978, v7  }
0x298: {  	v16 =	vadd.s32 $0x32C8, v1;
	v17 =	vld.idx.msk [tilespmem:v5+s11+$0x0], $0xffff;
	[tilespmem:s25+$0x15BA8] =	vst v8  }
0x299: {  	v8 =	vadd.s32 $0x4650, v0;
	v9 =	vld.idx.msk [tilespmem:v9+s11+$0x0], $0xffff  }
0x29a: {  	[tilespmem:s22+$0x11558] =	vst v12;
	v14 =	vld.idx.msk [tilespmem:v14+s11+$0x0], $0xffff  }
0x29b: {  	v13 =	vld.idx.msk [tilespmem:v13+s11+$0x0], $0xffff;
	[tilespmem:s26+$0x16F30] =	vst v10;
	v10 =	vadd.s32 $0x59D8, v6  }
0x29c: {  	[tilespmem:s20+$0x13880] =	vst v15;
	v15 =	vadd.s32 $0x2328, v2;
	v11 =	vld.idx.msk [tilespmem:v11+s11+$0x0], $0xffff  }
0x29d: {  	v16 =	vld.idx.msk [tilespmem:v16+s11+$0x0], $0xffff;
	[tilespmem:s19+$0x14C08] =	vst v17;
	v17 =	vadd.s32 $0x6D60, v7  }
0x29e: {  	v12 =	vadd.s32 $0x36B0, v1;
	v8 =	vld.idx.msk [tilespmem:v8+s11+$0x0], $0xffff;
	[tilespmem:s25+$0x15F90] =	vst v9  }
0x29f: {  	v19 =	vld.idx.msk [tilespmem:v4+s11+$0x0], $0xffff;
	[tilespmem:s21+$0x128E0] =	vst v14;
	v9 =	vadd.s32 $0x4A38, v0  }
0x2a0: {  	v14 =	vadd.s32 $0x1388, v3;
	[tilespmem:s22+$0x11940] =	vst v13;
	v10 =	vld.idx.msk [tilespmem:v10+s11+$0x0], $0xffff  }
0x2a1: {  	v13 =	vadd.s32 $0x3E8, v4;
	v15 =	vld.idx.msk [tilespmem:v15+s11+$0x0], $0xffff;
	[tilespmem:s26+$0x17318] =	vst v11  }
0x2a2: {  	[tilespmem:s20+$0x13C68] =	vst v16;
	v11 =	vadd.s32 $0x5DC0, v6;
	v16 =	vld.idx.msk [tilespmem:v17+s11+$0x0], $0xffff  }
0x2a3: {  	v17 =	vadd.s32 $0x2710, v2;
	v12 =	vld.idx.msk [tilespmem:v12+s11+$0x0], $0xffff;
	[tilespmem:s19+$0x14FF0] =	vst v8  }
0x2a4: {  	v18 =	vadd.s32 $0x7148, v7;
	[tilespmem:s23+$0x109A0] =	vst v19;
	v9 =	vld.idx.msk [tilespmem:v9+s11+$0x0], $0xffff  }
0x2a5: {  	v8 =	vadd.s32 $0x3A98, v1;
	v14 =	vld.idx.msk [tilespmem:v14+s11+$0x0], $0xffff;
	[tilespmem:s25+$0x16378] =	vst v10  }
0x2a6: {  	v13 =	vld.idx.msk [tilespmem:v13+s11+$0x0], $0xffff;
	[tilespmem:s21+$0x12CC8] =	vst v15;
	v10 =	vadd.s32 $0x4E20, v0  }
0x2a7: {  	v15 =	vadd.s32 $0x1770, v3;
	v11 =	vld.idx.msk [tilespmem:v11+s11+$0x0], $0xffff;
	[tilespmem:s26+$0x17700] =	vst v16  }
0x2a8: {  	v17 =	vld.idx.msk [tilespmem:v17+s11+$0x0], $0xffff;
	[tilespmem:s20+$0x14050] =	vst v12;
	v12 =	vadd.s32 $0x61A8, v6  }
0x2a9: {  	v16 =	vld.idx.msk [tilespmem:v18+s11+$0x0], $0xffff;
	v18 =	vadd.s32 $0x2AF8, v2  }
0x2aa: {  	v19 =	vadd.s32 $0x7530, v7;
	v8 =	vld.idx.msk [tilespmem:v8+s11+$0x0], $0xffff;
	[tilespmem:s19+$0x153D8] =	vst v9  }
0x2ab: {  	[tilespmem:s22+$0x11D28] =	vst v14;
	v10 =	vld.idx.msk [tilespmem:v10+s11+$0x0], $0xffff  }
0x2ac: {  	v9 =	vadd.s32 $0x3E80, v1;
	v15 =	vld.idx.msk [tilespmem:v15+s11+$0x0], $0xffff;
	[tilespmem:s25+$0x16760] =	vst v11  }
0x2ad: {  	v14 =	vadd.s32 $0x7D0, v4;
	[tilespmem:s21+$0x130B0] =	vst v17;
	v12 =	vld.idx.msk [tilespmem:v12+s11+$0x0], $0xffff  }
0x2ae: {  	v11 =	vadd.s32 $0x5208, v0;
	v18 =	vld.idx.msk [tilespmem:v18+s11+$0x0], $0xffff;
	[tilespmem:s26+$0x17AE8] =	vst v16  }
0x2af: {  	s24 =	simm.s32 $0x70;
	[tilespmem:s23+$0x10D88] =	vst v13;
	v16 =	vld.idx.msk [tilespmem:v19+s11+$0x0], $0xffff;
	v19 =	vadd.s32 $0x2EE0, v2  }
0x2b0: {  	v5 =	vld [tilespmem:s24+$0x3E8];
	v17 =	vadd.s32 $0x1B58, v3;
	[tilespmem:s20+$0x14438] =	vst v8  }
0x2b1: {  	v8 =	vadd.s32 $0x6590, v6;
	v20 =	vld.idx.msk [tilespmem:v9+s11+$0x0], $0xffff;
	[tilespmem:s19+$0x157C0] =	vst v10  }
0x2b2: {  	v21 =	vadd.s32 $0x7918, v7;
	v14 =	vld.idx.msk [tilespmem:v14+s11+$0x0], $0xffff;
	[tilespmem:s22+$0x12110] =	vst v15  }
0x2b3: {  	v22 =	vadd.s32 $0x4268, v1;
	v13 =	vld.idx.msk [tilespmem:v11+s11+$0x0], $0xffff;
	[tilespmem:s21+$0x13498] =	vst v18  }
0x2b4: {  	[tilespmem:s25+$0x16B48] =	vst v12;
	v10 =	vld.idx.msk [tilespmem:v19+s11+$0x0], $0xffff;
	v19 =	vadd.s32 $0xBB8, v4  }
0x2b5: {  	v11 =	vld.idx.msk [tilespmem:v17+s11+$0x0], $0xffff;
	[tilespmem:s26+$0x17ED0] =	vst v16;
	v16 =	vadd.s32 $0x55F0, v0  }
0x2b6: {  	v17 =	vadd.s32 $0x1F40, v3;
	v9 =	vld.idx.msk [tilespmem:v8+s11+$0x0], $0xffff  }
0x2b7: {  	v15 =	vadd.s32 $0x6978, v6;
	[tilespmem:s20+$0x14820] =	vst v20;
	v12 =	vld.idx.msk [tilespmem:v21+s11+$0x0], $0xffff  }
0x2b8: {  	s28 =	simm.s32 $0x70;
	s29 =	simm.s32 $0x200;
	v7 =	vadd.s32 $0x7D0, v5;
	v8 =	vadd.s32 $0x3E8, v5;
	v18 =	vadd.s32 $0x32C8, v2;
	[tilespmem:s23+$0x11170] =	vst v14;
	v14 =	vld.idx.msk [tilespmem:v22+s11+$0x0], $0xffff  }
.LBB2_5:
0x2b9: {  	s30 =	sshra.s32 s29, $0x2;
	s28 =	sadd.s32 $0x10, s28;
	v19 =	vld.idx.msk [tilespmem:v19+s11+$0x0], $0xffff;
	[tilespmem:s19+$0x15BA8] =	vst v13  }
0x2ba: {  	p0 =	slt.u32 s28, $0x3D0;
	[tilespmem:s22+$0x124F8] =	vst v11;
	v11 =	vadd.s32 $0x4650, v1;
	v13 =	vld.idx.msk [tilespmem:v16+s11+$0x0], $0xffff  }
0x2bb: {  	v16 =	vadd.s32 $0xFA0, v4;
	v17 =	vld.idx.msk [tilespmem:v17+s11+$0x0], $0xffff;
	[tilespmem:s25+$0x16F30] =	vst v9  }
0x2bc: {  	v9 =	vadd.s32 $0x59D8, v0;
	[tilespmem:s21+$0x13880] =	vst v10;
	v10 =	vld.idx.msk [tilespmem:v15+s11+$0x0], $0xffff  }
0x2bd: {  	v15 =	vadd.s32 $0x2328, v3;
	v18 =	vld.idx.msk [tilespmem:v18+s11+$0x0], $0xffff;
	[tilespmem:s26+$0x182B8] =	vst v12;
	s26 =	smov.u32 s25;
	s25 =	smov.u32 s19;
	s19 =	smov.u32 s20  }
0x2be: {  	s20 =	smov.u32 s21;
	s21 =	smov.u32 s22;
	s22 =	smov.u32 s23;
	v12 =	vld [tilespmem:s30+$0x3E8];
	[tilespmem:s19+$0x14C08] =	vst v14;
	v14 =	vadd.s32 $0x6D60, v6  }
0x2bf: {  	s23 =	smov.u32 s24;
	s24 =	smov.u32 s30;
	[tilespmem:s22+$0x11558] =	vst v19;
	v19 =	vadd.s32 $0x36B0, v2;
	v11 =	vld.idx.msk [tilespmem:v11+s11+$0x0], $0xffff  }
0x2c0: {  	v16 =	vld.idx.msk [tilespmem:v16+s11+$0x0], $0xffff;
	[tilespmem:s25+$0x15F90] =	vst v13  }
0x2c1: {  	v13 =	vadd.s32 $0x4A38, v1;
	[tilespmem:s21+$0x128E0] =	vst v17;
	v9 =	vld.idx.msk [tilespmem:v9+s11+$0x0], $0xffff  }
0x2c2: {  	v17 =	vadd.s32 $0x1388, v4;
	v15 =	vld.idx.msk [tilespmem:v15+s11+$0x0], $0xffff;
	[tilespmem:s26+$0x17318] =	vst v10;
	v10 =	vadd.s32 $0x7148, v6  }
0x2c3: {  	[tilespmem:s20+$0x13C68] =	vst v18;
	v18 =	vadd.s32 $0x5DC0, v0;
	v14 =	vld.idx.msk [tilespmem:v14+s11+$0x0], $0xffff  }
0x2c4: {  	v21 =	vadd.s32 $0x2710, v3;
	v20 =	vadd.s32 $0x3E8, v12;
	v19 =	vld.idx.msk [tilespmem:v19+s11+$0x0], $0xffff  }
0x2c5: {  	v22 =	vld.idx.msk [tilespmem:v5+s11+$0x0], $0xffff;
	[tilespmem:s19+$0x14FF0] =	vst v11  }
0x2c6: {  	v11 =	vadd.s32 $0x3A98, v2;
	[tilespmem:s22+$0x11940] =	vst v16;
	v13 =	vld.idx.msk [tilespmem:v13+s11+$0x0], $0xffff  }
0x2c7: {  	v16 =	vld.idx.msk [tilespmem:v17+s11+$0x0], $0xffff;
	[tilespmem:s25+$0x16378] =	vst v9  }
0x2c8: {  	v9 =	vadd.s32 $0x4E20, v1;
	[tilespmem:s21+$0x12CC8] =	vst v15;
	v15 =	vld.idx.msk [tilespmem:v18+s11+$0x0], $0xffff  }
0x2c9: {  	v17 =	vadd.s32 $0x1770, v4;
	v18 =	vld.idx.msk [tilespmem:v21+s11+$0x0], $0xffff;
	[tilespmem:s26+$0x17700] =	vst v14;
	v14 =	vadd.s32 $0x7530, v6  }
0x2ca: {  	[tilespmem:s20+$0x14050] =	vst v19;
	v19 =	vadd.s32 $0x61A8, v0;
	v10 =	vld.idx.msk [tilespmem:v10+s11+$0x0], $0xffff  }
0x2cb: {  	v21 =	vadd.s32 $0x7D0, v12;
	[tilespmem:s23+$0x109A0] =	vst v22;
	v22 =	vadd.s32 $0x2AF8, v3;
	v11 =	vld.idx.msk [tilespmem:v11+s11+$0x0], $0xffff  }
0x2cc: {  	v23 =	vld.idx.msk [tilespmem:v8+s11+$0x0], $0xffff;
	[tilespmem:s19+$0x153D8] =	vst v13;
	v8 =	vmov v20  }
0x2cd: {  	v13 =	vadd.s32 $0x3E80, v2;
	[tilespmem:s22+$0x11D28] =	vst v16;
	v9 =	vld.idx.msk [tilespmem:v9+s11+$0x0], $0xffff  }
0x2ce: {  	v16 =	vld.idx.msk [tilespmem:v17+s11+$0x0], $0xffff;
	[tilespmem:s25+$0x16760] =	vst v15  }
0x2cf: {  	v15 =	vadd.s32 $0x5208, v1;
	[tilespmem:s21+$0x130B0] =	vst v18;
	v17 =	vld.idx.msk [tilespmem:v19+s11+$0x0], $0xffff  }
0x2d0: {  	v18 =	vadd.s32 $0x1B58, v4;
	v20 =	vld.idx.msk [tilespmem:v22+s11+$0x0], $0xffff;
	[tilespmem:s26+$0x17AE8] =	vst v10;
	v22 =	vadd.s32 $0x7918, v6;
	v6 =	vmovc v0;
	v0 =	vmovc v1;
	v1 =	vmov v2  }
0x2d1: {  	v2 =	vmovc v3;
	v3 =	vmovc v4;
	v4 =	vmov v5;
	v5 =	vmov v12;
	[tilespmem:s20+$0x14438] =	vst v11;
	v10 =	vadd.s32 $0x6590, v6;
	v14 =	vld.idx.msk [tilespmem:v14+s11+$0x0], $0xffff  }
0x2d2: {  	v12 =	vadd.s32 $0x2EE0, v2;
	[tilespmem:s23+$0x10D88] =	vst v23;
	v23 =	vld.idx.msk [tilespmem:v13+s11+$0x0], $0xffff  }
0x2d3: {  	v24 =	vld.idx.msk [tilespmem:v7+s11+$0x0], $0xffff;
	[tilespmem:s19+$0x157C0] =	vst v9;
	v7 =	vmov v21  }
0x2d4: {  	v21 =	vadd.s32 $0x4268, v1;
	[tilespmem:s22+$0x12110] =	vst v16;
	v13 =	vld.idx.msk [tilespmem:v15+s11+$0x0], $0xffff  }
.Ltmp1:
0x2d5: {  	v19 =	vadd.s32 $0xBB8, v4;
	v11 =	vld.idx.msk [tilespmem:v18+s11+$0x0], $0xffff;
	[tilespmem:s25+$0x16B48] =	vst v17;
	(pc) =	sbr.rel @p0 .LBB2_5-.Ltmp1, $4  }
0x2d6: {  	v16 =	vadd.s32 $0x55F0, v0;
	[tilespmem:s21+$0x13498] =	vst v20;
	v9 =	vld.idx.msk [tilespmem:v10+s11+$0x0], $0xffff  }
0x2d7: {  	v17 =	vadd.s32 $0x1F40, v3;
	v10 =	vld.idx.msk [tilespmem:v12+s11+$0x0], $0xffff;
	[tilespmem:s26+$0x17ED0] =	vst v14  }
0x2d8: {  	v15 =	vadd.s32 $0x6978, v6;
	[tilespmem:s20+$0x14820] =	vst v23;
	v12 =	vld.idx.msk [tilespmem:v22+s11+$0x0], $0xffff  }
0x2d9: {  	s29 =	sadd.s32 $0x40, s29;
	v18 =	vadd.s32 $0x32C8, v2;
	[tilespmem:s23+$0x11170] =	vst v24;
	v14 =	vld.idx.msk [tilespmem:v21+s11+$0x0], $0xffff  }
0x2da: {  	_ =	sdelay $0x2  }
0x2db: {  	[tilespmem:s19+$0x15BA8] =	vst v13  }
0x2dc: {  	v13 =	vld.idx.msk [tilespmem:v19+s11+$0x0], $0xffff;
	[tilespmem:s22+$0x124F8] =	vst v11;
	v11 =	vadd.s32 $0x4650, v1  }
0x2dd: {  	v19 =	vadd.s32 $0xFA0, v4;
	v16 =	vld.idx.msk [tilespmem:v16+s11+$0x0], $0xffff;
	[tilespmem:s25+$0x16F30] =	vst v9  }
0x2de: {  	v9 =	vld.idx.msk [tilespmem:v17+s11+$0x0], $0xffff;
	[tilespmem:s21+$0x13880] =	vst v10  }
0x2df: {  	v10 =	vadd.s32 $0x59D8, v0;
	v15 =	vld.idx.msk [tilespmem:v15+s11+$0x0], $0xffff;
	[tilespmem:s26+$0x182B8] =	vst v12  }
0x2e0: {  	v17 =	vadd.s32 $0x2328, v3;
	v12 =	vld.idx.msk [tilespmem:v18+s11+$0x0], $0xffff;
	[tilespmem:s20+$0x14C08] =	vst v14  }
0x2e1: {  	v14 =	vadd.s32 $0x6D60, v6;
	[tilespmem:s23+$0x11558] =	vst v13;
	v11 =	vld.idx.msk [tilespmem:v11+s11+$0x0], $0xffff  }
0x2e2: {  	v13 =	vadd.s32 $0x36B0, v2;
	v18 =	vld.idx.msk [tilespmem:v19+s11+$0x0], $0xffff;
	[tilespmem:s19+$0x15F90] =	vst v16  }
0x2e3: {  	[tilespmem:s22+$0x128E0] =	vst v9;
	v9 =	vadd.s32 $0x4A38, v1;
	v19 =	vld.idx.msk [tilespmem:v5+s11+$0x0], $0xffff  }
0x2e4: {  	v16 =	vadd.s32 $0x1388, v4;
	v10 =	vld.idx.msk [tilespmem:v10+s11+$0x0], $0xffff;
	[tilespmem:s25+$0x17318] =	vst v15  }
0x2e5: {  	v17 =	vld.idx.msk [tilespmem:v17+s11+$0x0], $0xffff;
	[tilespmem:s21+$0x13C68] =	vst v12;
	v12 =	vadd.s32 $0x5DC0, v0  }
0x2e6: {  	v15 =	vadd.s32 $0x2710, v3;
	v14 =	vld.idx.msk [tilespmem:v14+s11+$0x0], $0xffff;
	[tilespmem:s20+$0x14FF0] =	vst v11  }
0x2e7: {  	v13 =	vld.idx.msk [tilespmem:v13+s11+$0x0], $0xffff;
	[tilespmem:s23+$0x11940] =	vst v18  }
0x2e8: {  	v11 =	vadd.s32 $0x7148, v6;
	v9 =	vld.idx.msk [tilespmem:v9+s11+$0x0], $0xffff;
	[tilespmem:s24+$0x109A0] =	vst v19  }
0x2e9: {  	v18 =	vadd.s32 $0x3A98, v2;
	[tilespmem:s19+$0x16378] =	vst v10;
	v10 =	vld.idx.msk [tilespmem:v16+s11+$0x0], $0xffff  }
0x2ea: {  	[tilespmem:s22+$0x12CC8] =	vst v17;
	v16 =	vadd.s32 $0x4E20, v1;
	v12 =	vld.idx.msk [tilespmem:v12+s11+$0x0], $0xffff  }
0x2eb: {  	v15 =	vld.idx.msk [tilespmem:v15+s11+$0x0], $0xffff;
	[tilespmem:s25+$0x17700] =	vst v14;
	v14 =	vadd.s32 $0x1770, v4  }
0x2ec: {  	v17 =	vadd.s32 $0x2AF8, v3;
	v8 =	vld.idx.msk [tilespmem:v8+s11+$0x0], $0xffff;
	[tilespmem:s21+$0x14050] =	vst v13  }
0x2ed: {  	v13 =	vadd.s32 $0x61A8, v0;
	v11 =	vld.idx.msk [tilespmem:v11+s11+$0x0], $0xffff;
	[tilespmem:s20+$0x153D8] =	vst v9  }
0x2ee: {  	v18 =	vld.idx.msk [tilespmem:v18+s11+$0x0], $0xffff;
	[tilespmem:s23+$0x11D28] =	vst v10  }
0x2ef: {  	v9 =	vadd.s32 $0x7530, v6;
	v16 =	vld.idx.msk [tilespmem:v16+s11+$0x0], $0xffff;
	[tilespmem:s19+$0x16760] =	vst v12  }
0x2f0: {  	v10 =	vadd.s32 $0x3E80, v2;
	[tilespmem:s22+$0x130B0] =	vst v15;
	v12 =	vld.idx.msk [tilespmem:v14+s11+$0x0], $0xffff  }
0x2f1: {  	[tilespmem:s24+$0x10D88] =	vst v8;
	v14 =	vadd.s32 $0x5208, v1;
	v15 =	vld.idx.msk [tilespmem:v17+s11+$0x0], $0xffff  }
0x2f2: {  	v13 =	vld.idx.msk [tilespmem:v13+s11+$0x0], $0xffff;
	[tilespmem:s25+$0x17AE8] =	vst v11;
	v11 =	vadd.s32 $0x1B58, v4  }
0x2f3: {  	v8 =	vadd.s32 $0x2EE0, v3;
	v7 =	vld.idx.msk [tilespmem:v7+s11+$0x0], $0xffff;
	[tilespmem:s21+$0x14438] =	vst v18  }
0x2f4: {  	v17 =	vadd.s32 $0x6590, v0;
	v9 =	vld.idx.msk [tilespmem:v9+s11+$0x0], $0xffff;
	[tilespmem:s20+$0x157C0] =	vst v16  }
0x2f5: {  	v6 =	vadd.s32 $0x7918, v6;
	v10 =	vld.idx.msk [tilespmem:v10+s11+$0x0], $0xffff;
	[tilespmem:s23+$0x12110] =	vst v12  }
0x2f6: {  	v12 =	vadd.s32 $0x4268, v2;
	v14 =	vld.idx.msk [tilespmem:v14+s11+$0x0], $0xffff;
	[tilespmem:s22+$0x13498] =	vst v15  }
0x2f7: {  	[tilespmem:s19+$0x16B48] =	vst v13;
	v13 =	vadd.s32 $0xBB8, v5;
	v11 =	vld.idx.msk [tilespmem:v11+s11+$0x0], $0xffff  }
0x2f8: {  	[tilespmem:s24+$0x11170] =	vst v7;
	v15 =	vadd.s32 $0x55F0, v1;
	v8 =	vld.idx.msk [tilespmem:v8+s11+$0x0], $0xffff  }
0x2f9: {  	v16 =	vld.idx.msk [tilespmem:v17+s11+$0x0], $0xffff;
	[tilespmem:s25+$0x17ED0] =	vst v9;
	v9 =	vadd.s32 $0x1F40, v4  }
0x2fa: {  	v7 =	vadd.s32 $0x32C8, v3;
	[tilespmem:s21+$0x14820] =	vst v10;
	v6 =	vld.idx.msk [tilespmem:v6+s11+$0x0], $0xffff  }
0x2fb: {  	v10 =	vadd.s32 $0x6978, v0;
	v12 =	vld.idx.msk [tilespmem:v12+s11+$0x0], $0xffff;
	[tilespmem:s20+$0x15BA8] =	vst v14  }
0x2fc: {  	v13 =	vld.idx.msk [tilespmem:v13+s11+$0x0], $0xffff;
	[tilespmem:s23+$0x124F8] =	vst v11;
	v11 =	vadd.s32 $0x4650, v2  }
0x2fd: {  	v14 =	vld.idx.msk [tilespmem:v15+s11+$0x0], $0xffff;
	v15 =	vadd.s32 $0xFA0, v5;
	[tilespmem:s22+$0x13880] =	vst v8  }
0x2fe: {  	[tilespmem:s19+$0x16F30] =	vst v16;
	v9 =	vld.idx.msk [tilespmem:v9+s11+$0x0], $0xffff  }
0x2ff: {  	v8 =	vadd.s32 $0x59D8, v1;
	v16 =	vld.idx.msk [tilespmem:v7+s11+$0x0], $0xffff;
	[tilespmem:s25+$0x182B8] =	vst v6  }
0x300: {  	v10 =	vld.idx.msk [tilespmem:v10+s11+$0x0], $0xffff;
	v6 =	vadd.s32 $0x2328, v4;
	[tilespmem:s21+$0x14C08] =	vst v12  }
0x301: {  	v12 =	vadd.s32 $0x6D60, v0;
	[tilespmem:s24+$0x11558] =	vst v13;
	v11 =	vld.idx.msk [tilespmem:v11+s11+$0x0], $0xffff  }
0x302: {  	v13 =	vadd.s32 $0x36B0, v3;
	[tilespmem:s20+$0x15F90] =	vst v14;
	v15 =	vld.idx.msk [tilespmem:v15+s11+$0x0], $0xffff  }
0x303: {  	[tilespmem:s23+$0x128E0] =	vst v9;
	v9 =	vadd.s32 $0x4A38, v2  }
0x304: {  	v7 =	vld.idx.msk [tilespmem:v8+s11+$0x0], $0xffff;
	v8 =	vadd.s32 $0x1388, v5;
	[tilespmem:s22+$0x13C68] =	vst v16  }
0x305: {  	[tilespmem:s19+$0x17318] =	vst v10;
	v10 =	vld.idx.msk [tilespmem:v6+s11+$0x0], $0xffff  }
0x306: {  	v6 =	vld.idx.msk [tilespmem:v12+s11+$0x0], $0xffff;
	[tilespmem:s21+$0x14FF0] =	vst v11  }
0x307: {  	v11 =	vld.idx.msk [tilespmem:v13+s11+$0x0], $0xffff;
	[tilespmem:s24+$0x11940] =	vst v15  }
0x308: {  	v9 =	vld.idx.msk [tilespmem:v9+s11+$0x0], $0xffff  }
0x309: {  	v8 =	vld.idx.msk [tilespmem:v8+s11+$0x0], $0xffff  }
0x30a: {  	v12 =	vadd.s32 $0x1770, v5;
	_ =	sdelay $0x3  }
0x30b: {  	[tilespmem:s24+$0x11D28] =	vst v8  }
0x30c: {  	v8 =	vld.idx.msk [tilespmem:v12+s11+$0x0], $0xffff  }
0x30d: {  	v12 =	vadd.s32 $0x1B58, v5;
	_ =	sdelay $0x3  }
0x30e: {  	[tilespmem:s24+$0x12110] =	vst v8  }
0x30f: {  	v8 =	vld.idx.msk [tilespmem:v12+s11+$0x0], $0xffff  }
0x310: {  	v12 =	vadd.s32 $0x1F40, v5;
	_ =	sdelay $0x3  }
0x311: {  	[tilespmem:s24+$0x124F8] =	vst v8  }
0x312: {  	v8 =	vld.idx.msk [tilespmem:v12+s11+$0x0], $0xffff  }
0x313: {  	v12 =	vadd.s32 $0x2328, v5;
	_ =	sdelay $0x3  }
0x314: {  	[tilespmem:s24+$0x128E0] =	vst v8  }
0x315: {  	v8 =	vadd.s32 $0x2710, v4;
	v12 =	vld.idx.msk [tilespmem:v12+s11+$0x0], $0xffff  }
0x316: {  	v13 =	vadd.s32 $0x2710, v5;
	_ =	sdelay $0x2  }
0x317: {  	[tilespmem:s23+$0x12CC8] =	vst v10  }
0x318: {  	v8 =	vld.idx.msk [tilespmem:v8+s11+$0x0], $0xffff;
	[tilespmem:s24+$0x12CC8] =	vst v12  }
0x319: {  	v10 =	vadd.s32 $0x2AF8, v4;
	v12 =	vld.idx.msk [tilespmem:v13+s11+$0x0], $0xffff  }
0x31a: {  	v13 =	vadd.s32 $0x2AF8, v5;
	_ =	sdelay $0x2  }
0x31b: {  	[tilespmem:s23+$0x130B0] =	vst v8  }
0x31c: {  	v8 =	vld.idx.msk [tilespmem:v10+s11+$0x0], $0xffff;
	[tilespmem:s24+$0x130B0] =	vst v12  }
0x31d: {  	v10 =	vadd.s32 $0x2EE0, v4;
	v12 =	vld.idx.msk [tilespmem:v13+s11+$0x0], $0xffff  }
0x31e: {  	v13 =	vadd.s32 $0x2EE0, v5;
	_ =	sdelay $0x2  }
0x31f: {  	[tilespmem:s23+$0x13498] =	vst v8  }
0x320: {  	v8 =	vld.idx.msk [tilespmem:v10+s11+$0x0], $0xffff;
	[tilespmem:s24+$0x13498] =	vst v12  }
0x321: {  	v10 =	vadd.s32 $0x32C8, v4;
	v12 =	vld.idx.msk [tilespmem:v13+s11+$0x0], $0xffff  }
0x322: {  	v13 =	vadd.s32 $0x32C8, v5;
	_ =	sdelay $0x2  }
0x323: {  	[tilespmem:s23+$0x13880] =	vst v8  }
0x324: {  	v8 =	vld.idx.msk [tilespmem:v10+s11+$0x0], $0xffff;
	[tilespmem:s24+$0x13880] =	vst v12  }
0x325: {  	v10 =	vadd.s32 $0x36B0, v4;
	v12 =	vld.idx.msk [tilespmem:v13+s11+$0x0], $0xffff  }
0x326: {  	v13 =	vadd.s32 $0x36B0, v5;
	_ =	sdelay $0x2  }
0x327: {  	[tilespmem:s23+$0x13C68] =	vst v8  }
0x328: {  	v8 =	vadd.s32 $0x3A98, v3;
	v10 =	vld.idx.msk [tilespmem:v10+s11+$0x0], $0xffff;
	[tilespmem:s24+$0x13C68] =	vst v12  }
0x329: {  	v12 =	vadd.s32 $0x3A98, v4;
	v13 =	vld.idx.msk [tilespmem:v13+s11+$0x0], $0xffff  }
0x32a: {  	v14 =	vadd.s32 $0x3A98, v5;
	_ =	sdelay $0x1  }
0x32b: {  	[tilespmem:s22+$0x14050] =	vst v11  }
0x32c: {  	v8 =	vld.idx.msk [tilespmem:v8+s11+$0x0], $0xffff;
	[tilespmem:s23+$0x14050] =	vst v10  }
0x32d: {  	v10 =	vadd.s32 $0x3E80, v3;
	v11 =	vld.idx.msk [tilespmem:v12+s11+$0x0], $0xffff;
	[tilespmem:s24+$0x14050] =	vst v13  }
0x32e: {  	v12 =	vadd.s32 $0x3E80, v4;
	v13 =	vld.idx.msk [tilespmem:v14+s11+$0x0], $0xffff  }
0x32f: {  	v14 =	vadd.s32 $0x3E80, v5;
	_ =	sdelay $0x1  }
0x330: {  	[tilespmem:s22+$0x14438] =	vst v8  }
0x331: {  	v8 =	vld.idx.msk [tilespmem:v10+s11+$0x0], $0xffff;
	[tilespmem:s23+$0x14438] =	vst v11  }
0x332: {  	v10 =	vadd.s32 $0x4268, v3;
	v11 =	vld.idx.msk [tilespmem:v12+s11+$0x0], $0xffff;
	[tilespmem:s24+$0x14438] =	vst v13  }
0x333: {  	v12 =	vadd.s32 $0x4268, v4;
	v13 =	vld.idx.msk [tilespmem:v14+s11+$0x0], $0xffff  }
0x334: {  	v14 =	vadd.s32 $0x4268, v5;
	_ =	sdelay $0x1  }
0x335: {  	[tilespmem:s22+$0x14820] =	vst v8  }
0x336: {  	v8 =	vld.idx.msk [tilespmem:v10+s11+$0x0], $0xffff;
	[tilespmem:s23+$0x14820] =	vst v11  }
0x337: {  	v10 =	vadd.s32 $0x4650, v3;
	v11 =	vld.idx.msk [tilespmem:v12+s11+$0x0], $0xffff;
	[tilespmem:s24+$0x14820] =	vst v13  }
0x338: {  	v12 =	vadd.s32 $0x4650, v4;
	v13 =	vld.idx.msk [tilespmem:v14+s11+$0x0], $0xffff  }
0x339: {  	v14 =	vadd.s32 $0x4650, v5;
	_ =	sdelay $0x1  }
0x33a: {  	[tilespmem:s22+$0x14C08] =	vst v8  }
0x33b: {  	v8 =	vld.idx.msk [tilespmem:v10+s11+$0x0], $0xffff;
	[tilespmem:s23+$0x14C08] =	vst v11  }
0x33c: {  	v10 =	vadd.s32 $0x4A38, v3;
	v11 =	vld.idx.msk [tilespmem:v12+s11+$0x0], $0xffff;
	[tilespmem:s24+$0x14C08] =	vst v13  }
0x33d: {  	v12 =	vadd.s32 $0x4A38, v4;
	v13 =	vld.idx.msk [tilespmem:v14+s11+$0x0], $0xffff  }
0x33e: {  	v14 =	vadd.s32 $0x4A38, v5;
	_ =	sdelay $0x1  }
0x33f: {  	[tilespmem:s22+$0x14FF0] =	vst v8  }
0x340: {  	v8 =	vadd.s32 $0x4E20, v2;
	v10 =	vld.idx.msk [tilespmem:v10+s11+$0x0], $0xffff;
	[tilespmem:s23+$0x14FF0] =	vst v11  }
0x341: {  	v11 =	vadd.s32 $0x4E20, v3;
	v12 =	vld.idx.msk [tilespmem:v12+s11+$0x0], $0xffff;
	[tilespmem:s24+$0x14FF0] =	vst v13  }
0x342: {  	v13 =	vadd.s32 $0x4E20, v4;
	v14 =	vld.idx.msk [tilespmem:v14+s11+$0x0], $0xffff  }
0x343: {  	v15 =	vadd.s32 $0x4E20, v5  }
0x344: {  	[tilespmem:s21+$0x153D8] =	vst v9  }
0x345: {  	v8 =	vld.idx.msk [tilespmem:v8+s11+$0x0], $0xffff;
	[tilespmem:s22+$0x153D8] =	vst v10  }
0x346: {  	v9 =	vadd.s32 $0x5208, v2;
	v10 =	vld.idx.msk [tilespmem:v11+s11+$0x0], $0xffff;
	[tilespmem:s23+$0x153D8] =	vst v12  }
0x347: {  	v11 =	vadd.s32 $0x5208, v3;
	v12 =	vld.idx.msk [tilespmem:v13+s11+$0x0], $0xffff;
	[tilespmem:s24+$0x153D8] =	vst v14  }
0x348: {  	v13 =	vadd.s32 $0x5208, v4;
	v14 =	vld.idx.msk [tilespmem:v15+s11+$0x0], $0xffff  }
0x349: {  	v15 =	vadd.s32 $0x5208, v5  }
0x34a: {  	[tilespmem:s21+$0x157C0] =	vst v8  }
0x34b: {  	v8 =	vld.idx.msk [tilespmem:v9+s11+$0x0], $0xffff;
	[tilespmem:s22+$0x157C0] =	vst v10  }
0x34c: {  	v9 =	vadd.s32 $0x55F0, v2;
	v10 =	vld.idx.msk [tilespmem:v11+s11+$0x0], $0xffff;
	[tilespmem:s23+$0x157C0] =	vst v12  }
0x34d: {  	v11 =	vadd.s32 $0x55F0, v3;
	v12 =	vld.idx.msk [tilespmem:v13+s11+$0x0], $0xffff;
	[tilespmem:s24+$0x157C0] =	vst v14  }
0x34e: {  	v13 =	vadd.s32 $0x55F0, v4;
	v14 =	vld.idx.msk [tilespmem:v15+s11+$0x0], $0xffff  }
0x34f: {  	v15 =	vadd.s32 $0x55F0, v5  }
0x350: {  	[tilespmem:s21+$0x15BA8] =	vst v8  }
0x351: {  	v8 =	vld.idx.msk [tilespmem:v9+s11+$0x0], $0xffff;
	[tilespmem:s22+$0x15BA8] =	vst v10  }
0x352: {  	v9 =	vadd.s32 $0x59D8, v2;
	v10 =	vld.idx.msk [tilespmem:v11+s11+$0x0], $0xffff;
	[tilespmem:s23+$0x15BA8] =	vst v12  }
0x353: {  	v11 =	vadd.s32 $0x59D8, v3;
	v12 =	vld.idx.msk [tilespmem:v13+s11+$0x0], $0xffff;
	[tilespmem:s24+$0x15BA8] =	vst v14  }
0x354: {  	v13 =	vadd.s32 $0x59D8, v4;
	v14 =	vld.idx.msk [tilespmem:v15+s11+$0x0], $0xffff  }
0x355: {  	v15 =	vadd.s32 $0x59D8, v5  }
0x356: {  	[tilespmem:s21+$0x15F90] =	vst v8  }
0x357: {  	v8 =	vadd.s32 $0x5DC0, v1;
	v9 =	vld.idx.msk [tilespmem:v9+s11+$0x0], $0xffff;
	[tilespmem:s22+$0x15F90] =	vst v10  }
0x358: {  	v10 =	vadd.s32 $0x5DC0, v2;
	v11 =	vld.idx.msk [tilespmem:v11+s11+$0x0], $0xffff;
	[tilespmem:s23+$0x15F90] =	vst v12  }
0x359: {  	v12 =	vadd.s32 $0x5DC0, v3;
	v13 =	vld.idx.msk [tilespmem:v13+s11+$0x0], $0xffff;
	[tilespmem:s24+$0x15F90] =	vst v14  }
0x35a: {  	v14 =	vadd.s32 $0x5DC0, v4;
	v15 =	vld.idx.msk [tilespmem:v15+s11+$0x0], $0xffff  }
0x35b: {  	[tilespmem:s20+$0x16378] =	vst v7;
	v7 =	vadd.s32 $0x5DC0, v5  }
0x35c: {  	v8 =	vld.idx.msk [tilespmem:v8+s11+$0x0], $0xffff;
	[tilespmem:s21+$0x16378] =	vst v9  }
0x35d: {  	v9 =	vadd.s32 $0x61A8, v1;
	v10 =	vld.idx.msk [tilespmem:v10+s11+$0x0], $0xffff;
	[tilespmem:s22+$0x16378] =	vst v11  }
0x35e: {  	v11 =	vadd.s32 $0x61A8, v2;
	v12 =	vld.idx.msk [tilespmem:v12+s11+$0x0], $0xffff;
	[tilespmem:s23+$0x16378] =	vst v13  }
0x35f: {  	v13 =	vadd.s32 $0x61A8, v3;
	v14 =	vld.idx.msk [tilespmem:v14+s11+$0x0], $0xffff;
	[tilespmem:s24+$0x16378] =	vst v15  }
0x360: {  	v15 =	vadd.s32 $0x61A8, v4;
	v7 =	vld.idx.msk [tilespmem:v7+s11+$0x0], $0xffff  }
0x361: {  	[tilespmem:s20+$0x16760] =	vst v8;
	v8 =	vadd.s32 $0x61A8, v5  }
0x362: {  	v9 =	vld.idx.msk [tilespmem:v9+s11+$0x0], $0xffff;
	[tilespmem:s21+$0x16760] =	vst v10  }
0x363: {  	v10 =	vadd.s32 $0x6590, v1;
	v11 =	vld.idx.msk [tilespmem:v11+s11+$0x0], $0xffff;
	[tilespmem:s22+$0x16760] =	vst v12  }
0x364: {  	v12 =	vadd.s32 $0x6590, v2;
	v13 =	vld.idx.msk [tilespmem:v13+s11+$0x0], $0xffff;
	[tilespmem:s23+$0x16760] =	vst v14  }
0x365: {  	v14 =	vadd.s32 $0x6590, v3;
	v15 =	vld.idx.msk [tilespmem:v15+s11+$0x0], $0xffff;
	[tilespmem:s24+$0x16760] =	vst v7  }
0x366: {  	v7 =	vadd.s32 $0x6590, v4;
	v8 =	vld.idx.msk [tilespmem:v8+s11+$0x0], $0xffff  }
0x367: {  	[tilespmem:s20+$0x16B48] =	vst v9;
	v9 =	vadd.s32 $0x6590, v5  }
0x368: {  	v10 =	vld.idx.msk [tilespmem:v10+s11+$0x0], $0xffff;
	[tilespmem:s21+$0x16B48] =	vst v11  }
0x369: {  	v11 =	vadd.s32 $0x6978, v1;
	v12 =	vld.idx.msk [tilespmem:v12+s11+$0x0], $0xffff;
	[tilespmem:s22+$0x16B48] =	vst v13  }
0x36a: {  	v13 =	vadd.s32 $0x6978, v2;
	v14 =	vld.idx.msk [tilespmem:v14+s11+$0x0], $0xffff;
	[tilespmem:s23+$0x16B48] =	vst v15  }
0x36b: {  	v15 =	vadd.s32 $0x6978, v3;
	v7 =	vld.idx.msk [tilespmem:v7+s11+$0x0], $0xffff;
	[tilespmem:s24+$0x16B48] =	vst v8  }
0x36c: {  	v8 =	vadd.s32 $0x6978, v4;
	v9 =	vld.idx.msk [tilespmem:v9+s11+$0x0], $0xffff  }
0x36d: {  	[tilespmem:s20+$0x16F30] =	vst v10;
	v10 =	vadd.s32 $0x6978, v5  }
0x36e: {  	v11 =	vld.idx.msk [tilespmem:v11+s11+$0x0], $0xffff;
	[tilespmem:s21+$0x16F30] =	vst v12  }
0x36f: {  	v12 =	vadd.s32 $0x6D60, v1;
	v13 =	vld.idx.msk [tilespmem:v13+s11+$0x0], $0xffff;
	[tilespmem:s22+$0x16F30] =	vst v14  }
0x370: {  	v14 =	vadd.s32 $0x6D60, v2;
	v15 =	vld.idx.msk [tilespmem:v15+s11+$0x0], $0xffff;
	[tilespmem:s23+$0x16F30] =	vst v7  }
0x371: {  	v7 =	vadd.s32 $0x6D60, v3;
	v8 =	vld.idx.msk [tilespmem:v8+s11+$0x0], $0xffff;
	[tilespmem:s24+$0x16F30] =	vst v9  }
0x372: {  	v9 =	vadd.s32 $0x6D60, v4;
	v10 =	vld.idx.msk [tilespmem:v10+s11+$0x0], $0xffff  }
0x373: {  	[tilespmem:s20+$0x17318] =	vst v11;
	v11 =	vadd.s32 $0x6D60, v5  }
0x374: {  	v16 =	vadd.s32 $0x7148, v0;
	v12 =	vld.idx.msk [tilespmem:v12+s11+$0x0], $0xffff;
	[tilespmem:s21+$0x17318] =	vst v13  }
0x375: {  	v13 =	vadd.s32 $0x7148, v1;
	v14 =	vld.idx.msk [tilespmem:v14+s11+$0x0], $0xffff;
	[tilespmem:s22+$0x17318] =	vst v15  }
0x376: {  	v15 =	vadd.s32 $0x7148, v2;
	v7 =	vld.idx.msk [tilespmem:v7+s11+$0x0], $0xffff;
	[tilespmem:s23+$0x17318] =	vst v8  }
0x377: {  	v8 =	vadd.s32 $0x7148, v3;
	v9 =	vld.idx.msk [tilespmem:v9+s11+$0x0], $0xffff;
	[tilespmem:s24+$0x17318] =	vst v10  }
0x378: {  	[tilespmem:s19+$0x17700] =	vst v6;
	v6 =	vadd.s32 $0x7148, v4;
	v10 =	vld.idx.msk [tilespmem:v11+s11+$0x0], $0xffff  }
0x379: {  	[tilespmem:s20+$0x17700] =	vst v12;
	v12 =	vadd.s32 $0x7148, v5;
	v11 =	vld.idx.msk [tilespmem:v16+s11+$0x0], $0xffff  }
0x37a: {  	v13 =	vld.idx.msk [tilespmem:v13+s11+$0x0], $0xffff;
	[tilespmem:s21+$0x17700] =	vst v14;
	v16 =	vadd.s32 $0x7530, v0  }
0x37b: {  	v14 =	vadd.s32 $0x7530, v1;
	v15 =	vld.idx.msk [tilespmem:v15+s11+$0x0], $0xffff;
	[tilespmem:s22+$0x17700] =	vst v7  }
0x37c: {  	v7 =	vadd.s32 $0x7530, v2;
	v8 =	vld.idx.msk [tilespmem:v8+s11+$0x0], $0xffff;
	[tilespmem:s23+$0x17700] =	vst v9  }
0x37d: {  	v9 =	vadd.s32 $0x7530, v3;
	v6 =	vld.idx.msk [tilespmem:v6+s11+$0x0], $0xffff;
	[tilespmem:s24+$0x17700] =	vst v10  }
0x37e: {  	[tilespmem:s19+$0x17AE8] =	vst v11;
	v10 =	vadd.s32 $0x7530, v4;
	v11 =	vld.idx.msk [tilespmem:v12+s11+$0x0], $0xffff  }
0x37f: {  	[tilespmem:s20+$0x17AE8] =	vst v13;
	v13 =	vadd.s32 $0x7530, v5;
	v12 =	vld.idx.msk [tilespmem:v16+s11+$0x0], $0xffff  }
0x380: {  	v0 =	vadd.s32 $0x7918, v0;
	v14 =	vld.idx.msk [tilespmem:v14+s11+$0x0], $0xffff;
	[tilespmem:s21+$0x17AE8] =	vst v15  }
0x381: {  	v1 =	vadd.s32 $0x7918, v1;
	v7 =	vld.idx.msk [tilespmem:v7+s11+$0x0], $0xffff;
	[tilespmem:s22+$0x17AE8] =	vst v8  }
0x382: {  	v2 =	vadd.s32 $0x7918, v2;
	v8 =	vld.idx.msk [tilespmem:v9+s11+$0x0], $0xffff;
	[tilespmem:s23+$0x17AE8] =	vst v6  }
0x383: {  	v3 =	vadd.s32 $0x7918, v3;
	v6 =	vld.idx.msk [tilespmem:v10+s11+$0x0], $0xffff;
	[tilespmem:s24+$0x17AE8] =	vst v11  }
0x384: {  	v4 =	vadd.s32 $0x7918, v4;
	[tilespmem:s19+$0x17ED0] =	vst v12;
	v9 =	vld.idx.msk [tilespmem:v13+s11+$0x0], $0xffff  }
0x385: {  	v5 =	vadd.s32 $0x7918, v5;
	[tilespmem:s20+$0x17ED0] =	vst v14;
	v0 =	vld.idx.msk [tilespmem:v0+s11+$0x0], $0xffff  }
0x386: {  	v1 =	vld.idx.msk [tilespmem:v1+s11+$0x0], $0xffff;
	[tilespmem:s21+$0x17ED0] =	vst v7  }
0x387: {  	v2 =	vld.idx.msk [tilespmem:v2+s11+$0x0], $0xffff;
	[tilespmem:s22+$0x17ED0] =	vst v8  }
0x388: {  	v3 =	vld.idx.msk [tilespmem:v3+s11+$0x0], $0xffff;
	[tilespmem:s23+$0x17ED0] =	vst v6  }
0x389: {  	v4 =	vld.idx.msk [tilespmem:v4+s11+$0x0], $0xffff;
	[tilespmem:s24+$0x17ED0] =	vst v9  }
0x38a: {  	[tilespmem:s19+$0x182B8] =	vst v0;
	v0 =	vld.idx.msk [tilespmem:v5+s11+$0x0], $0xffff  }
0x38b: {  	[tilespmem:s20+$0x182B8] =	vst v1  }
0x38c: {  	[tilespmem:s21+$0x182B8] =	vst v2  }
0x38d: {  	[tilespmem:s22+$0x182B8] =	vst v3  }
0x38e: {  	[tilespmem:s23+$0x182B8] =	vst v4  }
0x38f: {  	[tilespmem:s24+$0x182B8] =	vst v0  }
0x390: {  	v0 =	vld [tilespmem:$0x7C0];
	_ =	sdelay $0x7  }
0x391: {  	v1 =	vld.idx.msk [tilespmem:v0+s11+$0x0], $0xffff  }
0x392: {  	v2 =	vadd.s32 $0x3E8, v0;
	_ =	sdelay $0x3  }
0x393: {  	[tilespmem:$0x10D78] =	vst v1  }
0x394: {  	v1 =	vld.idx.msk [tilespmem:v2+s11+$0x0], $0xffff  }
0x395: {  	v2 =	vadd.s32 $0x7D0, v0;
	_ =	sdelay $0x3  }
0x396: {  	[tilespmem:$0x11160] =	vst v1  }
0x397: {  	v1 =	vld.idx.msk [tilespmem:v2+s11+$0x0], $0xffff  }
0x398: {  	v2 =	vadd.s32 $0xBB8, v0;
	_ =	sdelay $0x3  }
0x399: {  	[tilespmem:$0x11548] =	vst v1  }
0x39a: {  	v1 =	vld.idx.msk [tilespmem:v2+s11+$0x0], $0xffff  }
0x39b: {  	v2 =	vadd.s32 $0xFA0, v0;
	_ =	sdelay $0x3  }
0x39c: {  	[tilespmem:$0x11930] =	vst v1  }
0x39d: {  	v1 =	vld.idx.msk [tilespmem:v2+s11+$0x0], $0xffff  }
0x39e: {  	v2 =	vadd.s32 $0x1388, v0;
	_ =	sdelay $0x3  }
0x39f: {  	[tilespmem:$0x11D18] =	vst v1  }
0x3a0: {  	v1 =	vld.idx.msk [tilespmem:v2+s11+$0x0], $0xffff  }
0x3a1: {  	v2 =	vadd.s32 $0x1770, v0;
	_ =	sdelay $0x3  }
0x3a2: {  	[tilespmem:$0x12100] =	vst v1  }
0x3a3: {  	v1 =	vld.idx.msk [tilespmem:v2+s11+$0x0], $0xffff  }
0x3a4: {  	v2 =	vadd.s32 $0x1B58, v0;
	_ =	sdelay $0x3  }
0x3a5: {  	[tilespmem:$0x124E8] =	vst v1  }
0x3a6: {  	v1 =	vld.idx.msk [tilespmem:v2+s11+$0x0], $0xffff  }
0x3a7: {  	v2 =	vadd.s32 $0x1F40, v0;
	_ =	sdelay $0x3  }
0x3a8: {  	[tilespmem:$0x128D0] =	vst v1  }
0x3a9: {  	v1 =	vld.idx.msk [tilespmem:v2+s11+$0x0], $0xffff  }
0x3aa: {  	v2 =	vadd.s32 $0x2328, v0;
	_ =	sdelay $0x3  }
0x3ab: {  	[tilespmem:$0x12CB8] =	vst v1  }
0x3ac: {  	v1 =	vld.idx.msk [tilespmem:v2+s11+$0x0], $0xffff  }
0x3ad: {  	v2 =	vadd.s32 $0x2710, v0;
	_ =	sdelay $0x3  }
0x3ae: {  	[tilespmem:$0x130A0] =	vst v1  }
0x3af: {  	v1 =	vld.idx.msk [tilespmem:v2+s11+$0x0], $0xffff  }
0x3b0: {  	v2 =	vadd.s32 $0x2AF8, v0;
	_ =	sdelay $0x3  }
0x3b1: {  	[tilespmem:$0x13488] =	vst v1  }
0x3b2: {  	v1 =	vld.idx.msk [tilespmem:v2+s11+$0x0], $0xffff  }
0x3b3: {  	v2 =	vadd.s32 $0x2EE0, v0;
	_ =	sdelay $0x3  }
0x3b4: {  	[tilespmem:$0x13870] =	vst v1  }
0x3b5: {  	v1 =	vld.idx.msk [tilespmem:v2+s11+$0x0], $0xffff  }
0x3b6: {  	v2 =	vadd.s32 $0x32C8, v0;
	_ =	sdelay $0x3  }
0x3b7: {  	[tilespmem:$0x13C58] =	vst v1  }
0x3b8: {  	v1 =	vld.idx.msk [tilespmem:v2+s11+$0x0], $0xffff  }
0x3b9: {  	v2 =	vadd.s32 $0x36B0, v0;
	_ =	sdelay $0x3  }
0x3ba: {  	[tilespmem:$0x14040] =	vst v1  }
0x3bb: {  	v1 =	vld.idx.msk [tilespmem:v2+s11+$0x0], $0xffff  }
0x3bc: {  	v2 =	vadd.s32 $0x3A98, v0;
	_ =	sdelay $0x3  }
0x3bd: {  	[tilespmem:$0x14428] =	vst v1  }
0x3be: {  	v1 =	vld.idx.msk [tilespmem:v2+s11+$0x0], $0xffff  }
0x3bf: {  	v2 =	vadd.s32 $0x3E80, v0;
	_ =	sdelay $0x3  }
0x3c0: {  	[tilespmem:$0x14810] =	vst v1  }
0x3c1: {  	v1 =	vld.idx.msk [tilespmem:v2+s11+$0x0], $0xffff  }
0x3c2: {  	v2 =	vadd.s32 $0x4268, v0;
	_ =	sdelay $0x3  }
0x3c3: {  	[tilespmem:$0x14BF8] =	vst v1  }
0x3c4: {  	v1 =	vld.idx.msk [tilespmem:v2+s11+$0x0], $0xffff  }
0x3c5: {  	v2 =	vadd.s32 $0x4650, v0;
	_ =	sdelay $0x3  }
0x3c6: {  	[tilespmem:$0x14FE0] =	vst v1  }
0x3c7: {  	v1 =	vld.idx.msk [tilespmem:v2+s11+$0x0], $0xffff  }
0x3c8: {  	v2 =	vadd.s32 $0x4A38, v0;
	_ =	sdelay $0x3  }
0x3c9: {  	[tilespmem:$0x153C8] =	vst v1  }
0x3ca: {  	v1 =	vld.idx.msk [tilespmem:v2+s11+$0x0], $0xffff  }
0x3cb: {  	v2 =	vadd.s32 $0x4E20, v0;
	_ =	sdelay $0x3  }
0x3cc: {  	[tilespmem:$0x157B0] =	vst v1  }
0x3cd: {  	v1 =	vld.idx.msk [tilespmem:v2+s11+$0x0], $0xffff  }
0x3ce: {  	v2 =	vadd.s32 $0x5208, v0;
	_ =	sdelay $0x3  }
0x3cf: {  	[tilespmem:$0x15B98] =	vst v1  }
0x3d0: {  	v1 =	vld.idx.msk [tilespmem:v2+s11+$0x0], $0xffff  }
0x3d1: {  	v2 =	vadd.s32 $0x55F0, v0;
	_ =	sdelay $0x3  }
0x3d2: {  	[tilespmem:$0x15F80] =	vst v1  }
0x3d3: {  	v1 =	vld.idx.msk [tilespmem:v2+s11+$0x0], $0xffff  }
0x3d4: {  	v2 =	vadd.s32 $0x59D8, v0;
	_ =	sdelay $0x3  }
0x3d5: {  	[tilespmem:$0x16368] =	vst v1  }
0x3d6: {  	v1 =	vld.idx.msk [tilespmem:v2+s11+$0x0], $0xffff  }
0x3d7: {  	v2 =	vadd.s32 $0x5DC0, v0;
	_ =	sdelay $0x3  }
0x3d8: {  	[tilespmem:$0x16750] =	vst v1  }
0x3d9: {  	v1 =	vld.idx.msk [tilespmem:v2+s11+$0x0], $0xffff  }
0x3da: {  	v2 =	vadd.s32 $0x61A8, v0;
	_ =	sdelay $0x3  }
0x3db: {  	[tilespmem:$0x16B38] =	vst v1  }
0x3dc: {  	v1 =	vld.idx.msk [tilespmem:v2+s11+$0x0], $0xffff  }
0x3dd: {  	v2 =	vadd.s32 $0x6590, v0;
	_ =	sdelay $0x3  }
0x3de: {  	[tilespmem:$0x16F20] =	vst v1  }
0x3df: {  	v1 =	vld.idx.msk [tilespmem:v2+s11+$0x0], $0xffff  }
0x3e0: {  	v2 =	vadd.s32 $0x6978, v0;
	_ =	sdelay $0x3  }
0x3e1: {  	[tilespmem:$0x17308] =	vst v1  }
0x3e2: {  	v1 =	vld.idx.msk [tilespmem:v2+s11+$0x0], $0xffff  }
0x3e3: {  	v2 =	vadd.s32 $0x6D60, v0;
	_ =	sdelay $0x3  }
0x3e4: {  	[tilespmem:$0x176F0] =	vst v1  }
0x3e5: {  	v1 =	vld.idx.msk [tilespmem:v2+s11+$0x0], $0xffff  }
0x3e6: {  	v2 =	vadd.s32 $0x7148, v0;
	_ =	sdelay $0x3  }
0x3e7: {  	[tilespmem:$0x17AD8] =	vst v1  }
0x3e8: {  	v1 =	vld.idx.msk [tilespmem:v2+s11+$0x0], $0xffff  }
0x3e9: {  	v2 =	vadd.s32 $0x7530, v0;
	_ =	sdelay $0x3  }
0x3ea: {  	[tilespmem:$0x17EC0] =	vst v1  }
0x3eb: {  	v1 =	vld.idx.msk [tilespmem:v2+s11+$0x0], $0xffff  }
0x3ec: {  	v0 =	vadd.s32 $0x7918, v0;
	_ =	sdelay $0x3  }
0x3ed: {  	[tilespmem:$0x182A8] =	vst v1  }
0x3ee: {  	v0 =	vld.idx.msk [tilespmem:v0+s11+$0x0], $0xffff;
	_ =	sdelay $0x4  }
0x3ef: {  	s30 =	sadd.s32 $0x13880, s18;
	s31 =	simm.s32 $0x0;
	[tilespmem:$0x18690] =	vst v0  }
0x3f0: {  	[hbm4b:s30+s31] =	stream.linear.scatter [tilespmem:s13], [sflag:$0x2], $0x7D00, $0x38;
	[tilespmem:$0x186A0] =	vst v63  }
0x3f1: {  	_ =	swait.ge [sflag:s14], $0x7D00  }
0x3f2: {  	[sflag:s14] =	ssyncset.done $0x0  }
0x3f3: {  	s26 =	simm.s32 $0x0;
	[sflag:s14] =	ssyncadd.s32 $0xFFFF8300  }
0x3f4: {  	v7 =	vld [tilespmem:s26+$0x7D0];
	_ =	sdelay $0x7  }
0x3f5: {  	v0 =	vld.idx.msk [tilespmem:v7+s11+$0x0], $0xffff  }
0x3f6: {  	v1 =	vadd.s32 $0x3E8, v7;
	_ =	sdelay $0x3  }
0x3f7: {  	[tilespmem:s26+$0x8CA0] =	vst v0  }
0x3f8: {  	v0 =	vld.idx.msk [tilespmem:v1+s11+$0x0], $0xffff  }
0x3f9: {  	v1 =	vadd.s32 $0x7D0, v7;
	_ =	sdelay $0x3  }
0x3fa: {  	[tilespmem:s26+$0x9088] =	vst v0  }
0x3fb: {  	v0 =	vld.idx.msk [tilespmem:v1+s11+$0x0], $0xffff  }
0x3fc: {  	v1 =	vadd.s32 $0xBB8, v7;
	_ =	sdelay $0x3  }
0x3fd: {  	[tilespmem:s26+$0x9470] =	vst v0  }
0x3fe: {  	v0 =	vld.idx.msk [tilespmem:v1+s11+$0x0], $0xffff  }
0x3ff: {  	s25 =	simm.s32 $0x10;
	v1 =	vadd.s32 $0xFA0, v7  }
0x400: {  	v6 =	vld [tilespmem:s25+$0x7D0];
	_ =	sdelay $0x2  }
0x401: {  	[tilespmem:s26+$0x9858] =	vst v0  }
0x402: {  	v0 =	vld.idx.msk [tilespmem:v1+s11+$0x0], $0xffff  }
0x403: {  	v1 =	vadd.s32 $0x1388, v7;
	_ =	sdelay $0x2  }
0x404: {  	v2 =	vld.idx.msk [tilespmem:v6+s11+$0x0], $0xffff  }
0x405: {  	v3 =	vadd.s32 $0x3E8, v6;
	[tilespmem:s26+$0x9C40] =	vst v0  }
0x406: {  	v0 =	vld.idx.msk [tilespmem:v1+s11+$0x0], $0xffff  }
0x407: {  	v1 =	vadd.s32 $0x1770, v7;
	_ =	sdelay $0x1  }
0x408: {  	[tilespmem:s25+$0x8CA0] =	vst v2  }
0x409: {  	v2 =	vld.idx.msk [tilespmem:v3+s11+$0x0], $0xffff  }
0x40a: {  	v3 =	vadd.s32 $0x7D0, v6;
	[tilespmem:s26+$0xA028] =	vst v0  }
0x40b: {  	v0 =	vld.idx.msk [tilespmem:v1+s11+$0x0], $0xffff  }
0x40c: {  	v1 =	vadd.s32 $0x1B58, v7;
	_ =	sdelay $0x1  }
0x40d: {  	[tilespmem:s25+$0x9088] =	vst v2  }
0x40e: {  	v2 =	vld.idx.msk [tilespmem:v3+s11+$0x0], $0xffff  }
0x40f: {  	[tilespmem:s26+$0xA410] =	vst v0;
	v0 =	vadd.s32 $0xBB8, v6  }
0x410: {  	v1 =	vld.idx.msk [tilespmem:v1+s11+$0x0], $0xffff  }
0x411: {  	v3 =	vadd.s32 $0x1F40, v7;
	_ =	sdelay $0x1  }
0x412: {  	[tilespmem:s25+$0x9470] =	vst v2  }
0x413: {  	s19 =	simm.s32 $0x20;
	v2 =	vld.idx.msk [tilespmem:v0+s11+$0x0], $0xffff  }
0x414: {  	v0 =	vld [tilespmem:s19+$0x7D0];
	[tilespmem:s26+$0xA7F8] =	vst v1;
	v1 =	vadd.s32 $0xFA0, v6  }
0x415: {  	v3 =	vld.idx.msk [tilespmem:v3+s11+$0x0], $0xffff  }
0x416: {  	v4 =	vadd.s32 $0x2328, v7;
	_ =	sdelay $0x1  }
0x417: {  	[tilespmem:s25+$0x9858] =	vst v2  }
0x418: {  	v1 =	vld.idx.msk [tilespmem:v1+s11+$0x0], $0xffff  }
0x419: {  	v2 =	vadd.s32 $0x1388, v6;
	[tilespmem:s26+$0xABE0] =	vst v3  }
0x41a: {  	v3 =	vld.idx.msk [tilespmem:v4+s11+$0x0], $0xffff  }
0x41b: {  	v4 =	vadd.s32 $0x2710, v7  }
0x41c: {  	v5 =	vld.idx.msk [tilespmem:v0+s11+$0x0], $0xffff  }
0x41d: {  	v8 =	vadd.s32 $0x3E8, v0;
	[tilespmem:s25+$0x9C40] =	vst v1  }
0x41e: {  	v1 =	vld.idx.msk [tilespmem:v2+s11+$0x0], $0xffff  }
0x41f: {  	v2 =	vadd.s32 $0x1770, v6;
	[tilespmem:s26+$0xAFC8] =	vst v3  }
0x420: {  	v3 =	vld.idx.msk [tilespmem:v4+s11+$0x0], $0xffff  }
0x421: {  	[tilespmem:s19+$0x8CA0] =	vst v5;
	v4 =	vadd.s32 $0x2AF8, v7  }
0x422: {  	v5 =	vld.idx.msk [tilespmem:v8+s11+$0x0], $0xffff  }
0x423: {  	v8 =	vadd.s32 $0x7D0, v0;
	[tilespmem:s25+$0xA028] =	vst v1  }
0x424: {  	v1 =	vld.idx.msk [tilespmem:v2+s11+$0x0], $0xffff  }
0x425: {  	v2 =	vadd.s32 $0x1B58, v6;
	[tilespmem:s26+$0xB3B0] =	vst v3  }
0x426: {  	v3 =	vld.idx.msk [tilespmem:v4+s11+$0x0], $0xffff  }
0x427: {  	[tilespmem:s19+$0x9088] =	vst v5;
	v4 =	vadd.s32 $0x2EE0, v7  }
0x428: {  	v5 =	vld.idx.msk [tilespmem:v8+s11+$0x0], $0xffff  }
0x429: {  	[tilespmem:s25+$0xA410] =	vst v1;
	v1 =	vadd.s32 $0xBB8, v0  }
0x42a: {  	v2 =	vld.idx.msk [tilespmem:v2+s11+$0x0], $0xffff  }
0x42b: {  	[tilespmem:s26+$0xB798] =	vst v3;
	v3 =	vadd.s32 $0x1F40, v6  }
0x42c: {  	v4 =	vld.idx.msk [tilespmem:v4+s11+$0x0], $0xffff  }
0x42d: {  	[tilespmem:s19+$0x9470] =	vst v5;
	v5 =	vadd.s32 $0x32C8, v7  }
0x42e: {  	s20 =	simm.s32 $0x30;
	v8 =	vld.idx.msk [tilespmem:v1+s11+$0x0], $0xffff  }
0x42f: {  	v1 =	vld [tilespmem:s20+$0x7D0];
	[tilespmem:s25+$0xA7F8] =	vst v2;
	v2 =	vadd.s32 $0xFA0, v0  }
0x430: {  	v3 =	vld.idx.msk [tilespmem:v3+s11+$0x0], $0xffff  }
0x431: {  	[tilespmem:s26+$0xBB80] =	vst v4;
	v4 =	vadd.s32 $0x2328, v6  }
0x432: {  	v5 =	vld.idx.msk [tilespmem:v5+s11+$0x0], $0xffff  }
0x433: {  	[tilespmem:s19+$0x9858] =	vst v8;
	v8 =	vadd.s32 $0x36B0, v7  }
0x434: {  	v2 =	vld.idx.msk [tilespmem:v2+s11+$0x0], $0xffff  }
0x435: {  	[tilespmem:s25+$0xABE0] =	vst v3;
	v3 =	vadd.s32 $0x1388, v0  }
0x436: {  	v4 =	vld.idx.msk [tilespmem:v4+s11+$0x0], $0xffff  }
0x437: {  	v9 =	vld.idx.msk [tilespmem:v1+s11+$0x0], $0xffff;
	[tilespmem:s26+$0xBF68] =	vst v5;
	v5 =	vadd.s32 $0x2710, v6  }
0x438: {  	v10 =	vadd.s32 $0x3E8, v1;
	v8 =	vld.idx.msk [tilespmem:v8+s11+$0x0], $0xffff  }
0x439: {  	[tilespmem:s19+$0x9C40] =	vst v2;
	v2 =	vadd.s32 $0x3A98, v7  }
0x43a: {  	v3 =	vld.idx.msk [tilespmem:v3+s11+$0x0], $0xffff  }
0x43b: {  	[tilespmem:s25+$0xAFC8] =	vst v4;
	v4 =	vadd.s32 $0x1770, v0  }
0x43c: {  	[tilespmem:s20+$0x8CA0] =	vst v9;
	v5 =	vld.idx.msk [tilespmem:v5+s11+$0x0], $0xffff  }
0x43d: {  	v9 =	vld.idx.msk [tilespmem:v10+s11+$0x0], $0xffff;
	[tilespmem:s26+$0xC350] =	vst v8;
	v8 =	vadd.s32 $0x2AF8, v6  }
0x43e: {  	v10 =	vadd.s32 $0x7D0, v1;
	v2 =	vld.idx.msk [tilespmem:v2+s11+$0x0], $0xffff  }
0x43f: {  	[tilespmem:s19+$0xA028] =	vst v3;
	v3 =	vadd.s32 $0x3E80, v7  }
0x440: {  	v4 =	vld.idx.msk [tilespmem:v4+s11+$0x0], $0xffff  }
0x441: {  	[tilespmem:s25+$0xB3B0] =	vst v5;
	v5 =	vadd.s32 $0x1B58, v0  }
0x442: {  	[tilespmem:s20+$0x9088] =	vst v9;
	v8 =	vld.idx.msk [tilespmem:v8+s11+$0x0], $0xffff  }
0x443: {  	v9 =	vld.idx.msk [tilespmem:v10+s11+$0x0], $0xffff;
	[tilespmem:s26+$0xC738] =	vst v2;
	v2 =	vadd.s32 $0x2EE0, v6  }
0x444: {  	v10 =	vadd.s32 $0xBB8, v1;
	v3 =	vld.idx.msk [tilespmem:v3+s11+$0x0], $0xffff  }
0x445: {  	[tilespmem:s19+$0xA410] =	vst v4;
	v4 =	vadd.s32 $0x4268, v7  }
0x446: {  	v5 =	vld.idx.msk [tilespmem:v5+s11+$0x0], $0xffff  }
0x447: {  	[tilespmem:s25+$0xB798] =	vst v8;
	v8 =	vadd.s32 $0x1F40, v0  }
0x448: {  	[tilespmem:s20+$0x9470] =	vst v9;
	v11 =	vld.idx.msk [tilespmem:v2+s11+$0x0], $0xffff  }
0x449: {  	v9 =	vld.idx.msk [tilespmem:v10+s11+$0x0], $0xffff;
	[tilespmem:s26+$0xCB20] =	vst v3;
	v3 =	vadd.s32 $0x32C8, v6  }
0x44a: {  	s21 =	simm.s32 $0x40;
	v4 =	vld.idx.msk [tilespmem:v4+s11+$0x0], $0xffff  }
0x44b: {  	v2 =	vld [tilespmem:s21+$0x7D0];
	[tilespmem:s19+$0xA7F8] =	vst v5;
	v5 =	vadd.s32 $0x4650, v7  }
0x44c: {  	v10 =	vadd.s32 $0xFA0, v1;
	v8 =	vld.idx.msk [tilespmem:v8+s11+$0x0], $0xffff  }
0x44d: {  	[tilespmem:s25+$0xBB80] =	vst v11;
	v11 =	vadd.s32 $0x2328, v0  }
0x44e: {  	v3 =	vld.idx.msk [tilespmem:v3+s11+$0x0], $0xffff  }
0x44f: {  	[tilespmem:s26+$0xCF08] =	vst v4  }
0x450: {  	[tilespmem:s20+$0x9858] =	vst v9;
	v4 =	vadd.s32 $0x36B0, v6;
	v5 =	vld.idx.msk [tilespmem:v5+s11+$0x0], $0xffff  }
0x451: {  	v9 =	vld.idx.msk [tilespmem:v10+s11+$0x0], $0xffff;
	[tilespmem:s19+$0xABE0] =	vst v8;
	v8 =	vadd.s32 $0x4A38, v7  }
0x452: {  	v10 =	vadd.s32 $0x1388, v1;
	v11 =	vld.idx.msk [tilespmem:v11+s11+$0x0], $0xffff  }
0x453: {  	v12 =	vld.idx.msk [tilespmem:v2+s11+$0x0], $0xffff;
	[tilespmem:s25+$0xBF68] =	vst v3;
	v3 =	vadd.s32 $0x2710, v0  }
0x454: {  	v13 =	vadd.s32 $0x3E8, v2  }
0x455: {  	v4 =	vld.idx.msk [tilespmem:v4+s11+$0x0], $0xffff;
	[tilespmem:s26+$0xD2F0] =	vst v5  }
0x456: {  	[tilespmem:s20+$0x9C40] =	vst v9;
	v5 =	vadd.s32 $0x3A98, v6;
	v8 =	vld.idx.msk [tilespmem:v8+s11+$0x0], $0xffff  }
0x457: {  	v9 =	vld.idx.msk [tilespmem:v10+s11+$0x0], $0xffff;
	v10 =	vadd.s32 $0x4E20, v7;
	[tilespmem:s19+$0xAFC8] =	vst v11  }
0x458: {  	[tilespmem:s21+$0x8CA0] =	vst v12;
	v11 =	vadd.s32 $0x1770, v1;
	v3 =	vld.idx.msk [tilespmem:v3+s11+$0x0], $0xffff  }
0x459: {  	v12 =	vld.idx.msk [tilespmem:v13+s11+$0x0], $0xffff  }
0x45a: {  	v13 =	vadd.s32 $0x7D0, v2;
	[tilespmem:s25+$0xC350] =	vst v4  }
0x45b: {  	v4 =	vadd.s32 $0x2AF8, v0;
	v5 =	vld.idx.msk [tilespmem:v5+s11+$0x0], $0xffff;
	[tilespmem:s26+$0xD6D8] =	vst v8  }
0x45c: {  	[tilespmem:s20+$0xA028] =	vst v9;
	v8 =	vadd.s32 $0x3E80, v6;
	v9 =	vld.idx.msk [tilespmem:v10+s11+$0x0], $0xffff  }
0x45d: {  	v10 =	vld.idx.msk [tilespmem:v11+s11+$0x0], $0xffff;
	[tilespmem:s19+$0xB3B0] =	vst v3;
	v3 =	vadd.s32 $0x5208, v7  }
0x45e: {  	[tilespmem:s21+$0x9088] =	vst v12;
	v11 =	vadd.s32 $0x1B58, v1  }
0x45f: {  	v12 =	vld.idx.msk [tilespmem:v13+s11+$0x0], $0xffff  }
0x460: {  	v13 =	vadd.s32 $0xBB8, v2;
	v4 =	vld.idx.msk [tilespmem:v4+s11+$0x0], $0xffff;
	[tilespmem:s25+$0xC738] =	vst v5  }
0x461: {  	v5 =	vadd.s32 $0x2EE0, v0;
	v8 =	vld.idx.msk [tilespmem:v8+s11+$0x0], $0xffff;
	[tilespmem:s26+$0xDAC0] =	vst v9  }
0x462: {  	[tilespmem:s20+$0xA410] =	vst v10;
	v10 =	vld.idx.msk [tilespmem:v3+s11+$0x0], $0xffff  }
0x463: {  	s22 =	simm.s32 $0x50;
	v11 =	vld.idx.msk [tilespmem:v11+s11+$0x0], $0xffff  }
0x464: {  	v9 =	vadd.s32 $0x4268, v6;
	[tilespmem:s21+$0x9470] =	vst v12;
	v3 =	vld [tilespmem:s22+$0x7D0]  }
0x465: {  	v12 =	vld.idx.msk [tilespmem:v13+s11+$0x0], $0xffff;
	[tilespmem:s19+$0xB798] =	vst v4;
	v4 =	vadd.s32 $0x55F0, v7  }
0x466: {  	v14 =	vadd.s32 $0x1F40, v1;
	v5 =	vld.idx.msk [tilespmem:v5+s11+$0x0], $0xffff  }
0x467: {  	v13 =	vadd.s32 $0xFA0, v2;
	[tilespmem:s25+$0xCB20] =	vst v8  }
0x468: {  	v8 =	vadd.s32 $0x32C8, v0;
	[tilespmem:s26+$0xDEA8] =	vst v10  }
0x469: {  	v9 =	vld.idx.msk [tilespmem:v9+s11+$0x0], $0xffff;
	[tilespmem:s20+$0xA7F8] =	vst v11  }
0x46a: {  	v10 =	vadd.s32 $0x4650, v6;
	[tilespmem:s21+$0x9858] =	vst v12;
	v11 =	vld.idx.msk [tilespmem:v4+s11+$0x0], $0xffff  }
0x46b: {  	v14 =	vld.idx.msk [tilespmem:v14+s11+$0x0], $0xffff;
	[tilespmem:s19+$0xBB80] =	vst v5;
	v5 =	vadd.s32 $0x59D8, v7  }
0x46c: {  	v15 =	vadd.s32 $0x2328, v1;
	v12 =	vld.idx.msk [tilespmem:v13+s11+$0x0], $0xffff  }
0x46d: {  	v13 =	vadd.s32 $0x1388, v2;
	v8 =	vld.idx.msk [tilespmem:v8+s11+$0x0], $0xffff  }
0x46e: {  	v16 =	vld.idx.msk [tilespmem:v3+s11+$0x0], $0xffff;
	[tilespmem:s25+$0xCF08] =	vst v9;
	v9 =	vadd.s32 $0x36B0, v0  }
0x46f: {  	v10 =	vld.idx.msk [tilespmem:v10+s11+$0x0], $0xffff;
	[tilespmem:s26+$0xE290] =	vst v11  }
0x470: {  	v11 =	vadd.s32 $0x4A38, v6;
	[tilespmem:s20+$0xABE0] =	vst v14;
	v5 =	vld.idx.msk [tilespmem:v5+s11+$0x0], $0xffff  }
0x471: {  	v17 =	vadd.s32 $0x3E8, v3;
	[tilespmem:s21+$0x9C40] =	vst v12;
	v14 =	vld.idx.msk [tilespmem:v15+s11+$0x0], $0xffff  }
0x472: {  	v12 =	vld.idx.msk [tilespmem:v13+s11+$0x0], $0xffff;
	[tilespmem:s19+$0xBF68] =	vst v8;
	v8 =	vadd.s32 $0x5DC0, v7  }
0x473: {  	v15 =	vadd.s32 $0x2710, v1;
	[tilespmem:s22+$0x8CA0] =	vst v16;
	v9 =	vld.idx.msk [tilespmem:v9+s11+$0x0], $0xffff  }
0x474: {  	v13 =	vadd.s32 $0x1770, v2;
	[tilespmem:s25+$0xD2F0] =	vst v10  }
0x475: {  	v10 =	vadd.s32 $0x3A98, v0;
	v11 =	vld.idx.msk [tilespmem:v11+s11+$0x0], $0xffff;
	[tilespmem:s26+$0xE678] =	vst v5  }
0x476: {  	v16 =	vld.idx.msk [tilespmem:v17+s11+$0x0], $0xffff;
	v5 =	vadd.s32 $0x4E20, v6;
	[tilespmem:s20+$0xAFC8] =	vst v14  }
0x477: {  	v17 =	vadd.s32 $0x7D0, v3;
	[tilespmem:s21+$0xA028] =	vst v12;
	v8 =	vld.idx.msk [tilespmem:v8+s11+$0x0], $0xffff  }
0x478: {  	v14 =	vld.idx.msk [tilespmem:v15+s11+$0x0], $0xffff;
	[tilespmem:s19+$0xC350] =	vst v9;
	v9 =	vadd.s32 $0x61A8, v7  }
0x479: {  	v15 =	vadd.s32 $0x2AF8, v1;
	v12 =	vld.idx.msk [tilespmem:v13+s11+$0x0], $0xffff  }
0x47a: {  	v13 =	vadd.s32 $0x1B58, v2;
	v10 =	vld.idx.msk [tilespmem:v10+s11+$0x0], $0xffff;
	[tilespmem:s25+$0xD6D8] =	vst v11  }
0x47b: {  	[tilespmem:s22+$0x9088] =	vst v16;
	v11 =	vadd.s32 $0x3E80, v0;
	v5 =	vld.idx.msk [tilespmem:v5+s11+$0x0], $0xffff  }
0x47c: {  	v16 =	vld.idx.msk [tilespmem:v17+s11+$0x0], $0xffff;
	[tilespmem:s26+$0xEA60] =	vst v8;
	v8 =	vadd.s32 $0x5208, v6  }
0x47d: {  	[tilespmem:s20+$0xB3B0] =	vst v14;
	v9 =	vld.idx.msk [tilespmem:v9+s11+$0x0], $0xffff  }
0x47e: {  	[tilespmem:s21+$0xA410] =	vst v12;
	v12 =	vadd.s32 $0xBB8, v3;
	v14 =	vld.idx.msk [tilespmem:v15+s11+$0x0], $0xffff  }
0x47f: {  	v13 =	vld.idx.msk [tilespmem:v13+s11+$0x0], $0xffff;
	[tilespmem:s19+$0xC738] =	vst v10;
	v10 =	vadd.s32 $0x6590, v7  }
0x480: {  	v15 =	vadd.s32 $0x2EE0, v1;
	v11 =	vld.idx.msk [tilespmem:v11+s11+$0x0], $0xffff;
	[tilespmem:s25+$0xDAC0] =	vst v5  }
0x481: {  	s23 =	simm.s32 $0x60;
	[tilespmem:s22+$0x9470] =	vst v16;
	v5 =	vadd.s32 $0x4268, v0;
	v8 =	vld.idx.msk [tilespmem:v8+s11+$0x0], $0xffff  }
0x482: {  	v4 =	vld [tilespmem:s23+$0x7D0];
	[tilespmem:s26+$0xEE48] =	vst v9;
	v9 =	vadd.s32 $0x55F0, v6  }
0x483: {  	v12 =	vld.idx.msk [tilespmem:v12+s11+$0x0], $0xffff;
	[tilespmem:s20+$0xB798] =	vst v14;
	v14 =	vadd.s32 $0x1F40, v2  }
0x484: {  	[tilespmem:s21+$0xA7F8] =	vst v13;
	v13 =	vadd.s32 $0xFA0, v3;
	v10 =	vld.idx.msk [tilespmem:v10+s11+$0x0], $0xffff  }
0x485: {  	v15 =	vld.idx.msk [tilespmem:v15+s11+$0x0], $0xffff;
	[tilespmem:s19+$0xCB20] =	vst v11;
	v11 =	vadd.s32 $0x6978, v7  }
0x486: {  	v16 =	vadd.s32 $0x32C8, v1;
	v17 =	vld.idx.msk [tilespmem:v5+s11+$0x0], $0xffff;
	[tilespmem:s25+$0xDEA8] =	vst v8  }
0x487: {  	v8 =	vadd.s32 $0x4650, v0;
	v9 =	vld.idx.msk [tilespmem:v9+s11+$0x0], $0xffff  }
0x488: {  	[tilespmem:s22+$0x9858] =	vst v12;
	v14 =	vld.idx.msk [tilespmem:v14+s11+$0x0], $0xffff  }
0x489: {  	v13 =	vld.idx.msk [tilespmem:v13+s11+$0x0], $0xffff;
	[tilespmem:s26+$0xF230] =	vst v10;
	v10 =	vadd.s32 $0x59D8, v6  }
0x48a: {  	[tilespmem:s20+$0xBB80] =	vst v15;
	v15 =	vadd.s32 $0x2328, v2;
	v11 =	vld.idx.msk [tilespmem:v11+s11+$0x0], $0xffff  }
0x48b: {  	v16 =	vld.idx.msk [tilespmem:v16+s11+$0x0], $0xffff;
	[tilespmem:s19+$0xCF08] =	vst v17;
	v17 =	vadd.s32 $0x6D60, v7  }
0x48c: {  	v12 =	vadd.s32 $0x36B0, v1;
	v8 =	vld.idx.msk [tilespmem:v8+s11+$0x0], $0xffff;
	[tilespmem:s25+$0xE290] =	vst v9  }
0x48d: {  	v19 =	vld.idx.msk [tilespmem:v4+s11+$0x0], $0xffff;
	[tilespmem:s21+$0xABE0] =	vst v14;
	v9 =	vadd.s32 $0x4A38, v0  }
0x48e: {  	v14 =	vadd.s32 $0x1388, v3;
	[tilespmem:s22+$0x9C40] =	vst v13;
	v10 =	vld.idx.msk [tilespmem:v10+s11+$0x0], $0xffff  }
0x48f: {  	v13 =	vadd.s32 $0x3E8, v4;
	v15 =	vld.idx.msk [tilespmem:v15+s11+$0x0], $0xffff;
	[tilespmem:s26+$0xF618] =	vst v11  }
0x490: {  	[tilespmem:s20+$0xBF68] =	vst v16;
	v11 =	vadd.s32 $0x5DC0, v6;
	v16 =	vld.idx.msk [tilespmem:v17+s11+$0x0], $0xffff  }
0x491: {  	v17 =	vadd.s32 $0x2710, v2;
	v12 =	vld.idx.msk [tilespmem:v12+s11+$0x0], $0xffff;
	[tilespmem:s19+$0xD2F0] =	vst v8  }
0x492: {  	v18 =	vadd.s32 $0x7148, v7;
	[tilespmem:s23+$0x8CA0] =	vst v19;
	v9 =	vld.idx.msk [tilespmem:v9+s11+$0x0], $0xffff  }
0x493: {  	v8 =	vadd.s32 $0x3A98, v1;
	v14 =	vld.idx.msk [tilespmem:v14+s11+$0x0], $0xffff;
	[tilespmem:s25+$0xE678] =	vst v10  }
0x494: {  	v13 =	vld.idx.msk [tilespmem:v13+s11+$0x0], $0xffff;
	[tilespmem:s21+$0xAFC8] =	vst v15;
	v10 =	vadd.s32 $0x4E20, v0  }
0x495: {  	v15 =	vadd.s32 $0x1770, v3;
	v11 =	vld.idx.msk [tilespmem:v11+s11+$0x0], $0xffff;
	[tilespmem:s26+$0xFA00] =	vst v16  }
0x496: {  	v17 =	vld.idx.msk [tilespmem:v17+s11+$0x0], $0xffff;
	[tilespmem:s20+$0xC350] =	vst v12;
	v12 =	vadd.s32 $0x61A8, v6  }
0x497: {  	v16 =	vld.idx.msk [tilespmem:v18+s11+$0x0], $0xffff;
	v18 =	vadd.s32 $0x2AF8, v2  }
0x498: {  	v19 =	vadd.s32 $0x7530, v7;
	v8 =	vld.idx.msk [tilespmem:v8+s11+$0x0], $0xffff;
	[tilespmem:s19+$0xD6D8] =	vst v9  }
0x499: {  	[tilespmem:s22+$0xA028] =	vst v14;
	v10 =	vld.idx.msk [tilespmem:v10+s11+$0x0], $0xffff  }
0x49a: {  	v9 =	vadd.s32 $0x3E80, v1;
	v15 =	vld.idx.msk [tilespmem:v15+s11+$0x0], $0xffff;
	[tilespmem:s25+$0xEA60] =	vst v11  }
0x49b: {  	v14 =	vadd.s32 $0x7D0, v4;
	[tilespmem:s21+$0xB3B0] =	vst v17;
	v12 =	vld.idx.msk [tilespmem:v12+s11+$0x0], $0xffff  }
0x49c: {  	v11 =	vadd.s32 $0x5208, v0;
	v18 =	vld.idx.msk [tilespmem:v18+s11+$0x0], $0xffff;
	[tilespmem:s26+$0xFDE8] =	vst v16  }
0x49d: {  	s24 =	simm.s32 $0x70;
	[tilespmem:s23+$0x9088] =	vst v13;
	v16 =	vld.idx.msk [tilespmem:v19+s11+$0x0], $0xffff;
	v19 =	vadd.s32 $0x2EE0, v2  }
0x49e: {  	v5 =	vld [tilespmem:s24+$0x7D0];
	v17 =	vadd.s32 $0x1B58, v3;
	[tilespmem:s20+$0xC738] =	vst v8  }
0x49f: {  	v8 =	vadd.s32 $0x6590, v6;
	v20 =	vld.idx.msk [tilespmem:v9+s11+$0x0], $0xffff;
	[tilespmem:s19+$0xDAC0] =	vst v10  }
0x4a0: {  	v21 =	vadd.s32 $0x7918, v7;
	v14 =	vld.idx.msk [tilespmem:v14+s11+$0x0], $0xffff;
	[tilespmem:s22+$0xA410] =	vst v15  }
0x4a1: {  	v22 =	vadd.s32 $0x4268, v1;
	v13 =	vld.idx.msk [tilespmem:v11+s11+$0x0], $0xffff;
	[tilespmem:s21+$0xB798] =	vst v18  }
0x4a2: {  	[tilespmem:s25+$0xEE48] =	vst v12;
	v10 =	vld.idx.msk [tilespmem:v19+s11+$0x0], $0xffff;
	v19 =	vadd.s32 $0xBB8, v4  }
0x4a3: {  	v11 =	vld.idx.msk [tilespmem:v17+s11+$0x0], $0xffff;
	[tilespmem:s26+$0x101D0] =	vst v16;
	v16 =	vadd.s32 $0x55F0, v0  }
0x4a4: {  	v17 =	vadd.s32 $0x1F40, v3;
	v9 =	vld.idx.msk [tilespmem:v8+s11+$0x0], $0xffff  }
0x4a5: {  	v15 =	vadd.s32 $0x6978, v6;
	[tilespmem:s20+$0xCB20] =	vst v20;
	v12 =	vld.idx.msk [tilespmem:v21+s11+$0x0], $0xffff  }
0x4a6: {  	s28 =	simm.s32 $0x70;
	s29 =	simm.s32 $0x200;
	v7 =	vadd.s32 $0x7D0, v5;
	v8 =	vadd.s32 $0x3E8, v5;
	v18 =	vadd.s32 $0x32C8, v2;
	[tilespmem:s23+$0x9470] =	vst v14;
	v14 =	vld.idx.msk [tilespmem:v22+s11+$0x0], $0xffff  }
.LBB2_7:
0x4a7: {  	s30 =	sshra.s32 s29, $0x2;
	s28 =	sadd.s32 $0x10, s28;
	v19 =	vld.idx.msk [tilespmem:v19+s11+$0x0], $0xffff;
	[tilespmem:s19+$0xDEA8] =	vst v13  }
0x4a8: {  	p0 =	slt.u32 s28, $0x3D0;
	[tilespmem:s22+$0xA7F8] =	vst v11;
	v11 =	vadd.s32 $0x4650, v1;
	v13 =	vld.idx.msk [tilespmem:v16+s11+$0x0], $0xffff  }
0x4a9: {  	v16 =	vadd.s32 $0xFA0, v4;
	v17 =	vld.idx.msk [tilespmem:v17+s11+$0x0], $0xffff;
	[tilespmem:s25+$0xF230] =	vst v9  }
0x4aa: {  	v9 =	vadd.s32 $0x59D8, v0;
	[tilespmem:s21+$0xBB80] =	vst v10;
	v10 =	vld.idx.msk [tilespmem:v15+s11+$0x0], $0xffff  }
0x4ab: {  	v15 =	vadd.s32 $0x2328, v3;
	v18 =	vld.idx.msk [tilespmem:v18+s11+$0x0], $0xffff;
	[tilespmem:s26+$0x105B8] =	vst v12;
	s26 =	smov.u32 s25;
	s25 =	smov.u32 s19;
	s19 =	smov.u32 s20  }
0x4ac: {  	s20 =	smov.u32 s21;
	s21 =	smov.u32 s22;
	s22 =	smov.u32 s23;
	v12 =	vld [tilespmem:s30+$0x7D0];
	[tilespmem:s19+$0xCF08] =	vst v14;
	v14 =	vadd.s32 $0x6D60, v6  }
0x4ad: {  	s23 =	smov.u32 s24;
	s24 =	smov.u32 s30;
	[tilespmem:s22+$0x9858] =	vst v19;
	v19 =	vadd.s32 $0x36B0, v2;
	v11 =	vld.idx.msk [tilespmem:v11+s11+$0x0], $0xffff  }
0x4ae: {  	v16 =	vld.idx.msk [tilespmem:v16+s11+$0x0], $0xffff;
	[tilespmem:s25+$0xE290] =	vst v13  }
0x4af: {  	v13 =	vadd.s32 $0x4A38, v1;
	[tilespmem:s21+$0xABE0] =	vst v17;
	v9 =	vld.idx.msk [tilespmem:v9+s11+$0x0], $0xffff  }
0x4b0: {  	v17 =	vadd.s32 $0x1388, v4;
	v15 =	vld.idx.msk [tilespmem:v15+s11+$0x0], $0xffff;
	[tilespmem:s26+$0xF618] =	vst v10;
	v10 =	vadd.s32 $0x7148, v6  }
0x4b1: {  	[tilespmem:s20+$0xBF68] =	vst v18;
	v18 =	vadd.s32 $0x5DC0, v0;
	v14 =	vld.idx.msk [tilespmem:v14+s11+$0x0], $0xffff  }
0x4b2: {  	v21 =	vadd.s32 $0x2710, v3;
	v20 =	vadd.s32 $0x3E8, v12;
	v19 =	vld.idx.msk [tilespmem:v19+s11+$0x0], $0xffff  }
0x4b3: {  	v22 =	vld.idx.msk [tilespmem:v5+s11+$0x0], $0xffff;
	[tilespmem:s19+$0xD2F0] =	vst v11  }
0x4b4: {  	v11 =	vadd.s32 $0x3A98, v2;
	[tilespmem:s22+$0x9C40] =	vst v16;
	v13 =	vld.idx.msk [tilespmem:v13+s11+$0x0], $0xffff  }
0x4b5: {  	v16 =	vld.idx.msk [tilespmem:v17+s11+$0x0], $0xffff;
	[tilespmem:s25+$0xE678] =	vst v9  }
0x4b6: {  	v9 =	vadd.s32 $0x4E20, v1;
	[tilespmem:s21+$0xAFC8] =	vst v15;
	v15 =	vld.idx.msk [tilespmem:v18+s11+$0x0], $0xffff  }
0x4b7: {  	v17 =	vadd.s32 $0x1770, v4;
	v18 =	vld.idx.msk [tilespmem:v21+s11+$0x0], $0xffff;
	[tilespmem:s26+$0xFA00] =	vst v14;
	v14 =	vadd.s32 $0x7530, v6  }
0x4b8: {  	[tilespmem:s20+$0xC350] =	vst v19;
	v19 =	vadd.s32 $0x61A8, v0;
	v10 =	vld.idx.msk [tilespmem:v10+s11+$0x0], $0xffff  }
0x4b9: {  	v21 =	vadd.s32 $0x7D0, v12;
	[tilespmem:s23+$0x8CA0] =	vst v22;
	v22 =	vadd.s32 $0x2AF8, v3;
	v11 =	vld.idx.msk [tilespmem:v11+s11+$0x0], $0xffff  }
0x4ba: {  	v23 =	vld.idx.msk [tilespmem:v8+s11+$0x0], $0xffff;
	[tilespmem:s19+$0xD6D8] =	vst v13;
	v8 =	vmov v20  }
0x4bb: {  	v13 =	vadd.s32 $0x3E80, v2;
	[tilespmem:s22+$0xA028] =	vst v16;
	v9 =	vld.idx.msk [tilespmem:v9+s11+$0x0], $0xffff  }
0x4bc: {  	v16 =	vld.idx.msk [tilespmem:v17+s11+$0x0], $0xffff;
	[tilespmem:s25+$0xEA60] =	vst v15  }
0x4bd: {  	v15 =	vadd.s32 $0x5208, v1;
	[tilespmem:s21+$0xB3B0] =	vst v18;
	v17 =	vld.idx.msk [tilespmem:v19+s11+$0x0], $0xffff  }
0x4be: {  	v18 =	vadd.s32 $0x1B58, v4;
	v20 =	vld.idx.msk [tilespmem:v22+s11+$0x0], $0xffff;
	[tilespmem:s26+$0xFDE8] =	vst v10;
	v22 =	vadd.s32 $0x7918, v6;
	v6 =	vmovc v0;
	v0 =	vmovc v1;
	v1 =	vmov v2  }
0x4bf: {  	v2 =	vmovc v3;
	v3 =	vmovc v4;
	v4 =	vmov v5;
	v5 =	vmov v12;
	[tilespmem:s20+$0xC738] =	vst v11;
	v10 =	vadd.s32 $0x6590, v6;
	v14 =	vld.idx.msk [tilespmem:v14+s11+$0x0], $0xffff  }
0x4c0: {  	v12 =	vadd.s32 $0x2EE0, v2;
	[tilespmem:s23+$0x9088] =	vst v23;
	v23 =	vld.idx.msk [tilespmem:v13+s11+$0x0], $0xffff  }
0x4c1: {  	v24 =	vld.idx.msk [tilespmem:v7+s11+$0x0], $0xffff;
	[tilespmem:s19+$0xDAC0] =	vst v9;
	v7 =	vmov v21  }
0x4c2: {  	v21 =	vadd.s32 $0x4268, v1;
	[tilespmem:s22+$0xA410] =	vst v16;
	v13 =	vld.idx.msk [tilespmem:v15+s11+$0x0], $0xffff  }
.Ltmp2:
0x4c3: {  	v19 =	vadd.s32 $0xBB8, v4;
	v11 =	vld.idx.msk [tilespmem:v18+s11+$0x0], $0xffff;
	[tilespmem:s25+$0xEE48] =	vst v17;
	(pc) =	sbr.rel @p0 .LBB2_7-.Ltmp2, $4  }
0x4c4: {  	v16 =	vadd.s32 $0x55F0, v0;
	[tilespmem:s21+$0xB798] =	vst v20;
	v9 =	vld.idx.msk [tilespmem:v10+s11+$0x0], $0xffff  }
0x4c5: {  	v17 =	vadd.s32 $0x1F40, v3;
	v10 =	vld.idx.msk [tilespmem:v12+s11+$0x0], $0xffff;
	[tilespmem:s26+$0x101D0] =	vst v14  }
0x4c6: {  	v15 =	vadd.s32 $0x6978, v6;
	[tilespmem:s20+$0xCB20] =	vst v23;
	v12 =	vld.idx.msk [tilespmem:v22+s11+$0x0], $0xffff  }
0x4c7: {  	s29 =	sadd.s32 $0x40, s29;
	v18 =	vadd.s32 $0x32C8, v2;
	[tilespmem:s23+$0x9470] =	vst v24;
	v14 =	vld.idx.msk [tilespmem:v21+s11+$0x0], $0xffff  }
0x4c8: {  	_ =	sdelay $0x2  }
0x4c9: {  	[tilespmem:s19+$0xDEA8] =	vst v13  }
0x4ca: {  	v13 =	vld.idx.msk [tilespmem:v19+s11+$0x0], $0xffff;
	[tilespmem:s22+$0xA7F8] =	vst v11;
	v11 =	vadd.s32 $0x4650, v1  }
0x4cb: {  	v19 =	vadd.s32 $0xFA0, v4;
	v16 =	vld.idx.msk [tilespmem:v16+s11+$0x0], $0xffff;
	[tilespmem:s25+$0xF230] =	vst v9  }
0x4cc: {  	v9 =	vld.idx.msk [tilespmem:v17+s11+$0x0], $0xffff;
	[tilespmem:s21+$0xBB80] =	vst v10  }
0x4cd: {  	v10 =	vadd.s32 $0x59D8, v0;
	v15 =	vld.idx.msk [tilespmem:v15+s11+$0x0], $0xffff;
	[tilespmem:s26+$0x105B8] =	vst v12  }
0x4ce: {  	v17 =	vadd.s32 $0x2328, v3;
	v12 =	vld.idx.msk [tilespmem:v18+s11+$0x0], $0xffff;
	[tilespmem:s20+$0xCF08] =	vst v14  }
0x4cf: {  	v14 =	vadd.s32 $0x6D60, v6;
	[tilespmem:s23+$0x9858] =	vst v13;
	v11 =	vld.idx.msk [tilespmem:v11+s11+$0x0], $0xffff  }
0x4d0: {  	v13 =	vadd.s32 $0x36B0, v2;
	v18 =	vld.idx.msk [tilespmem:v19+s11+$0x0], $0xffff;
	[tilespmem:s19+$0xE290] =	vst v16  }
0x4d1: {  	[tilespmem:s22+$0xABE0] =	vst v9;
	v9 =	vadd.s32 $0x4A38, v1;
	v19 =	vld.idx.msk [tilespmem:v5+s11+$0x0], $0xffff  }
0x4d2: {  	v16 =	vadd.s32 $0x1388, v4;
	v10 =	vld.idx.msk [tilespmem:v10+s11+$0x0], $0xffff;
	[tilespmem:s25+$0xF618] =	vst v15  }
0x4d3: {  	v17 =	vld.idx.msk [tilespmem:v17+s11+$0x0], $0xffff;
	[tilespmem:s21+$0xBF68] =	vst v12;
	v12 =	vadd.s32 $0x5DC0, v0  }
0x4d4: {  	v15 =	vadd.s32 $0x2710, v3;
	v14 =	vld.idx.msk [tilespmem:v14+s11+$0x0], $0xffff;
	[tilespmem:s20+$0xD2F0] =	vst v11  }
0x4d5: {  	v13 =	vld.idx.msk [tilespmem:v13+s11+$0x0], $0xffff;
	[tilespmem:s23+$0x9C40] =	vst v18  }
0x4d6: {  	v11 =	vadd.s32 $0x7148, v6;
	v9 =	vld.idx.msk [tilespmem:v9+s11+$0x0], $0xffff;
	[tilespmem:s24+$0x8CA0] =	vst v19  }
0x4d7: {  	v18 =	vadd.s32 $0x3A98, v2;
	[tilespmem:s19+$0xE678] =	vst v10;
	v10 =	vld.idx.msk [tilespmem:v16+s11+$0x0], $0xffff  }
0x4d8: {  	[tilespmem:s22+$0xAFC8] =	vst v17;
	v16 =	vadd.s32 $0x4E20, v1;
	v12 =	vld.idx.msk [tilespmem:v12+s11+$0x0], $0xffff  }
0x4d9: {  	v15 =	vld.idx.msk [tilespmem:v15+s11+$0x0], $0xffff;
	[tilespmem:s25+$0xFA00] =	vst v14;
	v14 =	vadd.s32 $0x1770, v4  }
0x4da: {  	v17 =	vadd.s32 $0x2AF8, v3;
	v8 =	vld.idx.msk [tilespmem:v8+s11+$0x0], $0xffff;
	[tilespmem:s21+$0xC350] =	vst v13  }
0x4db: {  	v13 =	vadd.s32 $0x61A8, v0;
	v11 =	vld.idx.msk [tilespmem:v11+s11+$0x0], $0xffff;
	[tilespmem:s20+$0xD6D8] =	vst v9  }
0x4dc: {  	v18 =	vld.idx.msk [tilespmem:v18+s11+$0x0], $0xffff;
	[tilespmem:s23+$0xA028] =	vst v10  }
0x4dd: {  	v9 =	vadd.s32 $0x7530, v6;
	v16 =	vld.idx.msk [tilespmem:v16+s11+$0x0], $0xffff;
	[tilespmem:s19+$0xEA60] =	vst v12  }
0x4de: {  	v10 =	vadd.s32 $0x3E80, v2;
	[tilespmem:s22+$0xB3B0] =	vst v15;
	v12 =	vld.idx.msk [tilespmem:v14+s11+$0x0], $0xffff  }
0x4df: {  	[tilespmem:s24+$0x9088] =	vst v8;
	v14 =	vadd.s32 $0x5208, v1;
	v15 =	vld.idx.msk [tilespmem:v17+s11+$0x0], $0xffff  }
0x4e0: {  	v13 =	vld.idx.msk [tilespmem:v13+s11+$0x0], $0xffff;
	[tilespmem:s25+$0xFDE8] =	vst v11;
	v11 =	vadd.s32 $0x1B58, v4  }
0x4e1: {  	v8 =	vadd.s32 $0x2EE0, v3;
	v7 =	vld.idx.msk [tilespmem:v7+s11+$0x0], $0xffff;
	[tilespmem:s21+$0xC738] =	vst v18  }
0x4e2: {  	v17 =	vadd.s32 $0x6590, v0;
	v9 =	vld.idx.msk [tilespmem:v9+s11+$0x0], $0xffff;
	[tilespmem:s20+$0xDAC0] =	vst v16  }
0x4e3: {  	v6 =	vadd.s32 $0x7918, v6;
	v10 =	vld.idx.msk [tilespmem:v10+s11+$0x0], $0xffff;
	[tilespmem:s23+$0xA410] =	vst v12  }
0x4e4: {  	v12 =	vadd.s32 $0x4268, v2;
	v14 =	vld.idx.msk [tilespmem:v14+s11+$0x0], $0xffff;
	[tilespmem:s22+$0xB798] =	vst v15  }
0x4e5: {  	[tilespmem:s19+$0xEE48] =	vst v13;
	v13 =	vadd.s32 $0xBB8, v5;
	v11 =	vld.idx.msk [tilespmem:v11+s11+$0x0], $0xffff  }
0x4e6: {  	[tilespmem:s24+$0x9470] =	vst v7;
	v15 =	vadd.s32 $0x55F0, v1;
	v8 =	vld.idx.msk [tilespmem:v8+s11+$0x0], $0xffff  }
0x4e7: {  	v16 =	vld.idx.msk [tilespmem:v17+s11+$0x0], $0xffff;
	[tilespmem:s25+$0x101D0] =	vst v9;
	v9 =	vadd.s32 $0x1F40, v4  }
0x4e8: {  	v7 =	vadd.s32 $0x32C8, v3;
	[tilespmem:s21+$0xCB20] =	vst v10;
	v6 =	vld.idx.msk [tilespmem:v6+s11+$0x0], $0xffff  }
0x4e9: {  	v10 =	vadd.s32 $0x6978, v0;
	v12 =	vld.idx.msk [tilespmem:v12+s11+$0x0], $0xffff;
	[tilespmem:s20+$0xDEA8] =	vst v14  }
0x4ea: {  	v13 =	vld.idx.msk [tilespmem:v13+s11+$0x0], $0xffff;
	[tilespmem:s23+$0xA7F8] =	vst v11;
	v11 =	vadd.s32 $0x4650, v2  }
0x4eb: {  	v14 =	vld.idx.msk [tilespmem:v15+s11+$0x0], $0xffff;
	v15 =	vadd.s32 $0xFA0, v5;
	[tilespmem:s22+$0xBB80] =	vst v8  }
0x4ec: {  	[tilespmem:s19+$0xF230] =	vst v16;
	v9 =	vld.idx.msk [tilespmem:v9+s11+$0x0], $0xffff  }
0x4ed: {  	v8 =	vadd.s32 $0x59D8, v1;
	v16 =	vld.idx.msk [tilespmem:v7+s11+$0x0], $0xffff;
	[tilespmem:s25+$0x105B8] =	vst v6  }
0x4ee: {  	v10 =	vld.idx.msk [tilespmem:v10+s11+$0x0], $0xffff;
	v6 =	vadd.s32 $0x2328, v4;
	[tilespmem:s21+$0xCF08] =	vst v12  }
0x4ef: {  	v12 =	vadd.s32 $0x6D60, v0;
	[tilespmem:s24+$0x9858] =	vst v13;
	v11 =	vld.idx.msk [tilespmem:v11+s11+$0x0], $0xffff  }
0x4f0: {  	v13 =	vadd.s32 $0x36B0, v3;
	[tilespmem:s20+$0xE290] =	vst v14;
	v15 =	vld.idx.msk [tilespmem:v15+s11+$0x0], $0xffff  }
0x4f1: {  	[tilespmem:s23+$0xABE0] =	vst v9;
	v9 =	vadd.s32 $0x4A38, v2  }
0x4f2: {  	v7 =	vld.idx.msk [tilespmem:v8+s11+$0x0], $0xffff;
	v8 =	vadd.s32 $0x1388, v5;
	[tilespmem:s22+$0xBF68] =	vst v16  }
0x4f3: {  	[tilespmem:s19+$0xF618] =	vst v10;
	v10 =	vld.idx.msk [tilespmem:v6+s11+$0x0], $0xffff  }
0x4f4: {  	v6 =	vld.idx.msk [tilespmem:v12+s11+$0x0], $0xffff;
	[tilespmem:s21+$0xD2F0] =	vst v11  }
0x4f5: {  	v11 =	vld.idx.msk [tilespmem:v13+s11+$0x0], $0xffff;
	[tilespmem:s24+$0x9C40] =	vst v15  }
0x4f6: {  	v9 =	vld.idx.msk [tilespmem:v9+s11+$0x0], $0xffff  }
0x4f7: {  	v8 =	vld.idx.msk [tilespmem:v8+s11+$0x0], $0xffff  }
0x4f8: {  	v12 =	vadd.s32 $0x1770, v5;
	_ =	sdelay $0x3  }
0x4f9: {  	[tilespmem:s24+$0xA028] =	vst v8  }
0x4fa: {  	v8 =	vld.idx.msk [tilespmem:v12+s11+$0x0], $0xffff  }
0x4fb: {  	v12 =	vadd.s32 $0x1B58, v5;
	_ =	sdelay $0x3  }
0x4fc: {  	[tilespmem:s24+$0xA410] =	vst v8  }
0x4fd: {  	v8 =	vld.idx.msk [tilespmem:v12+s11+$0x0], $0xffff  }
0x4fe: {  	v12 =	vadd.s32 $0x1F40, v5;
	_ =	sdelay $0x3  }
0x4ff: {  	[tilespmem:s24+$0xA7F8] =	vst v8  }
0x500: {  	v8 =	vld.idx.msk [tilespmem:v12+s11+$0x0], $0xffff  }
0x501: {  	v12 =	vadd.s32 $0x2328, v5;
	_ =	sdelay $0x3  }
0x502: {  	[tilespmem:s24+$0xABE0] =	vst v8  }
0x503: {  	v8 =	vadd.s32 $0x2710, v4;
	v12 =	vld.idx.msk [tilespmem:v12+s11+$0x0], $0xffff  }
0x504: {  	v13 =	vadd.s32 $0x2710, v5;
	_ =	sdelay $0x2  }
0x505: {  	[tilespmem:s23+$0xAFC8] =	vst v10  }
0x506: {  	v8 =	vld.idx.msk [tilespmem:v8+s11+$0x0], $0xffff;
	[tilespmem:s24+$0xAFC8] =	vst v12  }
0x507: {  	v10 =	vadd.s32 $0x2AF8, v4;
	v12 =	vld.idx.msk [tilespmem:v13+s11+$0x0], $0xffff  }
0x508: {  	v13 =	vadd.s32 $0x2AF8, v5;
	_ =	sdelay $0x2  }
0x509: {  	[tilespmem:s23+$0xB3B0] =	vst v8  }
0x50a: {  	v8 =	vld.idx.msk [tilespmem:v10+s11+$0x0], $0xffff;
	[tilespmem:s24+$0xB3B0] =	vst v12  }
0x50b: {  	v10 =	vadd.s32 $0x2EE0, v4;
	v12 =	vld.idx.msk [tilespmem:v13+s11+$0x0], $0xffff  }
0x50c: {  	v13 =	vadd.s32 $0x2EE0, v5;
	_ =	sdelay $0x2  }
0x50d: {  	[tilespmem:s23+$0xB798] =	vst v8  }
0x50e: {  	v8 =	vld.idx.msk [tilespmem:v10+s11+$0x0], $0xffff;
	[tilespmem:s24+$0xB798] =	vst v12  }
0x50f: {  	v10 =	vadd.s32 $0x32C8, v4;
	v12 =	vld.idx.msk [tilespmem:v13+s11+$0x0], $0xffff  }
0x510: {  	v13 =	vadd.s32 $0x32C8, v5;
	_ =	sdelay $0x2  }
0x511: {  	[tilespmem:s23+$0xBB80] =	vst v8  }
0x512: {  	v8 =	vld.idx.msk [tilespmem:v10+s11+$0x0], $0xffff;
	[tilespmem:s24+$0xBB80] =	vst v12  }
0x513: {  	v10 =	vadd.s32 $0x36B0, v4;
	v12 =	vld.idx.msk [tilespmem:v13+s11+$0x0], $0xffff  }
0x514: {  	v13 =	vadd.s32 $0x36B0, v5;
	_ =	sdelay $0x2  }
0x515: {  	[tilespmem:s23+$0xBF68] =	vst v8  }
0x516: {  	v8 =	vadd.s32 $0x3A98, v3;
	v10 =	vld.idx.msk [tilespmem:v10+s11+$0x0], $0xffff;
	[tilespmem:s24+$0xBF68] =	vst v12  }
0x517: {  	v12 =	vadd.s32 $0x3A98, v4;
	v13 =	vld.idx.msk [tilespmem:v13+s11+$0x0], $0xffff  }
0x518: {  	v14 =	vadd.s32 $0x3A98, v5;
	_ =	sdelay $0x1  }
0x519: {  	[tilespmem:s22+$0xC350] =	vst v11  }
0x51a: {  	v8 =	vld.idx.msk [tilespmem:v8+s11+$0x0], $0xffff;
	[tilespmem:s23+$0xC350] =	vst v10  }
0x51b: {  	v10 =	vadd.s32 $0x3E80, v3;
	v11 =	vld.idx.msk [tilespmem:v12+s11+$0x0], $0xffff;
	[tilespmem:s24+$0xC350] =	vst v13  }
0x51c: {  	v12 =	vadd.s32 $0x3E80, v4;
	v13 =	vld.idx.msk [tilespmem:v14+s11+$0x0], $0xffff  }
0x51d: {  	v14 =	vadd.s32 $0x3E80, v5;
	_ =	sdelay $0x1  }
0x51e: {  	[tilespmem:s22+$0xC738] =	vst v8  }
0x51f: {  	v8 =	vld.idx.msk [tilespmem:v10+s11+$0x0], $0xffff;
	[tilespmem:s23+$0xC738] =	vst v11  }
0x520: {  	v10 =	vadd.s32 $0x4268, v3;
	v11 =	vld.idx.msk [tilespmem:v12+s11+$0x0], $0xffff;
	[tilespmem:s24+$0xC738] =	vst v13  }
0x521: {  	v12 =	vadd.s32 $0x4268, v4;
	v13 =	vld.idx.msk [tilespmem:v14+s11+$0x0], $0xffff  }
0x522: {  	v14 =	vadd.s32 $0x4268, v5;
	_ =	sdelay $0x1  }
0x523: {  	[tilespmem:s22+$0xCB20] =	vst v8  }
0x524: {  	v8 =	vld.idx.msk [tilespmem:v10+s11+$0x0], $0xffff;
	[tilespmem:s23+$0xCB20] =	vst v11  }
0x525: {  	v10 =	vadd.s32 $0x4650, v3;
	v11 =	vld.idx.msk [tilespmem:v12+s11+$0x0], $0xffff;
	[tilespmem:s24+$0xCB20] =	vst v13  }
0x526: {  	v12 =	vadd.s32 $0x4650, v4;
	v13 =	vld.idx.msk [tilespmem:v14+s11+$0x0], $0xffff  }
0x527: {  	v14 =	vadd.s32 $0x4650, v5;
	_ =	sdelay $0x1  }
0x528: {  	[tilespmem:s22+$0xCF08] =	vst v8  }
0x529: {  	v8 =	vld.idx.msk [tilespmem:v10+s11+$0x0], $0xffff;
	[tilespmem:s23+$0xCF08] =	vst v11  }
0x52a: {  	v10 =	vadd.s32 $0x4A38, v3;
	v11 =	vld.idx.msk [tilespmem:v12+s11+$0x0], $0xffff;
	[tilespmem:s24+$0xCF08] =	vst v13  }
0x52b: {  	v12 =	vadd.s32 $0x4A38, v4;
	v13 =	vld.idx.msk [tilespmem:v14+s11+$0x0], $0xffff  }
0x52c: {  	v14 =	vadd.s32 $0x4A38, v5;
	_ =	sdelay $0x1  }
0x52d: {  	[tilespmem:s22+$0xD2F0] =	vst v8  }
0x52e: {  	v8 =	vadd.s32 $0x4E20, v2;
	v10 =	vld.idx.msk [tilespmem:v10+s11+$0x0], $0xffff;
	[tilespmem:s23+$0xD2F0] =	vst v11  }
0x52f: {  	v11 =	vadd.s32 $0x4E20, v3;
	v12 =	vld.idx.msk [tilespmem:v12+s11+$0x0], $0xffff;
	[tilespmem:s24+$0xD2F0] =	vst v13  }
0x530: {  	v13 =	vadd.s32 $0x4E20, v4;
	v14 =	vld.idx.msk [tilespmem:v14+s11+$0x0], $0xffff  }
0x531: {  	v15 =	vadd.s32 $0x4E20, v5  }
0x532: {  	[tilespmem:s21+$0xD6D8] =	vst v9  }
0x533: {  	v8 =	vld.idx.msk [tilespmem:v8+s11+$0x0], $0xffff;
	[tilespmem:s22+$0xD6D8] =	vst v10  }
0x534: {  	v9 =	vadd.s32 $0x5208, v2;
	v10 =	vld.idx.msk [tilespmem:v11+s11+$0x0], $0xffff;
	[tilespmem:s23+$0xD6D8] =	vst v12  }
0x535: {  	v11 =	vadd.s32 $0x5208, v3;
	v12 =	vld.idx.msk [tilespmem:v13+s11+$0x0], $0xffff;
	[tilespmem:s24+$0xD6D8] =	vst v14  }
0x536: {  	v13 =	vadd.s32 $0x5208, v4;
	v14 =	vld.idx.msk [tilespmem:v15+s11+$0x0], $0xffff  }
0x537: {  	v15 =	vadd.s32 $0x5208, v5  }
0x538: {  	[tilespmem:s21+$0xDAC0] =	vst v8  }
0x539: {  	v8 =	vld.idx.msk [tilespmem:v9+s11+$0x0], $0xffff;
	[tilespmem:s22+$0xDAC0] =	vst v10  }
0x53a: {  	v9 =	vadd.s32 $0x55F0, v2;
	v10 =	vld.idx.msk [tilespmem:v11+s11+$0x0], $0xffff;
	[tilespmem:s23+$0xDAC0] =	vst v12  }
0x53b: {  	v11 =	vadd.s32 $0x55F0, v3;
	v12 =	vld.idx.msk [tilespmem:v13+s11+$0x0], $0xffff;
	[tilespmem:s24+$0xDAC0] =	vst v14  }
0x53c: {  	v13 =	vadd.s32 $0x55F0, v4;
	v14 =	vld.idx.msk [tilespmem:v15+s11+$0x0], $0xffff  }
0x53d: {  	v15 =	vadd.s32 $0x55F0, v5  }
0x53e: {  	[tilespmem:s21+$0xDEA8] =	vst v8  }
0x53f: {  	v8 =	vld.idx.msk [tilespmem:v9+s11+$0x0], $0xffff;
	[tilespmem:s22+$0xDEA8] =	vst v10  }
0x540: {  	v9 =	vadd.s32 $0x59D8, v2;
	v10 =	vld.idx.msk [tilespmem:v11+s11+$0x0], $0xffff;
	[tilespmem:s23+$0xDEA8] =	vst v12  }
0x541: {  	v11 =	vadd.s32 $0x59D8, v3;
	v12 =	vld.idx.msk [tilespmem:v13+s11+$0x0], $0xffff;
	[tilespmem:s24+$0xDEA8] =	vst v14  }
0x542: {  	v13 =	vadd.s32 $0x59D8, v4;
	v14 =	vld.idx.msk [tilespmem:v15+s11+$0x0], $0xffff  }
0x543: {  	v15 =	vadd.s32 $0x59D8, v5  }
0x544: {  	[tilespmem:s21+$0xE290] =	vst v8  }
0x545: {  	v8 =	vadd.s32 $0x5DC0, v1;
	v9 =	vld.idx.msk [tilespmem:v9+s11+$0x0], $0xffff;
	[tilespmem:s22+$0xE290] =	vst v10  }
0x546: {  	v10 =	vadd.s32 $0x5DC0, v2;
	v11 =	vld.idx.msk [tilespmem:v11+s11+$0x0], $0xffff;
	[tilespmem:s23+$0xE290] =	vst v12  }
0x547: {  	v12 =	vadd.s32 $0x5DC0, v3;
	v13 =	vld.idx.msk [tilespmem:v13+s11+$0x0], $0xffff;
	[tilespmem:s24+$0xE290] =	vst v14  }
0x548: {  	v14 =	vadd.s32 $0x5DC0, v4;
	v15 =	vld.idx.msk [tilespmem:v15+s11+$0x0], $0xffff  }
0x549: {  	[tilespmem:s20+$0xE678] =	vst v7;
	v7 =	vadd.s32 $0x5DC0, v5  }
0x54a: {  	v8 =	vld.idx.msk [tilespmem:v8+s11+$0x0], $0xffff;
	[tilespmem:s21+$0xE678] =	vst v9  }
0x54b: {  	v9 =	vadd.s32 $0x61A8, v1;
	v10 =	vld.idx.msk [tilespmem:v10+s11+$0x0], $0xffff;
	[tilespmem:s22+$0xE678] =	vst v11  }
0x54c: {  	v11 =	vadd.s32 $0x61A8, v2;
	v12 =	vld.idx.msk [tilespmem:v12+s11+$0x0], $0xffff;
	[tilespmem:s23+$0xE678] =	vst v13  }
0x54d: {  	v13 =	vadd.s32 $0x61A8, v3;
	v14 =	vld.idx.msk [tilespmem:v14+s11+$0x0], $0xffff;
	[tilespmem:s24+$0xE678] =	vst v15  }
0x54e: {  	v15 =	vadd.s32 $0x61A8, v4;
	v7 =	vld.idx.msk [tilespmem:v7+s11+$0x0], $0xffff  }
0x54f: {  	[tilespmem:s20+$0xEA60] =	vst v8;
	v8 =	vadd.s32 $0x61A8, v5  }
0x550: {  	v9 =	vld.idx.msk [tilespmem:v9+s11+$0x0], $0xffff;
	[tilespmem:s21+$0xEA60] =	vst v10  }
0x551: {  	v10 =	vadd.s32 $0x6590, v1;
	v11 =	vld.idx.msk [tilespmem:v11+s11+$0x0], $0xffff;
	[tilespmem:s22+$0xEA60] =	vst v12  }
0x552: {  	v12 =	vadd.s32 $0x6590, v2;
	v13 =	vld.idx.msk [tilespmem:v13+s11+$0x0], $0xffff;
	[tilespmem:s23+$0xEA60] =	vst v14  }
0x553: {  	v14 =	vadd.s32 $0x6590, v3;
	v15 =	vld.idx.msk [tilespmem:v15+s11+$0x0], $0xffff;
	[tilespmem:s24+$0xEA60] =	vst v7  }
0x554: {  	v7 =	vadd.s32 $0x6590, v4;
	v8 =	vld.idx.msk [tilespmem:v8+s11+$0x0], $0xffff  }
0x555: {  	[tilespmem:s20+$0xEE48] =	vst v9;
	v9 =	vadd.s32 $0x6590, v5  }
0x556: {  	v10 =	vld.idx.msk [tilespmem:v10+s11+$0x0], $0xffff;
	[tilespmem:s21+$0xEE48] =	vst v11  }
0x557: {  	v11 =	vadd.s32 $0x6978, v1;
	v12 =	vld.idx.msk [tilespmem:v12+s11+$0x0], $0xffff;
	[tilespmem:s22+$0xEE48] =	vst v13  }
0x558: {  	v13 =	vadd.s32 $0x6978, v2;
	v14 =	vld.idx.msk [tilespmem:v14+s11+$0x0], $0xffff;
	[tilespmem:s23+$0xEE48] =	vst v15  }
0x559: {  	v15 =	vadd.s32 $0x6978, v3;
	v7 =	vld.idx.msk [tilespmem:v7+s11+$0x0], $0xffff;
	[tilespmem:s24+$0xEE48] =	vst v8  }
0x55a: {  	v8 =	vadd.s32 $0x6978, v4;
	v9 =	vld.idx.msk [tilespmem:v9+s11+$0x0], $0xffff  }
0x55b: {  	[tilespmem:s20+$0xF230] =	vst v10;
	v10 =	vadd.s32 $0x6978, v5  }
0x55c: {  	v11 =	vld.idx.msk [tilespmem:v11+s11+$0x0], $0xffff;
	[tilespmem:s21+$0xF230] =	vst v12  }
0x55d: {  	v12 =	vadd.s32 $0x6D60, v1;
	v13 =	vld.idx.msk [tilespmem:v13+s11+$0x0], $0xffff;
	[tilespmem:s22+$0xF230] =	vst v14  }
0x55e: {  	v14 =	vadd.s32 $0x6D60, v2;
	v15 =	vld.idx.msk [tilespmem:v15+s11+$0x0], $0xffff;
	[tilespmem:s23+$0xF230] =	vst v7  }
0x55f: {  	v7 =	vadd.s32 $0x6D60, v3;
	v8 =	vld.idx.msk [tilespmem:v8+s11+$0x0], $0xffff;
	[tilespmem:s24+$0xF230] =	vst v9  }
0x560: {  	v9 =	vadd.s32 $0x6D60, v4;
	v10 =	vld.idx.msk [tilespmem:v10+s11+$0x0], $0xffff  }
0x561: {  	[tilespmem:s20+$0xF618] =	vst v11;
	v11 =	vadd.s32 $0x6D60, v5  }
0x562: {  	v16 =	vadd.s32 $0x7148, v0;
	v12 =	vld.idx.msk [tilespmem:v12+s11+$0x0], $0xffff;
	[tilespmem:s21+$0xF618] =	vst v13  }
0x563: {  	v13 =	vadd.s32 $0x7148, v1;
	v14 =	vld.idx.msk [tilespmem:v14+s11+$0x0], $0xffff;
	[tilespmem:s22+$0xF618] =	vst v15  }
0x564: {  	v15 =	vadd.s32 $0x7148, v2;
	v7 =	vld.idx.msk [tilespmem:v7+s11+$0x0], $0xffff;
	[tilespmem:s23+$0xF618] =	vst v8  }
0x565: {  	v8 =	vadd.s32 $0x7148, v3;
	v9 =	vld.idx.msk [tilespmem:v9+s11+$0x0], $0xffff;
	[tilespmem:s24+$0xF618] =	vst v10  }
0x566: {  	[tilespmem:s19+$0xFA00] =	vst v6;
	v6 =	vadd.s32 $0x7148, v4;
	v10 =	vld.idx.msk [tilespmem:v11+s11+$0x0], $0xffff  }
0x567: {  	[tilespmem:s20+$0xFA00] =	vst v12;
	v12 =	vadd.s32 $0x7148, v5;
	v11 =	vld.idx.msk [tilespmem:v16+s11+$0x0], $0xffff  }
0x568: {  	v13 =	vld.idx.msk [tilespmem:v13+s11+$0x0], $0xffff;
	[tilespmem:s21+$0xFA00] =	vst v14;
	v16 =	vadd.s32 $0x7530, v0  }
0x569: {  	v14 =	vadd.s32 $0x7530, v1;
	v15 =	vld.idx.msk [tilespmem:v15+s11+$0x0], $0xffff;
	[tilespmem:s22+$0xFA00] =	vst v7  }
0x56a: {  	v7 =	vadd.s32 $0x7530, v2;
	v8 =	vld.idx.msk [tilespmem:v8+s11+$0x0], $0xffff;
	[tilespmem:s23+$0xFA00] =	vst v9  }
0x56b: {  	v9 =	vadd.s32 $0x7530, v3;
	v6 =	vld.idx.msk [tilespmem:v6+s11+$0x0], $0xffff;
	[tilespmem:s24+$0xFA00] =	vst v10  }
0x56c: {  	[tilespmem:s19+$0xFDE8] =	vst v11;
	v10 =	vadd.s32 $0x7530, v4;
	v11 =	vld.idx.msk [tilespmem:v12+s11+$0x0], $0xffff  }
0x56d: {  	[tilespmem:s20+$0xFDE8] =	vst v13;
	v13 =	vadd.s32 $0x7530, v5;
	v12 =	vld.idx.msk [tilespmem:v16+s11+$0x0], $0xffff  }
0x56e: {  	v0 =	vadd.s32 $0x7918, v0;
	v14 =	vld.idx.msk [tilespmem:v14+s11+$0x0], $0xffff;
	[tilespmem:s21+$0xFDE8] =	vst v15  }
0x56f: {  	v1 =	vadd.s32 $0x7918, v1;
	v7 =	vld.idx.msk [tilespmem:v7+s11+$0x0], $0xffff;
	[tilespmem:s22+$0xFDE8] =	vst v8  }
0x570: {  	v2 =	vadd.s32 $0x7918, v2;
	v8 =	vld.idx.msk [tilespmem:v9+s11+$0x0], $0xffff;
	[tilespmem:s23+$0xFDE8] =	vst v6  }
0x571: {  	v3 =	vadd.s32 $0x7918, v3;
	v6 =	vld.idx.msk [tilespmem:v10+s11+$0x0], $0xffff;
	[tilespmem:s24+$0xFDE8] =	vst v11  }
0x572: {  	v4 =	vadd.s32 $0x7918, v4;
	[tilespmem:s19+$0x101D0] =	vst v12;
	v9 =	vld.idx.msk [tilespmem:v13+s11+$0x0], $0xffff  }
0x573: {  	v5 =	vadd.s32 $0x7918, v5;
	[tilespmem:s20+$0x101D0] =	vst v14;
	v0 =	vld.idx.msk [tilespmem:v0+s11+$0x0], $0xffff  }
0x574: {  	v1 =	vld.idx.msk [tilespmem:v1+s11+$0x0], $0xffff;
	[tilespmem:s21+$0x101D0] =	vst v7  }
0x575: {  	v2 =	vld.idx.msk [tilespmem:v2+s11+$0x0], $0xffff;
	[tilespmem:s22+$0x101D0] =	vst v8  }
0x576: {  	v3 =	vld.idx.msk [tilespmem:v3+s11+$0x0], $0xffff;
	[tilespmem:s23+$0x101D0] =	vst v6  }
0x577: {  	v4 =	vld.idx.msk [tilespmem:v4+s11+$0x0], $0xffff;
	[tilespmem:s24+$0x101D0] =	vst v9  }
0x578: {  	[tilespmem:s19+$0x105B8] =	vst v0;
	v0 =	vld.idx.msk [tilespmem:v5+s11+$0x0], $0xffff  }
0x579: {  	[tilespmem:s20+$0x105B8] =	vst v1  }
0x57a: {  	[tilespmem:s21+$0x105B8] =	vst v2  }
0x57b: {  	[tilespmem:s22+$0x105B8] =	vst v3  }
0x57c: {  	[tilespmem:s23+$0x105B8] =	vst v4  }
0x57d: {  	[tilespmem:s24+$0x105B8] =	vst v0  }
0x57e: {  	v0 =	vld [tilespmem:$0xBA8];
	_ =	sdelay $0x7  }
0x57f: {  	v1 =	vld.idx.msk [tilespmem:v0+s11+$0x0], $0xffff  }
0x580: {  	v2 =	vadd.s32 $0x3E8, v0;
	_ =	sdelay $0x3  }
0x581: {  	[tilespmem:$0x9078] =	vst v1  }
0x582: {  	v1 =	vld.idx.msk [tilespmem:v2+s11+$0x0], $0xffff  }
0x583: {  	v2 =	vadd.s32 $0x7D0, v0;
	_ =	sdelay $0x3  }
0x584: {  	[tilespmem:$0x9460] =	vst v1  }
0x585: {  	v1 =	vld.idx.msk [tilespmem:v2+s11+$0x0], $0xffff  }
0x586: {  	v2 =	vadd.s32 $0xBB8, v0;
	_ =	sdelay $0x3  }
0x587: {  	[tilespmem:$0x9848] =	vst v1  }
0x588: {  	v1 =	vld.idx.msk [tilespmem:v2+s11+$0x0], $0xffff  }
0x589: {  	v2 =	vadd.s32 $0xFA0, v0;
	_ =	sdelay $0x3  }
0x58a: {  	[tilespmem:$0x9C30] =	vst v1  }
0x58b: {  	v1 =	vld.idx.msk [tilespmem:v2+s11+$0x0], $0xffff  }
0x58c: {  	v2 =	vadd.s32 $0x1388, v0;
	_ =	sdelay $0x3  }
0x58d: {  	[tilespmem:$0xA018] =	vst v1  }
0x58e: {  	v1 =	vld.idx.msk [tilespmem:v2+s11+$0x0], $0xffff  }
0x58f: {  	v2 =	vadd.s32 $0x1770, v0;
	_ =	sdelay $0x3  }
0x590: {  	[tilespmem:$0xA400] =	vst v1  }
0x591: {  	v1 =	vld.idx.msk [tilespmem:v2+s11+$0x0], $0xffff  }
0x592: {  	v2 =	vadd.s32 $0x1B58, v0;
	_ =	sdelay $0x3  }
0x593: {  	[tilespmem:$0xA7E8] =	vst v1  }
0x594: {  	v1 =	vld.idx.msk [tilespmem:v2+s11+$0x0], $0xffff  }
0x595: {  	v2 =	vadd.s32 $0x1F40, v0;
	_ =	sdelay $0x3  }
0x596: {  	[tilespmem:$0xABD0] =	vst v1  }
0x597: {  	v1 =	vld.idx.msk [tilespmem:v2+s11+$0x0], $0xffff  }
0x598: {  	v2 =	vadd.s32 $0x2328, v0;
	_ =	sdelay $0x3  }
0x599: {  	[tilespmem:$0xAFB8] =	vst v1  }
0x59a: {  	v1 =	vld.idx.msk [tilespmem:v2+s11+$0x0], $0xffff  }
0x59b: {  	v2 =	vadd.s32 $0x2710, v0;
	_ =	sdelay $0x3  }
0x59c: {  	[tilespmem:$0xB3A0] =	vst v1  }
0x59d: {  	v1 =	vld.idx.msk [tilespmem:v2+s11+$0x0], $0xffff  }
0x59e: {  	v2 =	vadd.s32 $0x2AF8, v0;
	_ =	sdelay $0x3  }
0x59f: {  	[tilespmem:$0xB788] =	vst v1  }
0x5a0: {  	v1 =	vld.idx.msk [tilespmem:v2+s11+$0x0], $0xffff  }
0x5a1: {  	v2 =	vadd.s32 $0x2EE0, v0;
	_ =	sdelay $0x3  }
0x5a2: {  	[tilespmem:$0xBB70] =	vst v1  }
0x5a3: {  	v1 =	vld.idx.msk [tilespmem:v2+s11+$0x0], $0xffff  }
0x5a4: {  	v2 =	vadd.s32 $0x32C8, v0;
	_ =	sdelay $0x3  }
0x5a5: {  	[tilespmem:$0xBF58] =	vst v1  }
0x5a6: {  	v1 =	vld.idx.msk [tilespmem:v2+s11+$0x0], $0xffff  }
0x5a7: {  	v2 =	vadd.s32 $0x36B0, v0;
	_ =	sdelay $0x3  }
0x5a8: {  	[tilespmem:$0xC340] =	vst v1  }
0x5a9: {  	v1 =	vld.idx.msk [tilespmem:v2+s11+$0x0], $0xffff  }
0x5aa: {  	v2 =	vadd.s32 $0x3A98, v0;
	_ =	sdelay $0x3  }
0x5ab: {  	[tilespmem:$0xC728] =	vst v1  }
0x5ac: {  	v1 =	vld.idx.msk [tilespmem:v2+s11+$0x0], $0xffff  }
0x5ad: {  	v2 =	vadd.s32 $0x3E80, v0;
	_ =	sdelay $0x3  }
0x5ae: {  	[tilespmem:$0xCB10] =	vst v1  }
0x5af: {  	v1 =	vld.idx.msk [tilespmem:v2+s11+$0x0], $0xffff  }
0x5b0: {  	v2 =	vadd.s32 $0x4268, v0;
	_ =	sdelay $0x3  }
0x5b1: {  	[tilespmem:$0xCEF8] =	vst v1  }
0x5b2: {  	v1 =	vld.idx.msk [tilespmem:v2+s11+$0x0], $0xffff  }
0x5b3: {  	v2 =	vadd.s32 $0x4650, v0;
	_ =	sdelay $0x3  }
0x5b4: {  	[tilespmem:$0xD2E0] =	vst v1  }
0x5b5: {  	v1 =	vld.idx.msk [tilespmem:v2+s11+$0x0], $0xffff  }
0x5b6: {  	v2 =	vadd.s32 $0x4A38, v0;
	_ =	sdelay $0x3  }
0x5b7: {  	[tilespmem:$0xD6C8] =	vst v1  }
0x5b8: {  	v1 =	vld.idx.msk [tilespmem:v2+s11+$0x0], $0xffff  }
0x5b9: {  	v2 =	vadd.s32 $0x4E20, v0;
	_ =	sdelay $0x3  }
0x5ba: {  	[tilespmem:$0xDAB0] =	vst v1  }
0x5bb: {  	v1 =	vld.idx.msk [tilespmem:v2+s11+$0x0], $0xffff  }
0x5bc: {  	v2 =	vadd.s32 $0x5208, v0;
	_ =	sdelay $0x3  }
0x5bd: {  	[tilespmem:$0xDE98] =	vst v1  }
0x5be: {  	v1 =	vld.idx.msk [tilespmem:v2+s11+$0x0], $0xffff  }
0x5bf: {  	v2 =	vadd.s32 $0x55F0, v0;
	_ =	sdelay $0x3  }
0x5c0: {  	[tilespmem:$0xE280] =	vst v1  }
0x5c1: {  	v1 =	vld.idx.msk [tilespmem:v2+s11+$0x0], $0xffff  }
0x5c2: {  	v2 =	vadd.s32 $0x59D8, v0;
	_ =	sdelay $0x3  }
0x5c3: {  	[tilespmem:$0xE668] =	vst v1  }
0x5c4: {  	v1 =	vld.idx.msk [tilespmem:v2+s11+$0x0], $0xffff  }
0x5c5: {  	v2 =	vadd.s32 $0x5DC0, v0;
	_ =	sdelay $0x3  }
0x5c6: {  	[tilespmem:$0xEA50] =	vst v1  }
0x5c7: {  	v1 =	vld.idx.msk [tilespmem:v2+s11+$0x0], $0xffff  }
0x5c8: {  	v2 =	vadd.s32 $0x61A8, v0;
	_ =	sdelay $0x3  }
0x5c9: {  	[tilespmem:$0xEE38] =	vst v1  }
0x5ca: {  	v1 =	vld.idx.msk [tilespmem:v2+s11+$0x0], $0xffff  }
0x5cb: {  	v2 =	vadd.s32 $0x6590, v0;
	_ =	sdelay $0x3  }
0x5cc: {  	[tilespmem:$0xF220] =	vst v1  }
0x5cd: {  	v1 =	vld.idx.msk [tilespmem:v2+s11+$0x0], $0xffff  }
0x5ce: {  	v2 =	vadd.s32 $0x6978, v0;
	_ =	sdelay $0x3  }
0x5cf: {  	[tilespmem:$0xF608] =	vst v1  }
0x5d0: {  	v1 =	vld.idx.msk [tilespmem:v2+s11+$0x0], $0xffff  }
0x5d1: {  	v2 =	vadd.s32 $0x6D60, v0;
	_ =	sdelay $0x3  }
0x5d2: {  	[tilespmem:$0xF9F0] =	vst v1  }
0x5d3: {  	v1 =	vld.idx.msk [tilespmem:v2+s11+$0x0], $0xffff  }
0x5d4: {  	v2 =	vadd.s32 $0x7148, v0;
	_ =	sdelay $0x3  }
0x5d5: {  	[tilespmem:$0xFDD8] =	vst v1  }
0x5d6: {  	v1 =	vld.idx.msk [tilespmem:v2+s11+$0x0], $0xffff  }
0x5d7: {  	v2 =	vadd.s32 $0x7530, v0;
	_ =	sdelay $0x3  }
0x5d8: {  	[tilespmem:$0x101C0] =	vst v1  }
0x5d9: {  	v1 =	vld.idx.msk [tilespmem:v2+s11+$0x0], $0xffff  }
0x5da: {  	v0 =	vadd.s32 $0x7918, v0;
	_ =	sdelay $0x3  }
0x5db: {  	[tilespmem:$0x105A8] =	vst v1  }
0x5dc: {  	v0 =	vld.idx.msk [tilespmem:v0+s11+$0x0], $0xffff;
	_ =	sdelay $0x4  }
0x5dd: {  	s30 =	sadd.s32 $0x27100, s18;
	s31 =	simm.s32 $0x0;
	[tilespmem:$0x10990] =	vst v0  }
0x5de: {  	[hbm4b:s30+s31] =	stream.linear.scatter [tilespmem:s12], [sflag:$0x1], $0x7D00, $0x38;
	[tilespmem:$0x186A0] =	vst v63  }
0x5df: {  	_ =	swait.ge [sflag:s15], $0x7D00  }
0x5e0: {  	[sflag:s15] =	ssyncset.done $0x0  }
0x5e1: {  	s25 =	simm.s32 $0x0;
	[sflag:s15] =	ssyncadd.s32 $0xFFFF8300  }
0x5e2: {  	v7 =	vld [tilespmem:s25+$0xBB8];
	_ =	sdelay $0x7  }
0x5e3: {  	v0 =	vld.idx.msk [tilespmem:v7+s11+$0x0], $0xffff  }
0x5e4: {  	v1 =	vadd.s32 $0x3E8, v7;
	_ =	sdelay $0x3  }
0x5e5: {  	[tilespmem:s25+$0x109A0] =	vst v0  }
0x5e6: {  	v0 =	vld.idx.msk [tilespmem:v1+s11+$0x0], $0xffff  }
0x5e7: {  	v1 =	vadd.s32 $0x7D0, v7;
	_ =	sdelay $0x3  }
0x5e8: {  	[tilespmem:s25+$0x10D88] =	vst v0  }
0x5e9: {  	v0 =	vld.idx.msk [tilespmem:v1+s11+$0x0], $0xffff  }
0x5ea: {  	v1 =	vadd.s32 $0xBB8, v7;
	_ =	sdelay $0x3  }
0x5eb: {  	[tilespmem:s25+$0x11170] =	vst v0  }
0x5ec: {  	v0 =	vld.idx.msk [tilespmem:v1+s11+$0x0], $0xffff  }
0x5ed: {  	s21 =	simm.s32 $0x10;
	v1 =	vadd.s32 $0xFA0, v7  }
0x5ee: {  	v2 =	vld [tilespmem:s21+$0xBB8];
	_ =	sdelay $0x2  }
0x5ef: {  	[tilespmem:s25+$0x11558] =	vst v0  }
0x5f0: {  	v0 =	vld.idx.msk [tilespmem:v1+s11+$0x0], $0xffff  }
0x5f1: {  	v1 =	vadd.s32 $0x1388, v7;
	_ =	sdelay $0x2  }
0x5f2: {  	v3 =	vld.idx.msk [tilespmem:v2+s11+$0x0], $0xffff  }
0x5f3: {  	v4 =	vadd.s32 $0x3E8, v2;
	[tilespmem:s25+$0x11940] =	vst v0  }
0x5f4: {  	v0 =	vld.idx.msk [tilespmem:v1+s11+$0x0], $0xffff  }
0x5f5: {  	v1 =	vadd.s32 $0x1770, v7;
	_ =	sdelay $0x1  }
0x5f6: {  	[tilespmem:s21+$0x109A0] =	vst v3  }
0x5f7: {  	v3 =	vld.idx.msk [tilespmem:v4+s11+$0x0], $0xffff  }
0x5f8: {  	v4 =	vadd.s32 $0x7D0, v2;
	[tilespmem:s25+$0x11D28] =	vst v0  }
0x5f9: {  	v0 =	vld.idx.msk [tilespmem:v1+s11+$0x0], $0xffff  }
0x5fa: {  	v1 =	vadd.s32 $0x1B58, v7;
	_ =	sdelay $0x1  }
0x5fb: {  	[tilespmem:s21+$0x10D88] =	vst v3  }
0x5fc: {  	v3 =	vld.idx.msk [tilespmem:v4+s11+$0x0], $0xffff  }
0x5fd: {  	[tilespmem:s25+$0x12110] =	vst v0;
	v0 =	vadd.s32 $0xBB8, v2  }
0x5fe: {  	v1 =	vld.idx.msk [tilespmem:v1+s11+$0x0], $0xffff  }
0x5ff: {  	v4 =	vadd.s32 $0x1F40, v7;
	_ =	sdelay $0x1  }
0x600: {  	[tilespmem:s21+$0x11170] =	vst v3  }
0x601: {  	s19 =	simm.s32 $0x20;
	v3 =	vld.idx.msk [tilespmem:v0+s11+$0x0], $0xffff  }
0x602: {  	v0 =	vld [tilespmem:s19+$0xBB8];
	[tilespmem:s25+$0x124F8] =	vst v1;
	v1 =	vadd.s32 $0xFA0, v2  }
0x603: {  	v4 =	vld.idx.msk [tilespmem:v4+s11+$0x0], $0xffff  }
0x604: {  	v5 =	vadd.s32 $0x2328, v7;
	_ =	sdelay $0x1  }
0x605: {  	[tilespmem:s21+$0x11558] =	vst v3  }
0x606: {  	v1 =	vld.idx.msk [tilespmem:v1+s11+$0x0], $0xffff  }
0x607: {  	v3 =	vadd.s32 $0x1388, v2;
	[tilespmem:s25+$0x128E0] =	vst v4  }
0x608: {  	v4 =	vld.idx.msk [tilespmem:v5+s11+$0x0], $0xffff  }
0x609: {  	v5 =	vadd.s32 $0x2710, v7  }
0x60a: {  	v6 =	vld.idx.msk [tilespmem:v0+s11+$0x0], $0xffff  }
0x60b: {  	v8 =	vadd.s32 $0x3E8, v0;
	[tilespmem:s21+$0x11940] =	vst v1  }
0x60c: {  	v1 =	vld.idx.msk [tilespmem:v3+s11+$0x0], $0xffff  }
0x60d: {  	v3 =	vadd.s32 $0x1770, v2;
	[tilespmem:s25+$0x12CC8] =	vst v4  }
0x60e: {  	v4 =	vld.idx.msk [tilespmem:v5+s11+$0x0], $0xffff  }
0x60f: {  	[tilespmem:s19+$0x109A0] =	vst v6;
	v5 =	vadd.s32 $0x2AF8, v7  }
0x610: {  	v6 =	vld.idx.msk [tilespmem:v8+s11+$0x0], $0xffff  }
0x611: {  	v8 =	vadd.s32 $0x7D0, v0;
	[tilespmem:s21+$0x11D28] =	vst v1  }
0x612: {  	v1 =	vld.idx.msk [tilespmem:v3+s11+$0x0], $0xffff  }
0x613: {  	v3 =	vadd.s32 $0x1B58, v2;
	[tilespmem:s25+$0x130B0] =	vst v4  }
0x614: {  	v4 =	vld.idx.msk [tilespmem:v5+s11+$0x0], $0xffff  }
0x615: {  	[tilespmem:s19+$0x10D88] =	vst v6;
	v5 =	vadd.s32 $0x2EE0, v7  }
0x616: {  	v6 =	vld.idx.msk [tilespmem:v8+s11+$0x0], $0xffff  }
0x617: {  	[tilespmem:s21+$0x12110] =	vst v1;
	v1 =	vadd.s32 $0xBB8, v0  }
0x618: {  	v3 =	vld.idx.msk [tilespmem:v3+s11+$0x0], $0xffff  }
0x619: {  	[tilespmem:s25+$0x13498] =	vst v4;
	v4 =	vadd.s32 $0x1F40, v2  }
0x61a: {  	v5 =	vld.idx.msk [tilespmem:v5+s11+$0x0], $0xffff  }
0x61b: {  	[tilespmem:s19+$0x11170] =	vst v6;
	v6 =	vadd.s32 $0x32C8, v7  }
0x61c: {  	s20 =	simm.s32 $0x30;
	v8 =	vld.idx.msk [tilespmem:v1+s11+$0x0], $0xffff  }
0x61d: {  	v1 =	vld [tilespmem:s20+$0xBB8];
	[tilespmem:s21+$0x124F8] =	vst v3;
	v3 =	vadd.s32 $0xFA0, v0  }
0x61e: {  	v4 =	vld.idx.msk [tilespmem:v4+s11+$0x0], $0xffff  }
0x61f: {  	[tilespmem:s25+$0x13880] =	vst v5;
	v5 =	vadd.s32 $0x2328, v2  }
0x620: {  	v6 =	vld.idx.msk [tilespmem:v6+s11+$0x0], $0xffff  }
0x621: {  	[tilespmem:s19+$0x11558] =	vst v8;
	v8 =	vadd.s32 $0x36B0, v7  }
0x622: {  	v3 =	vld.idx.msk [tilespmem:v3+s11+$0x0], $0xffff  }
0x623: {  	[tilespmem:s21+$0x128E0] =	vst v4;
	v4 =	vadd.s32 $0x1388, v0  }
0x624: {  	v5 =	vld.idx.msk [tilespmem:v5+s11+$0x0], $0xffff  }
0x625: {  	v9 =	vld.idx.msk [tilespmem:v1+s11+$0x0], $0xffff;
	[tilespmem:s25+$0x13C68] =	vst v6;
	v6 =	vadd.s32 $0x2710, v2  }
0x626: {  	v10 =	vadd.s32 $0x3E8, v1;
	v8 =	vld.idx.msk [tilespmem:v8+s11+$0x0], $0xffff  }
0x627: {  	[tilespmem:s19+$0x11940] =	vst v3;
	v3 =	vadd.s32 $0x3A98, v7  }
0x628: {  	v4 =	vld.idx.msk [tilespmem:v4+s11+$0x0], $0xffff  }
0x629: {  	[tilespmem:s21+$0x12CC8] =	vst v5;
	v5 =	vadd.s32 $0x1770, v0  }
0x62a: {  	[tilespmem:s20+$0x109A0] =	vst v9;
	v6 =	vld.idx.msk [tilespmem:v6+s11+$0x0], $0xffff  }
0x62b: {  	v9 =	vld.idx.msk [tilespmem:v10+s11+$0x0], $0xffff;
	[tilespmem:s25+$0x14050] =	vst v8;
	v8 =	vadd.s32 $0x2AF8, v2  }
0x62c: {  	v10 =	vadd.s32 $0x7D0, v1;
	v3 =	vld.idx.msk [tilespmem:v3+s11+$0x0], $0xffff  }
0x62d: {  	[tilespmem:s19+$0x11D28] =	vst v4;
	v4 =	vadd.s32 $0x3E80, v7  }
0x62e: {  	v5 =	vld.idx.msk [tilespmem:v5+s11+$0x0], $0xffff  }
0x62f: {  	[tilespmem:s21+$0x130B0] =	vst v6;
	v6 =	vadd.s32 $0x1B58, v0  }
0x630: {  	[tilespmem:s20+$0x10D88] =	vst v9;
	v8 =	vld.idx.msk [tilespmem:v8+s11+$0x0], $0xffff  }
0x631: {  	v9 =	vld.idx.msk [tilespmem:v10+s11+$0x0], $0xffff;
	[tilespmem:s25+$0x14438] =	vst v3;
	v3 =	vadd.s32 $0x2EE0, v2  }
0x632: {  	v10 =	vadd.s32 $0xBB8, v1;
	v4 =	vld.idx.msk [tilespmem:v4+s11+$0x0], $0xffff  }
0x633: {  	[tilespmem:s19+$0x12110] =	vst v5;
	v5 =	vadd.s32 $0x4268, v7  }
0x634: {  	v6 =	vld.idx.msk [tilespmem:v6+s11+$0x0], $0xffff  }
0x635: {  	[tilespmem:s21+$0x13498] =	vst v8;
	v8 =	vadd.s32 $0x1F40, v0  }
0x636: {  	[tilespmem:s20+$0x11170] =	vst v9;
	v11 =	vld.idx.msk [tilespmem:v3+s11+$0x0], $0xffff  }
0x637: {  	v9 =	vld.idx.msk [tilespmem:v10+s11+$0x0], $0xffff;
	[tilespmem:s25+$0x14820] =	vst v4;
	v4 =	vadd.s32 $0x32C8, v2  }
0x638: {  	s22 =	simm.s32 $0x40;
	v5 =	vld.idx.msk [tilespmem:v5+s11+$0x0], $0xffff  }
0x639: {  	v3 =	vld [tilespmem:s22+$0xBB8];
	[tilespmem:s19+$0x124F8] =	vst v6;
	v6 =	vadd.s32 $0x4650, v7  }
0x63a: {  	v10 =	vadd.s32 $0xFA0, v1;
	v8 =	vld.idx.msk [tilespmem:v8+s11+$0x0], $0xffff  }
0x63b: {  	[tilespmem:s21+$0x13880] =	vst v11;
	v11 =	vadd.s32 $0x2328, v0  }
0x63c: {  	v4 =	vld.idx.msk [tilespmem:v4+s11+$0x0], $0xffff  }
0x63d: {  	[tilespmem:s25+$0x14C08] =	vst v5  }
0x63e: {  	[tilespmem:s20+$0x11558] =	vst v9;
	v5 =	vadd.s32 $0x36B0, v2;
	v6 =	vld.idx.msk [tilespmem:v6+s11+$0x0], $0xffff  }
0x63f: {  	v9 =	vld.idx.msk [tilespmem:v10+s11+$0x0], $0xffff;
	[tilespmem:s19+$0x128E0] =	vst v8;
	v8 =	vadd.s32 $0x4A38, v7  }
0x640: {  	v10 =	vadd.s32 $0x1388, v1;
	v11 =	vld.idx.msk [tilespmem:v11+s11+$0x0], $0xffff  }
0x641: {  	v12 =	vld.idx.msk [tilespmem:v3+s11+$0x0], $0xffff;
	[tilespmem:s21+$0x13C68] =	vst v4;
	v4 =	vadd.s32 $0x2710, v0  }
0x642: {  	v13 =	vadd.s32 $0x3E8, v3  }
0x643: {  	v5 =	vld.idx.msk [tilespmem:v5+s11+$0x0], $0xffff;
	[tilespmem:s25+$0x14FF0] =	vst v6  }
0x644: {  	[tilespmem:s20+$0x11940] =	vst v9;
	v6 =	vadd.s32 $0x3A98, v2;
	v8 =	vld.idx.msk [tilespmem:v8+s11+$0x0], $0xffff  }
0x645: {  	v9 =	vld.idx.msk [tilespmem:v10+s11+$0x0], $0xffff;
	v10 =	vadd.s32 $0x4E20, v7;
	[tilespmem:s19+$0x12CC8] =	vst v11  }
0x646: {  	[tilespmem:s22+$0x109A0] =	vst v12;
	v11 =	vadd.s32 $0x1770, v1;
	v4 =	vld.idx.msk [tilespmem:v4+s11+$0x0], $0xffff  }
0x647: {  	v12 =	vld.idx.msk [tilespmem:v13+s11+$0x0], $0xffff  }
0x648: {  	v13 =	vadd.s32 $0x7D0, v3;
	[tilespmem:s21+$0x14050] =	vst v5  }
0x649: {  	v5 =	vadd.s32 $0x2AF8, v0;
	v6 =	vld.idx.msk [tilespmem:v6+s11+$0x0], $0xffff;
	[tilespmem:s25+$0x153D8] =	vst v8  }
0x64a: {  	[tilespmem:s20+$0x11D28] =	vst v9;
	v8 =	vadd.s32 $0x3E80, v2;
	v9 =	vld.idx.msk [tilespmem:v10+s11+$0x0], $0xffff  }
0x64b: {  	v10 =	vld.idx.msk [tilespmem:v11+s11+$0x0], $0xffff;
	[tilespmem:s19+$0x130B0] =	vst v4;
	v4 =	vadd.s32 $0x5208, v7  }
0x64c: {  	[tilespmem:s22+$0x10D88] =	vst v12;
	v11 =	vadd.s32 $0x1B58, v1  }
0x64d: {  	v12 =	vld.idx.msk [tilespmem:v13+s11+$0x0], $0xffff  }
0x64e: {  	v13 =	vadd.s32 $0xBB8, v3;
	v5 =	vld.idx.msk [tilespmem:v5+s11+$0x0], $0xffff;
	[tilespmem:s21+$0x14438] =	vst v6  }
0x64f: {  	v6 =	vadd.s32 $0x2EE0, v0;
	v8 =	vld.idx.msk [tilespmem:v8+s11+$0x0], $0xffff;
	[tilespmem:s25+$0x157C0] =	vst v9  }
0x650: {  	[tilespmem:s20+$0x12110] =	vst v10;
	v10 =	vld.idx.msk [tilespmem:v4+s11+$0x0], $0xffff  }
0x651: {  	s23 =	simm.s32 $0x50;
	v11 =	vld.idx.msk [tilespmem:v11+s11+$0x0], $0xffff  }
0x652: {  	v9 =	vadd.s32 $0x4268, v2;
	[tilespmem:s22+$0x11170] =	vst v12;
	v4 =	vld [tilespmem:s23+$0xBB8]  }
0x653: {  	v12 =	vld.idx.msk [tilespmem:v13+s11+$0x0], $0xffff;
	[tilespmem:s19+$0x13498] =	vst v5;
	v5 =	vadd.s32 $0x55F0, v7  }
0x654: {  	v14 =	vadd.s32 $0x1F40, v1;
	v6 =	vld.idx.msk [tilespmem:v6+s11+$0x0], $0xffff  }
0x655: {  	v13 =	vadd.s32 $0xFA0, v3;
	[tilespmem:s21+$0x14820] =	vst v8  }
0x656: {  	v8 =	vadd.s32 $0x32C8, v0;
	[tilespmem:s25+$0x15BA8] =	vst v10  }
0x657: {  	v9 =	vld.idx.msk [tilespmem:v9+s11+$0x0], $0xffff;
	[tilespmem:s20+$0x124F8] =	vst v11  }
0x658: {  	v10 =	vadd.s32 $0x4650, v2;
	[tilespmem:s22+$0x11558] =	vst v12;
	v11 =	vld.idx.msk [tilespmem:v5+s11+$0x0], $0xffff  }
0x659: {  	v14 =	vld.idx.msk [tilespmem:v14+s11+$0x0], $0xffff;
	[tilespmem:s19+$0x13880] =	vst v6;
	v6 =	vadd.s32 $0x59D8, v7  }
0x65a: {  	v15 =	vadd.s32 $0x2328, v1;
	v12 =	vld.idx.msk [tilespmem:v13+s11+$0x0], $0xffff  }
0x65b: {  	v13 =	vadd.s32 $0x1388, v3;
	v8 =	vld.idx.msk [tilespmem:v8+s11+$0x0], $0xffff  }
0x65c: {  	v16 =	vld.idx.msk [tilespmem:v4+s11+$0x0], $0xffff;
	[tilespmem:s21+$0x14C08] =	vst v9;
	v9 =	vadd.s32 $0x36B0, v0  }
0x65d: {  	v10 =	vld.idx.msk [tilespmem:v10+s11+$0x0], $0xffff;
	[tilespmem:s25+$0x15F90] =	vst v11  }
0x65e: {  	v11 =	vadd.s32 $0x4A38, v2;
	[tilespmem:s20+$0x128E0] =	vst v14;
	v6 =	vld.idx.msk [tilespmem:v6+s11+$0x0], $0xffff  }
0x65f: {  	v17 =	vadd.s32 $0x3E8, v4;
	[tilespmem:s22+$0x11940] =	vst v12;
	v14 =	vld.idx.msk [tilespmem:v15+s11+$0x0], $0xffff  }
0x660: {  	v12 =	vld.idx.msk [tilespmem:v13+s11+$0x0], $0xffff;
	[tilespmem:s19+$0x13C68] =	vst v8;
	v8 =	vadd.s32 $0x5DC0, v7  }
0x661: {  	s24 =	simm.s32 $0x60;
	v15 =	vadd.s32 $0x2710, v1;
	[tilespmem:s23+$0x109A0] =	vst v16;
	v9 =	vld.idx.msk [tilespmem:v9+s11+$0x0], $0xffff  }
0x662: {  	v5 =	vld [tilespmem:s24+$0xBB8];
	v13 =	vadd.s32 $0x1770, v3;
	[tilespmem:s21+$0x14FF0] =	vst v10  }
0x663: {  	v10 =	vadd.s32 $0x3A98, v0;
	v11 =	vld.idx.msk [tilespmem:v11+s11+$0x0], $0xffff;
	[tilespmem:s25+$0x16378] =	vst v6  }
0x664: {  	v16 =	vld.idx.msk [tilespmem:v17+s11+$0x0], $0xffff;
	v6 =	vadd.s32 $0x4E20, v2;
	[tilespmem:s20+$0x12CC8] =	vst v14  }
0x665: {  	v17 =	vadd.s32 $0x7D0, v4;
	[tilespmem:s22+$0x11D28] =	vst v12;
	v8 =	vld.idx.msk [tilespmem:v8+s11+$0x0], $0xffff  }
0x666: {  	v14 =	vld.idx.msk [tilespmem:v15+s11+$0x0], $0xffff;
	[tilespmem:s19+$0x14050] =	vst v9;
	v9 =	vadd.s32 $0x61A8, v7  }
0x667: {  	v15 =	vadd.s32 $0x2AF8, v1;
	v12 =	vld.idx.msk [tilespmem:v13+s11+$0x0], $0xffff  }
0x668: {  	v13 =	vadd.s32 $0x1B58, v3;
	v10 =	vld.idx.msk [tilespmem:v10+s11+$0x0], $0xffff;
	[tilespmem:s21+$0x153D8] =	vst v11  }
0x669: {  	[tilespmem:s23+$0x10D88] =	vst v16;
	v11 =	vadd.s32 $0x3E80, v0;
	v6 =	vld.idx.msk [tilespmem:v6+s11+$0x0], $0xffff  }
0x66a: {  	v16 =	vld.idx.msk [tilespmem:v17+s11+$0x0], $0xffff;
	[tilespmem:s25+$0x16760] =	vst v8;
	v8 =	vadd.s32 $0x5208, v2  }
0x66b: {  	[tilespmem:s20+$0x130B0] =	vst v14;
	v9 =	vld.idx.msk [tilespmem:v9+s11+$0x0], $0xffff  }
0x66c: {  	[tilespmem:s22+$0x12110] =	vst v12;
	v12 =	vadd.s32 $0xBB8, v4;
	v14 =	vld.idx.msk [tilespmem:v15+s11+$0x0], $0xffff  }
0x66d: {  	v13 =	vld.idx.msk [tilespmem:v13+s11+$0x0], $0xffff;
	[tilespmem:s19+$0x14438] =	vst v10;
	v10 =	vadd.s32 $0x6590, v7  }
0x66e: {  	v15 =	vadd.s32 $0x2EE0, v1;
	v11 =	vld.idx.msk [tilespmem:v11+s11+$0x0], $0xffff;
	[tilespmem:s21+$0x157C0] =	vst v6  }
0x66f: {  	[tilespmem:s23+$0x11170] =	vst v16;
	v6 =	vadd.s32 $0x4268, v0;
	v8 =	vld.idx.msk [tilespmem:v8+s11+$0x0], $0xffff  }
0x670: {  	v19 =	vld.idx.msk [tilespmem:v5+s11+$0x0], $0xffff;
	[tilespmem:s25+$0x16B48] =	vst v9;
	v9 =	vadd.s32 $0x55F0, v2  }
0x671: {  	v12 =	vld.idx.msk [tilespmem:v12+s11+$0x0], $0xffff;
	[tilespmem:s20+$0x13498] =	vst v14;
	v14 =	vadd.s32 $0x1F40, v3  }
0x672: {  	[tilespmem:s22+$0x124F8] =	vst v13;
	v13 =	vadd.s32 $0xFA0, v4;
	v10 =	vld.idx.msk [tilespmem:v10+s11+$0x0], $0xffff  }
0x673: {  	v15 =	vld.idx.msk [tilespmem:v15+s11+$0x0], $0xffff;
	[tilespmem:s19+$0x14820] =	vst v11;
	v11 =	vadd.s32 $0x6978, v7  }
0x674: {  	v16 =	vadd.s32 $0x32C8, v1;
	v17 =	vld.idx.msk [tilespmem:v6+s11+$0x0], $0xffff;
	[tilespmem:s21+$0x15BA8] =	vst v8  }
0x675: {  	v8 =	vadd.s32 $0x4650, v0;
	v9 =	vld.idx.msk [tilespmem:v9+s11+$0x0], $0xffff  }
0x676: {  	[tilespmem:s23+$0x11558] =	vst v12;
	v14 =	vld.idx.msk [tilespmem:v14+s11+$0x0], $0xffff  }
0x677: {  	v13 =	vld.idx.msk [tilespmem:v13+s11+$0x0], $0xffff;
	[tilespmem:s25+$0x16F30] =	vst v10;
	v10 =	vadd.s32 $0x59D8, v2  }
0x678: {  	[tilespmem:s20+$0x13880] =	vst v15;
	v15 =	vadd.s32 $0x2328, v3;
	v11 =	vld.idx.msk [tilespmem:v11+s11+$0x0], $0xffff  }
0x679: {  	v16 =	vld.idx.msk [tilespmem:v16+s11+$0x0], $0xffff;
	[tilespmem:s19+$0x14C08] =	vst v17;
	v17 =	vadd.s32 $0x6D60, v7  }
0x67a: {  	s26 =	simm.s32 $0x70;
	v12 =	vadd.s32 $0x36B0, v1;
	v8 =	vld.idx.msk [tilespmem:v8+s11+$0x0], $0xffff;
	[tilespmem:s21+$0x15F90] =	vst v9  }
0x67b: {  	v6 =	vld [tilespmem:s26+$0xBB8];
	[tilespmem:s22+$0x128E0] =	vst v14;
	v9 =	vadd.s32 $0x4A38, v0  }
0x67c: {  	v14 =	vadd.s32 $0x1388, v4;
	[tilespmem:s23+$0x11940] =	vst v13;
	v10 =	vld.idx.msk [tilespmem:v10+s11+$0x0], $0xffff  }
0x67d: {  	v13 =	vadd.s32 $0x3E8, v5;
	v15 =	vld.idx.msk [tilespmem:v15+s11+$0x0], $0xffff;
	[tilespmem:s25+$0x17318] =	vst v11  }
0x67e: {  	[tilespmem:s20+$0x13C68] =	vst v16;
	v11 =	vadd.s32 $0x5DC0, v2;
	v16 =	vld.idx.msk [tilespmem:v17+s11+$0x0], $0xffff  }
0x67f: {  	v17 =	vadd.s32 $0x2710, v3;
	v12 =	vld.idx.msk [tilespmem:v12+s11+$0x0], $0xffff;
	[tilespmem:s19+$0x14FF0] =	vst v8  }
0x680: {  	v18 =	vadd.s32 $0x7148, v7;
	[tilespmem:s24+$0x109A0] =	vst v19;
	v9 =	vld.idx.msk [tilespmem:v9+s11+$0x0], $0xffff  }
0x681: {  	v8 =	vadd.s32 $0x3A98, v1;
	v14 =	vld.idx.msk [tilespmem:v14+s11+$0x0], $0xffff;
	[tilespmem:s21+$0x16378] =	vst v10  }
0x682: {  	v13 =	vld.idx.msk [tilespmem:v13+s11+$0x0], $0xffff;
	[tilespmem:s22+$0x12CC8] =	vst v15;
	v10 =	vadd.s32 $0x4E20, v0  }
0x683: {  	v15 =	vadd.s32 $0x1770, v4;
	v11 =	vld.idx.msk [tilespmem:v11+s11+$0x0], $0xffff;
	[tilespmem:s25+$0x17700] =	vst v16  }
0x684: {  	v17 =	vld.idx.msk [tilespmem:v17+s11+$0x0], $0xffff;
	[tilespmem:s20+$0x14050] =	vst v12;
	v12 =	vadd.s32 $0x61A8, v2  }
0x685: {  	v16 =	vld.idx.msk [tilespmem:v18+s11+$0x0], $0xffff;
	v18 =	vadd.s32 $0x2AF8, v3  }
0x686: {  	v19 =	vadd.s32 $0x7530, v7;
	v8 =	vld.idx.msk [tilespmem:v8+s11+$0x0], $0xffff;
	[tilespmem:s19+$0x153D8] =	vst v9  }
0x687: {  	[tilespmem:s23+$0x11D28] =	vst v14;
	v9 =	vadd.s32 $0x3E80, v1;
	v10 =	vld.idx.msk [tilespmem:v10+s11+$0x0], $0xffff  }
0x688: {  	v14 =	vadd.s32 $0x7D0, v5;
	v15 =	vld.idx.msk [tilespmem:v15+s11+$0x0], $0xffff;
	[tilespmem:s21+$0x16760] =	vst v11  }
0x689: {  	v11 =	vadd.s32 $0x5208, v0;
	[tilespmem:s22+$0x130B0] =	vst v17;
	v12 =	vld.idx.msk [tilespmem:v12+s11+$0x0], $0xffff  }
0x68a: {  	v17 =	vadd.s32 $0x1B58, v4;
	v18 =	vld.idx.msk [tilespmem:v18+s11+$0x0], $0xffff;
	[tilespmem:s25+$0x17AE8] =	vst v16  }
0x68b: {  	[tilespmem:s20+$0x14438] =	vst v8;
	v8 =	vadd.s32 $0x6590, v2;
	v16 =	vld.idx.msk [tilespmem:v19+s11+$0x0], $0xffff  }
0x68c: {  	[tilespmem:s24+$0x10D88] =	vst v13;
	v13 =	vadd.s32 $0x2EE0, v3;
	v20 =	vld.idx.msk [tilespmem:v9+s11+$0x0], $0xffff  }
0x68d: {  	v7 =	vadd.s32 $0x7918, v7;
	v21 =	vld.idx.msk [tilespmem:v14+s11+$0x0], $0xffff;
	[tilespmem:s19+$0x157C0] =	vst v10  }
0x68e: {  	v22 =	vadd.s32 $0x4268, v1;
	[tilespmem:s23+$0x12110] =	vst v15;
	v14 =	vld.idx.msk [tilespmem:v11+s11+$0x0], $0xffff  }
0x68f: {  	v19 =	vadd.s32 $0xBB8, v5;
	v17 =	vld.idx.msk [tilespmem:v17+s11+$0x0], $0xffff;
	[tilespmem:s21+$0x16B48] =	vst v12  }
0x690: {  	v11 =	vadd.s32 $0x55F0, v0;
	[tilespmem:s22+$0x13498] =	vst v18;
	v9 =	vld.idx.msk [tilespmem:v8+s11+$0x0], $0xffff  }
0x691: {  	v18 =	vadd.s32 $0x1F40, v4;
	v15 =	vld.idx.msk [tilespmem:v13+s11+$0x0], $0xffff;
	[tilespmem:s25+$0x17ED0] =	vst v16  }
0x692: {  	[tilespmem:s20+$0x14820] =	vst v20;
	v13 =	vld.idx.msk [tilespmem:v7+s11+$0x0], $0xffff;
	v7 =	vadd.s32 $0x6978, v2  }
0x693: {  	s28 =	simm.s32 $0x70;
	s29 =	simm.s32 $0x200;
	v10 =	vadd.s32 $0x3E8, v6;
	v12 =	vadd.s32 $0x7D0, v6;
	[tilespmem:s24+$0x11170] =	vst v21;
	v16 =	vadd.s32 $0x32C8, v3;
	v8 =	vld.idx.msk [tilespmem:v22+s11+$0x0], $0xffff  }
.LBB2_9:
0x694: {  	s30 =	sshra.s32 s29, $0x2;
	s28 =	sadd.s32 $0x10, s28;
	v19 =	vld.idx.msk [tilespmem:v19+s11+$0x0], $0xffff;
	[tilespmem:s19+$0x15BA8] =	vst v14  }
0x695: {  	v14 =	vadd.s32 $0x4650, v1;
	p0 =	slt.u32 s28, $0x3D0;
	[tilespmem:s23+$0x124F8] =	vst v17;
	v11 =	vld.idx.msk [tilespmem:v11+s11+$0x0], $0xffff  }
0x696: {  	v17 =	vadd.s32 $0xFA0, v5;
	v18 =	vld.idx.msk [tilespmem:v18+s11+$0x0], $0xffff;
	[tilespmem:s21+$0x16F30] =	vst v9  }
0x697: {  	v9 =	vadd.s32 $0x59D8, v0;
	[tilespmem:s22+$0x13880] =	vst v15;
	v7 =	vld.idx.msk [tilespmem:v7+s11+$0x0], $0xffff  }
0x698: {  	v15 =	vadd.s32 $0x2328, v4;
	v16 =	vld.idx.msk [tilespmem:v16+s11+$0x0], $0xffff;
	[tilespmem:s25+$0x182B8] =	vst v13;
	s25 =	smov.u32 s21;
	s21 =	smov.u32 s19;
	s19 =	smov.u32 s20  }
0x699: {  	s20 =	smov.u32 s22;
	s22 =	smov.u32 s23;
	s23 =	smov.u32 s24;
	v13 =	vld [tilespmem:s30+$0xBB8];
	[tilespmem:s19+$0x14C08] =	vst v8;
	v8 =	vadd.s32 $0x6D60, v2  }
0x69a: {  	s24 =	smov.u32 s26;
	s26 =	smov.u32 s30;
	[tilespmem:s23+$0x11558] =	vst v19;
	v19 =	vadd.s32 $0x36B0, v3;
	v14 =	vld.idx.msk [tilespmem:v14+s11+$0x0], $0xffff  }
0x69b: {  	v17 =	vld.idx.msk [tilespmem:v17+s11+$0x0], $0xffff;
	[tilespmem:s21+$0x15F90] =	vst v11  }
0x69c: {  	v11 =	vadd.s32 $0x4A38, v1;
	[tilespmem:s22+$0x128E0] =	vst v18;
	v9 =	vld.idx.msk [tilespmem:v9+s11+$0x0], $0xffff  }
0x69d: {  	v18 =	vadd.s32 $0x1388, v5;
	v15 =	vld.idx.msk [tilespmem:v15+s11+$0x0], $0xffff;
	[tilespmem:s25+$0x17318] =	vst v7;
	v7 =	vadd.s32 $0x7148, v2  }
0x69e: {  	[tilespmem:s20+$0x13C68] =	vst v16;
	v16 =	vadd.s32 $0x5DC0, v0;
	v8 =	vld.idx.msk [tilespmem:v8+s11+$0x0], $0xffff  }
0x69f: {  	v21 =	vadd.s32 $0x2710, v4;
	v20 =	vadd.s32 $0x3E8, v13;
	v19 =	vld.idx.msk [tilespmem:v19+s11+$0x0], $0xffff  }
0x6a0: {  	v22 =	vld.idx.msk [tilespmem:v6+s11+$0x0], $0xffff;
	[tilespmem:s19+$0x14FF0] =	vst v14  }
0x6a1: {  	v14 =	vadd.s32 $0x3A98, v3;
	[tilespmem:s23+$0x11940] =	vst v17;
	v11 =	vld.idx.msk [tilespmem:v11+s11+$0x0], $0xffff  }
0x6a2: {  	v17 =	vld.idx.msk [tilespmem:v18+s11+$0x0], $0xffff;
	[tilespmem:s21+$0x16378] =	vst v9  }
0x6a3: {  	v9 =	vadd.s32 $0x4E20, v1;
	[tilespmem:s22+$0x12CC8] =	vst v15;
	v15 =	vld.idx.msk [tilespmem:v16+s11+$0x0], $0xffff  }
0x6a4: {  	v16 =	vadd.s32 $0x1770, v5;
	v18 =	vld.idx.msk [tilespmem:v21+s11+$0x0], $0xffff;
	[tilespmem:s25+$0x17700] =	vst v8;
	v8 =	vadd.s32 $0x7530, v2  }
0x6a5: {  	[tilespmem:s20+$0x14050] =	vst v19;
	v19 =	vadd.s32 $0x61A8, v0;
	v7 =	vld.idx.msk [tilespmem:v7+s11+$0x0], $0xffff  }
0x6a6: {  	v21 =	vadd.s32 $0x7D0, v13;
	[tilespmem:s24+$0x109A0] =	vst v22;
	v22 =	vadd.s32 $0x2AF8, v4;
	v14 =	vld.idx.msk [tilespmem:v14+s11+$0x0], $0xffff  }
0x6a7: {  	v23 =	vld.idx.msk [tilespmem:v10+s11+$0x0], $0xffff;
	[tilespmem:s19+$0x153D8] =	vst v11;
	v10 =	vmov v20  }
0x6a8: {  	v11 =	vadd.s32 $0x3E80, v3;
	[tilespmem:s23+$0x11D28] =	vst v17;
	v9 =	vld.idx.msk [tilespmem:v9+s11+$0x0], $0xffff  }
0x6a9: {  	v16 =	vld.idx.msk [tilespmem:v16+s11+$0x0], $0xffff;
	[tilespmem:s21+$0x16760] =	vst v15  }
0x6aa: {  	v15 =	vadd.s32 $0x5208, v1;
	[tilespmem:s22+$0x130B0] =	vst v18;
	v18 =	vld.idx.msk [tilespmem:v19+s11+$0x0], $0xffff  }
0x6ab: {  	v17 =	vadd.s32 $0x1B58, v5;
	v20 =	vld.idx.msk [tilespmem:v22+s11+$0x0], $0xffff;
	[tilespmem:s25+$0x17AE8] =	vst v7;
	v22 =	vadd.s32 $0x7918, v2;
	v2 =	vmovc v0;
	v0 =	vmovc v1;
	v1 =	vmov v3  }
0x6ac: {  	v3 =	vmovc v4;
	v4 =	vmovc v5;
	v5 =	vmov v6;
	v6 =	vmov v13;
	[tilespmem:s20+$0x14438] =	vst v14;
	v7 =	vadd.s32 $0x6590, v2;
	v8 =	vld.idx.msk [tilespmem:v8+s11+$0x0], $0xffff  }
0x6ad: {  	v13 =	vadd.s32 $0x2EE0, v3;
	[tilespmem:s24+$0x10D88] =	vst v23;
	v23 =	vld.idx.msk [tilespmem:v11+s11+$0x0], $0xffff  }
0x6ae: {  	v24 =	vld.idx.msk [tilespmem:v12+s11+$0x0], $0xffff;
	[tilespmem:s19+$0x157C0] =	vst v9;
	v12 =	vmov v21  }
0x6af: {  	v21 =	vadd.s32 $0x4268, v1;
	[tilespmem:s23+$0x12110] =	vst v16;
	v14 =	vld.idx.msk [tilespmem:v15+s11+$0x0], $0xffff  }
.Ltmp3:
0x6b0: {  	v19 =	vadd.s32 $0xBB8, v5;
	v17 =	vld.idx.msk [tilespmem:v17+s11+$0x0], $0xffff;
	[tilespmem:s21+$0x16B48] =	vst v18;
	(pc) =	sbr.rel @p0 .LBB2_9-.Ltmp3, $4  }
0x6b1: {  	v11 =	vadd.s32 $0x55F0, v0;
	[tilespmem:s22+$0x13498] =	vst v20;
	v9 =	vld.idx.msk [tilespmem:v7+s11+$0x0], $0xffff  }
0x6b2: {  	v18 =	vadd.s32 $0x1F40, v4;
	v15 =	vld.idx.msk [tilespmem:v13+s11+$0x0], $0xffff;
	[tilespmem:s25+$0x17ED0] =	vst v8  }
0x6b3: {  	v7 =	vadd.s32 $0x6978, v2;
	[tilespmem:s20+$0x14820] =	vst v23;
	v13 =	vld.idx.msk [tilespmem:v22+s11+$0x0], $0xffff  }
0x6b4: {  	s29 =	sadd.s32 $0x40, s29;
	v16 =	vadd.s32 $0x32C8, v3;
	[tilespmem:s24+$0x11170] =	vst v24;
	v8 =	vld.idx.msk [tilespmem:v21+s11+$0x0], $0xffff  }
0x6b5: {  	_ =	sdelay $0x3  }
0x6b6: {  	v20 =	vld.idx.msk [tilespmem:v6+s11+$0x0], $0xffff;
	_ =	sdelay $0x4  }
0x6b7: {  	[tilespmem:s26+$0x109A0] =	vst v20  }
0x6b8: {  	v10 =	vld.idx.msk [tilespmem:v10+s11+$0x0], $0xffff;
	_ =	sdelay $0x4  }
0x6b9: {  	[tilespmem:s26+$0x10D88] =	vst v10  }
0x6ba: {  	v10 =	vld.idx.msk [tilespmem:v12+s11+$0x0], $0xffff  }
0x6bb: {  	v61 =	vadd.s32 $0xBB8, v6;
	_ =	sdelay $0x3  }
0x6bc: {  	v19 =	vld.idx.msk [tilespmem:v19+s11+$0x0], $0xffff;
	[tilespmem:s26+$0x11170] =	vst v10  }
0x6bd: {  	v62 =	vadd.s32 $0xFA0, v5;
	v12 =	vld.idx.msk [tilespmem:v61+s11+$0x0], $0xffff  }
0x6be: {  	v63 =	vadd.s32 $0xFA0, v6;
	_ =	sdelay $0x2  }
0x6bf: {  	[tilespmem:s24+$0x11558] =	vst v19  }
0x6c0: {  	v10 =	vld.idx.msk [tilespmem:v62+s11+$0x0], $0xffff;
	[tilespmem:s26+$0x11558] =	vst v12  }
0x6c1: {  	v24 =	vadd.s32 $0x1388, v5;
	v25 =	vld.idx.msk [tilespmem:v63+s11+$0x0], $0xffff  }
0x6c2: {  	v26 =	vadd.s32 $0x1388, v6;
	_ =	sdelay $0x2  }
0x6c3: {  	[tilespmem:s24+$0x11940] =	vst v10  }
0x6c4: {  	v10 =	vld.idx.msk [tilespmem:v24+s11+$0x0], $0xffff;
	[tilespmem:s26+$0x11940] =	vst v25  }
0x6c5: {  	v27 =	vadd.s32 $0x1770, v5;
	v19 =	vld.idx.msk [tilespmem:v26+s11+$0x0], $0xffff  }
0x6c6: {  	v28 =	vadd.s32 $0x1770, v6;
	_ =	sdelay $0x2  }
0x6c7: {  	[tilespmem:s24+$0x11D28] =	vst v10  }
0x6c8: {  	v10 =	vld.idx.msk [tilespmem:v27+s11+$0x0], $0xffff;
	[tilespmem:s26+$0x11D28] =	vst v19  }
0x6c9: {  	v29 =	vadd.s32 $0x1B58, v5;
	v19 =	vld.idx.msk [tilespmem:v28+s11+$0x0], $0xffff  }
0x6ca: {  	v30 =	vadd.s32 $0x1B58, v6;
	_ =	sdelay $0x2  }
0x6cb: {  	[tilespmem:s24+$0x12110] =	vst v10  }
0x6cc: {  	v10 =	vld.idx.msk [tilespmem:v29+s11+$0x0], $0xffff;
	[tilespmem:s26+$0x12110] =	vst v19  }
0x6cd: {  	v31 =	vadd.s32 $0x1F40, v5;
	v19 =	vld.idx.msk [tilespmem:v30+s11+$0x0], $0xffff  }
0x6ce: {  	v32 =	vadd.s32 $0x1F40, v6;
	_ =	sdelay $0x1  }
0x6cf: {  	[tilespmem:s23+$0x124F8] =	vst v17  }
0x6d0: {  	v17 =	vld.idx.msk [tilespmem:v18+s11+$0x0], $0xffff;
	[tilespmem:s24+$0x124F8] =	vst v10  }
0x6d1: {  	v33 =	vadd.s32 $0x2328, v4;
	v12 =	vld.idx.msk [tilespmem:v31+s11+$0x0], $0xffff;
	[tilespmem:s26+$0x124F8] =	vst v19  }
0x6d2: {  	v34 =	vadd.s32 $0x2328, v5;
	v19 =	vld.idx.msk [tilespmem:v32+s11+$0x0], $0xffff  }
0x6d3: {  	v35 =	vadd.s32 $0x2328, v6;
	_ =	sdelay $0x1  }
0x6d4: {  	[tilespmem:s23+$0x128E0] =	vst v17  }
0x6d5: {  	v10 =	vld.idx.msk [tilespmem:v33+s11+$0x0], $0xffff;
	[tilespmem:s24+$0x128E0] =	vst v12  }
0x6d6: {  	v36 =	vadd.s32 $0x2710, v4;
	v37 =	vld.idx.msk [tilespmem:v34+s11+$0x0], $0xffff;
	[tilespmem:s26+$0x128E0] =	vst v19  }
0x6d7: {  	v38 =	vadd.s32 $0x2710, v5;
	v19 =	vld.idx.msk [tilespmem:v35+s11+$0x0], $0xffff  }
0x6d8: {  	v39 =	vadd.s32 $0x2710, v6;
	_ =	sdelay $0x1  }
0x6d9: {  	[tilespmem:s23+$0x12CC8] =	vst v10  }
0x6da: {  	v10 =	vld.idx.msk [tilespmem:v36+s11+$0x0], $0xffff;
	[tilespmem:s24+$0x12CC8] =	vst v37  }
0x6db: {  	v40 =	vadd.s32 $0x2AF8, v4;
	v17 =	vld.idx.msk [tilespmem:v38+s11+$0x0], $0xffff;
	[tilespmem:s26+$0x12CC8] =	vst v19  }
0x6dc: {  	v41 =	vadd.s32 $0x2AF8, v5;
	v19 =	vld.idx.msk [tilespmem:v39+s11+$0x0], $0xffff  }
0x6dd: {  	v42 =	vadd.s32 $0x2AF8, v6;
	_ =	sdelay $0x1  }
0x6de: {  	[tilespmem:s23+$0x130B0] =	vst v10  }
0x6df: {  	v10 =	vld.idx.msk [tilespmem:v40+s11+$0x0], $0xffff;
	[tilespmem:s24+$0x130B0] =	vst v17  }
0x6e0: {  	v43 =	vadd.s32 $0x2EE0, v4;
	v17 =	vld.idx.msk [tilespmem:v41+s11+$0x0], $0xffff;
	[tilespmem:s26+$0x130B0] =	vst v19  }
0x6e1: {  	v44 =	vadd.s32 $0x2EE0, v5;
	v19 =	vld.idx.msk [tilespmem:v42+s11+$0x0], $0xffff  }
0x6e2: {  	v45 =	vadd.s32 $0x2EE0, v6;
	_ =	sdelay $0x1  }
0x6e3: {  	[tilespmem:s23+$0x13498] =	vst v10  }
0x6e4: {  	v10 =	vld.idx.msk [tilespmem:v43+s11+$0x0], $0xffff;
	[tilespmem:s24+$0x13498] =	vst v17  }
0x6e5: {  	v46 =	vadd.s32 $0x32C8, v4;
	v17 =	vld.idx.msk [tilespmem:v44+s11+$0x0], $0xffff;
	[tilespmem:s26+$0x13498] =	vst v19  }
0x6e6: {  	v47 =	vadd.s32 $0x32C8, v5;
	v19 =	vld.idx.msk [tilespmem:v45+s11+$0x0], $0xffff  }
0x6e7: {  	v48 =	vadd.s32 $0x32C8, v6  }
0x6e8: {  	[tilespmem:s22+$0x13880] =	vst v15  }
0x6e9: {  	v15 =	vld.idx.msk [tilespmem:v16+s11+$0x0], $0xffff;
	[tilespmem:s23+$0x13880] =	vst v10  }
0x6ea: {  	v49 =	vadd.s32 $0x36B0, v3;
	v12 =	vld.idx.msk [tilespmem:v46+s11+$0x0], $0xffff;
	[tilespmem:s24+$0x13880] =	vst v17  }
0x6eb: {  	v50 =	vadd.s32 $0x36B0, v4;
	v17 =	vld.idx.msk [tilespmem:v47+s11+$0x0], $0xffff;
	[tilespmem:s26+$0x13880] =	vst v19  }
0x6ec: {  	v51 =	vadd.s32 $0x36B0, v5;
	v19 =	vld.idx.msk [tilespmem:v48+s11+$0x0], $0xffff  }
0x6ed: {  	v52 =	vadd.s32 $0x36B0, v6  }
0x6ee: {  	[tilespmem:s22+$0x13C68] =	vst v15  }
0x6ef: {  	v10 =	vld.idx.msk [tilespmem:v49+s11+$0x0], $0xffff;
	[tilespmem:s23+$0x13C68] =	vst v12  }
0x6f0: {  	v53 =	vadd.s32 $0x3A98, v3;
	v54 =	vld.idx.msk [tilespmem:v50+s11+$0x0], $0xffff;
	[tilespmem:s24+$0x13C68] =	vst v17  }
0x6f1: {  	v55 =	vadd.s32 $0x3A98, v4;
	v17 =	vld.idx.msk [tilespmem:v51+s11+$0x0], $0xffff;
	[tilespmem:s26+$0x13C68] =	vst v19  }
0x6f2: {  	v56 =	vadd.s32 $0x3A98, v5;
	v19 =	vld.idx.msk [tilespmem:v52+s11+$0x0], $0xffff  }
0x6f3: {  	v57 =	vadd.s32 $0x3A98, v6  }
0x6f4: {  	[tilespmem:s22+$0x14050] =	vst v10  }
0x6f5: {  	v10 =	vld.idx.msk [tilespmem:v53+s11+$0x0], $0xffff;
	[tilespmem:s23+$0x14050] =	vst v54  }
0x6f6: {  	v58 =	vadd.s32 $0x3E80, v3;
	v15 =	vld.idx.msk [tilespmem:v55+s11+$0x0], $0xffff;
	[tilespmem:s24+$0x14050] =	vst v17  }
0x6f7: {  	v59 =	vadd.s32 $0x3E80, v4;
	v17 =	vld.idx.msk [tilespmem:v56+s11+$0x0], $0xffff;
	[tilespmem:s26+$0x14050] =	vst v19  }
0x6f8: {  	v60 =	vadd.s32 $0x3E80, v5;
	v19 =	vld.idx.msk [tilespmem:v57+s11+$0x0], $0xffff  }
0x6f9: {  	[tilespmem:s19+$0x15BA8] =	vst v14;
	v61 =	vadd.s32 $0x3E80, v6  }
0x6fa: {  	[tilespmem:s22+$0x14438] =	vst v10  }
0x6fb: {  	v10 =	vld.idx.msk [tilespmem:v58+s11+$0x0], $0xffff;
	[tilespmem:s23+$0x14438] =	vst v15  }
0x6fc: {  	v62 =	vadd.s32 $0x4268, v3;
	v15 =	vld.idx.msk [tilespmem:v59+s11+$0x0], $0xffff;
	[tilespmem:s24+$0x14438] =	vst v17  }
0x6fd: {  	v63 =	vadd.s32 $0x4268, v4;
	v17 =	vld.idx.msk [tilespmem:v60+s11+$0x0], $0xffff;
	[tilespmem:s26+$0x14438] =	vst v19  }
0x6fe: {  	[tilespmem:s21+$0x16F30] =	vst v9;
	v20 =	vadd.s32 $0x4268, v5;
	v14 =	vld.idx.msk [tilespmem:v61+s11+$0x0], $0xffff  }
0x6ff: {  	v21 =	vadd.s32 $0x4268, v6;
	[tilespmem:s25+$0x182B8] =	vst v13  }
0x700: {  	v11 =	vld.idx.msk [tilespmem:v11+s11+$0x0], $0xffff;
	[tilespmem:s22+$0x14820] =	vst v10  }
0x701: {  	v22 =	vadd.s32 $0x4650, v1;
	v12 =	vld.idx.msk [tilespmem:v62+s11+$0x0], $0xffff;
	[tilespmem:s23+$0x14820] =	vst v15  }
0x702: {  	v23 =	vadd.s32 $0x4650, v3;
	v16 =	vld.idx.msk [tilespmem:v63+s11+$0x0], $0xffff;
	[tilespmem:s24+$0x14820] =	vst v17  }
0x703: {  	v24 =	vadd.s32 $0x4650, v4;
	v9 =	vld.idx.msk [tilespmem:v20+s11+$0x0], $0xffff;
	[tilespmem:s26+$0x14820] =	vst v14  }
0x704: {  	[tilespmem:s20+$0x14C08] =	vst v8;
	v25 =	vadd.s32 $0x4650, v5;
	v13 =	vld.idx.msk [tilespmem:v21+s11+$0x0], $0xffff  }
0x705: {  	v7 =	vld.idx.msk [tilespmem:v7+s11+$0x0], $0xffff;
	[tilespmem:s19+$0x15F90] =	vst v11;
	v26 =	vadd.s32 $0x4650, v6  }
0x706: {  	v27 =	vadd.s32 $0x59D8, v0;
	v10 =	vld.idx.msk [tilespmem:v22+s11+$0x0], $0xffff;
	[tilespmem:s22+$0x14C08] =	vst v12  }
0x707: {  	v28 =	vadd.s32 $0x4A38, v1;
	v15 =	vld.idx.msk [tilespmem:v23+s11+$0x0], $0xffff;
	[tilespmem:s23+$0x14C08] =	vst v16  }
0x708: {  	v29 =	vadd.s32 $0x4A38, v3;
	v17 =	vld.idx.msk [tilespmem:v24+s11+$0x0], $0xffff;
	[tilespmem:s24+$0x14C08] =	vst v9  }
0x709: {  	v30 =	vadd.s32 $0x4A38, v4;
	v8 =	vld.idx.msk [tilespmem:v25+s11+$0x0], $0xffff;
	[tilespmem:s26+$0x14C08] =	vst v13  }
0x70a: {  	[tilespmem:s21+$0x17318] =	vst v7;
	v31 =	vadd.s32 $0x4A38, v5;
	v11 =	vld.idx.msk [tilespmem:v26+s11+$0x0], $0xffff  }
0x70b: {  	v33 =	vadd.s32 $0x4A38, v6;
	v32 =	vld.idx.msk [tilespmem:v27+s11+$0x0], $0xffff;
	[tilespmem:s20+$0x14FF0] =	vst v10  }
0x70c: {  	v34 =	vadd.s32 $0x6D60, v2;
	v12 =	vld.idx.msk [tilespmem:v28+s11+$0x0], $0xffff;
	[tilespmem:s22+$0x14FF0] =	vst v15  }
0x70d: {  	v35 =	vadd.s32 $0x4E20, v1;
	v16 =	vld.idx.msk [tilespmem:v29+s11+$0x0], $0xffff;
	[tilespmem:s23+$0x14FF0] =	vst v17  }
0x70e: {  	v36 =	vadd.s32 $0x4E20, v3;
	v9 =	vld.idx.msk [tilespmem:v30+s11+$0x0], $0xffff;
	[tilespmem:s24+$0x14FF0] =	vst v8  }
0x70f: {  	v37 =	vadd.s32 $0x4E20, v4;
	v7 =	vld.idx.msk [tilespmem:v31+s11+$0x0], $0xffff;
	[tilespmem:s26+$0x14FF0] =	vst v11  }
0x710: {  	[tilespmem:s19+$0x16378] =	vst v32;
	v38 =	vadd.s32 $0x4E20, v5;
	v10 =	vld.idx.msk [tilespmem:v33+s11+$0x0], $0xffff  }
0x711: {  	v40 =	vadd.s32 $0x4E20, v6;
	v39 =	vld.idx.msk [tilespmem:v34+s11+$0x0], $0xffff;
	[tilespmem:s20+$0x153D8] =	vst v12  }
0x712: {  	v41 =	vadd.s32 $0x5DC0, v0;
	v15 =	vld.idx.msk [tilespmem:v35+s11+$0x0], $0xffff;
	[tilespmem:s22+$0x153D8] =	vst v16  }
0x713: {  	v42 =	vadd.s32 $0x5208, v1;
	v17 =	vld.idx.msk [tilespmem:v36+s11+$0x0], $0xffff;
	[tilespmem:s23+$0x153D8] =	vst v9  }
0x714: {  	v43 =	vadd.s32 $0x5208, v3;
	v8 =	vld.idx.msk [tilespmem:v37+s11+$0x0], $0xffff;
	[tilespmem:s24+$0x153D8] =	vst v7  }
0x715: {  	v44 =	vadd.s32 $0x5208, v4;
	v11 =	vld.idx.msk [tilespmem:v38+s11+$0x0], $0xffff;
	[tilespmem:s26+$0x153D8] =	vst v10  }
0x716: {  	[tilespmem:s21+$0x17700] =	vst v39;
	v45 =	vadd.s32 $0x5208, v5;
	v12 =	vld.idx.msk [tilespmem:v40+s11+$0x0], $0xffff  }
0x717: {  	v46 =	vld.idx.msk [tilespmem:v41+s11+$0x0], $0xffff;
	v47 =	vadd.s32 $0x5208, v6;
	[tilespmem:s20+$0x157C0] =	vst v15  }
0x718: {  	v48 =	vadd.s32 $0x7148, v2;
	v16 =	vld.idx.msk [tilespmem:v42+s11+$0x0], $0xffff;
	[tilespmem:s22+$0x157C0] =	vst v17  }
0x719: {  	v49 =	vadd.s32 $0x55F0, v1;
	v9 =	vld.idx.msk [tilespmem:v43+s11+$0x0], $0xffff;
	[tilespmem:s23+$0x157C0] =	vst v8  }
0x71a: {  	v50 =	vadd.s32 $0x55F0, v3;
	v7 =	vld.idx.msk [tilespmem:v44+s11+$0x0], $0xffff;
	[tilespmem:s24+$0x157C0] =	vst v11  }
0x71b: {  	v51 =	vadd.s32 $0x55F0, v4;
	v10 =	vld.idx.msk [tilespmem:v45+s11+$0x0], $0xffff;
	[tilespmem:s26+$0x157C0] =	vst v12  }
0x71c: {  	[tilespmem:s19+$0x16760] =	vst v46;
	v52 =	vadd.s32 $0x55F0, v5;
	v53 =	vld.idx.msk [tilespmem:v47+s11+$0x0], $0xffff  }
0x71d: {  	v55 =	vadd.s32 $0x55F0, v6;
	v54 =	vld.idx.msk [tilespmem:v48+s11+$0x0], $0xffff;
	[tilespmem:s20+$0x15BA8] =	vst v16  }
0x71e: {  	v56 =	vadd.s32 $0x61A8, v0;
	v17 =	vld.idx.msk [tilespmem:v49+s11+$0x0], $0xffff;
	[tilespmem:s22+$0x15BA8] =	vst v9  }
0x71f: {  	v57 =	vadd.s32 $0x59D8, v1;
	v8 =	vld.idx.msk [tilespmem:v50+s11+$0x0], $0xffff;
	[tilespmem:s23+$0x15BA8] =	vst v7  }
0x720: {  	v58 =	vadd.s32 $0x59D8, v3;
	v11 =	vld.idx.msk [tilespmem:v51+s11+$0x0], $0xffff;
	[tilespmem:s24+$0x15BA8] =	vst v10  }
0x721: {  	v59 =	vadd.s32 $0x59D8, v4;
	v12 =	vld.idx.msk [tilespmem:v52+s11+$0x0], $0xffff;
	[tilespmem:s26+$0x15BA8] =	vst v53  }
0x722: {  	[tilespmem:s21+$0x17AE8] =	vst v54;
	v60 =	vadd.s32 $0x59D8, v5;
	v61 =	vld.idx.msk [tilespmem:v55+s11+$0x0], $0xffff  }
0x723: {  	v62 =	vld.idx.msk [tilespmem:v56+s11+$0x0], $0xffff;
	v63 =	vadd.s32 $0x59D8, v6;
	[tilespmem:s20+$0x15F90] =	vst v17  }
0x724: {  	v20 =	vadd.s32 $0x7530, v2;
	v9 =	vld.idx.msk [tilespmem:v57+s11+$0x0], $0xffff;
	[tilespmem:s22+$0x15F90] =	vst v8  }
0x725: {  	v21 =	vadd.s32 $0x5DC0, v1;
	v7 =	vld.idx.msk [tilespmem:v58+s11+$0x0], $0xffff;
	[tilespmem:s23+$0x15F90] =	vst v11  }
0x726: {  	v22 =	vadd.s32 $0x5DC0, v3;
	v10 =	vld.idx.msk [tilespmem:v59+s11+$0x0], $0xffff;
	[tilespmem:s24+$0x15F90] =	vst v12  }
0x727: {  	v23 =	vadd.s32 $0x5DC0, v4;
	v13 =	vld.idx.msk [tilespmem:v60+s11+$0x0], $0xffff;
	[tilespmem:s26+$0x15F90] =	vst v61  }
0x728: {  	[tilespmem:s19+$0x16B48] =	vst v62;
	v24 =	vadd.s32 $0x5DC0, v5;
	v25 =	vld.idx.msk [tilespmem:v63+s11+$0x0], $0xffff  }
0x729: {  	v27 =	vadd.s32 $0x5DC0, v6;
	v26 =	vld.idx.msk [tilespmem:v20+s11+$0x0], $0xffff;
	[tilespmem:s20+$0x16378] =	vst v9  }
0x72a: {  	v28 =	vadd.s32 $0x6590, v0;
	v8 =	vld.idx.msk [tilespmem:v21+s11+$0x0], $0xffff;
	[tilespmem:s22+$0x16378] =	vst v7  }
0x72b: {  	v29 =	vadd.s32 $0x61A8, v1;
	v11 =	vld.idx.msk [tilespmem:v22+s11+$0x0], $0xffff;
	[tilespmem:s23+$0x16378] =	vst v10  }
0x72c: {  	v30 =	vadd.s32 $0x61A8, v3;
	v12 =	vld.idx.msk [tilespmem:v23+s11+$0x0], $0xffff;
	[tilespmem:s24+$0x16378] =	vst v13  }
0x72d: {  	v31 =	vadd.s32 $0x61A8, v4;
	v14 =	vld.idx.msk [tilespmem:v24+s11+$0x0], $0xffff;
	[tilespmem:s26+$0x16378] =	vst v25  }
0x72e: {  	v32 =	vadd.s32 $0x61A8, v5;
	[tilespmem:s21+$0x17ED0] =	vst v26;
	v9 =	vld.idx.msk [tilespmem:v27+s11+$0x0], $0xffff  }
0x72f: {  	v34 =	vadd.s32 $0x61A8, v6;
	v33 =	vld.idx.msk [tilespmem:v28+s11+$0x0], $0xffff;
	[tilespmem:s20+$0x16760] =	vst v8  }
0x730: {  	v35 =	vadd.s32 $0x7918, v2;
	v7 =	vld.idx.msk [tilespmem:v29+s11+$0x0], $0xffff;
	[tilespmem:s22+$0x16760] =	vst v11  }
0x731: {  	v36 =	vadd.s32 $0x6590, v1;
	v10 =	vld.idx.msk [tilespmem:v30+s11+$0x0], $0xffff;
	[tilespmem:s23+$0x16760] =	vst v12  }
0x732: {  	v37 =	vadd.s32 $0x6590, v3;
	v13 =	vld.idx.msk [tilespmem:v31+s11+$0x0], $0xffff;
	[tilespmem:s24+$0x16760] =	vst v14  }
0x733: {  	v38 =	vadd.s32 $0x6590, v4;
	v15 =	vld.idx.msk [tilespmem:v32+s11+$0x0], $0xffff;
	[tilespmem:s26+$0x16760] =	vst v9  }
0x734: {  	v39 =	vadd.s32 $0x6590, v5;
	[tilespmem:s19+$0x16F30] =	vst v33;
	v8 =	vld.idx.msk [tilespmem:v34+s11+$0x0], $0xffff  }
0x735: {  	v2 =	vld.idx.msk [tilespmem:v35+s11+$0x0], $0xffff;
	v40 =	vadd.s32 $0x6590, v6;
	[tilespmem:s20+$0x16B48] =	vst v7  }
0x736: {  	v41 =	vadd.s32 $0x6978, v0;
	v11 =	vld.idx.msk [tilespmem:v36+s11+$0x0], $0xffff;
	[tilespmem:s22+$0x16B48] =	vst v10  }
0x737: {  	v42 =	vadd.s32 $0x6978, v1;
	v12 =	vld.idx.msk [tilespmem:v37+s11+$0x0], $0xffff;
	[tilespmem:s23+$0x16B48] =	vst v13  }
0x738: {  	v43 =	vadd.s32 $0x6978, v3;
	v14 =	vld.idx.msk [tilespmem:v38+s11+$0x0], $0xffff;
	[tilespmem:s24+$0x16B48] =	vst v15  }
0x739: {  	v44 =	vadd.s32 $0x6978, v4;
	v9 =	vld.idx.msk [tilespmem:v39+s11+$0x0], $0xffff;
	[tilespmem:s26+$0x16B48] =	vst v8  }
0x73a: {  	[tilespmem:s21+$0x182B8] =	vst v2;
	v45 =	vadd.s32 $0x6978, v5;
	v7 =	vld.idx.msk [tilespmem:v40+s11+$0x0], $0xffff  }
0x73b: {  	v46 =	vld.idx.msk [tilespmem:v41+s11+$0x0], $0xffff;
	v47 =	vadd.s32 $0x6978, v6;
	[tilespmem:s20+$0x16F30] =	vst v11  }
0x73c: {  	v48 =	vadd.s32 $0x6D60, v0;
	v10 =	vld.idx.msk [tilespmem:v42+s11+$0x0], $0xffff;
	[tilespmem:s22+$0x16F30] =	vst v12  }
0x73d: {  	v49 =	vadd.s32 $0x6D60, v1;
	v13 =	vld.idx.msk [tilespmem:v43+s11+$0x0], $0xffff;
	[tilespmem:s23+$0x16F30] =	vst v14  }
0x73e: {  	v50 =	vadd.s32 $0x6D60, v3;
	v15 =	vld.idx.msk [tilespmem:v44+s11+$0x0], $0xffff;
	[tilespmem:s24+$0x16F30] =	vst v9  }
0x73f: {  	v51 =	vadd.s32 $0x6D60, v4;
	v2 =	vld.idx.msk [tilespmem:v45+s11+$0x0], $0xffff;
	[tilespmem:s26+$0x16F30] =	vst v7  }
0x740: {  	[tilespmem:s19+$0x17318] =	vst v46;
	v52 =	vadd.s32 $0x6D60, v5;
	v53 =	vld.idx.msk [tilespmem:v47+s11+$0x0], $0xffff  }
0x741: {  	v54 =	vld.idx.msk [tilespmem:v48+s11+$0x0], $0xffff;
	v55 =	vadd.s32 $0x6D60, v6;
	[tilespmem:s20+$0x17318] =	vst v10  }
0x742: {  	v56 =	vadd.s32 $0x7148, v0;
	v12 =	vld.idx.msk [tilespmem:v49+s11+$0x0], $0xffff;
	[tilespmem:s22+$0x17318] =	vst v13  }
0x743: {  	v57 =	vadd.s32 $0x7148, v1;
	v14 =	vld.idx.msk [tilespmem:v50+s11+$0x0], $0xffff;
	[tilespmem:s23+$0x17318] =	vst v15  }
0x744: {  	v58 =	vadd.s32 $0x7148, v3;
	v9 =	vld.idx.msk [tilespmem:v51+s11+$0x0], $0xffff;
	[tilespmem:s24+$0x17318] =	vst v2  }
0x745: {  	v59 =	vadd.s32 $0x7148, v4;
	v7 =	vld.idx.msk [tilespmem:v52+s11+$0x0], $0xffff;
	[tilespmem:s26+$0x17318] =	vst v53  }
0x746: {  	[tilespmem:s19+$0x17700] =	vst v54;
	v60 =	vadd.s32 $0x7148, v5;
	v10 =	vld.idx.msk [tilespmem:v55+s11+$0x0], $0xffff  }
0x747: {  	v11 =	vld.idx.msk [tilespmem:v56+s11+$0x0], $0xffff;
	v61 =	vadd.s32 $0x7148, v6;
	[tilespmem:s20+$0x17700] =	vst v12  }
0x748: {  	v62 =	vadd.s32 $0x7530, v0;
	v13 =	vld.idx.msk [tilespmem:v57+s11+$0x0], $0xffff;
	[tilespmem:s22+$0x17700] =	vst v14  }
0x749: {  	v63 =	vadd.s32 $0x7530, v1;
	v15 =	vld.idx.msk [tilespmem:v58+s11+$0x0], $0xffff;
	[tilespmem:s23+$0x17700] =	vst v9  }
0x74a: {  	v17 =	vadd.s32 $0x7530, v3;
	v2 =	vld.idx.msk [tilespmem:v59+s11+$0x0], $0xffff;
	[tilespmem:s24+$0x17700] =	vst v7  }
0x74b: {  	v18 =	vadd.s32 $0x7530, v4;
	v8 =	vld.idx.msk [tilespmem:v60+s11+$0x0], $0xffff;
	[tilespmem:s26+$0x17700] =	vst v10  }
0x74c: {  	v19 =	vadd.s32 $0x7530, v5;
	[tilespmem:s19+$0x17AE8] =	vst v11;
	v20 =	vld.idx.msk [tilespmem:v61+s11+$0x0], $0xffff  }
0x74d: {  	v22 =	vadd.s32 $0x7530, v6;
	v21 =	vld.idx.msk [tilespmem:v62+s11+$0x0], $0xffff;
	[tilespmem:s20+$0x17AE8] =	vst v13  }
0x74e: {  	v23 =	vadd.s32 $0x7918, v0;
	v14 =	vld.idx.msk [tilespmem:v63+s11+$0x0], $0xffff;
	[tilespmem:s22+$0x17AE8] =	vst v15  }
0x74f: {  	v24 =	vadd.s32 $0x7918, v1;
	v9 =	vld.idx.msk [tilespmem:v17+s11+$0x0], $0xffff;
	[tilespmem:s23+$0x17AE8] =	vst v2  }
0x750: {  	v25 =	vadd.s32 $0x7918, v3;
	v26 =	vld.idx.msk [tilespmem:v18+s11+$0x0], $0xffff;
	[tilespmem:s24+$0x17AE8] =	vst v8  }
0x751: {  	v27 =	vadd.s32 $0x7918, v4;
	v28 =	vld.idx.msk [tilespmem:v19+s11+$0x0], $0xffff;
	[tilespmem:s26+$0x17AE8] =	vst v20  }
0x752: {  	v29 =	vadd.s32 $0x7918, v5;
	[tilespmem:s19+$0x17ED0] =	vst v21;
	v30 =	vld.idx.msk [tilespmem:v22+s11+$0x0], $0xffff  }
0x753: {  	v31 =	vadd.s32 $0x7918, v6;
	v0 =	vld.idx.msk [tilespmem:v23+s11+$0x0], $0xffff;
	[tilespmem:s20+$0x17ED0] =	vst v14  }
0x754: {  	v1 =	vld.idx.msk [tilespmem:v24+s11+$0x0], $0xffff;
	[tilespmem:s22+$0x17ED0] =	vst v9  }
0x755: {  	v2 =	vld.idx.msk [tilespmem:v25+s11+$0x0], $0xffff;
	[tilespmem:s23+$0x17ED0] =	vst v26  }
0x756: {  	v3 =	vld.idx.msk [tilespmem:v27+s11+$0x0], $0xffff;
	[tilespmem:s24+$0x17ED0] =	vst v28  }
0x757: {  	v32 =	vld.idx.msk [tilespmem:v29+s11+$0x0], $0xffff;
	[tilespmem:s26+$0x17ED0] =	vst v30  }
0x758: {  	[tilespmem:s19+$0x182B8] =	vst v0;
	v33 =	vld.idx.msk [tilespmem:v31+s11+$0x0], $0xffff  }
0x759: {  	[tilespmem:s20+$0x182B8] =	vst v1  }
0x75a: {  	[tilespmem:s22+$0x182B8] =	vst v2  }
0x75b: {  	[tilespmem:s23+$0x182B8] =	vst v3  }
0x75c: {  	[tilespmem:s24+$0x182B8] =	vst v32  }
0x75d: {  	[tilespmem:s26+$0x182B8] =	vst v33  }
0x75e: {  	v0 =	vld [tilespmem:$0xF90];
	_ =	sdelay $0x7  }
0x75f: {  	v1 =	vld.idx.msk [tilespmem:v0+s11+$0x0], $0xffff  }
0x760: {  	v34 =	vadd.s32 $0x3E8, v0;
	_ =	sdelay $0x3  }
0x761: {  	[tilespmem:$0x10D78] =	vst v1  }
0x762: {  	v1 =	vld.idx.msk [tilespmem:v34+s11+$0x0], $0xffff  }
0x763: {  	v35 =	vadd.s32 $0x7D0, v0;
	_ =	sdelay $0x3  }
0x764: {  	[tilespmem:$0x11160] =	vst v1  }
0x765: {  	v1 =	vld.idx.msk [tilespmem:v35+s11+$0x0], $0xffff  }
0x766: {  	v36 =	vadd.s32 $0xBB8, v0;
	_ =	sdelay $0x3  }
0x767: {  	[tilespmem:$0x11548] =	vst v1  }
0x768: {  	v1 =	vld.idx.msk [tilespmem:v36+s11+$0x0], $0xffff  }
0x769: {  	v37 =	vadd.s32 $0xFA0, v0;
	_ =	sdelay $0x3  }
0x76a: {  	[tilespmem:$0x11930] =	vst v1  }
0x76b: {  	v1 =	vld.idx.msk [tilespmem:v37+s11+$0x0], $0xffff  }
0x76c: {  	v38 =	vadd.s32 $0x1388, v0;
	_ =	sdelay $0x3  }
0x76d: {  	[tilespmem:$0x11D18] =	vst v1  }
0x76e: {  	v1 =	vld.idx.msk [tilespmem:v38+s11+$0x0], $0xffff  }
0x76f: {  	v39 =	vadd.s32 $0x1770, v0;
	_ =	sdelay $0x3  }
0x770: {  	[tilespmem:$0x12100] =	vst v1  }
0x771: {  	v1 =	vld.idx.msk [tilespmem:v39+s11+$0x0], $0xffff  }
0x772: {  	v40 =	vadd.s32 $0x1B58, v0;
	_ =	sdelay $0x3  }
0x773: {  	[tilespmem:$0x124E8] =	vst v1  }
0x774: {  	v1 =	vld.idx.msk [tilespmem:v40+s11+$0x0], $0xffff  }
0x775: {  	v41 =	vadd.s32 $0x1F40, v0;
	_ =	sdelay $0x3  }
0x776: {  	[tilespmem:$0x128D0] =	vst v1  }
0x777: {  	v1 =	vld.idx.msk [tilespmem:v41+s11+$0x0], $0xffff  }
0x778: {  	v42 =	vadd.s32 $0x2328, v0;
	_ =	sdelay $0x3  }
0x779: {  	[tilespmem:$0x12CB8] =	vst v1  }
0x77a: {  	v1 =	vld.idx.msk [tilespmem:v42+s11+$0x0], $0xffff  }
0x77b: {  	v43 =	vadd.s32 $0x2710, v0;
	_ =	sdelay $0x3  }
0x77c: {  	[tilespmem:$0x130A0] =	vst v1  }
0x77d: {  	v1 =	vld.idx.msk [tilespmem:v43+s11+$0x0], $0xffff  }
0x77e: {  	v44 =	vadd.s32 $0x2AF8, v0;
	_ =	sdelay $0x3  }
0x77f: {  	[tilespmem:$0x13488] =	vst v1  }
0x780: {  	v1 =	vld.idx.msk [tilespmem:v44+s11+$0x0], $0xffff  }
0x781: {  	v45 =	vadd.s32 $0x2EE0, v0;
	_ =	sdelay $0x3  }
0x782: {  	[tilespmem:$0x13870] =	vst v1  }
0x783: {  	v1 =	vld.idx.msk [tilespmem:v45+s11+$0x0], $0xffff  }
0x784: {  	v46 =	vadd.s32 $0x32C8, v0;
	_ =	sdelay $0x3  }
0x785: {  	[tilespmem:$0x13C58] =	vst v1  }
0x786: {  	v1 =	vld.idx.msk [tilespmem:v46+s11+$0x0], $0xffff  }
0x787: {  	v47 =	vadd.s32 $0x36B0, v0;
	_ =	sdelay $0x3  }
0x788: {  	[tilespmem:$0x14040] =	vst v1  }
0x789: {  	v1 =	vld.idx.msk [tilespmem:v47+s11+$0x0], $0xffff  }
0x78a: {  	v48 =	vadd.s32 $0x3A98, v0;
	_ =	sdelay $0x3  }
0x78b: {  	[tilespmem:$0x14428] =	vst v1  }
0x78c: {  	v1 =	vld.idx.msk [tilespmem:v48+s11+$0x0], $0xffff  }
0x78d: {  	v49 =	vadd.s32 $0x3E80, v0;
	_ =	sdelay $0x3  }
0x78e: {  	[tilespmem:$0x14810] =	vst v1  }
0x78f: {  	v1 =	vld.idx.msk [tilespmem:v49+s11+$0x0], $0xffff  }
0x790: {  	v50 =	vadd.s32 $0x4268, v0;
	_ =	sdelay $0x3  }
0x791: {  	[tilespmem:$0x14BF8] =	vst v1  }
0x792: {  	v1 =	vld.idx.msk [tilespmem:v50+s11+$0x0], $0xffff  }
0x793: {  	v51 =	vadd.s32 $0x4650, v0;
	_ =	sdelay $0x3  }
0x794: {  	[tilespmem:$0x14FE0] =	vst v1  }
0x795: {  	v1 =	vld.idx.msk [tilespmem:v51+s11+$0x0], $0xffff  }
0x796: {  	v52 =	vadd.s32 $0x4A38, v0;
	_ =	sdelay $0x3  }
0x797: {  	[tilespmem:$0x153C8] =	vst v1  }
0x798: {  	v1 =	vld.idx.msk [tilespmem:v52+s11+$0x0], $0xffff  }
0x799: {  	v53 =	vadd.s32 $0x4E20, v0;
	_ =	sdelay $0x3  }
0x79a: {  	[tilespmem:$0x157B0] =	vst v1  }
0x79b: {  	v1 =	vld.idx.msk [tilespmem:v53+s11+$0x0], $0xffff  }
0x79c: {  	v54 =	vadd.s32 $0x5208, v0;
	_ =	sdelay $0x3  }
0x79d: {  	[tilespmem:$0x15B98] =	vst v1  }
0x79e: {  	v1 =	vld.idx.msk [tilespmem:v54+s11+$0x0], $0xffff  }
0x79f: {  	v55 =	vadd.s32 $0x55F0, v0;
	_ =	sdelay $0x3  }
0x7a0: {  	[tilespmem:$0x15F80] =	vst v1  }
0x7a1: {  	v1 =	vld.idx.msk [tilespmem:v55+s11+$0x0], $0xffff  }
0x7a2: {  	v56 =	vadd.s32 $0x59D8, v0;
	_ =	sdelay $0x3  }
0x7a3: {  	[tilespmem:$0x16368] =	vst v1  }
0x7a4: {  	v1 =	vld.idx.msk [tilespmem:v56+s11+$0x0], $0xffff  }
0x7a5: {  	v57 =	vadd.s32 $0x5DC0, v0;
	_ =	sdelay $0x3  }
0x7a6: {  	[tilespmem:$0x16750] =	vst v1  }
0x7a7: {  	v1 =	vld.idx.msk [tilespmem:v57+s11+$0x0], $0xffff  }
0x7a8: {  	v58 =	vadd.s32 $0x61A8, v0;
	_ =	sdelay $0x3  }
0x7a9: {  	[tilespmem:$0x16B38] =	vst v1  }
0x7aa: {  	v1 =	vld.idx.msk [tilespmem:v58+s11+$0x0], $0xffff  }
0x7ab: {  	v59 =	vadd.s32 $0x6590, v0;
	_ =	sdelay $0x3  }
0x7ac: {  	[tilespmem:$0x16F20] =	vst v1  }
0x7ad: {  	v1 =	vld.idx.msk [tilespmem:v59+s11+$0x0], $0xffff  }
0x7ae: {  	v60 =	vadd.s32 $0x6978, v0;
	_ =	sdelay $0x3  }
0x7af: {  	[tilespmem:$0x17308] =	vst v1  }
0x7b0: {  	v1 =	vld.idx.msk [tilespmem:v60+s11+$0x0], $0xffff  }
0x7b1: {  	v61 =	vadd.s32 $0x6D60, v0;
	_ =	sdelay $0x3  }
0x7b2: {  	[tilespmem:$0x176F0] =	vst v1  }
0x7b3: {  	v1 =	vld.idx.msk [tilespmem:v61+s11+$0x0], $0xffff  }
0x7b4: {  	v62 =	vadd.s32 $0x7148, v0;
	_ =	sdelay $0x3  }
0x7b5: {  	[tilespmem:$0x17AD8] =	vst v1  }
0x7b6: {  	v1 =	vld.idx.msk [tilespmem:v62+s11+$0x0], $0xffff  }
0x7b7: {  	v63 =	vadd.s32 $0x7530, v0;
	_ =	sdelay $0x3  }
0x7b8: {  	[tilespmem:$0x17EC0] =	vst v1  }
0x7b9: {  	v1 =	vld.idx.msk [tilespmem:v63+s11+$0x0], $0xffff  }
0x7ba: {  	v0 =	vadd.s32 $0x7918, v0;
	_ =	sdelay $0x3  }
0x7bb: {  	[tilespmem:$0x182A8] =	vst v1  }
0x7bc: {  	v0 =	vld.idx.msk [tilespmem:v0+s11+$0x0], $0xffff;
	_ =	sdelay $0x4  }
0x7bd: {  	s18 =	sadd.s32 $0x3A980, s18;
	s17 =	sadd.s32 $0x1, s17;
	[tilespmem:$0x18690] =	vst v0  }
0x7be: {  	[hbm4b:s18+s3] =	stream.linear.scatter [tilespmem:s13], [sflag:$0x2], $0x7D00, $0x38;
	[tilespmem:$0x186A0] =	vst v63  }
0x7bf: {  	p0 =	sne.s32 s17, $0x5;
	_ =	swait.ge [sflag:s14], $0x7D00  }
.Ltmp4:
0x7c0: {  	[sflag:s14] =	ssyncset.done $0x0;
	(pc) =	sbr.rel @p0 .LBB2_2-.Ltmp4, $4  }
0x7c1: {  	[sflag:s14] =	ssyncadd.s32 $0xFFFF8300  }
0x7c2: {  	_ =	swait.ge [sflag:s15], $0x7D00  }
0x7c3: {  	[sflag:s15] =	ssyncset.done $0x0  }
0x7c4: {  	[sflag:s15] =	ssyncadd.s32 $0xFFFF8300  }
0x7c5: {  	s16 =	sadd.s32 $0x1, s16  }
0x7c6: {  	p0 =	sne.s32 s16, s9  }
.Ltmp5:
0x7c7: {  	_ = 	snop;
	(pc) =	sbr.rel @p0 .LBB2_1-.Ltmp5, $1  }
0x7c8: {  	_ =	sdelay $0x3  }
0x7c9: {  	_ =	sfence.sel $0x180000  }
0x7ca: {  	[bflag:$0x0] =	sbarrier.arrive $0xFFFF  }
0x7cb: {  	p0 =	sne.s32 s0, $0x0;
	_ =	strace $0x90000047  }
0x7cc: {  	s0 =	sadd.s32 @!p0 $0x100000, s1;
	[bflag:$0x2] =	sbarrier.arrive $0xFFFF  }
0x7cd: {  	[sflag:s0] =	ssyncadd.tile.s32 @!p0 $0x1;
	_ =	shalt  }
.Lfunc_end2:
_tile_overlayer_lowered:
.L_overlay_start_2:
0x7ce: {  	(tag) =	ssettag $0x2  }
0x7cf: {  	s0 =	rddreg [dreg:$0x0];
	s2 =	stileid.u32  }
0x7d0: {  	s1 =	rddreg [dreg:$0x1];
	p0 =	sne.s32 s2, $0x0  }
0x7d1: {  	s3 =	rddreg [dreg:$0x2];
	[bflag:$0x3] =	sbarrier.arrive $0xFFFF;
	s2 =	simm.s32 @!p0 $0x1C03  }
0x7d2: {  	[timem:s3], [sflag:s2] =	dma.local @!p0 [hbm:s0], s1  }
0x7d3: {  	s0 =	simm.s32 @!p0 $0x3  }
0x7d4: {  	_ =	swait.ge @!p0 [sflag:s0], s1  }
0x7d5: {  	s1 =	ssub.s32 @!p0 $0x0, s1;
	[sflag:s0] =	ssyncset.done @!p0 $0x0  }
0x7d6: {  	[sflag:s0] =	ssyncadd.s32 @!p0 s1  }
0x7d7: {  	[bflag:$0x3] =	sbarrier.arrive $0xFFFF  }
0x7d8: {  	_ =	shalt  }

</sc_bundles>
